<compile_context>
chip_gen: v7x
topology: tpu7x:2x2x1
jax: 0.10.2.dev20260603
libtpu: 0.0.44.dev20260713+nightly
codegen_flags: <defaults>
</compile_context>

<pallas_src>
import jax
import jax.numpy as jnp
from jax import lax
from jax.experimental import pallas as pl
from jax.experimental.pallas import tpu as pltpu
from jax.experimental.pallas import tpu_sc as plsc

N = 10000
E = 320000
D = 128
L = 4
NC = 2
NS = 16
NW = NC * NS
CHUNK = 128
CPT = 80
EPAD = NW * CPT * CHUNK
NAGG = 10240
RPT = NAGG // NS
RB = RPT // CHUNK

ACH = 128
ACPT = 80
AEPAD = NW * ACPT * ACH
ANAGG = 10240
ARPT = ANAGG // NS
ANST = ACPT // 4

_HIGH = jax.lax.Precision.HIGHEST


def _dot3(a, w):
    ah = a.astype(jnp.bfloat16)
    wh = w.astype(jnp.bfloat16)
    return jnp.dot(ah, wh, preferred_element_type=jnp.float32)



def _sc_deg_body(srcd, dstp, ones_h, zeros_h, outs, outd, sidx, ones_v, zv,
                 deg_sh):
    c = lax.axis_index("c")
    s = lax.axis_index("s")
    wid = s * NC + c
    ebase = wid * CPT * CHUNK
    pltpu.sync_copy(ones_h, ones_v)
    pltpu.sync_copy(zeros_h, zv)
    base = s * RPT
    for kz in range(RB):
        pltpu.sync_copy(zv, deg_sh.at[pl.ds(base + kz * CHUNK, CHUNK)])
    plsc.subcore_barrier()

    def mkstep(idx_hbm):
        def step(j, carry):
            pltpu.sync_copy(idx_hbm.at[pl.ds(ebase + j * CHUNK, CHUNK)],
                            sidx.at[0])
            pltpu.sync_copy(ones_v, deg_sh.at[sidx.at[0]], add=True)
            return carry
        return step

    lax.fori_loop(0, CPT, mkstep(dstp), 0)
    plsc.subcore_barrier()
    for ko in range(RB):
        r0 = base + ko * CHUNK
        pltpu.sync_copy(deg_sh.at[pl.ds(r0, CHUNK)],
                        outd.at[c].at[pl.ds(r0, CHUNK)])
        pltpu.sync_copy(zv, deg_sh.at[pl.ds(r0, CHUNK)])
    plsc.subcore_barrier()
    lax.fori_loop(0, CPT, mkstep(srcd), 0)
    plsc.subcore_barrier()
    for ko in range(RB):
        r0 = base + ko * CHUNK
        pltpu.sync_copy(deg_sh.at[pl.ds(r0, CHUNK)],
                        outs.at[c].at[pl.ds(r0, CHUNK)])


def _sc_agg_body(srcg, dstp, xs, zeros_h, out, sidx, didx, rows0, rows1,
                 i0, i1, i2, i3, g0, g1, s0, s1, agg_sh):
    c = lax.axis_index("c")
    s = lax.axis_index("s")
    wid = s * NC + c
    ebase = wid * ACPT * ACH
    isems = (i0, i1, i2, i3)

    def load_idx(b, j):
        off = ebase + j * ACH
        pltpu.async_copy(srcg.at[pl.ds(off, ACH)], sidx.at[b], isems[b])
        pltpu.async_copy(dstp.at[pl.ds(off, ACH)], didx.at[b], isems[b])

    def wait_idx(b):
        pltpu.make_async_copy(srcg.at[pl.ds(ebase, ACH)], sidx.at[b],
                              isems[b]).wait()
        pltpu.make_async_copy(dstp.at[pl.ds(ebase, ACH)], didx.at[b],
                              isems[b]).wait()

    for b in range(4):
        load_idx(b, b)

    pltpu.sync_copy(zeros_h, rows0)
    base = s * ARPT
    for kz in range(5):
        pltpu.sync_copy(rows0, agg_sh.at[pl.ds(base + kz * ACH, ACH)])
    plsc.subcore_barrier()

    def reload_idx(b, j, t):
        @pl.when(t + 1 < ANST)
        def _():
            load_idx(b, j)

    def step(t, carry):
        c0 = 4 * t
        wait_idx(0)
        pltpu.async_copy(xs.at[sidx.at[0]], rows0, g0)
        wait_idx(1)
        pltpu.async_copy(xs.at[sidx.at[1]], rows1, g1)
        pltpu.make_async_copy(xs.at[sidx.at[0]], rows0, g0).wait()
        pltpu.async_copy(rows0, agg_sh.at[didx.at[0]], s0, add=True)
        pltpu.make_async_copy(xs.at[sidx.at[1]], rows1, g1).wait()
        pltpu.async_copy(rows1, agg_sh.at[didx.at[1]], s1, add=True)
        pltpu.make_async_copy(rows0, agg_sh.at[didx.at[0]], s0).wait()
        reload_idx(0, c0 + 4, t)
        wait_idx(2)
        pltpu.async_copy(xs.at[sidx.at[2]], rows0, g0)
        pltpu.make_async_copy(rows1, agg_sh.at[didx.at[1]], s1).wait()
        reload_idx(1, c0 + 5, t)
        wait_idx(3)
        pltpu.async_copy(xs.at[sidx.at[3]], rows1, g1)
        pltpu.make_async_copy(xs.at[sidx.at[2]], rows0, g0).wait()
        pltpu.async_copy(rows0, agg_sh.at[didx.at[2]], s0, add=True)
        pltpu.make_async_copy(xs.at[sidx.at[3]], rows1, g1).wait()
        pltpu.async_copy(rows1, agg_sh.at[didx.at[3]], s1, add=True)
        pltpu.make_async_copy(rows0, agg_sh.at[didx.at[2]], s0).wait()
        reload_idx(2, c0 + 6, t)
        pltpu.make_async_copy(rows1, agg_sh.at[didx.at[3]], s1).wait()
        reload_idx(3, c0 + 7, t)
        return carry

    lax.fori_loop(0, ANST, step, 0)
    plsc.subcore_barrier()
    for ko in range(5):
        r0 = base + ko * ACH
        pltpu.sync_copy(agg_sh.at[pl.ds(r0, ACH)],
                        out.at[c].at[pl.ds(r0, ACH)])


def _make_sc_deg():
    mesh = plsc.VectorSubcoreMesh(core_axis_name="c", subcore_axis_name="s")
    return pl.kernel(
        _sc_deg_body,
        out_type=[jax.ShapeDtypeStruct((NC, NAGG, D), jnp.float32),
                  jax.ShapeDtypeStruct((NC, NAGG, D), jnp.float32)],
        mesh=mesh,
        scratch_types=[
            pltpu.VMEM((1, CHUNK), jnp.int32),
            pltpu.VMEM((CHUNK, D), jnp.float32),
            pltpu.VMEM((CHUNK, D), jnp.float32),
            pltpu.VMEM_SHARED((NAGG, D), jnp.float32),
        ],
    )


def _make_sc_agg():
    mesh = plsc.VectorSubcoreMesh(core_axis_name="c", subcore_axis_name="s")
    return pl.kernel(
        _sc_agg_body,
        out_type=jax.ShapeDtypeStruct((NC, ANAGG, D), jnp.float32),
        mesh=mesh,
        scratch_types=[
            pltpu.VMEM((4, ACH), jnp.int32),
            pltpu.VMEM((4, ACH), jnp.int32),
            pltpu.VMEM((ACH, D), jnp.float32),
            pltpu.VMEM((ACH, D), jnp.float32),
        ] + [pltpu.SemaphoreType.DMA] * 8 + [
            pltpu.VMEM_SHARED((ANAGG, D), jnp.float32),
        ],
    )



def _tc_norms_body(degs_ref, degd_ref, ns_ref, nd_ref):
    ds_ = degs_ref[0] + degs_ref[1]
    dd = degd_ref[0] + degd_ref[1]
    ns_ref[...] = 1.0 / jnp.sqrt(jnp.maximum(ds_, 1.0))
    nd_ref[...] = 1.0 / jnp.sqrt(jnp.maximum(dd, 1.0))


def _tc_pre0_body(h_ref, emb_ref, ns_ref, x_ref, xs_ref):
    oh = (h_ref[...] == lax.broadcasted_iota(jnp.int32, (N, D), 1))
    x = jnp.dot(oh.astype(jnp.float32), emb_ref[...], precision=_HIGH,
                preferred_element_type=jnp.float32)
    x_ref[...] = x
    xs_ref[...] = x * ns_ref[...]


def _tc_mm_body(aggp_ref, nd_ref, w_ref, b_ref, t_ref, mu_ref, var_ref):
    agg = (aggp_ref[0, :N, :] + aggp_ref[1, :N, :]) * nd_ref[...]
    t = _dot3(agg, w_ref[...]) + b_ref[...]
    t_ref[...] = t
    mu = jnp.mean(t, axis=0, keepdims=True)
    mu_ref[...] = mu
    var_ref[...] = jnp.mean((t - mu) ** 2, axis=0, keepdims=True)


def _bn_relu_res(t_ref, mu_ref, var_ref, g_ref, be_ref, x_ref):
    t = (t_ref[...] - mu_ref[...]) / jnp.sqrt(var_ref[...] + 1e-5)
    t = t * g_ref[...] + be_ref[...]
    return x_ref[...] + jnp.maximum(t, 0.0)


def _tc_post_body(t_ref, mu_ref, var_ref, g_ref, be_ref, x_ref,
                  ns_ref, xn_ref, xsn_ref):
    xn = _bn_relu_res(t_ref, mu_ref, var_ref, g_ref, be_ref, x_ref)
    xn_ref[...] = xn
    xsn_ref[...] = xn * ns_ref[...]


def _tc_final_body(t_ref, mu_ref, var_ref, g_ref, be_ref, x_ref,
                   w0_ref, b0_ref, w1_ref, b1_ref, w2_ref, b2_ref, out_ref):
    xn = _bn_relu_res(t_ref, mu_ref, var_ref, g_ref, be_ref, x_ref)
    y = jnp.maximum(_dot3(xn, w0_ref[...]) + b0_ref[...], 0.0)
    y = jnp.maximum(_dot3(y, w1_ref[...]) + b1_ref[...], 0.0)
    out_ref[...] = _dot3(y, w2_ref[...]) + b2_ref[...]


def _tc_call(body, out_shapes):
    return pl.pallas_call(
        body,
        out_shape=out_shapes,
    )



def kernel(h, edge_index, emb, Ws, bs, gammas, betas, W0, b0, W1, b1, W2, b2):
    src = edge_index[0].astype(jnp.int32)
    dst = edge_index[1].astype(jnp.int32)
    pad = EPAD - E
    pad_a = AEPAD - E
    src_d = jnp.concatenate([src, jnp.full((pad,), N, jnp.int32)])
    dst_p = jnp.concatenate([dst, jnp.full((pad,), N, jnp.int32)])
    src_g = jnp.concatenate([src, jnp.zeros((pad_a,), jnp.int32)])
    dst_g = jnp.concatenate([dst, jnp.full((pad_a,), N, jnp.int32)])

    ones_h = jnp.ones((CHUNK, D), jnp.float32)
    zeros_h = jnp.zeros((CHUNK, D), jnp.float32)

    degs, degd = _make_sc_deg()(src_d, dst_p, ones_h, zeros_h)
    norms_s, norms_d = _tc_call(
        _tc_norms_body,
        [jax.ShapeDtypeStruct((NAGG, D), jnp.float32),
         jax.ShapeDtypeStruct((NAGG, D), jnp.float32)])(degs, degd)
    ns_col = norms_s[:N, 0:1]
    nd_col = norms_d[:N, 0:1]

    h2 = h.astype(jnp.int32).reshape(N, 1)
    x, xs = _tc_call(_tc_pre0_body,
                     [jax.ShapeDtypeStruct((N, D), jnp.float32),
                      jax.ShapeDtypeStruct((N, D), jnp.float32)])(
        h2, emb, ns_col)

    sc_agg = _make_sc_agg()
    for i in range(L):
        aggp = sc_agg(src_g, dst_g, xs, zeros_h)
        w = Ws[i]
        b = bs[i].reshape(1, D)
        g = gammas[i].reshape(1, D)
        be = betas[i].reshape(1, D)
        t, mu, var = _tc_call(_tc_mm_body,
                              [jax.ShapeDtypeStruct((N, D), jnp.float32),
                               jax.ShapeDtypeStruct((1, D), jnp.float32),
                               jax.ShapeDtypeStruct((1, D), jnp.float32)])(
            aggp, nd_col, w, b)
        if i < L - 1:
            x, xs = _tc_call(_tc_post_body,
                             [jax.ShapeDtypeStruct((N, D), jnp.float32),
                              jax.ShapeDtypeStruct((N, D), jnp.float32)])(
                t, mu, var, g, be, x, ns_col)
        else:
            out = _tc_call(_tc_final_body,
                           jax.ShapeDtypeStruct((N, D), jnp.float32))(
                t, mu, var, g, be, x,
                W0, b0.reshape(1, D // 2), W1, b1.reshape(1, D // 4),
                W2, b2.reshape(1, D))
    return out

# --- scband reference (transcript-rebuilt; emitter-appended) ---
"""Pipeline reference for scband-gcnnet-51307679318513 (READ-ONLY COPY).

The authoritative reference and input builder live on the scoring server;
editing this copy changes nothing except your own understanding.
"""

import jax, jax.numpy as jnp
import numpy as np

N = 10000
E = 320000
VOCAB = 128
D = 128
L = 4  # gcn_num_layers


def setup_inputs(seed: int = 0) -> dict:
    key = jax.random.key(seed)
    ks = jax.random.split(key, 12)
    h = jax.random.randint(ks[0], (N,), 0, VOCAB)
    edge_index = jax.random.randint(ks[1], (2, E), 0, N)
    emb = jax.random.normal(ks[2], (VOCAB, D), jnp.float32) * 0.1
    Ws = jax.random.normal(ks[3], (L, D, D), jnp.float32) * (1.0 / np.sqrt(D))
    bs = jnp.zeros((L, D), jnp.float32)
    gammas = jnp.ones((L, D), jnp.float32)
    betas = jnp.zeros((L, D), jnp.float32)
    W0 = jax.random.normal(ks[4], (D, D // 2), jnp.float32) * (1.0 / np.sqrt(D))
    b0 = jnp.zeros((D // 2,), jnp.float32)
    W1 = jax.random.normal(ks[5], (D // 2, D // 4), jnp.float32) * (1.0 / np.sqrt(D // 2))
    b1 = jnp.zeros((D // 4,), jnp.float32)
    W2 = jax.random.normal(ks[6], (D // 4, D), jnp.float32) * (1.0 / np.sqrt(D // 4))
    b2 = jnp.zeros((D,), jnp.float32)
    return {"h": h, "edge_index": edge_index, "emb": emb, "Ws": Ws, "bs": bs,
            "gammas": gammas, "betas": betas, "W0": W0, "b0": b0,
            "W1": W1, "b1": b1, "W2": W2, "b2": b2}


def _gcn_layer(hin, src, dst, W, b, gamma, beta):
    # DGL GraphConv norm='both': D_src^{-1/2} A D_dst^{-1/2} h, then linear.
    ones = jnp.ones((E,), jnp.float32)
    out_deg = jax.ops.segment_sum(ones, src, num_segments=N)
    in_deg = jax.ops.segment_sum(ones, dst, num_segments=N)
    norm_s = jnp.clip(out_deg, 1.0, None) ** -0.5
    norm_d = jnp.clip(in_deg, 1.0, None) ** -0.5
    x = hin * norm_s[:, None]
    agg = jax.ops.segment_sum(x[src], dst, num_segments=N)
    agg = agg * norm_d[:, None]
    x = agg @ W + b
    # batch norm (training-mode batch statistics)
    mu = jnp.mean(x, axis=0)
    var = jnp.var(x, axis=0)
    x = (x - mu) / jnp.sqrt(var + 1e-5) * gamma + beta
    x = jax.nn.relu(x)
    # residual (dropout p=0.0 -> identity)
    return hin + x


def reference(h, edge_index, emb, Ws, bs, gammas, betas, W0, b0, W1, b1, W2, b2):
    src = edge_index[0]
    dst = edge_index[1]
    x = emb[h]  # embedding_h(squeeze(h))
    for i in range(L):
        x = _gcn_layer(x, src, dst, Ws[i], bs[i], gammas[i], betas[i])
    # MLPReadout(out_dim, out_dim), L=2: 128->64->32->128 with ReLU between
    y = jax.nn.relu(x @ W0 + b0)
    y = jax.nn.relu(y @ W1 + b1)
    y = y @ W2 + b2
    return jnp.squeeze(y)

if __name__ == "__main__":
    import jax
    _d = setup_inputs()
    print(jax.jit(kernel)(*tuple(_d.values())))

</pallas_src>

<mosaic_0001>
#map = affine_map<(d0, d1) -> (0)>
#map1 = affine_map<(d0, d1) -> (0, 0)>
#map2 = affine_map<(d0, d1) -> (0, 0, 0)>
module attributes {stable_mosaic.version = 14 : i64} {
  func.func @_sc_deg_body(%arg0: i32, %arg1: i32, %arg2: memref<327680xi32, #tpu.memory_space<hbm>>, %arg3: memref<327680xi32, #tpu.memory_space<hbm>>, %arg4: memref<128x128xf32, #tpu.memory_space<hbm>>, %arg5: memref<128x128xf32, #tpu.memory_space<hbm>>, %arg6: memref<2x10240x128xf32, #tpu.memory_space<hbm>>, %arg7: memref<2x10240x128xf32, #tpu.memory_space<hbm>>, %arg8: memref<1x128xi32, #tpu.memory_space<vmem>>, %arg9: memref<128x128xf32, #tpu.memory_space<vmem>>, %arg10: memref<128x128xf32, #tpu.memory_space<vmem>>, %arg11: memref<10240x128xf32, #tpu.memory_space<vmem_shared>>) attributes {dimension_semantics = [#tpu.dimension_semantics<core_parallel>, #tpu.dimension_semantics<subcore_parallel>], iteration_bounds = array<i64: 2, 16>, scalar_prefetch = 0 : i64, scratch_operands = 4 : i64, tpu.core_type = #tpu.core_type<sc_vector_subcore>, window_params = [{transform_indices = #map}, {transform_indices = #map}, {transform_indices = #map1}, {transform_indices = #map1}, {transform_indices = #map2}, {transform_indices = #map2}]} {
    %mul3A = arith.constant 2 : i32
    %mul3A_0 = arith.muli %arg1, %mul3A : i32
    %add3A = arith.addi %mul3A_0, %arg0 : i32
    %mul3A_1 = arith.constant 80 : i32
    %mul3A_2 = arith.muli %add3A, %mul3A_1 : i32
    %mul3A_3 = arith.constant 128 : i32
    %mul3A_4 = arith.muli %mul3A_2, %mul3A_3 : i32
    "tpu.region"() ({
      %run_scoped3A = tpu.sem_alloc : memref<!tpu.dma_semaphore, #tpu.memory_space<semaphore_mem>>
      tpu.enqueue_dma source(%arg4 : memref<128x128xf32, #tpu.memory_space<hbm>>) target(%arg9 : memref<128x128xf32, #tpu.memory_space<vmem>>) target_semaphore(%run_scoped3A : memref<!tpu.dma_semaphore, #tpu.memory_space<semaphore_mem>>)
      tpu.wait_dma2 semaphore(%run_scoped3A : memref<!tpu.dma_semaphore, #tpu.memory_space<semaphore_mem>>) src(%arg4 : memref<128x128xf32, #tpu.memory_space<hbm>>) dst(%arg9 : memref<128x128xf32, #tpu.memory_space<vmem>>)
      tpu.yield
    }) : () -> ()
    "tpu.region"() ({
      %run_scoped3A = tpu.sem_alloc : memref<!tpu.dma_semaphore, #tpu.memory_space<semaphore_mem>>
      tpu.enqueue_dma source(%arg5 : memref<128x128xf32, #tpu.memory_space<hbm>>) target(%arg10 : memref<128x128xf32, #tpu.memory_space<vmem>>) target_semaphore(%run_scoped3A : memref<!tpu.dma_semaphore, #tpu.memory_space<semaphore_mem>>)
      tpu.wait_dma2 semaphore(%run_scoped3A : memref<!tpu.dma_semaphore, #tpu.memory_space<semaphore_mem>>) src(%arg5 : memref<128x128xf32, #tpu.memory_space<hbm>>) dst(%arg10 : memref<128x128xf32, #tpu.memory_space<vmem>>)
      tpu.yield
    }) : () -> ()
    %mul3A_5 = arith.constant 640 : i32
    %mul3A_6 = arith.muli %arg1, %mul3A_5 : i32
    %add3A_7 = arith.constant 0 : i32
    %add3A_8 = arith.addi %mul3A_6, %add3A_7 : i32
    "tpu.region"() ({
      %run_scoped3A = tpu.sem_alloc : memref<!tpu.dma_semaphore, #tpu.memory_space<semaphore_mem>>
      %dma_start3A = arith.constant 0 : i32
      %dma_start3A_51 = tpu.memref_slice %arg11[%add3A_8, %dma_start3A] : memref<10240x128xf32, #tpu.memory_space<vmem_shared>> -> memref<128x128xf32, #tpu.memory_space<vmem_shared>>
      %dma_start3A_52 = arith.constant 0 : i32
      %dma_start3A_53 = tpu.memref_slice %arg11[%add3A_8, %dma_start3A_52] : memref<10240x128xf32, #tpu.memory_space<vmem_shared>> -> memref<128x128xf32, #tpu.memory_space<vmem_shared>>
      tpu.enqueue_dma source(%arg10 : memref<128x128xf32, #tpu.memory_space<vmem>>) target(%dma_start3A_53 : memref<128x128xf32, #tpu.memory_space<vmem_shared>>) target_semaphore(%run_scoped3A : memref<!tpu.dma_semaphore, #tpu.memory_space<semaphore_mem>>)
      %dma_wait3A = arith.constant 0 : i32
      %dma_wait3A_54 = tpu.memref_slice %arg11[%add3A_8, %dma_wait3A] : memref<10240x128xf32, #tpu.memory_space<vmem_shared>> -> memref<128x128xf32, #tpu.memory_space<vmem_shared>>
      %dma_wait3A_55 = arith.constant 0 : i32
      %dma_wait3A_56 = tpu.memref_slice %arg11[%add3A_8, %dma_wait3A_55] : memref<10240x128xf32, #tpu.memory_space<vmem_shared>> -> memref<128x128xf32, #tpu.memory_space<vmem_shared>>
      tpu.wait_dma2 semaphore(%run_scoped3A : memref<!tpu.dma_semaphore, #tpu.memory_space<semaphore_mem>>) src(%arg10 : memref<128x128xf32, #tpu.memory_space<vmem>>) dst(%dma_wait3A_56 : memref<128x128xf32, #tpu.memory_space<vmem_shared>>)
      tpu.yield
    }) : () -> ()
    %add3A_9 = arith.constant 128 : i32
    %add3A_10 = arith.addi %mul3A_6, %add3A_9 : i32
    "tpu.region"() ({
      %run_scoped3A = tpu.sem_alloc : memref<!tpu.dma_semaphore, #tpu.memory_space<semaphore_mem>>
      %dma_start3A = arith.constant 0 : i32
      %dma_start3A_51 = tpu.memref_slice %arg11[%add3A_10, %dma_start3A] : memref<10240x128xf32, #tpu.memory_space<vmem_shared>> -> memref<128x128xf32, #tpu.memory_space<vmem_shared>>
      %dma_start3A_52 = arith.constant 0 : i32
      %dma_start3A_53 = tpu.memref_slice %arg11[%add3A_10, %dma_start3A_52] : memref<10240x128xf32, #tpu.memory_space<vmem_shared>> -> memref<128x128xf32, #tpu.memory_space<vmem_shared>>
      tpu.enqueue_dma source(%arg10 : memref<128x128xf32, #tpu.memory_space<vmem>>) target(%dma_start3A_53 : memref<128x128xf32, #tpu.memory_space<vmem_shared>>) target_semaphore(%run_scoped3A : memref<!tpu.dma_semaphore, #tpu.memory_space<semaphore_mem>>)
      %dma_wait3A = arith.constant 0 : i32
      %dma_wait3A_54 = tpu.memref_slice %arg11[%add3A_10, %dma_wait3A] : memref<10240x128xf32, #tpu.memory_space<vmem_shared>> -> memref<128x128xf32, #tpu.memory_space<vmem_shared>>
      %dma_wait3A_55 = arith.constant 0 : i32
      %dma_wait3A_56 = tpu.memref_slice %arg11[%add3A_10, %dma_wait3A_55] : memref<10240x128xf32, #tpu.memory_space<vmem_shared>> -> memref<128x128xf32, #tpu.memory_space<vmem_shared>>
      tpu.wait_dma2 semaphore(%run_scoped3A : memref<!tpu.dma_semaphore, #tpu.memory_space<semaphore_mem>>) src(%arg10 : memref<128x128xf32, #tpu.memory_space<vmem>>) dst(%dma_wait3A_56 : memref<128x128xf32, #tpu.memory_space<vmem_shared>>)
      tpu.yield
    }) : () -> ()
    %add3A_11 = arith.constant 256 : i32
    %add3A_12 = arith.addi %mul3A_6, %add3A_11 : i32
    "tpu.region"() ({
      %run_scoped3A = tpu.sem_alloc : memref<!tpu.dma_semaphore, #tpu.memory_space<semaphore_mem>>
      %dma_start3A = arith.constant 0 : i32
      %dma_start3A_51 = tpu.memref_slice %arg11[%add3A_12, %dma_start3A] : memref<10240x128xf32, #tpu.memory_space<vmem_shared>> -> memref<128x128xf32, #tpu.memory_space<vmem_shared>>
      %dma_start3A_52 = arith.constant 0 : i32
      %dma_start3A_53 = tpu.memref_slice %arg11[%add3A_12, %dma_start3A_52] : memref<10240x128xf32, #tpu.memory_space<vmem_shared>> -> memref<128x128xf32, #tpu.memory_space<vmem_shared>>
      tpu.enqueue_dma source(%arg10 : memref<128x128xf32, #tpu.memory_space<vmem>>) target(%dma_start3A_53 : memref<128x128xf32, #tpu.memory_space<vmem_shared>>) target_semaphore(%run_scoped3A : memref<!tpu.dma_semaphore, #tpu.memory_space<semaphore_mem>>)
      %dma_wait3A = arith.constant 0 : i32
      %dma_wait3A_54 = tpu.memref_slice %arg11[%add3A_12, %dma_wait3A] : memref<10240x128xf32, #tpu.memory_space<vmem_shared>> -> memref<128x128xf32, #tpu.memory_space<vmem_shared>>
      %dma_wait3A_55 = arith.constant 0 : i32
      %dma_wait3A_56 = tpu.memref_slice %arg11[%add3A_12, %dma_wait3A_55] : memref<10240x128xf32, #tpu.memory_space<vmem_shared>> -> memref<128x128xf32, #tpu.memory_space<vmem_shared>>
      tpu.wait_dma2 semaphore(%run_scoped3A : memref<!tpu.dma_semaphore, #tpu.memory_space<semaphore_mem>>) src(%arg10 : memref<128x128xf32, #tpu.memory_space<vmem>>) dst(%dma_wait3A_56 : memref<128x128xf32, #tpu.memory_space<vmem_shared>>)
      tpu.yield
    }) : () -> ()
    %add3A_13 = arith.constant 384 : i32
    %add3A_14 = arith.addi %mul3A_6, %add3A_13 : i32
    "tpu.region"() ({
      %run_scoped3A = tpu.sem_alloc : memref<!tpu.dma_semaphore, #tpu.memory_space<semaphore_mem>>
      %dma_start3A = arith.constant 0 : i32
      %dma_start3A_51 = tpu.memref_slice %arg11[%add3A_14, %dma_start3A] : memref<10240x128xf32, #tpu.memory_space<vmem_shared>> -> memref<128x128xf32, #tpu.memory_space<vmem_shared>>
      %dma_start3A_52 = arith.constant 0 : i32
      %dma_start3A_53 = tpu.memref_slice %arg11[%add3A_14, %dma_start3A_52] : memref<10240x128xf32, #tpu.memory_space<vmem_shared>> -> memref<128x128xf32, #tpu.memory_space<vmem_shared>>
      tpu.enqueue_dma source(%arg10 : memref<128x128xf32, #tpu.memory_space<vmem>>) target(%dma_start3A_53 : memref<128x128xf32, #tpu.memory_space<vmem_shared>>) target_semaphore(%run_scoped3A : memref<!tpu.dma_semaphore, #tpu.memory_space<semaphore_mem>>)
      %dma_wait3A = arith.constant 0 : i32
      %dma_wait3A_54 = tpu.memref_slice %arg11[%add3A_14, %dma_wait3A] : memref<10240x128xf32, #tpu.memory_space<vmem_shared>> -> memref<128x128xf32, #tpu.memory_space<vmem_shared>>
      %dma_wait3A_55 = arith.constant 0 : i32
      %dma_wait3A_56 = tpu.memref_slice %arg11[%add3A_14, %dma_wait3A_55] : memref<10240x128xf32, #tpu.memory_space<vmem_shared>> -> memref<128x128xf32, #tpu.memory_space<vmem_shared>>
      tpu.wait_dma2 semaphore(%run_scoped3A : memref<!tpu.dma_semaphore, #tpu.memory_space<semaphore_mem>>) src(%arg10 : memref<128x128xf32, #tpu.memory_space<vmem>>) dst(%dma_wait3A_56 : memref<128x128xf32, #tpu.memory_space<vmem_shared>>)
      tpu.yield
    }) : () -> ()
    %add3A_15 = arith.constant 512 : i32
    %add3A_16 = arith.addi %mul3A_6, %add3A_15 : i32
    "tpu.region"() ({
      %run_scoped3A = tpu.sem_alloc : memref<!tpu.dma_semaphore, #tpu.memory_space<semaphore_mem>>
      %dma_start3A = arith.constant 0 : i32
      %dma_start3A_51 = tpu.memref_slice %arg11[%add3A_16, %dma_start3A] : memref<10240x128xf32, #tpu.memory_space<vmem_shared>> -> memref<128x128xf32, #tpu.memory_space<vmem_shared>>
      %dma_start3A_52 = arith.constant 0 : i32
      %dma_start3A_53 = tpu.memref_slice %arg11[%add3A_16, %dma_start3A_52] : memref<10240x128xf32, #tpu.memory_space<vmem_shared>> -> memref<128x128xf32, #tpu.memory_space<vmem_shared>>
      tpu.enqueue_dma source(%arg10 : memref<128x128xf32, #tpu.memory_space<vmem>>) target(%dma_start3A_53 : memref<128x128xf32, #tpu.memory_space<vmem_shared>>) target_semaphore(%run_scoped3A : memref<!tpu.dma_semaphore, #tpu.memory_space<semaphore_mem>>)
      %dma_wait3A = arith.constant 0 : i32
      %dma_wait3A_54 = tpu.memref_slice %arg11[%add3A_16, %dma_wait3A] : memref<10240x128xf32, #tpu.memory_space<vmem_shared>> -> memref<128x128xf32, #tpu.memory_space<vmem_shared>>
      %dma_wait3A_55 = arith.constant 0 : i32
      %dma_wait3A_56 = tpu.memref_slice %arg11[%add3A_16, %dma_wait3A_55] : memref<10240x128xf32, #tpu.memory_space<vmem_shared>> -> memref<128x128xf32, #tpu.memory_space<vmem_shared>>
      tpu.wait_dma2 semaphore(%run_scoped3A : memref<!tpu.dma_semaphore, #tpu.memory_space<semaphore_mem>>) src(%arg10 : memref<128x128xf32, #tpu.memory_space<vmem>>) dst(%dma_wait3A_56 : memref<128x128xf32, #tpu.memory_space<vmem_shared>>)
      tpu.yield
    }) : () -> ()
    %barrier3A = arith.constant 0 : index
    tpu.barrier barrier_id(%barrier3A)
    %scan3A = arith.constant 0 : i32
    %scan3A_17 = arith.constant 0 : i32
    %scan3A_18 = arith.constant 80 : i32
    %scan3A_19 = arith.addi %scan3A_17, %scan3A_18 : i32
    %scan3A_20 = arith.constant 1 : i32
    scf.for %scan3A_51 = %scan3A_17 to %scan3A_19 step %scan3A_20  : i32 {
      %mul3A_52 = arith.constant 128 : i32
      %mul3A_53 = arith.muli %scan3A_51, %mul3A_52 : i32
      %add3A_54 = arith.addi %mul3A_4, %mul3A_53 : i32
      %run_scoped3A = arith.constant 0 : i32
      "tpu.region"() ({
        %run_scoped3A_56 = tpu.sem_alloc : memref<!tpu.dma_semaphore, #tpu.memory_space<semaphore_mem>>
        %dma_start3A = arith.constant 0 : i32
        %dma_start3A_57 = tpu.memref_slice %arg8[%run_scoped3A, %dma_start3A] : memref<1x128xi32, #tpu.memory_space<vmem>> -> memref<1x128xi32, #tpu.memory_space<vmem>>
        %dma_start3A_58 = tpu.memref_squeeze %dma_start3A_57 : memref<1x128xi32, #tpu.memory_space<vmem>> -> memref<128xi32, #tpu.memory_space<vmem>>
        %dma_start3A_59 = tpu.memref_slice %arg3[%add3A_54] : memref<327680xi32, #tpu.memory_space<hbm>> -> memref<128xi32, #tpu.memory_space<hbm>>
        %dma_start3A_60 = arith.constant 0 : i32
        %dma_start3A_61 = tpu.memref_slice %arg8[%run_scoped3A, %dma_start3A_60] : memref<1x128xi32, #tpu.memory_space<vmem>> -> memref<1x128xi32, #tpu.memory_space<vmem>>
        %dma_start3A_62 = tpu.memref_squeeze %dma_start3A_61 : memref<1x128xi32, #tpu.memory_space<vmem>> -> memref<128xi32, #tpu.memory_space<vmem>>
        %dma_start3A_63 = tpu.memref_slice %arg3[%add3A_54] : memref<327680xi32, #tpu.memory_space<hbm>> -> memref<128xi32, #tpu.memory_space<hbm>>
        tpu.enqueue_dma source(%dma_start3A_63 : memref<128xi32, #tpu.memory_space<hbm>>) target(%dma_start3A_62 : memref<128xi32, #tpu.memory_space<vmem>>) target_semaphore(%run_scoped3A_56 : memref<!tpu.dma_semaphore, #tpu.memory_space<semaphore_mem>>)
        %dma_wait3A = arith.constant 0 : i32
        %dma_wait3A_64 = tpu.memref_slice %arg8[%run_scoped3A, %dma_wait3A] : memref<1x128xi32, #tpu.memory_space<vmem>> -> memref<1x128xi32, #tpu.memory_space<vmem>>
        %dma_wait3A_65 = tpu.memref_squeeze %dma_wait3A_64 : memref<1x128xi32, #tpu.memory_space<vmem>> -> memref<128xi32, #tpu.memory_space<vmem>>
        %dma_wait3A_66 = tpu.memref_slice %arg3[%add3A_54] : memref<327680xi32, #tpu.memory_space<hbm>> -> memref<128xi32, #tpu.memory_space<hbm>>
        %dma_wait3A_67 = arith.constant 0 : i32
        %dma_wait3A_68 = tpu.memref_slice %arg8[%run_scoped3A, %dma_wait3A_67] : memref<1x128xi32, #tpu.memory_space<vmem>> -> memref<1x128xi32, #tpu.memory_space<vmem>>
        %dma_wait3A_69 = tpu.memref_squeeze %dma_wait3A_68 : memref<1x128xi32, #tpu.memory_space<vmem>> -> memref<128xi32, #tpu.memory_space<vmem>>
        %dma_wait3A_70 = tpu.memref_slice %arg3[%add3A_54] : memref<327680xi32, #tpu.memory_space<hbm>> -> memref<128xi32, #tpu.memory_space<hbm>>
        tpu.wait_dma2 semaphore(%run_scoped3A_56 : memref<!tpu.dma_semaphore, #tpu.memory_space<semaphore_mem>>) src(%dma_wait3A_70 : memref<128xi32, #tpu.memory_space<hbm>>) dst(%dma_wait3A_69 : memref<128xi32, #tpu.memory_space<vmem>>)
        tpu.yield
      }) : () -> ()
      %run_scoped3A_55 = arith.constant 0 : i32
      "tpu.region"() ({
        %run_scoped3A_56 = tpu.sem_alloc : memref<!tpu.dma_semaphore, #tpu.memory_space<semaphore_mem>>
        %dma_start3A = arith.constant 0 : i32
        %dma_start3A_57 = tpu.memref_slice %arg8[%run_scoped3A_55, %dma_start3A] : memref<1x128xi32, #tpu.memory_space<vmem>> -> memref<1x128xi32, #tpu.memory_space<vmem>>
        %dma_start3A_58 = tpu.memref_squeeze %dma_start3A_57 : memref<1x128xi32, #tpu.memory_space<vmem>> -> memref<128xi32, #tpu.memory_space<vmem>>
        %dma_start3A_59 = arith.constant 0 : i32
        %dma_start3A_60 = arith.constant 0 : i32
        %dma_start3A_61 = tpu.memref_slice %arg11[%dma_start3A_59, %dma_start3A_60] : memref<10240x128xf32, #tpu.memory_space<vmem_shared>> -> memref<10240x128xf32, #tpu.memory_space<vmem_shared>>
        tpu.enqueue_indirect_dma source(%arg9 : memref<128x128xf32, #tpu.memory_space<vmem>>) target(%dma_start3A_61 : memref<10240x128xf32, #tpu.memory_space<vmem_shared>>) offsets(%dma_start3A_58 : memref<128xi32, #tpu.memory_space<vmem>>) semaphore(%run_scoped3A_56 : memref<!tpu.dma_semaphore, #tpu.memory_space<semaphore_mem>>) {add = true}
        %dma_wait3A = arith.constant 0 : i32
        %dma_wait3A_62 = tpu.memref_slice %arg8[%run_scoped3A_55, %dma_wait3A] : memref<1x128xi32, #tpu.memory_space<vmem>> -> memref<1x128xi32, #tpu.memory_space<vmem>>
        %dma_wait3A_63 = tpu.memref_squeeze %dma_wait3A_62 : memref<1x128xi32, #tpu.memory_space<vmem>> -> memref<128xi32, #tpu.memory_space<vmem>>
        %dma_wait3A_64 = arith.constant 0 : i32
        %dma_wait3A_65 = arith.constant 0 : i32
        %dma_wait3A_66 = tpu.memref_slice %arg11[%dma_wait3A_64, %dma_wait3A_65] : memref<10240x128xf32, #tpu.memory_space<vmem_shared>> -> memref<10240x128xf32, #tpu.memory_space<vmem_shared>>
        tpu.wait_indirect_dma semaphore(%run_scoped3A_56 : memref<!tpu.dma_semaphore, #tpu.memory_space<semaphore_mem>>) src(%arg9 : memref<128x128xf32, #tpu.memory_space<vmem>>) dst(%dma_wait3A_66 : memref<10240x128xf32, #tpu.memory_space<vmem_shared>>)
        tpu.yield
      }) : () -> ()
    }
    %scan3A_21 = arith.constant 80 : i32
    %barrier3A_22 = arith.constant 0 : index
    tpu.barrier barrier_id(%barrier3A_22)
    %add3A_23 = arith.constant 0 : i32
    %add3A_24 = arith.addi %mul3A_6, %add3A_23 : i32
    "tpu.region"() ({
      %run_scoped3A = tpu.sem_alloc : memref<!tpu.dma_semaphore, #tpu.memory_space<semaphore_mem>>
      %dma_start3A = arith.constant 0 : i32
      %dma_start3A_51 = arith.constant 0 : i32
      %dma_start3A_52 = tpu.memref_slice %arg7[%arg0, %dma_start3A, %dma_start3A_51] : memref<2x10240x128xf32, #tpu.memory_space<hbm>> -> memref<1x10240x128xf32, #tpu.memory_space<hbm>>
      %dma_start3A_53 = tpu.memref_squeeze %dma_start3A_52 : memref<1x10240x128xf32, #tpu.memory_space<hbm>> -> memref<10240x128xf32, #tpu.memory_space<hbm>>
      %dma_start3A_54 = arith.constant 0 : i32
      %dma_start3A_55 = tpu.memref_slice %dma_start3A_53[%add3A_24, %dma_start3A_54] : memref<10240x128xf32, #tpu.memory_space<hbm>> -> memref<128x128xf32, #tpu.memory_space<hbm>>
      %dma_start3A_56 = arith.constant 0 : i32
      %dma_start3A_57 = tpu.memref_slice %arg11[%add3A_24, %dma_start3A_56] : memref<10240x128xf32, #tpu.memory_space<vmem_shared>> -> memref<128x128xf32, #tpu.memory_space<vmem_shared>>
      tpu.enqueue_dma source(%dma_start3A_57 : memref<128x128xf32, #tpu.memory_space<vmem_shared>>) target(%dma_start3A_55 : memref<128x128xf32, #tpu.memory_space<hbm>>) target_semaphore(%run_scoped3A : memref<!tpu.dma_semaphore, #tpu.memory_space<semaphore_mem>>)
      %dma_wait3A = arith.constant 0 : i32
      %dma_wait3A_58 = arith.constant 0 : i32
      %dma_wait3A_59 = tpu.memref_slice %arg7[%arg0, %dma_wait3A, %dma_wait3A_58] : memref<2x10240x128xf32, #tpu.memory_space<hbm>> -> memref<1x10240x128xf32, #tpu.memory_space<hbm>>
      %dma_wait3A_60 = tpu.memref_squeeze %dma_wait3A_59 : memref<1x10240x128xf32, #tpu.memory_space<hbm>> -> memref<10240x128xf32, #tpu.memory_space<hbm>>
      %dma_wait3A_61 = arith.constant 0 : i32
      %dma_wait3A_62 = tpu.memref_slice %dma_wait3A_60[%add3A_24, %dma_wait3A_61] : memref<10240x128xf32, #tpu.memory_space<hbm>> -> memref<128x128xf32, #tpu.memory_space<hbm>>
      %dma_wait3A_63 = arith.constant 0 : i32
      %dma_wait3A_64 = tpu.memref_slice %arg11[%add3A_24, %dma_wait3A_63] : memref<10240x128xf32, #tpu.memory_space<vmem_shared>> -> memref<128x128xf32, #tpu.memory_space<vmem_shared>>
      tpu.wait_dma2 semaphore(%run_scoped3A : memref<!tpu.dma_semaphore, #tpu.memory_space<semaphore_mem>>) src(%dma_wait3A_64 : memref<128x128xf32, #tpu.memory_space<vmem_shared>>) dst(%dma_wait3A_62 : memref<128x128xf32, #tpu.memory_space<hbm>>)
      tpu.yield
    }) : () -> ()
    "tpu.region"() ({
      %run_scoped3A = tpu.sem_alloc : memref<!tpu.dma_semaphore, #tpu.memory_space<semaphore_mem>>
      %dma_start3A = arith.constant 0 : i32
      %dma_start3A_51 = tpu.memref_slice %arg11[%add3A_24, %dma_start3A] : memref<10240x128xf32, #tpu.memory_space<vmem_shared>> -> memref<128x128xf32, #tpu.memory_space<vmem_shared>>
      %dma_start3A_52 = arith.constant 0 : i32
      %dma_start3A_53 = tpu.memref_slice %arg11[%add3A_24, %dma_start3A_52] : memref<10240x128xf32, #tpu.memory_space<vmem_shared>> -> memref<128x128xf32, #tpu.memory_space<vmem_shared>>
      tpu.enqueue_dma source(%arg10 : memref<128x128xf32, #tpu.memory_space<vmem>>) target(%dma_start3A_53 : memref<128x128xf32, #tpu.memory_space<vmem_shared>>) target_semaphore(%run_scoped3A : memref<!tpu.dma_semaphore, #tpu.memory_space<semaphore_mem>>)
      %dma_wait3A = arith.constant 0 : i32
      %dma_wait3A_54 = tpu.memref_slice %arg11[%add3A_24, %dma_wait3A] : memref<10240x128xf32, #tpu.memory_space<vmem_shared>> -> memref<128x128xf32, #tpu.memory_space<vmem_shared>>
      %dma_wait3A_55 = arith.constant 0 : i32
      %dma_wait3A_56 = tpu.memref_slice %arg11[%add3A_24, %dma_wait3A_55] : memref<10240x128xf32, #tpu.memory_space<vmem_shared>> -> memref<128x128xf32, #tpu.memory_space<vmem_shared>>
      tpu.wait_dma2 semaphore(%run_scoped3A : memref<!tpu.dma_semaphore, #tpu.memory_space<semaphore_mem>>) src(%arg10 : memref<128x128xf32, #tpu.memory_space<vmem>>) dst(%dma_wait3A_56 : memref<128x128xf32, #tpu.memory_space<vmem_shared>>)
      tpu.yield
    }) : () -> ()
    %add3A_25 = arith.constant 128 : i32
    %add3A_26 = arith.addi %mul3A_6, %add3A_25 : i32
    "tpu.region"() ({
      %run_scoped3A = tpu.sem_alloc : memref<!tpu.dma_semaphore, #tpu.memory_space<semaphore_mem>>
      %dma_start3A = arith.constant 0 : i32
      %dma_start3A_51 = arith.constant 0 : i32
      %dma_start3A_52 = tpu.memref_slice %arg7[%arg0, %dma_start3A, %dma_start3A_51] : memref<2x10240x128xf32, #tpu.memory_space<hbm>> -> memref<1x10240x128xf32, #tpu.memory_space<hbm>>
      %dma_start3A_53 = tpu.memref_squeeze %dma_start3A_52 : memref<1x10240x128xf32, #tpu.memory_space<hbm>> -> memref<10240x128xf32, #tpu.memory_space<hbm>>
      %dma_start3A_54 = arith.constant 0 : i32
      %dma_start3A_55 = tpu.memref_slice %dma_start3A_53[%add3A_26, %dma_start3A_54] : memref<10240x128xf32, #tpu.memory_space<hbm>> -> memref<128x128xf32, #tpu.memory_space<hbm>>
      %dma_start3A_56 = arith.constant 0 : i32
      %dma_start3A_57 = tpu.memref_slice %arg11[%add3A_26, %dma_start3A_56] : memref<10240x128xf32, #tpu.memory_space<vmem_shared>> -> memref<128x128xf32, #tpu.memory_space<vmem_shared>>
      tpu.enqueue_dma source(%dma_start3A_57 : memref<128x128xf32, #tpu.memory_space<vmem_shared>>) target(%dma_start3A_55 : memref<128x128xf32, #tpu.memory_space<hbm>>) target_semaphore(%run_scoped3A : memref<!tpu.dma_semaphore, #tpu.memory_space<semaphore_mem>>)
      %dma_wait3A = arith.constant 0 : i32
      %dma_wait3A_58 = arith.constant 0 : i32
      %dma_wait3A_59 = tpu.memref_slice %arg7[%arg0, %dma_wait3A, %dma_wait3A_58] : memref<2x10240x128xf32, #tpu.memory_space<hbm>> -> memref<1x10240x128xf32, #tpu.memory_space<hbm>>
      %dma_wait3A_60 = tpu.memref_squeeze %dma_wait3A_59 : memref<1x10240x128xf32, #tpu.memory_space<hbm>> -> memref<10240x128xf32, #tpu.memory_space<hbm>>
      %dma_wait3A_61 = arith.constant 0 : i32
      %dma_wait3A_62 = tpu.memref_slice %dma_wait3A_60[%add3A_26, %dma_wait3A_61] : memref<10240x128xf32, #tpu.memory_space<hbm>> -> memref<128x128xf32, #tpu.memory_space<hbm>>
      %dma_wait3A_63 = arith.constant 0 : i32
      %dma_wait3A_64 = tpu.memref_slice %arg11[%add3A_26, %dma_wait3A_63] : memref<10240x128xf32, #tpu.memory_space<vmem_shared>> -> memref<128x128xf32, #tpu.memory_space<vmem_shared>>
      tpu.wait_dma2 semaphore(%run_scoped3A : memref<!tpu.dma_semaphore, #tpu.memory_space<semaphore_mem>>) src(%dma_wait3A_64 : memref<128x128xf32, #tpu.memory_space<vmem_shared>>) dst(%dma_wait3A_62 : memref<128x128xf32, #tpu.memory_space<hbm>>)
      tpu.yield
    }) : () -> ()
    "tpu.region"() ({
      %run_scoped3A = tpu.sem_alloc : memref<!tpu.dma_semaphore, #tpu.memory_space<semaphore_mem>>
      %dma_start3A = arith.constant 0 : i32
      %dma_start3A_51 = tpu.memref_slice %arg11[%add3A_26, %dma_start3A] : memref<10240x128xf32, #tpu.memory_space<vmem_shared>> -> memref<128x128xf32, #tpu.memory_space<vmem_shared>>
      %dma_start3A_52 = arith.constant 0 : i32
      %dma_start3A_53 = tpu.memref_slice %arg11[%add3A_26, %dma_start3A_52] : memref<10240x128xf32, #tpu.memory_space<vmem_shared>> -> memref<128x128xf32, #tpu.memory_space<vmem_shared>>
      tpu.enqueue_dma source(%arg10 : memref<128x128xf32, #tpu.memory_space<vmem>>) target(%dma_start3A_53 : memref<128x128xf32, #tpu.memory_space<vmem_shared>>) target_semaphore(%run_scoped3A : memref<!tpu.dma_semaphore, #tpu.memory_space<semaphore_mem>>)
      %dma_wait3A = arith.constant 0 : i32
      %dma_wait3A_54 = tpu.memref_slice %arg11[%add3A_26, %dma_wait3A] : memref<10240x128xf32, #tpu.memory_space<vmem_shared>> -> memref<128x128xf32, #tpu.memory_space<vmem_shared>>
      %dma_wait3A_55 = arith.constant 0 : i32
      %dma_wait3A_56 = tpu.memref_slice %arg11[%add3A_26, %dma_wait3A_55] : memref<10240x128xf32, #tpu.memory_space<vmem_shared>> -> memref<128x128xf32, #tpu.memory_space<vmem_shared>>
      tpu.wait_dma2 semaphore(%run_scoped3A : memref<!tpu.dma_semaphore, #tpu.memory_space<semaphore_mem>>) src(%arg10 : memref<128x128xf32, #tpu.memory_space<vmem>>) dst(%dma_wait3A_56 : memref<128x128xf32, #tpu.memory_space<vmem_shared>>)
      tpu.yield
    }) : () -> ()
    %add3A_27 = arith.constant 256 : i32
    %add3A_28 = arith.addi %mul3A_6, %add3A_27 : i32
    "tpu.region"() ({
      %run_scoped3A = tpu.sem_alloc : memref<!tpu.dma_semaphore, #tpu.memory_space<semaphore_mem>>
      %dma_start3A = arith.constant 0 : i32
      %dma_start3A_51 = arith.constant 0 : i32
      %dma_start3A_52 = tpu.memref_slice %arg7[%arg0, %dma_start3A, %dma_start3A_51] : memref<2x10240x128xf32, #tpu.memory_space<hbm>> -> memref<1x10240x128xf32, #tpu.memory_space<hbm>>
      %dma_start3A_53 = tpu.memref_squeeze %dma_start3A_52 : memref<1x10240x128xf32, #tpu.memory_space<hbm>> -> memref<10240x128xf32, #tpu.memory_space<hbm>>
      %dma_start3A_54 = arith.constant 0 : i32
      %dma_start3A_55 = tpu.memref_slice %dma_start3A_53[%add3A_28, %dma_start3A_54] : memref<10240x128xf32, #tpu.memory_space<hbm>> -> memref<128x128xf32, #tpu.memory_space<hbm>>
      %dma_start3A_56 = arith.constant 0 : i32
      %dma_start3A_57 = tpu.memref_slice %arg11[%add3A_28, %dma_start3A_56] : memref<10240x128xf32, #tpu.memory_space<vmem_shared>> -> memref<128x128xf32, #tpu.memory_space<vmem_shared>>
      tpu.enqueue_dma source(%dma_start3A_57 : memref<128x128xf32, #tpu.memory_space<vmem_shared>>) target(%dma_start3A_55 : memref<128x128xf32, #tpu.memory_space<hbm>>) target_semaphore(%run_scoped3A : memref<!tpu.dma_semaphore, #tpu.memory_space<semaphore_mem>>)
      %dma_wait3A = arith.constant 0 : i32
      %dma_wait3A_58 = arith.constant 0 : i32
      %dma_wait3A_59 = tpu.memref_slice %arg7[%arg0, %dma_wait3A, %dma_wait3A_58] : memref<2x10240x128xf32, #tpu.memory_space<hbm>> -> memref<1x10240x128xf32, #tpu.memory_space<hbm>>
      %dma_wait3A_60 = tpu.memref_squeeze %dma_wait3A_59 : memref<1x10240x128xf32, #tpu.memory_space<hbm>> -> memref<10240x128xf32, #tpu.memory_space<hbm>>
      %dma_wait3A_61 = arith.constant 0 : i32
      %dma_wait3A_62 = tpu.memref_slice %dma_wait3A_60[%add3A_28, %dma_wait3A_61] : memref<10240x128xf32, #tpu.memory_space<hbm>> -> memref<128x128xf32, #tpu.memory_space<hbm>>
      %dma_wait3A_63 = arith.constant 0 : i32
      %dma_wait3A_64 = tpu.memref_slice %arg11[%add3A_28, %dma_wait3A_63] : memref<10240x128xf32, #tpu.memory_space<vmem_shared>> -> memref<128x128xf32, #tpu.memory_space<vmem_shared>>
      tpu.wait_dma2 semaphore(%run_scoped3A : memref<!tpu.dma_semaphore, #tpu.memory_space<semaphore_mem>>) src(%dma_wait3A_64 : memref<128x128xf32, #tpu.memory_space<vmem_shared>>) dst(%dma_wait3A_62 : memref<128x128xf32, #tpu.memory_space<hbm>>)
      tpu.yield
    }) : () -> ()
    "tpu.region"() ({
      %run_scoped3A = tpu.sem_alloc : memref<!tpu.dma_semaphore, #tpu.memory_space<semaphore_mem>>
      %dma_start3A = arith.constant 0 : i32
      %dma_start3A_51 = tpu.memref_slice %arg11[%add3A_28, %dma_start3A] : memref<10240x128xf32, #tpu.memory_space<vmem_shared>> -> memref<128x128xf32, #tpu.memory_space<vmem_shared>>
      %dma_start3A_52 = arith.constant 0 : i32
      %dma_start3A_53 = tpu.memref_slice %arg11[%add3A_28, %dma_start3A_52] : memref<10240x128xf32, #tpu.memory_space<vmem_shared>> -> memref<128x128xf32, #tpu.memory_space<vmem_shared>>
      tpu.enqueue_dma source(%arg10 : memref<128x128xf32, #tpu.memory_space<vmem>>) target(%dma_start3A_53 : memref<128x128xf32, #tpu.memory_space<vmem_shared>>) target_semaphore(%run_scoped3A : memref<!tpu.dma_semaphore, #tpu.memory_space<semaphore_mem>>)
      %dma_wait3A = arith.constant 0 : i32
      %dma_wait3A_54 = tpu.memref_slice %arg11[%add3A_28, %dma_wait3A] : memref<10240x128xf32, #tpu.memory_space<vmem_shared>> -> memref<128x128xf32, #tpu.memory_space<vmem_shared>>
      %dma_wait3A_55 = arith.constant 0 : i32
      %dma_wait3A_56 = tpu.memref_slice %arg11[%add3A_28, %dma_wait3A_55] : memref<10240x128xf32, #tpu.memory_space<vmem_shared>> -> memref<128x128xf32, #tpu.memory_space<vmem_shared>>
      tpu.wait_dma2 semaphore(%run_scoped3A : memref<!tpu.dma_semaphore, #tpu.memory_space<semaphore_mem>>) src(%arg10 : memref<128x128xf32, #tpu.memory_space<vmem>>) dst(%dma_wait3A_56 : memref<128x128xf32, #tpu.memory_space<vmem_shared>>)
      tpu.yield
    }) : () -> ()
    %add3A_29 = arith.constant 384 : i32
    %add3A_30 = arith.addi %mul3A_6, %add3A_29 : i32
    "tpu.region"() ({
      %run_scoped3A = tpu.sem_alloc : memref<!tpu.dma_semaphore, #tpu.memory_space<semaphore_mem>>
      %dma_start3A = arith.constant 0 : i32
      %dma_start3A_51 = arith.constant 0 : i32
      %dma_start3A_52 = tpu.memref_slice %arg7[%arg0, %dma_start3A, %dma_start3A_51] : memref<2x10240x128xf32, #tpu.memory_space<hbm>> -> memref<1x10240x128xf32, #tpu.memory_space<hbm>>
      %dma_start3A_53 = tpu.memref_squeeze %dma_start3A_52 : memref<1x10240x128xf32, #tpu.memory_space<hbm>> -> memref<10240x128xf32, #tpu.memory_space<hbm>>
      %dma_start3A_54 = arith.constant 0 : i32
      %dma_start3A_55 = tpu.memref_slice %dma_start3A_53[%add3A_30, %dma_start3A_54] : memref<10240x128xf32, #tpu.memory_space<hbm>> -> memref<128x128xf32, #tpu.memory_space<hbm>>
      %dma_start3A_56 = arith.constant 0 : i32
      %dma_start3A_57 = tpu.memref_slice %arg11[%add3A_30, %dma_start3A_56] : memref<10240x128xf32, #tpu.memory_space<vmem_shared>> -> memref<128x128xf32, #tpu.memory_space<vmem_shared>>
      tpu.enqueue_dma source(%dma_start3A_57 : memref<128x128xf32, #tpu.memory_space<vmem_shared>>) target(%dma_start3A_55 : memref<128x128xf32, #tpu.memory_space<hbm>>) target_semaphore(%run_scoped3A : memref<!tpu.dma_semaphore, #tpu.memory_space<semaphore_mem>>)
      %dma_wait3A = arith.constant 0 : i32
      %dma_wait3A_58 = arith.constant 0 : i32
      %dma_wait3A_59 = tpu.memref_slice %arg7[%arg0, %dma_wait3A, %dma_wait3A_58] : memref<2x10240x128xf32, #tpu.memory_space<hbm>> -> memref<1x10240x128xf32, #tpu.memory_space<hbm>>
      %dma_wait3A_60 = tpu.memref_squeeze %dma_wait3A_59 : memref<1x10240x128xf32, #tpu.memory_space<hbm>> -> memref<10240x128xf32, #tpu.memory_space<hbm>>
      %dma_wait3A_61 = arith.constant 0 : i32
      %dma_wait3A_62 = tpu.memref_slice %dma_wait3A_60[%add3A_30, %dma_wait3A_61] : memref<10240x128xf32, #tpu.memory_space<hbm>> -> memref<128x128xf32, #tpu.memory_space<hbm>>
      %dma_wait3A_63 = arith.constant 0 : i32
      %dma_wait3A_64 = tpu.memref_slice %arg11[%add3A_30, %dma_wait3A_63] : memref<10240x128xf32, #tpu.memory_space<vmem_shared>> -> memref<128x128xf32, #tpu.memory_space<vmem_shared>>
      tpu.wait_dma2 semaphore(%run_scoped3A : memref<!tpu.dma_semaphore, #tpu.memory_space<semaphore_mem>>) src(%dma_wait3A_64 : memref<128x128xf32, #tpu.memory_space<vmem_shared>>) dst(%dma_wait3A_62 : memref<128x128xf32, #tpu.memory_space<hbm>>)
      tpu.yield
    }) : () -> ()
    "tpu.region"() ({
      %run_scoped3A = tpu.sem_alloc : memref<!tpu.dma_semaphore, #tpu.memory_space<semaphore_mem>>
      %dma_start3A = arith.constant 0 : i32
      %dma_start3A_51 = tpu.memref_slice %arg11[%add3A_30, %dma_start3A] : memref<10240x128xf32, #tpu.memory_space<vmem_shared>> -> memref<128x128xf32, #tpu.memory_space<vmem_shared>>
      %dma_start3A_52 = arith.constant 0 : i32
      %dma_start3A_53 = tpu.memref_slice %arg11[%add3A_30, %dma_start3A_52] : memref<10240x128xf32, #tpu.memory_space<vmem_shared>> -> memref<128x128xf32, #tpu.memory_space<vmem_shared>>
      tpu.enqueue_dma source(%arg10 : memref<128x128xf32, #tpu.memory_space<vmem>>) target(%dma_start3A_53 : memref<128x128xf32, #tpu.memory_space<vmem_shared>>) target_semaphore(%run_scoped3A : memref<!tpu.dma_semaphore, #tpu.memory_space<semaphore_mem>>)
      %dma_wait3A = arith.constant 0 : i32
      %dma_wait3A_54 = tpu.memref_slice %arg11[%add3A_30, %dma_wait3A] : memref<10240x128xf32, #tpu.memory_space<vmem_shared>> -> memref<128x128xf32, #tpu.memory_space<vmem_shared>>
      %dma_wait3A_55 = arith.constant 0 : i32
      %dma_wait3A_56 = tpu.memref_slice %arg11[%add3A_30, %dma_wait3A_55] : memref<10240x128xf32, #tpu.memory_space<vmem_shared>> -> memref<128x128xf32, #tpu.memory_space<vmem_shared>>
      tpu.wait_dma2 semaphore(%run_scoped3A : memref<!tpu.dma_semaphore, #tpu.memory_space<semaphore_mem>>) src(%arg10 : memref<128x128xf32, #tpu.memory_space<vmem>>) dst(%dma_wait3A_56 : memref<128x128xf32, #tpu.memory_space<vmem_shared>>)
      tpu.yield
    }) : () -> ()
    %add3A_31 = arith.constant 512 : i32
    %add3A_32 = arith.addi %mul3A_6, %add3A_31 : i32
    "tpu.region"() ({
      %run_scoped3A = tpu.sem_alloc : memref<!tpu.dma_semaphore, #tpu.memory_space<semaphore_mem>>
      %dma_start3A = arith.constant 0 : i32
      %dma_start3A_51 = arith.constant 0 : i32
      %dma_start3A_52 = tpu.memref_slice %arg7[%arg0, %dma_start3A, %dma_start3A_51] : memref<2x10240x128xf32, #tpu.memory_space<hbm>> -> memref<1x10240x128xf32, #tpu.memory_space<hbm>>
      %dma_start3A_53 = tpu.memref_squeeze %dma_start3A_52 : memref<1x10240x128xf32, #tpu.memory_space<hbm>> -> memref<10240x128xf32, #tpu.memory_space<hbm>>
      %dma_start3A_54 = arith.constant 0 : i32
      %dma_start3A_55 = tpu.memref_slice %dma_start3A_53[%add3A_32, %dma_start3A_54] : memref<10240x128xf32, #tpu.memory_space<hbm>> -> memref<128x128xf32, #tpu.memory_space<hbm>>
      %dma_start3A_56 = arith.constant 0 : i32
      %dma_start3A_57 = tpu.memref_slice %arg11[%add3A_32, %dma_start3A_56] : memref<10240x128xf32, #tpu.memory_space<vmem_shared>> -> memref<128x128xf32, #tpu.memory_space<vmem_shared>>
      tpu.enqueue_dma source(%dma_start3A_57 : memref<128x128xf32, #tpu.memory_space<vmem_shared>>) target(%dma_start3A_55 : memref<128x128xf32, #tpu.memory_space<hbm>>) target_semaphore(%run_scoped3A : memref<!tpu.dma_semaphore, #tpu.memory_space<semaphore_mem>>)
      %dma_wait3A = arith.constant 0 : i32
      %dma_wait3A_58 = arith.constant 0 : i32
      %dma_wait3A_59 = tpu.memref_slice %arg7[%arg0, %dma_wait3A, %dma_wait3A_58] : memref<2x10240x128xf32, #tpu.memory_space<hbm>> -> memref<1x10240x128xf32, #tpu.memory_space<hbm>>
      %dma_wait3A_60 = tpu.memref_squeeze %dma_wait3A_59 : memref<1x10240x128xf32, #tpu.memory_space<hbm>> -> memref<10240x128xf32, #tpu.memory_space<hbm>>
      %dma_wait3A_61 = arith.constant 0 : i32
      %dma_wait3A_62 = tpu.memref_slice %dma_wait3A_60[%add3A_32, %dma_wait3A_61] : memref<10240x128xf32, #tpu.memory_space<hbm>> -> memref<128x128xf32, #tpu.memory_space<hbm>>
      %dma_wait3A_63 = arith.constant 0 : i32
      %dma_wait3A_64 = tpu.memref_slice %arg11[%add3A_32, %dma_wait3A_63] : memref<10240x128xf32, #tpu.memory_space<vmem_shared>> -> memref<128x128xf32, #tpu.memory_space<vmem_shared>>
      tpu.wait_dma2 semaphore(%run_scoped3A : memref<!tpu.dma_semaphore, #tpu.memory_space<semaphore_mem>>) src(%dma_wait3A_64 : memref<128x128xf32, #tpu.memory_space<vmem_shared>>) dst(%dma_wait3A_62 : memref<128x128xf32, #tpu.memory_space<hbm>>)
      tpu.yield
    }) : () -> ()
    "tpu.region"() ({
      %run_scoped3A = tpu.sem_alloc : memref<!tpu.dma_semaphore, #tpu.memory_space<semaphore_mem>>
      %dma_start3A = arith.constant 0 : i32
      %dma_start3A_51 = tpu.memref_slice %arg11[%add3A_32, %dma_start3A] : memref<10240x128xf32, #tpu.memory_space<vmem_shared>> -> memref<128x128xf32, #tpu.memory_space<vmem_shared>>
      %dma_start3A_52 = arith.constant 0 : i32
      %dma_start3A_53 = tpu.memref_slice %arg11[%add3A_32, %dma_start3A_52] : memref<10240x128xf32, #tpu.memory_space<vmem_shared>> -> memref<128x128xf32, #tpu.memory_space<vmem_shared>>
      tpu.enqueue_dma source(%arg10 : memref<128x128xf32, #tpu.memory_space<vmem>>) target(%dma_start3A_53 : memref<128x128xf32, #tpu.memory_space<vmem_shared>>) target_semaphore(%run_scoped3A : memref<!tpu.dma_semaphore, #tpu.memory_space<semaphore_mem>>)
      %dma_wait3A = arith.constant 0 : i32
      %dma_wait3A_54 = tpu.memref_slice %arg11[%add3A_32, %dma_wait3A] : memref<10240x128xf32, #tpu.memory_space<vmem_shared>> -> memref<128x128xf32, #tpu.memory_space<vmem_shared>>
      %dma_wait3A_55 = arith.constant 0 : i32
      %dma_wait3A_56 = tpu.memref_slice %arg11[%add3A_32, %dma_wait3A_55] : memref<10240x128xf32, #tpu.memory_space<vmem_shared>> -> memref<128x128xf32, #tpu.memory_space<vmem_shared>>
      tpu.wait_dma2 semaphore(%run_scoped3A : memref<!tpu.dma_semaphore, #tpu.memory_space<semaphore_mem>>) src(%arg10 : memref<128x128xf32, #tpu.memory_space<vmem>>) dst(%dma_wait3A_56 : memref<128x128xf32, #tpu.memory_space<vmem_shared>>)
      tpu.yield
    }) : () -> ()
    %barrier3A_33 = arith.constant 0 : index
    tpu.barrier barrier_id(%barrier3A_33)
    %scan3A_34 = arith.constant 0 : i32
    %scan3A_35 = arith.constant 0 : i32
    %scan3A_36 = arith.constant 80 : i32
    %scan3A_37 = arith.addi %scan3A_35, %scan3A_36 : i32
    %scan3A_38 = arith.constant 1 : i32
    scf.for %scan3A_51 = %scan3A_35 to %scan3A_37 step %scan3A_38  : i32 {
      %mul3A_52 = arith.constant 128 : i32
      %mul3A_53 = arith.muli %scan3A_51, %mul3A_52 : i32
      %add3A_54 = arith.addi %mul3A_4, %mul3A_53 : i32
      %run_scoped3A = arith.constant 0 : i32
      "tpu.region"() ({
        %run_scoped3A_56 = tpu.sem_alloc : memref<!tpu.dma_semaphore, #tpu.memory_space<semaphore_mem>>
        %dma_start3A = arith.constant 0 : i32
        %dma_start3A_57 = tpu.memref_slice %arg8[%run_scoped3A, %dma_start3A] : memref<1x128xi32, #tpu.memory_space<vmem>> -> memref<1x128xi32, #tpu.memory_space<vmem>>
        %dma_start3A_58 = tpu.memref_squeeze %dma_start3A_57 : memref<1x128xi32, #tpu.memory_space<vmem>> -> memref<128xi32, #tpu.memory_space<vmem>>
        %dma_start3A_59 = tpu.memref_slice %arg2[%add3A_54] : memref<327680xi32, #tpu.memory_space<hbm>> -> memref<128xi32, #tpu.memory_space<hbm>>
        %dma_start3A_60 = arith.constant 0 : i32
        %dma_start3A_61 = tpu.memref_slice %arg8[%run_scoped3A, %dma_start3A_60] : memref<1x128xi32, #tpu.memory_space<vmem>> -> memref<1x128xi32, #tpu.memory_space<vmem>>
        %dma_start3A_62 = tpu.memref_squeeze %dma_start3A_61 : memref<1x128xi32, #tpu.memory_space<vmem>> -> memref<128xi32, #tpu.memory_space<vmem>>
        %dma_start3A_63 = tpu.memref_slice %arg2[%add3A_54] : memref<327680xi32, #tpu.memory_space<hbm>> -> memref<128xi32, #tpu.memory_space<hbm>>
        tpu.enqueue_dma source(%dma_start3A_63 : memref<128xi32, #tpu.memory_space<hbm>>) target(%dma_start3A_62 : memref<128xi32, #tpu.memory_space<vmem>>) target_semaphore(%run_scoped3A_56 : memref<!tpu.dma_semaphore, #tpu.memory_space<semaphore_mem>>)
        %dma_wait3A = arith.constant 0 : i32
        %dma_wait3A_64 = tpu.memref_slice %arg8[%run_scoped3A, %dma_wait3A] : memref<1x128xi32, #tpu.memory_space<vmem>> -> memref<1x128xi32, #tpu.memory_space<vmem>>
        %dma_wait3A_65 = tpu.memref_squeeze %dma_wait3A_64 : memref<1x128xi32, #tpu.memory_space<vmem>> -> memref<128xi32, #tpu.memory_space<vmem>>
        %dma_wait3A_66 = tpu.memref_slice %arg2[%add3A_54] : memref<327680xi32, #tpu.memory_space<hbm>> -> memref<128xi32, #tpu.memory_space<hbm>>
        %dma_wait3A_67 = arith.constant 0 : i32
        %dma_wait3A_68 = tpu.memref_slice %arg8[%run_scoped3A, %dma_wait3A_67] : memref<1x128xi32, #tpu.memory_space<vmem>> -> memref<1x128xi32, #tpu.memory_space<vmem>>
        %dma_wait3A_69 = tpu.memref_squeeze %dma_wait3A_68 : memref<1x128xi32, #tpu.memory_space<vmem>> -> memref<128xi32, #tpu.memory_space<vmem>>
        %dma_wait3A_70 = tpu.memref_slice %arg2[%add3A_54] : memref<327680xi32, #tpu.memory_space<hbm>> -> memref<128xi32, #tpu.memory_space<hbm>>
        tpu.wait_dma2 semaphore(%run_scoped3A_56 : memref<!tpu.dma_semaphore, #tpu.memory_space<semaphore_mem>>) src(%dma_wait3A_70 : memref<128xi32, #tpu.memory_space<hbm>>) dst(%dma_wait3A_69 : memref<128xi32, #tpu.memory_space<vmem>>)
        tpu.yield
      }) : () -> ()
      %run_scoped3A_55 = arith.constant 0 : i32
      "tpu.region"() ({
        %run_scoped3A_56 = tpu.sem_alloc : memref<!tpu.dma_semaphore, #tpu.memory_space<semaphore_mem>>
        %dma_start3A = arith.constant 0 : i32
        %dma_start3A_57 = tpu.memref_slice %arg8[%run_scoped3A_55, %dma_start3A] : memref<1x128xi32, #tpu.memory_space<vmem>> -> memref<1x128xi32, #tpu.memory_space<vmem>>
        %dma_start3A_58 = tpu.memref_squeeze %dma_start3A_57 : memref<1x128xi32, #tpu.memory_space<vmem>> -> memref<128xi32, #tpu.memory_space<vmem>>
        %dma_start3A_59 = arith.constant 0 : i32
        %dma_start3A_60 = arith.constant 0 : i32
        %dma_start3A_61 = tpu.memref_slice %arg11[%dma_start3A_59, %dma_start3A_60] : memref<10240x128xf32, #tpu.memory_space<vmem_shared>> -> memref<10240x128xf32, #tpu.memory_space<vmem_shared>>
        tpu.enqueue_indirect_dma source(%arg9 : memref<128x128xf32, #tpu.memory_space<vmem>>) target(%dma_start3A_61 : memref<10240x128xf32, #tpu.memory_space<vmem_shared>>) offsets(%dma_start3A_58 : memref<128xi32, #tpu.memory_space<vmem>>) semaphore(%run_scoped3A_56 : memref<!tpu.dma_semaphore, #tpu.memory_space<semaphore_mem>>) {add = true}
        %dma_wait3A = arith.constant 0 : i32
        %dma_wait3A_62 = tpu.memref_slice %arg8[%run_scoped3A_55, %dma_wait3A] : memref<1x128xi32, #tpu.memory_space<vmem>> -> memref<1x128xi32, #tpu.memory_space<vmem>>
        %dma_wait3A_63 = tpu.memref_squeeze %dma_wait3A_62 : memref<1x128xi32, #tpu.memory_space<vmem>> -> memref<128xi32, #tpu.memory_space<vmem>>
        %dma_wait3A_64 = arith.constant 0 : i32
        %dma_wait3A_65 = arith.constant 0 : i32
        %dma_wait3A_66 = tpu.memref_slice %arg11[%dma_wait3A_64, %dma_wait3A_65] : memref<10240x128xf32, #tpu.memory_space<vmem_shared>> -> memref<10240x128xf32, #tpu.memory_space<vmem_shared>>
        tpu.wait_indirect_dma semaphore(%run_scoped3A_56 : memref<!tpu.dma_semaphore, #tpu.memory_space<semaphore_mem>>) src(%arg9 : memref<128x128xf32, #tpu.memory_space<vmem>>) dst(%dma_wait3A_66 : memref<10240x128xf32, #tpu.memory_space<vmem_shared>>)
        tpu.yield
      }) : () -> ()
    }
    %scan3A_39 = arith.constant 80 : i32
    %barrier3A_40 = arith.constant 0 : index
    tpu.barrier barrier_id(%barrier3A_40)
    %add3A_41 = arith.constant 0 : i32
    %add3A_42 = arith.addi %mul3A_6, %add3A_41 : i32
    "tpu.region"() ({
      %run_scoped3A = tpu.sem_alloc : memref<!tpu.dma_semaphore, #tpu.memory_space<semaphore_mem>>
      %dma_start3A = arith.constant 0 : i32
      %dma_start3A_51 = arith.constant 0 : i32
      %dma_start3A_52 = tpu.memref_slice %arg6[%arg0, %dma_start3A, %dma_start3A_51] : memref<2x10240x128xf32, #tpu.memory_space<hbm>> -> memref<1x10240x128xf32, #tpu.memory_space<hbm>>
      %dma_start3A_53 = tpu.memref_squeeze %dma_start3A_52 : memref<1x10240x128xf32, #tpu.memory_space<hbm>> -> memref<10240x128xf32, #tpu.memory_space<hbm>>
      %dma_start3A_54 = arith.constant 0 : i32
      %dma_start3A_55 = tpu.memref_slice %dma_start3A_53[%add3A_42, %dma_start3A_54] : memref<10240x128xf32, #tpu.memory_space<hbm>> -> memref<128x128xf32, #tpu.memory_space<hbm>>
      %dma_start3A_56 = arith.constant 0 : i32
      %dma_start3A_57 = tpu.memref_slice %arg11[%add3A_42, %dma_start3A_56] : memref<10240x128xf32, #tpu.memory_space<vmem_shared>> -> memref<128x128xf32, #tpu.memory_space<vmem_shared>>
      tpu.enqueue_dma source(%dma_start3A_57 : memref<128x128xf32, #tpu.memory_space<vmem_shared>>) target(%dma_start3A_55 : memref<128x128xf32, #tpu.memory_space<hbm>>) target_semaphore(%run_scoped3A : memref<!tpu.dma_semaphore, #tpu.memory_space<semaphore_mem>>)
      %dma_wait3A = arith.constant 0 : i32
      %dma_wait3A_58 = arith.constant 0 : i32
      %dma_wait3A_59 = tpu.memref_slice %arg6[%arg0, %dma_wait3A, %dma_wait3A_58] : memref<2x10240x128xf32, #tpu.memory_space<hbm>> -> memref<1x10240x128xf32, #tpu.memory_space<hbm>>
      %dma_wait3A_60 = tpu.memref_squeeze %dma_wait3A_59 : memref<1x10240x128xf32, #tpu.memory_space<hbm>> -> memref<10240x128xf32, #tpu.memory_space<hbm>>
      %dma_wait3A_61 = arith.constant 0 : i32
      %dma_wait3A_62 = tpu.memref_slice %dma_wait3A_60[%add3A_42, %dma_wait3A_61] : memref<10240x128xf32, #tpu.memory_space<hbm>> -> memref<128x128xf32, #tpu.memory_space<hbm>>
      %dma_wait3A_63 = arith.constant 0 : i32
      %dma_wait3A_64 = tpu.memref_slice %arg11[%add3A_42, %dma_wait3A_63] : memref<10240x128xf32, #tpu.memory_space<vmem_shared>> -> memref<128x128xf32, #tpu.memory_space<vmem_shared>>
      tpu.wait_dma2 semaphore(%run_scoped3A : memref<!tpu.dma_semaphore, #tpu.memory_space<semaphore_mem>>) src(%dma_wait3A_64 : memref<128x128xf32, #tpu.memory_space<vmem_shared>>) dst(%dma_wait3A_62 : memref<128x128xf32, #tpu.memory_space<hbm>>)
      tpu.yield
    }) : () -> ()
    %add3A_43 = arith.constant 128 : i32
    %add3A_44 = arith.addi %mul3A_6, %add3A_43 : i32
    "tpu.region"() ({
      %run_scoped3A = tpu.sem_alloc : memref<!tpu.dma_semaphore, #tpu.memory_space<semaphore_mem>>
      %dma_start3A = arith.constant 0 : i32
      %dma_start3A_51 = arith.constant 0 : i32
      %dma_start3A_52 = tpu.memref_slice %arg6[%arg0, %dma_start3A, %dma_start3A_51] : memref<2x10240x128xf32, #tpu.memory_space<hbm>> -> memref<1x10240x128xf32, #tpu.memory_space<hbm>>
      %dma_start3A_53 = tpu.memref_squeeze %dma_start3A_52 : memref<1x10240x128xf32, #tpu.memory_space<hbm>> -> memref<10240x128xf32, #tpu.memory_space<hbm>>
      %dma_start3A_54 = arith.constant 0 : i32
      %dma_start3A_55 = tpu.memref_slice %dma_start3A_53[%add3A_44, %dma_start3A_54] : memref<10240x128xf32, #tpu.memory_space<hbm>> -> memref<128x128xf32, #tpu.memory_space<hbm>>
      %dma_start3A_56 = arith.constant 0 : i32
      %dma_start3A_57 = tpu.memref_slice %arg11[%add3A_44, %dma_start3A_56] : memref<10240x128xf32, #tpu.memory_space<vmem_shared>> -> memref<128x128xf32, #tpu.memory_space<vmem_shared>>
      tpu.enqueue_dma source(%dma_start3A_57 : memref<128x128xf32, #tpu.memory_space<vmem_shared>>) target(%dma_start3A_55 : memref<128x128xf32, #tpu.memory_space<hbm>>) target_semaphore(%run_scoped3A : memref<!tpu.dma_semaphore, #tpu.memory_space<semaphore_mem>>)
      %dma_wait3A = arith.constant 0 : i32
      %dma_wait3A_58 = arith.constant 0 : i32
      %dma_wait3A_59 = tpu.memref_slice %arg6[%arg0, %dma_wait3A, %dma_wait3A_58] : memref<2x10240x128xf32, #tpu.memory_space<hbm>> -> memref<1x10240x128xf32, #tpu.memory_space<hbm>>
      %dma_wait3A_60 = tpu.memref_squeeze %dma_wait3A_59 : memref<1x10240x128xf32, #tpu.memory_space<hbm>> -> memref<10240x128xf32, #tpu.memory_space<hbm>>
      %dma_wait3A_61 = arith.constant 0 : i32
      %dma_wait3A_62 = tpu.memref_slice %dma_wait3A_60[%add3A_44, %dma_wait3A_61] : memref<10240x128xf32, #tpu.memory_space<hbm>> -> memref<128x128xf32, #tpu.memory_space<hbm>>
      %dma_wait3A_63 = arith.constant 0 : i32
      %dma_wait3A_64 = tpu.memref_slice %arg11[%add3A_44, %dma_wait3A_63] : memref<10240x128xf32, #tpu.memory_space<vmem_shared>> -> memref<128x128xf32, #tpu.memory_space<vmem_shared>>
      tpu.wait_dma2 semaphore(%run_scoped3A : memref<!tpu.dma_semaphore, #tpu.memory_space<semaphore_mem>>) src(%dma_wait3A_64 : memref<128x128xf32, #tpu.memory_space<vmem_shared>>) dst(%dma_wait3A_62 : memref<128x128xf32, #tpu.memory_space<hbm>>)
      tpu.yield
    }) : () -> ()
    %add3A_45 = arith.constant 256 : i32
    %add3A_46 = arith.addi %mul3A_6, %add3A_45 : i32
    "tpu.region"() ({
      %run_scoped3A = tpu.sem_alloc : memref<!tpu.dma_semaphore, #tpu.memory_space<semaphore_mem>>
      %dma_start3A = arith.constant 0 : i32
      %dma_start3A_51 = arith.constant 0 : i32
      %dma_start3A_52 = tpu.memref_slice %arg6[%arg0, %dma_start3A, %dma_start3A_51] : memref<2x10240x128xf32, #tpu.memory_space<hbm>> -> memref<1x10240x128xf32, #tpu.memory_space<hbm>>
      %dma_start3A_53 = tpu.memref_squeeze %dma_start3A_52 : memref<1x10240x128xf32, #tpu.memory_space<hbm>> -> memref<10240x128xf32, #tpu.memory_space<hbm>>
      %dma_start3A_54 = arith.constant 0 : i32
      %dma_start3A_55 = tpu.memref_slice %dma_start3A_53[%add3A_46, %dma_start3A_54] : memref<10240x128xf32, #tpu.memory_space<hbm>> -> memref<128x128xf32, #tpu.memory_space<hbm>>
      %dma_start3A_56 = arith.constant 0 : i32
      %dma_start3A_57 = tpu.memref_slice %arg11[%add3A_46, %dma_start3A_56] : memref<10240x128xf32, #tpu.memory_space<vmem_shared>> -> memref<128x128xf32, #tpu.memory_space<vmem_shared>>
      tpu.enqueue_dma source(%dma_start3A_57 : memref<128x128xf32, #tpu.memory_space<vmem_shared>>) target(%dma_start3A_55 : memref<128x128xf32, #tpu.memory_space<hbm>>) target_semaphore(%run_scoped3A : memref<!tpu.dma_semaphore, #tpu.memory_space<semaphore_mem>>)
      %dma_wait3A = arith.constant 0 : i32
      %dma_wait3A_58 = arith.constant 0 : i32
      %dma_wait3A_59 = tpu.memref_slice %arg6[%arg0, %dma_wait3A, %dma_wait3A_58] : memref<2x10240x128xf32, #tpu.memory_space<hbm>> -> memref<1x10240x128xf32, #tpu.memory_space<hbm>>
      %dma_wait3A_60 = tpu.memref_squeeze %dma_wait3A_59 : memref<1x10240x128xf32, #tpu.memory_space<hbm>> -> memref<10240x128xf32, #tpu.memory_space<hbm>>
      %dma_wait3A_61 = arith.constant 0 : i32
      %dma_wait3A_62 = tpu.memref_slice %dma_wait3A_60[%add3A_46, %dma_wait3A_61] : memref<10240x128xf32, #tpu.memory_space<hbm>> -> memref<128x128xf32, #tpu.memory_space<hbm>>
      %dma_wait3A_63 = arith.constant 0 : i32
      %dma_wait3A_64 = tpu.memref_slice %arg11[%add3A_46, %dma_wait3A_63] : memref<10240x128xf32, #tpu.memory_space<vmem_shared>> -> memref<128x128xf32, #tpu.memory_space<vmem_shared>>
      tpu.wait_dma2 semaphore(%run_scoped3A : memref<!tpu.dma_semaphore, #tpu.memory_space<semaphore_mem>>) src(%dma_wait3A_64 : memref<128x128xf32, #tpu.memory_space<vmem_shared>>) dst(%dma_wait3A_62 : memref<128x128xf32, #tpu.memory_space<hbm>>)
      tpu.yield
    }) : () -> ()
    %add3A_47 = arith.constant 384 : i32
    %add3A_48 = arith.addi %mul3A_6, %add3A_47 : i32
    "tpu.region"() ({
      %run_scoped3A = tpu.sem_alloc : memref<!tpu.dma_semaphore, #tpu.memory_space<semaphore_mem>>
      %dma_start3A = arith.constant 0 : i32
      %dma_start3A_51 = arith.constant 0 : i32
      %dma_start3A_52 = tpu.memref_slice %arg6[%arg0, %dma_start3A, %dma_start3A_51] : memref<2x10240x128xf32, #tpu.memory_space<hbm>> -> memref<1x10240x128xf32, #tpu.memory_space<hbm>>
      %dma_start3A_53 = tpu.memref_squeeze %dma_start3A_52 : memref<1x10240x128xf32, #tpu.memory_space<hbm>> -> memref<10240x128xf32, #tpu.memory_space<hbm>>
      %dma_start3A_54 = arith.constant 0 : i32
      %dma_start3A_55 = tpu.memref_slice %dma_start3A_53[%add3A_48, %dma_start3A_54] : memref<10240x128xf32, #tpu.memory_space<hbm>> -> memref<128x128xf32, #tpu.memory_space<hbm>>
      %dma_start3A_56 = arith.constant 0 : i32
      %dma_start3A_57 = tpu.memref_slice %arg11[%add3A_48, %dma_start3A_56] : memref<10240x128xf32, #tpu.memory_space<vmem_shared>> -> memref<128x128xf32, #tpu.memory_space<vmem_shared>>
      tpu.enqueue_dma source(%dma_start3A_57 : memref<128x128xf32, #tpu.memory_space<vmem_shared>>) target(%dma_start3A_55 : memref<128x128xf32, #tpu.memory_space<hbm>>) target_semaphore(%run_scoped3A : memref<!tpu.dma_semaphore, #tpu.memory_space<semaphore_mem>>)
      %dma_wait3A = arith.constant 0 : i32
      %dma_wait3A_58 = arith.constant 0 : i32
      %dma_wait3A_59 = tpu.memref_slice %arg6[%arg0, %dma_wait3A, %dma_wait3A_58] : memref<2x10240x128xf32, #tpu.memory_space<hbm>> -> memref<1x10240x128xf32, #tpu.memory_space<hbm>>
      %dma_wait3A_60 = tpu.memref_squeeze %dma_wait3A_59 : memref<1x10240x128xf32, #tpu.memory_space<hbm>> -> memref<10240x128xf32, #tpu.memory_space<hbm>>
      %dma_wait3A_61 = arith.constant 0 : i32
      %dma_wait3A_62 = tpu.memref_slice %dma_wait3A_60[%add3A_48, %dma_wait3A_61] : memref<10240x128xf32, #tpu.memory_space<hbm>> -> memref<128x128xf32, #tpu.memory_space<hbm>>
      %dma_wait3A_63 = arith.constant 0 : i32
      %dma_wait3A_64 = tpu.memref_slice %arg11[%add3A_48, %dma_wait3A_63] : memref<10240x128xf32, #tpu.memory_space<vmem_shared>> -> memref<128x128xf32, #tpu.memory_space<vmem_shared>>
      tpu.wait_dma2 semaphore(%run_scoped3A : memref<!tpu.dma_semaphore, #tpu.memory_space<semaphore_mem>>) src(%dma_wait3A_64 : memref<128x128xf32, #tpu.memory_space<vmem_shared>>) dst(%dma_wait3A_62 : memref<128x128xf32, #tpu.memory_space<hbm>>)
      tpu.yield
    }) : () -> ()
    %add3A_49 = arith.constant 512 : i32
    %add3A_50 = arith.addi %mul3A_6, %add3A_49 : i32
    "tpu.region"() ({
      %run_scoped3A = tpu.sem_alloc : memref<!tpu.dma_semaphore, #tpu.memory_space<semaphore_mem>>
      %dma_start3A = arith.constant 0 : i32
      %dma_start3A_51 = arith.constant 0 : i32
      %dma_start3A_52 = tpu.memref_slice %arg6[%arg0, %dma_start3A, %dma_start3A_51] : memref<2x10240x128xf32, #tpu.memory_space<hbm>> -> memref<1x10240x128xf32, #tpu.memory_space<hbm>>
      %dma_start3A_53 = tpu.memref_squeeze %dma_start3A_52 : memref<1x10240x128xf32, #tpu.memory_space<hbm>> -> memref<10240x128xf32, #tpu.memory_space<hbm>>
      %dma_start3A_54 = arith.constant 0 : i32
      %dma_start3A_55 = tpu.memref_slice %dma_start3A_53[%add3A_50, %dma_start3A_54] : memref<10240x128xf32, #tpu.memory_space<hbm>> -> memref<128x128xf32, #tpu.memory_space<hbm>>
      %dma_start3A_56 = arith.constant 0 : i32
      %dma_start3A_57 = tpu.memref_slice %arg11[%add3A_50, %dma_start3A_56] : memref<10240x128xf32, #tpu.memory_space<vmem_shared>> -> memref<128x128xf32, #tpu.memory_space<vmem_shared>>
      tpu.enqueue_dma source(%dma_start3A_57 : memref<128x128xf32, #tpu.memory_space<vmem_shared>>) target(%dma_start3A_55 : memref<128x128xf32, #tpu.memory_space<hbm>>) target_semaphore(%run_scoped3A : memref<!tpu.dma_semaphore, #tpu.memory_space<semaphore_mem>>)
      %dma_wait3A = arith.constant 0 : i32
      %dma_wait3A_58 = arith.constant 0 : i32
      %dma_wait3A_59 = tpu.memref_slice %arg6[%arg0, %dma_wait3A, %dma_wait3A_58] : memref<2x10240x128xf32, #tpu.memory_space<hbm>> -> memref<1x10240x128xf32, #tpu.memory_space<hbm>>
      %dma_wait3A_60 = tpu.memref_squeeze %dma_wait3A_59 : memref<1x10240x128xf32, #tpu.memory_space<hbm>> -> memref<10240x128xf32, #tpu.memory_space<hbm>>
      %dma_wait3A_61 = arith.constant 0 : i32
      %dma_wait3A_62 = tpu.memref_slice %dma_wait3A_60[%add3A_50, %dma_wait3A_61] : memref<10240x128xf32, #tpu.memory_space<hbm>> -> memref<128x128xf32, #tpu.memory_space<hbm>>
      %dma_wait3A_63 = arith.constant 0 : i32
      %dma_wait3A_64 = tpu.memref_slice %arg11[%add3A_50, %dma_wait3A_63] : memref<10240x128xf32, #tpu.memory_space<vmem_shared>> -> memref<128x128xf32, #tpu.memory_space<vmem_shared>>
      tpu.wait_dma2 semaphore(%run_scoped3A : memref<!tpu.dma_semaphore, #tpu.memory_space<semaphore_mem>>) src(%dma_wait3A_64 : memref<128x128xf32, #tpu.memory_space<vmem_shared>>) dst(%dma_wait3A_62 : memref<128x128xf32, #tpu.memory_space<hbm>>)
      tpu.yield
    }) : () -> ()
    return
  }
}

#map = affine_map<(d0, d1) -> (0)>
#map1 = affine_map<(d0, d1) -> (0, 0)>
#map2 = affine_map<(d0, d1) -> (0, 0, 0)>
module attributes {stable_mosaic.version = 14 : i64} {
  func.func @_sc_agg_body(%arg0: i32, %arg1: i32, %arg2: memref<327680xi32, #tpu.memory_space<hbm>>, %arg3: memref<327680xi32, #tpu.memory_space<hbm>>, %arg4: memref<10000x128xf32, #tpu.memory_space<hbm>>, %arg5: memref<128x128xf32, #tpu.memory_space<hbm>>, %arg6: memref<2x10240x128xf32, #tpu.memory_space<hbm>>, %arg7: memref<4x128xi32, #tpu.memory_space<vmem>>, %arg8: memref<4x128xi32, #tpu.memory_space<vmem>>, %arg9: memref<128x128xf32, #tpu.memory_space<vmem>>, %arg10: memref<128x128xf32, #tpu.memory_space<vmem>>, %arg11: memref<!tpu.dma_semaphore, #tpu.memory_space<semaphore_mem>>, %arg12: memref<!tpu.dma_semaphore, #tpu.memory_space<semaphore_mem>>, %arg13: memref<!tpu.dma_semaphore, #tpu.memory_space<semaphore_mem>>, %arg14: memref<!tpu.dma_semaphore, #tpu.memory_space<semaphore_mem>>, %arg15: memref<!tpu.dma_semaphore, #tpu.memory_space<semaphore_mem>>, %arg16: memref<!tpu.dma_semaphore, #tpu.memory_space<semaphore_mem>>, %arg17: memref<!tpu.dma_semaphore, #tpu.memory_space<semaphore_mem>>, %arg18: memref<!tpu.dma_semaphore, #tpu.memory_space<semaphore_mem>>, %arg19: memref<10240x128xf32, #tpu.memory_space<vmem_shared>>) attributes {dimension_semantics = [#tpu.dimension_semantics<core_parallel>, #tpu.dimension_semantics<subcore_parallel>], iteration_bounds = array<i64: 2, 16>, scalar_prefetch = 0 : i64, scratch_operands = 13 : i64, tpu.core_type = #tpu.core_type<sc_vector_subcore>, window_params = [{transform_indices = #map}, {transform_indices = #map}, {transform_indices = #map1}, {transform_indices = #map1}, {transform_indices = #map2}]} {
    %mul3A = arith.constant 2 : i32
    %mul3A_0 = arith.muli %arg1, %mul3A : i32
    %add3A = arith.addi %mul3A_0, %arg0 : i32
    %mul3A_1 = arith.constant 80 : i32
    %mul3A_2 = arith.muli %add3A, %mul3A_1 : i32
    %mul3A_3 = arith.constant 128 : i32
    %mul3A_4 = arith.muli %mul3A_2, %mul3A_3 : i32
    %add3A_5 = arith.constant 0 : i32
    %add3A_6 = arith.addi %mul3A_4, %add3A_5 : i32
    %dma_start3A = arith.constant 0 : i32
    %dma_start3A_7 = arith.constant 0 : i32
    %dma_start3A_8 = tpu.memref_slice %arg7[%dma_start3A, %dma_start3A_7] : memref<4x128xi32, #tpu.memory_space<vmem>> -> memref<1x128xi32, #tpu.memory_space<vmem>>
    %dma_start3A_9 = tpu.memref_squeeze %dma_start3A_8 : memref<1x128xi32, #tpu.memory_space<vmem>> -> memref<128xi32, #tpu.memory_space<vmem>>
    %dma_start3A_10 = tpu.memref_slice %arg2[%add3A_6] : memref<327680xi32, #tpu.memory_space<hbm>> -> memref<128xi32, #tpu.memory_space<hbm>>
    %dma_start3A_11 = arith.constant 0 : i32
    %dma_start3A_12 = tpu.memref_slice %arg7[%dma_start3A, %dma_start3A_11] : memref<4x128xi32, #tpu.memory_space<vmem>> -> memref<1x128xi32, #tpu.memory_space<vmem>>
    %dma_start3A_13 = tpu.memref_squeeze %dma_start3A_12 : memref<1x128xi32, #tpu.memory_space<vmem>> -> memref<128xi32, #tpu.memory_space<vmem>>
    %dma_start3A_14 = tpu.memref_slice %arg2[%add3A_6] : memref<327680xi32, #tpu.memory_space<hbm>> -> memref<128xi32, #tpu.memory_space<hbm>>
    tpu.enqueue_dma source(%dma_start3A_14 : memref<128xi32, #tpu.memory_space<hbm>>) target(%dma_start3A_13 : memref<128xi32, #tpu.memory_space<vmem>>) target_semaphore(%arg11 : memref<!tpu.dma_semaphore, #tpu.memory_space<semaphore_mem>>)
    %dma_start3A_15 = arith.constant 0 : i32
    %dma_start3A_16 = arith.constant 0 : i32
    %dma_start3A_17 = tpu.memref_slice %arg8[%dma_start3A_15, %dma_start3A_16] : memref<4x128xi32, #tpu.memory_space<vmem>> -> memref<1x128xi32, #tpu.memory_space<vmem>>
    %dma_start3A_18 = tpu.memref_squeeze %dma_start3A_17 : memref<1x128xi32, #tpu.memory_space<vmem>> -> memref<128xi32, #tpu.memory_space<vmem>>
    %dma_start3A_19 = tpu.memref_slice %arg3[%add3A_6] : memref<327680xi32, #tpu.memory_space<hbm>> -> memref<128xi32, #tpu.memory_space<hbm>>
    %dma_start3A_20 = arith.constant 0 : i32
    %dma_start3A_21 = tpu.memref_slice %arg8[%dma_start3A_15, %dma_start3A_20] : memref<4x128xi32, #tpu.memory_space<vmem>> -> memref<1x128xi32, #tpu.memory_space<vmem>>
    %dma_start3A_22 = tpu.memref_squeeze %dma_start3A_21 : memref<1x128xi32, #tpu.memory_space<vmem>> -> memref<128xi32, #tpu.memory_space<vmem>>
    %dma_start3A_23 = tpu.memref_slice %arg3[%add3A_6] : memref<327680xi32, #tpu.memory_space<hbm>> -> memref<128xi32, #tpu.memory_space<hbm>>
    tpu.enqueue_dma source(%dma_start3A_23 : memref<128xi32, #tpu.memory_space<hbm>>) target(%dma_start3A_22 : memref<128xi32, #tpu.memory_space<vmem>>) target_semaphore(%arg11 : memref<!tpu.dma_semaphore, #tpu.memory_space<semaphore_mem>>)
    %add3A_24 = arith.constant 128 : i32
    %add3A_25 = arith.addi %mul3A_4, %add3A_24 : i32
    %dma_start3A_26 = arith.constant 1 : i32
    %dma_start3A_27 = arith.constant 0 : i32
    %dma_start3A_28 = tpu.memref_slice %arg7[%dma_start3A_26, %dma_start3A_27] : memref<4x128xi32, #tpu.memory_space<vmem>> -> memref<1x128xi32, #tpu.memory_space<vmem>>
    %dma_start3A_29 = tpu.memref_squeeze %dma_start3A_28 : memref<1x128xi32, #tpu.memory_space<vmem>> -> memref<128xi32, #tpu.memory_space<vmem>>
    %dma_start3A_30 = tpu.memref_slice %arg2[%add3A_25] : memref<327680xi32, #tpu.memory_space<hbm>> -> memref<128xi32, #tpu.memory_space<hbm>>
    %dma_start3A_31 = arith.constant 0 : i32
    %dma_start3A_32 = tpu.memref_slice %arg7[%dma_start3A_26, %dma_start3A_31] : memref<4x128xi32, #tpu.memory_space<vmem>> -> memref<1x128xi32, #tpu.memory_space<vmem>>
    %dma_start3A_33 = tpu.memref_squeeze %dma_start3A_32 : memref<1x128xi32, #tpu.memory_space<vmem>> -> memref<128xi32, #tpu.memory_space<vmem>>
    %dma_start3A_34 = tpu.memref_slice %arg2[%add3A_25] : memref<327680xi32, #tpu.memory_space<hbm>> -> memref<128xi32, #tpu.memory_space<hbm>>
    tpu.enqueue_dma source(%dma_start3A_34 : memref<128xi32, #tpu.memory_space<hbm>>) target(%dma_start3A_33 : memref<128xi32, #tpu.memory_space<vmem>>) target_semaphore(%arg12 : memref<!tpu.dma_semaphore, #tpu.memory_space<semaphore_mem>>)
    %dma_start3A_35 = arith.constant 1 : i32
    %dma_start3A_36 = arith.constant 0 : i32
    %dma_start3A_37 = tpu.memref_slice %arg8[%dma_start3A_35, %dma_start3A_36] : memref<4x128xi32, #tpu.memory_space<vmem>> -> memref<1x128xi32, #tpu.memory_space<vmem>>
    %dma_start3A_38 = tpu.memref_squeeze %dma_start3A_37 : memref<1x128xi32, #tpu.memory_space<vmem>> -> memref<128xi32, #tpu.memory_space<vmem>>
    %dma_start3A_39 = tpu.memref_slice %arg3[%add3A_25] : memref<327680xi32, #tpu.memory_space<hbm>> -> memref<128xi32, #tpu.memory_space<hbm>>
    %dma_start3A_40 = arith.constant 0 : i32
    %dma_start3A_41 = tpu.memref_slice %arg8[%dma_start3A_35, %dma_start3A_40] : memref<4x128xi32, #tpu.memory_space<vmem>> -> memref<1x128xi32, #tpu.memory_space<vmem>>
    %dma_start3A_42 = tpu.memref_squeeze %dma_start3A_41 : memref<1x128xi32, #tpu.memory_space<vmem>> -> memref<128xi32, #tpu.memory_space<vmem>>
    %dma_start3A_43 = tpu.memref_slice %arg3[%add3A_25] : memref<327680xi32, #tpu.memory_space<hbm>> -> memref<128xi32, #tpu.memory_space<hbm>>
    tpu.enqueue_dma source(%dma_start3A_43 : memref<128xi32, #tpu.memory_space<hbm>>) target(%dma_start3A_42 : memref<128xi32, #tpu.memory_space<vmem>>) target_semaphore(%arg12 : memref<!tpu.dma_semaphore, #tpu.memory_space<semaphore_mem>>)
    %add3A_44 = arith.constant 256 : i32
    %add3A_45 = arith.addi %mul3A_4, %add3A_44 : i32
    %dma_start3A_46 = arith.constant 2 : i32
    %dma_start3A_47 = arith.constant 0 : i32
    %dma_start3A_48 = tpu.memref_slice %arg7[%dma_start3A_46, %dma_start3A_47] : memref<4x128xi32, #tpu.memory_space<vmem>> -> memref<1x128xi32, #tpu.memory_space<vmem>>
    %dma_start3A_49 = tpu.memref_squeeze %dma_start3A_48 : memref<1x128xi32, #tpu.memory_space<vmem>> -> memref<128xi32, #tpu.memory_space<vmem>>
    %dma_start3A_50 = tpu.memref_slice %arg2[%add3A_45] : memref<327680xi32, #tpu.memory_space<hbm>> -> memref<128xi32, #tpu.memory_space<hbm>>
    %dma_start3A_51 = arith.constant 0 : i32
    %dma_start3A_52 = tpu.memref_slice %arg7[%dma_start3A_46, %dma_start3A_51] : memref<4x128xi32, #tpu.memory_space<vmem>> -> memref<1x128xi32, #tpu.memory_space<vmem>>
    %dma_start3A_53 = tpu.memref_squeeze %dma_start3A_52 : memref<1x128xi32, #tpu.memory_space<vmem>> -> memref<128xi32, #tpu.memory_space<vmem>>
    %dma_start3A_54 = tpu.memref_slice %arg2[%add3A_45] : memref<327680xi32, #tpu.memory_space<hbm>> -> memref<128xi32, #tpu.memory_space<hbm>>
    tpu.enqueue_dma source(%dma_start3A_54 : memref<128xi32, #tpu.memory_space<hbm>>) target(%dma_start3A_53 : memref<128xi32, #tpu.memory_space<vmem>>) target_semaphore(%arg13 : memref<!tpu.dma_semaphore, #tpu.memory_space<semaphore_mem>>)
    %dma_start3A_55 = arith.constant 2 : i32
    %dma_start3A_56 = arith.constant 0 : i32
    %dma_start3A_57 = tpu.memref_slice %arg8[%dma_start3A_55, %dma_start3A_56] : memref<4x128xi32, #tpu.memory_space<vmem>> -> memref<1x128xi32, #tpu.memory_space<vmem>>
    %dma_start3A_58 = tpu.memref_squeeze %dma_start3A_57 : memref<1x128xi32, #tpu.memory_space<vmem>> -> memref<128xi32, #tpu.memory_space<vmem>>
    %dma_start3A_59 = tpu.memref_slice %arg3[%add3A_45] : memref<327680xi32, #tpu.memory_space<hbm>> -> memref<128xi32, #tpu.memory_space<hbm>>
    %dma_start3A_60 = arith.constant 0 : i32
    %dma_start3A_61 = tpu.memref_slice %arg8[%dma_start3A_55, %dma_start3A_60] : memref<4x128xi32, #tpu.memory_space<vmem>> -> memref<1x128xi32, #tpu.memory_space<vmem>>
    %dma_start3A_62 = tpu.memref_squeeze %dma_start3A_61 : memref<1x128xi32, #tpu.memory_space<vmem>> -> memref<128xi32, #tpu.memory_space<vmem>>
    %dma_start3A_63 = tpu.memref_slice %arg3[%add3A_45] : memref<327680xi32, #tpu.memory_space<hbm>> -> memref<128xi32, #tpu.memory_space<hbm>>
    tpu.enqueue_dma source(%dma_start3A_63 : memref<128xi32, #tpu.memory_space<hbm>>) target(%dma_start3A_62 : memref<128xi32, #tpu.memory_space<vmem>>) target_semaphore(%arg13 : memref<!tpu.dma_semaphore, #tpu.memory_space<semaphore_mem>>)
    %add3A_64 = arith.constant 384 : i32
    %add3A_65 = arith.addi %mul3A_4, %add3A_64 : i32
    %dma_start3A_66 = arith.constant 3 : i32
    %dma_start3A_67 = arith.constant 0 : i32
    %dma_start3A_68 = tpu.memref_slice %arg7[%dma_start3A_66, %dma_start3A_67] : memref<4x128xi32, #tpu.memory_space<vmem>> -> memref<1x128xi32, #tpu.memory_space<vmem>>
    %dma_start3A_69 = tpu.memref_squeeze %dma_start3A_68 : memref<1x128xi32, #tpu.memory_space<vmem>> -> memref<128xi32, #tpu.memory_space<vmem>>
    %dma_start3A_70 = tpu.memref_slice %arg2[%add3A_65] : memref<327680xi32, #tpu.memory_space<hbm>> -> memref<128xi32, #tpu.memory_space<hbm>>
    %dma_start3A_71 = arith.constant 0 : i32
    %dma_start3A_72 = tpu.memref_slice %arg7[%dma_start3A_66, %dma_start3A_71] : memref<4x128xi32, #tpu.memory_space<vmem>> -> memref<1x128xi32, #tpu.memory_space<vmem>>
    %dma_start3A_73 = tpu.memref_squeeze %dma_start3A_72 : memref<1x128xi32, #tpu.memory_space<vmem>> -> memref<128xi32, #tpu.memory_space<vmem>>
    %dma_start3A_74 = tpu.memref_slice %arg2[%add3A_65] : memref<327680xi32, #tpu.memory_space<hbm>> -> memref<128xi32, #tpu.memory_space<hbm>>
    tpu.enqueue_dma source(%dma_start3A_74 : memref<128xi32, #tpu.memory_space<hbm>>) target(%dma_start3A_73 : memref<128xi32, #tpu.memory_space<vmem>>) target_semaphore(%arg14 : memref<!tpu.dma_semaphore, #tpu.memory_space<semaphore_mem>>)
    %dma_start3A_75 = arith.constant 3 : i32
    %dma_start3A_76 = arith.constant 0 : i32
    %dma_start3A_77 = tpu.memref_slice %arg8[%dma_start3A_75, %dma_start3A_76] : memref<4x128xi32, #tpu.memory_space<vmem>> -> memref<1x128xi32, #tpu.memory_space<vmem>>
    %dma_start3A_78 = tpu.memref_squeeze %dma_start3A_77 : memref<1x128xi32, #tpu.memory_space<vmem>> -> memref<128xi32, #tpu.memory_space<vmem>>
    %dma_start3A_79 = tpu.memref_slice %arg3[%add3A_65] : memref<327680xi32, #tpu.memory_space<hbm>> -> memref<128xi32, #tpu.memory_space<hbm>>
    %dma_start3A_80 = arith.constant 0 : i32
    %dma_start3A_81 = tpu.memref_slice %arg8[%dma_start3A_75, %dma_start3A_80] : memref<4x128xi32, #tpu.memory_space<vmem>> -> memref<1x128xi32, #tpu.memory_space<vmem>>
    %dma_start3A_82 = tpu.memref_squeeze %dma_start3A_81 : memref<1x128xi32, #tpu.memory_space<vmem>> -> memref<128xi32, #tpu.memory_space<vmem>>
    %dma_start3A_83 = tpu.memref_slice %arg3[%add3A_65] : memref<327680xi32, #tpu.memory_space<hbm>> -> memref<128xi32, #tpu.memory_space<hbm>>
    tpu.enqueue_dma source(%dma_start3A_83 : memref<128xi32, #tpu.memory_space<hbm>>) target(%dma_start3A_82 : memref<128xi32, #tpu.memory_space<vmem>>) target_semaphore(%arg14 : memref<!tpu.dma_semaphore, #tpu.memory_space<semaphore_mem>>)
    "tpu.region"() ({
      %run_scoped3A = tpu.sem_alloc : memref<!tpu.dma_semaphore, #tpu.memory_space<semaphore_mem>>
      tpu.enqueue_dma source(%arg5 : memref<128x128xf32, #tpu.memory_space<hbm>>) target(%arg9 : memref<128x128xf32, #tpu.memory_space<vmem>>) target_semaphore(%run_scoped3A : memref<!tpu.dma_semaphore, #tpu.memory_space<semaphore_mem>>)
      tpu.wait_dma2 semaphore(%run_scoped3A : memref<!tpu.dma_semaphore, #tpu.memory_space<semaphore_mem>>) src(%arg5 : memref<128x128xf32, #tpu.memory_space<hbm>>) dst(%arg9 : memref<128x128xf32, #tpu.memory_space<vmem>>)
      tpu.yield
    }) : () -> ()
    %mul3A_84 = arith.constant 640 : i32
    %mul3A_85 = arith.muli %arg1, %mul3A_84 : i32
    %add3A_86 = arith.constant 0 : i32
    %add3A_87 = arith.addi %mul3A_85, %add3A_86 : i32
    "tpu.region"() ({
      %run_scoped3A = tpu.sem_alloc : memref<!tpu.dma_semaphore, #tpu.memory_space<semaphore_mem>>
      %dma_start3A_112 = arith.constant 0 : i32
      %dma_start3A_113 = tpu.memref_slice %arg19[%add3A_87, %dma_start3A_112] : memref<10240x128xf32, #tpu.memory_space<vmem_shared>> -> memref<128x128xf32, #tpu.memory_space<vmem_shared>>
      %dma_start3A_114 = arith.constant 0 : i32
      %dma_start3A_115 = tpu.memref_slice %arg19[%add3A_87, %dma_start3A_114] : memref<10240x128xf32, #tpu.memory_space<vmem_shared>> -> memref<128x128xf32, #tpu.memory_space<vmem_shared>>
      tpu.enqueue_dma source(%arg9 : memref<128x128xf32, #tpu.memory_space<vmem>>) target(%dma_start3A_115 : memref<128x128xf32, #tpu.memory_space<vmem_shared>>) target_semaphore(%run_scoped3A : memref<!tpu.dma_semaphore, #tpu.memory_space<semaphore_mem>>)
      %dma_wait3A = arith.constant 0 : i32
      %dma_wait3A_116 = tpu.memref_slice %arg19[%add3A_87, %dma_wait3A] : memref<10240x128xf32, #tpu.memory_space<vmem_shared>> -> memref<128x128xf32, #tpu.memory_space<vmem_shared>>
      %dma_wait3A_117 = arith.constant 0 : i32
      %dma_wait3A_118 = tpu.memref_slice %arg19[%add3A_87, %dma_wait3A_117] : memref<10240x128xf32, #tpu.memory_space<vmem_shared>> -> memref<128x128xf32, #tpu.memory_space<vmem_shared>>
      tpu.wait_dma2 semaphore(%run_scoped3A : memref<!tpu.dma_semaphore, #tpu.memory_space<semaphore_mem>>) src(%arg9 : memref<128x128xf32, #tpu.memory_space<vmem>>) dst(%dma_wait3A_118 : memref<128x128xf32, #tpu.memory_space<vmem_shared>>)
      tpu.yield
    }) : () -> ()
    %add3A_88 = arith.constant 128 : i32
    %add3A_89 = arith.addi %mul3A_85, %add3A_88 : i32
    "tpu.region"() ({
      %run_scoped3A = tpu.sem_alloc : memref<!tpu.dma_semaphore, #tpu.memory_space<semaphore_mem>>
      %dma_start3A_112 = arith.constant 0 : i32
      %dma_start3A_113 = tpu.memref_slice %arg19[%add3A_89, %dma_start3A_112] : memref<10240x128xf32, #tpu.memory_space<vmem_shared>> -> memref<128x128xf32, #tpu.memory_space<vmem_shared>>
      %dma_start3A_114 = arith.constant 0 : i32
      %dma_start3A_115 = tpu.memref_slice %arg19[%add3A_89, %dma_start3A_114] : memref<10240x128xf32, #tpu.memory_space<vmem_shared>> -> memref<128x128xf32, #tpu.memory_space<vmem_shared>>
      tpu.enqueue_dma source(%arg9 : memref<128x128xf32, #tpu.memory_space<vmem>>) target(%dma_start3A_115 : memref<128x128xf32, #tpu.memory_space<vmem_shared>>) target_semaphore(%run_scoped3A : memref<!tpu.dma_semaphore, #tpu.memory_space<semaphore_mem>>)
      %dma_wait3A = arith.constant 0 : i32
      %dma_wait3A_116 = tpu.memref_slice %arg19[%add3A_89, %dma_wait3A] : memref<10240x128xf32, #tpu.memory_space<vmem_shared>> -> memref<128x128xf32, #tpu.memory_space<vmem_shared>>
      %dma_wait3A_117 = arith.constant 0 : i32
      %dma_wait3A_118 = tpu.memref_slice %arg19[%add3A_89, %dma_wait3A_117] : memref<10240x128xf32, #tpu.memory_space<vmem_shared>> -> memref<128x128xf32, #tpu.memory_space<vmem_shared>>
      tpu.wait_dma2 semaphore(%run_scoped3A : memref<!tpu.dma_semaphore, #tpu.memory_space<semaphore_mem>>) src(%arg9 : memref<128x128xf32, #tpu.memory_space<vmem>>) dst(%dma_wait3A_118 : memref<128x128xf32, #tpu.memory_space<vmem_shared>>)
      tpu.yield
    }) : () -> ()
    %add3A_90 = arith.constant 256 : i32
    %add3A_91 = arith.addi %mul3A_85, %add3A_90 : i32
    "tpu.region"() ({
      %run_scoped3A = tpu.sem_alloc : memref<!tpu.dma_semaphore, #tpu.memory_space<semaphore_mem>>
      %dma_start3A_112 = arith.constant 0 : i32
      %dma_start3A_113 = tpu.memref_slice %arg19[%add3A_91, %dma_start3A_112] : memref<10240x128xf32, #tpu.memory_space<vmem_shared>> -> memref<128x128xf32, #tpu.memory_space<vmem_shared>>
      %dma_start3A_114 = arith.constant 0 : i32
      %dma_start3A_115 = tpu.memref_slice %arg19[%add3A_91, %dma_start3A_114] : memref<10240x128xf32, #tpu.memory_space<vmem_shared>> -> memref<128x128xf32, #tpu.memory_space<vmem_shared>>
      tpu.enqueue_dma source(%arg9 : memref<128x128xf32, #tpu.memory_space<vmem>>) target(%dma_start3A_115 : memref<128x128xf32, #tpu.memory_space<vmem_shared>>) target_semaphore(%run_scoped3A : memref<!tpu.dma_semaphore, #tpu.memory_space<semaphore_mem>>)
      %dma_wait3A = arith.constant 0 : i32
      %dma_wait3A_116 = tpu.memref_slice %arg19[%add3A_91, %dma_wait3A] : memref<10240x128xf32, #tpu.memory_space<vmem_shared>> -> memref<128x128xf32, #tpu.memory_space<vmem_shared>>
      %dma_wait3A_117 = arith.constant 0 : i32
      %dma_wait3A_118 = tpu.memref_slice %arg19[%add3A_91, %dma_wait3A_117] : memref<10240x128xf32, #tpu.memory_space<vmem_shared>> -> memref<128x128xf32, #tpu.memory_space<vmem_shared>>
      tpu.wait_dma2 semaphore(%run_scoped3A : memref<!tpu.dma_semaphore, #tpu.memory_space<semaphore_mem>>) src(%arg9 : memref<128x128xf32, #tpu.memory_space<vmem>>) dst(%dma_wait3A_118 : memref<128x128xf32, #tpu.memory_space<vmem_shared>>)
      tpu.yield
    }) : () -> ()
    %add3A_92 = arith.constant 384 : i32
    %add3A_93 = arith.addi %mul3A_85, %add3A_92 : i32
    "tpu.region"() ({
      %run_scoped3A = tpu.sem_alloc : memref<!tpu.dma_semaphore, #tpu.memory_space<semaphore_mem>>
      %dma_start3A_112 = arith.constant 0 : i32
      %dma_start3A_113 = tpu.memref_slice %arg19[%add3A_93, %dma_start3A_112] : memref<10240x128xf32, #tpu.memory_space<vmem_shared>> -> memref<128x128xf32, #tpu.memory_space<vmem_shared>>
      %dma_start3A_114 = arith.constant 0 : i32
      %dma_start3A_115 = tpu.memref_slice %arg19[%add3A_93, %dma_start3A_114] : memref<10240x128xf32, #tpu.memory_space<vmem_shared>> -> memref<128x128xf32, #tpu.memory_space<vmem_shared>>
      tpu.enqueue_dma source(%arg9 : memref<128x128xf32, #tpu.memory_space<vmem>>) target(%dma_start3A_115 : memref<128x128xf32, #tpu.memory_space<vmem_shared>>) target_semaphore(%run_scoped3A : memref<!tpu.dma_semaphore, #tpu.memory_space<semaphore_mem>>)
      %dma_wait3A = arith.constant 0 : i32
      %dma_wait3A_116 = tpu.memref_slice %arg19[%add3A_93, %dma_wait3A] : memref<10240x128xf32, #tpu.memory_space<vmem_shared>> -> memref<128x128xf32, #tpu.memory_space<vmem_shared>>
      %dma_wait3A_117 = arith.constant 0 : i32
      %dma_wait3A_118 = tpu.memref_slice %arg19[%add3A_93, %dma_wait3A_117] : memref<10240x128xf32, #tpu.memory_space<vmem_shared>> -> memref<128x128xf32, #tpu.memory_space<vmem_shared>>
      tpu.wait_dma2 semaphore(%run_scoped3A : memref<!tpu.dma_semaphore, #tpu.memory_space<semaphore_mem>>) src(%arg9 : memref<128x128xf32, #tpu.memory_space<vmem>>) dst(%dma_wait3A_118 : memref<128x128xf32, #tpu.memory_space<vmem_shared>>)
      tpu.yield
    }) : () -> ()
    %add3A_94 = arith.constant 512 : i32
    %add3A_95 = arith.addi %mul3A_85, %add3A_94 : i32
    "tpu.region"() ({
      %run_scoped3A = tpu.sem_alloc : memref<!tpu.dma_semaphore, #tpu.memory_space<semaphore_mem>>
      %dma_start3A_112 = arith.constant 0 : i32
      %dma_start3A_113 = tpu.memref_slice %arg19[%add3A_95, %dma_start3A_112] : memref<10240x128xf32, #tpu.memory_space<vmem_shared>> -> memref<128x128xf32, #tpu.memory_space<vmem_shared>>
      %dma_start3A_114 = arith.constant 0 : i32
      %dma_start3A_115 = tpu.memref_slice %arg19[%add3A_95, %dma_start3A_114] : memref<10240x128xf32, #tpu.memory_space<vmem_shared>> -> memref<128x128xf32, #tpu.memory_space<vmem_shared>>
      tpu.enqueue_dma source(%arg9 : memref<128x128xf32, #tpu.memory_space<vmem>>) target(%dma_start3A_115 : memref<128x128xf32, #tpu.memory_space<vmem_shared>>) target_semaphore(%run_scoped3A : memref<!tpu.dma_semaphore, #tpu.memory_space<semaphore_mem>>)
      %dma_wait3A = arith.constant 0 : i32
      %dma_wait3A_116 = tpu.memref_slice %arg19[%add3A_95, %dma_wait3A] : memref<10240x128xf32, #tpu.memory_space<vmem_shared>> -> memref<128x128xf32, #tpu.memory_space<vmem_shared>>
      %dma_wait3A_117 = arith.constant 0 : i32
      %dma_wait3A_118 = tpu.memref_slice %arg19[%add3A_95, %dma_wait3A_117] : memref<10240x128xf32, #tpu.memory_space<vmem_shared>> -> memref<128x128xf32, #tpu.memory_space<vmem_shared>>
      tpu.wait_dma2 semaphore(%run_scoped3A : memref<!tpu.dma_semaphore, #tpu.memory_space<semaphore_mem>>) src(%arg9 : memref<128x128xf32, #tpu.memory_space<vmem>>) dst(%dma_wait3A_118 : memref<128x128xf32, #tpu.memory_space<vmem_shared>>)
      tpu.yield
    }) : () -> ()
    %barrier3A = arith.constant 0 : index
    tpu.barrier barrier_id(%barrier3A)
    %scan3A = arith.constant 0 : i32
    %scan3A_96 = arith.constant 0 : i32
    %scan3A_97 = arith.constant 20 : i32
    %scan3A_98 = arith.addi %scan3A_96, %scan3A_97 : i32
    %scan3A_99 = arith.constant 1 : i32
    scf.for %scan3A_112 = %scan3A_96 to %scan3A_98 step %scan3A_99  : i32 {
      %mul3A_113 = arith.constant 4 : i32
      %mul3A_114 = arith.muli %mul3A_113, %scan3A_112 : i32
      %dma_wait3A = arith.constant 0 : i32
      %dma_wait3A_115 = arith.constant 0 : i32
      %dma_wait3A_116 = tpu.memref_slice %arg7[%dma_wait3A, %dma_wait3A_115] : memref<4x128xi32, #tpu.memory_space<vmem>> -> memref<1x128xi32, #tpu.memory_space<vmem>>
      %dma_wait3A_117 = tpu.memref_squeeze %dma_wait3A_116 : memref<1x128xi32, #tpu.memory_space<vmem>> -> memref<128xi32, #tpu.memory_space<vmem>>
      %dma_wait3A_118 = tpu.memref_slice %arg2[%mul3A_4] : memref<327680xi32, #tpu.memory_space<hbm>> -> memref<128xi32, #tpu.memory_space<hbm>>
      %dma_wait3A_119 = arith.constant 0 : i32
      %dma_wait3A_120 = tpu.memref_slice %arg7[%dma_wait3A, %dma_wait3A_119] : memref<4x128xi32, #tpu.memory_space<vmem>> -> memref<1x128xi32, #tpu.memory_space<vmem>>
      %dma_wait3A_121 = tpu.memref_squeeze %dma_wait3A_120 : memref<1x128xi32, #tpu.memory_space<vmem>> -> memref<128xi32, #tpu.memory_space<vmem>>
      %dma_wait3A_122 = tpu.memref_slice %arg2[%mul3A_4] : memref<327680xi32, #tpu.memory_space<hbm>> -> memref<128xi32, #tpu.memory_space<hbm>>
      tpu.wait_dma2 semaphore(%arg11 : memref<!tpu.dma_semaphore, #tpu.memory_space<semaphore_mem>>) src(%dma_wait3A_122 : memref<128xi32, #tpu.memory_space<hbm>>) dst(%dma_wait3A_121 : memref<128xi32, #tpu.memory_space<vmem>>)
      %dma_wait3A_123 = arith.constant 0 : i32
      %dma_wait3A_124 = arith.constant 0 : i32
      %dma_wait3A_125 = tpu.memref_slice %arg8[%dma_wait3A_123, %dma_wait3A_124] : memref<4x128xi32, #tpu.memory_space<vmem>> -> memref<1x128xi32, #tpu.memory_space<vmem>>
      %dma_wait3A_126 = tpu.memref_squeeze %dma_wait3A_125 : memref<1x128xi32, #tpu.memory_space<vmem>> -> memref<128xi32, #tpu.memory_space<vmem>>
      %dma_wait3A_127 = tpu.memref_slice %arg3[%mul3A_4] : memref<327680xi32, #tpu.memory_space<hbm>> -> memref<128xi32, #tpu.memory_space<hbm>>
      %dma_wait3A_128 = arith.constant 0 : i32
      %dma_wait3A_129 = tpu.memref_slice %arg8[%dma_wait3A_123, %dma_wait3A_128] : memref<4x128xi32, #tpu.memory_space<vmem>> -> memref<1x128xi32, #tpu.memory_space<vmem>>
      %dma_wait3A_130 = tpu.memref_squeeze %dma_wait3A_129 : memref<1x128xi32, #tpu.memory_space<vmem>> -> memref<128xi32, #tpu.memory_space<vmem>>
      %dma_wait3A_131 = tpu.memref_slice %arg3[%mul3A_4] : memref<327680xi32, #tpu.memory_space<hbm>> -> memref<128xi32, #tpu.memory_space<hbm>>
      tpu.wait_dma2 semaphore(%arg11 : memref<!tpu.dma_semaphore, #tpu.memory_space<semaphore_mem>>) src(%dma_wait3A_131 : memref<128xi32, #tpu.memory_space<hbm>>) dst(%dma_wait3A_130 : memref<128xi32, #tpu.memory_space<vmem>>)
      %dma_start3A_132 = arith.constant 0 : i32
      %dma_start3A_133 = arith.constant 0 : i32
      %dma_start3A_134 = tpu.memref_slice %arg7[%dma_start3A_132, %dma_start3A_133] : memref<4x128xi32, #tpu.memory_space<vmem>> -> memref<1x128xi32, #tpu.memory_space<vmem>>
      %dma_start3A_135 = tpu.memref_squeeze %dma_start3A_134 : memref<1x128xi32, #tpu.memory_space<vmem>> -> memref<128xi32, #tpu.memory_space<vmem>>
      %dma_start3A_136 = arith.constant 0 : i32
      %dma_start3A_137 = arith.constant 0 : i32
      %dma_start3A_138 = tpu.memref_slice %arg4[%dma_start3A_136, %dma_start3A_137] : memref<10000x128xf32, #tpu.memory_space<hbm>> -> memref<10000x128xf32, #tpu.memory_space<hbm>>
      tpu.enqueue_indirect_dma source(%dma_start3A_138 : memref<10000x128xf32, #tpu.memory_space<hbm>>) target(%arg9 : memref<128x128xf32, #tpu.memory_space<vmem>>) offsets(%dma_start3A_135 : memref<128xi32, #tpu.memory_space<vmem>>) semaphore(%arg15 : memref<!tpu.dma_semaphore, #tpu.memory_space<semaphore_mem>>)
      %dma_wait3A_139 = arith.constant 1 : i32
      %dma_wait3A_140 = arith.constant 0 : i32
      %dma_wait3A_141 = tpu.memref_slice %arg7[%dma_wait3A_139, %dma_wait3A_140] : memref<4x128xi32, #tpu.memory_space<vmem>> -> memref<1x128xi32, #tpu.memory_space<vmem>>
      %dma_wait3A_142 = tpu.memref_squeeze %dma_wait3A_141 : memref<1x128xi32, #tpu.memory_space<vmem>> -> memref<128xi32, #tpu.memory_space<vmem>>
      %dma_wait3A_143 = tpu.memref_slice %arg2[%mul3A_4] : memref<327680xi32, #tpu.memory_space<hbm>> -> memref<128xi32, #tpu.memory_space<hbm>>
      %dma_wait3A_144 = arith.constant 0 : i32
      %dma_wait3A_145 = tpu.memref_slice %arg7[%dma_wait3A_139, %dma_wait3A_144] : memref<4x128xi32, #tpu.memory_space<vmem>> -> memref<1x128xi32, #tpu.memory_space<vmem>>
      %dma_wait3A_146 = tpu.memref_squeeze %dma_wait3A_145 : memref<1x128xi32, #tpu.memory_space<vmem>> -> memref<128xi32, #tpu.memory_space<vmem>>
      %dma_wait3A_147 = tpu.memref_slice %arg2[%mul3A_4] : memref<327680xi32, #tpu.memory_space<hbm>> -> memref<128xi32, #tpu.memory_space<hbm>>
      tpu.wait_dma2 semaphore(%arg12 : memref<!tpu.dma_semaphore, #tpu.memory_space<semaphore_mem>>) src(%dma_wait3A_147 : memref<128xi32, #tpu.memory_space<hbm>>) dst(%dma_wait3A_146 : memref<128xi32, #tpu.memory_space<vmem>>)
      %dma_wait3A_148 = arith.constant 1 : i32
      %dma_wait3A_149 = arith.constant 0 : i32
      %dma_wait3A_150 = tpu.memref_slice %arg8[%dma_wait3A_148, %dma_wait3A_149] : memref<4x128xi32, #tpu.memory_space<vmem>> -> memref<1x128xi32, #tpu.memory_space<vmem>>
      %dma_wait3A_151 = tpu.memref_squeeze %dma_wait3A_150 : memref<1x128xi32, #tpu.memory_space<vmem>> -> memref<128xi32, #tpu.memory_space<vmem>>
      %dma_wait3A_152 = tpu.memref_slice %arg3[%mul3A_4] : memref<327680xi32, #tpu.memory_space<hbm>> -> memref<128xi32, #tpu.memory_space<hbm>>
      %dma_wait3A_153 = arith.constant 0 : i32
      %dma_wait3A_154 = tpu.memref_slice %arg8[%dma_wait3A_148, %dma_wait3A_153] : memref<4x128xi32, #tpu.memory_space<vmem>> -> memref<1x128xi32, #tpu.memory_space<vmem>>
      %dma_wait3A_155 = tpu.memref_squeeze %dma_wait3A_154 : memref<1x128xi32, #tpu.memory_space<vmem>> -> memref<128xi32, #tpu.memory_space<vmem>>
      %dma_wait3A_156 = tpu.memref_slice %arg3[%mul3A_4] : memref<327680xi32, #tpu.memory_space<hbm>> -> memref<128xi32, #tpu.memory_space<hbm>>
      tpu.wait_dma2 semaphore(%arg12 : memref<!tpu.dma_semaphore, #tpu.memory_space<semaphore_mem>>) src(%dma_wait3A_156 : memref<128xi32, #tpu.memory_space<hbm>>) dst(%dma_wait3A_155 : memref<128xi32, #tpu.memory_space<vmem>>)
      %dma_start3A_157 = arith.constant 1 : i32
      %dma_start3A_158 = arith.constant 0 : i32
      %dma_start3A_159 = tpu.memref_slice %arg7[%dma_start3A_157, %dma_start3A_158] : memref<4x128xi32, #tpu.memory_space<vmem>> -> memref<1x128xi32, #tpu.memory_space<vmem>>
      %dma_start3A_160 = tpu.memref_squeeze %dma_start3A_159 : memref<1x128xi32, #tpu.memory_space<vmem>> -> memref<128xi32, #tpu.memory_space<vmem>>
      %dma_start3A_161 = arith.constant 0 : i32
      %dma_start3A_162 = arith.constant 0 : i32
      %dma_start3A_163 = tpu.memref_slice %arg4[%dma_start3A_161, %dma_start3A_162] : memref<10000x128xf32, #tpu.memory_space<hbm>> -> memref<10000x128xf32, #tpu.memory_space<hbm>>
      tpu.enqueue_indirect_dma source(%dma_start3A_163 : memref<10000x128xf32, #tpu.memory_space<hbm>>) target(%arg10 : memref<128x128xf32, #tpu.memory_space<vmem>>) offsets(%dma_start3A_160 : memref<128xi32, #tpu.memory_space<vmem>>) semaphore(%arg16 : memref<!tpu.dma_semaphore, #tpu.memory_space<semaphore_mem>>)
      %dma_wait3A_164 = arith.constant 0 : i32
      %dma_wait3A_165 = arith.constant 0 : i32
      %dma_wait3A_166 = tpu.memref_slice %arg7[%dma_wait3A_164, %dma_wait3A_165] : memref<4x128xi32, #tpu.memory_space<vmem>> -> memref<1x128xi32, #tpu.memory_space<vmem>>
      %dma_wait3A_167 = tpu.memref_squeeze %dma_wait3A_166 : memref<1x128xi32, #tpu.memory_space<vmem>> -> memref<128xi32, #tpu.memory_space<vmem>>
      %dma_wait3A_168 = arith.constant 0 : i32
      %dma_wait3A_169 = arith.constant 0 : i32
      %dma_wait3A_170 = tpu.memref_slice %arg4[%dma_wait3A_168, %dma_wait3A_169] : memref<10000x128xf32, #tpu.memory_space<hbm>> -> memref<10000x128xf32, #tpu.memory_space<hbm>>
      tpu.wait_indirect_dma semaphore(%arg15 : memref<!tpu.dma_semaphore, #tpu.memory_space<semaphore_mem>>) src(%dma_wait3A_170 : memref<10000x128xf32, #tpu.memory_space<hbm>>) dst(%arg9 : memref<128x128xf32, #tpu.memory_space<vmem>>)
      %dma_start3A_171 = arith.constant 0 : i32
      %dma_start3A_172 = arith.constant 0 : i32
      %dma_start3A_173 = tpu.memref_slice %arg8[%dma_start3A_171, %dma_start3A_172] : memref<4x128xi32, #tpu.memory_space<vmem>> -> memref<1x128xi32, #tpu.memory_space<vmem>>
      %dma_start3A_174 = tpu.memref_squeeze %dma_start3A_173 : memref<1x128xi32, #tpu.memory_space<vmem>> -> memref<128xi32, #tpu.memory_space<vmem>>
      %dma_start3A_175 = arith.constant 0 : i32
      %dma_start3A_176 = arith.constant 0 : i32
      %dma_start3A_177 = tpu.memref_slice %arg19[%dma_start3A_175, %dma_start3A_176] : memref<10240x128xf32, #tpu.memory_space<vmem_shared>> -> memref<10240x128xf32, #tpu.memory_space<vmem_shared>>
      tpu.enqueue_indirect_dma source(%arg9 : memref<128x128xf32, #tpu.memory_space<vmem>>) target(%dma_start3A_177 : memref<10240x128xf32, #tpu.memory_space<vmem_shared>>) offsets(%dma_start3A_174 : memref<128xi32, #tpu.memory_space<vmem>>) semaphore(%arg17 : memref<!tpu.dma_semaphore, #tpu.memory_space<semaphore_mem>>) {add = true}
      %dma_wait3A_178 = arith.constant 1 : i32
      %dma_wait3A_179 = arith.constant 0 : i32
      %dma_wait3A_180 = tpu.memref_slice %arg7[%dma_wait3A_178, %dma_wait3A_179] : memref<4x128xi32, #tpu.memory_space<vmem>> -> memref<1x128xi32, #tpu.memory_space<vmem>>
      %dma_wait3A_181 = tpu.memref_squeeze %dma_wait3A_180 : memref<1x128xi32, #tpu.memory_space<vmem>> -> memref<128xi32, #tpu.memory_space<vmem>>
      %dma_wait3A_182 = arith.constant 0 : i32
      %dma_wait3A_183 = arith.constant 0 : i32
      %dma_wait3A_184 = tpu.memref_slice %arg4[%dma_wait3A_182, %dma_wait3A_183] : memref<10000x128xf32, #tpu.memory_space<hbm>> -> memref<10000x128xf32, #tpu.memory_space<hbm>>
      tpu.wait_indirect_dma semaphore(%arg16 : memref<!tpu.dma_semaphore, #tpu.memory_space<semaphore_mem>>) src(%dma_wait3A_184 : memref<10000x128xf32, #tpu.memory_space<hbm>>) dst(%arg10 : memref<128x128xf32, #tpu.memory_space<vmem>>)
      %dma_start3A_185 = arith.constant 1 : i32
      %dma_start3A_186 = arith.constant 0 : i32
      %dma_start3A_187 = tpu.memref_slice %arg8[%dma_start3A_185, %dma_start3A_186] : memref<4x128xi32, #tpu.memory_space<vmem>> -> memref<1x128xi32, #tpu.memory_space<vmem>>
      %dma_start3A_188 = tpu.memref_squeeze %dma_start3A_187 : memref<1x128xi32, #tpu.memory_space<vmem>> -> memref<128xi32, #tpu.memory_space<vmem>>
      %dma_start3A_189 = arith.constant 0 : i32
      %dma_start3A_190 = arith.constant 0 : i32
      %dma_start3A_191 = tpu.memref_slice %arg19[%dma_start3A_189, %dma_start3A_190] : memref<10240x128xf32, #tpu.memory_space<vmem_shared>> -> memref<10240x128xf32, #tpu.memory_space<vmem_shared>>
      tpu.enqueue_indirect_dma source(%arg10 : memref<128x128xf32, #tpu.memory_space<vmem>>) target(%dma_start3A_191 : memref<10240x128xf32, #tpu.memory_space<vmem_shared>>) offsets(%dma_start3A_188 : memref<128xi32, #tpu.memory_space<vmem>>) semaphore(%arg18 : memref<!tpu.dma_semaphore, #tpu.memory_space<semaphore_mem>>) {add = true}
      %dma_wait3A_192 = arith.constant 0 : i32
      %dma_wait3A_193 = arith.constant 0 : i32
      %dma_wait3A_194 = tpu.memref_slice %arg8[%dma_wait3A_192, %dma_wait3A_193] : memref<4x128xi32, #tpu.memory_space<vmem>> -> memref<1x128xi32, #tpu.memory_space<vmem>>
      %dma_wait3A_195 = tpu.memref_squeeze %dma_wait3A_194 : memref<1x128xi32, #tpu.memory_space<vmem>> -> memref<128xi32, #tpu.memory_space<vmem>>
      %dma_wait3A_196 = arith.constant 0 : i32
      %dma_wait3A_197 = arith.constant 0 : i32
      %dma_wait3A_198 = tpu.memref_slice %arg19[%dma_wait3A_196, %dma_wait3A_197] : memref<10240x128xf32, #tpu.memory_space<vmem_shared>> -> memref<10240x128xf32, #tpu.memory_space<vmem_shared>>
      tpu.wait_indirect_dma semaphore(%arg17 : memref<!tpu.dma_semaphore, #tpu.memory_space<semaphore_mem>>) src(%arg9 : memref<128x128xf32, #tpu.memory_space<vmem>>) dst(%dma_wait3A_198 : memref<10240x128xf32, #tpu.memory_space<vmem_shared>>)
      %add3A_199 = arith.constant 4 : i32
      %add3A_200 = arith.addi %mul3A_114, %add3A_199 : i32
      %add3A_201 = arith.constant 1 : i32
      %add3A_202 = arith.addi %scan3A_112, %add3A_201 : i32
      %lt3A = arith.constant 20 : i32
      %lt3A_203 = arith.cmpi slt, %add3A_202, %lt3A : i32
      %convert_element_type3A = arith.extui %lt3A_203 : i1 to i32
      %cond3A = arith.constant 0 : i32
      %cond3A_204 = arith.cmpi ne, %convert_element_type3A, %cond3A : i32
      scf.if %cond3A_204 {
        %mul3A_331 = arith.constant 128 : i32
        %mul3A_332 = arith.muli %add3A_200, %mul3A_331 : i32
        %add3A_333 = arith.addi %mul3A_4, %mul3A_332 : i32
        %dma_start3A_334 = arith.constant 0 : i32
        %dma_start3A_335 = arith.constant 0 : i32
        %dma_start3A_336 = tpu.memref_slice %arg7[%dma_start3A_334, %dma_start3A_335] : memref<4x128xi32, #tpu.memory_space<vmem>> -> memref<1x128xi32, #tpu.memory_space<vmem>>
        %dma_start3A_337 = tpu.memref_squeeze %dma_start3A_336 : memref<1x128xi32, #tpu.memory_space<vmem>> -> memref<128xi32, #tpu.memory_space<vmem>>
        %dma_start3A_338 = tpu.memref_slice %arg2[%add3A_333] : memref<327680xi32, #tpu.memory_space<hbm>> -> memref<128xi32, #tpu.memory_space<hbm>>
        %dma_start3A_339 = arith.constant 0 : i32
        %dma_start3A_340 = tpu.memref_slice %arg7[%dma_start3A_334, %dma_start3A_339] : memref<4x128xi32, #tpu.memory_space<vmem>> -> memref<1x128xi32, #tpu.memory_space<vmem>>
        %dma_start3A_341 = tpu.memref_squeeze %dma_start3A_340 : memref<1x128xi32, #tpu.memory_space<vmem>> -> memref<128xi32, #tpu.memory_space<vmem>>
        %dma_start3A_342 = tpu.memref_slice %arg2[%add3A_333] : memref<327680xi32, #tpu.memory_space<hbm>> -> memref<128xi32, #tpu.memory_space<hbm>>
        tpu.enqueue_dma source(%dma_start3A_342 : memref<128xi32, #tpu.memory_space<hbm>>) target(%dma_start3A_341 : memref<128xi32, #tpu.memory_space<vmem>>) target_semaphore(%arg11 : memref<!tpu.dma_semaphore, #tpu.memory_space<semaphore_mem>>)
        %dma_start3A_343 = arith.constant 0 : i32
        %dma_start3A_344 = arith.constant 0 : i32
        %dma_start3A_345 = tpu.memref_slice %arg8[%dma_start3A_343, %dma_start3A_344] : memref<4x128xi32, #tpu.memory_space<vmem>> -> memref<1x128xi32, #tpu.memory_space<vmem>>
        %dma_start3A_346 = tpu.memref_squeeze %dma_start3A_345 : memref<1x128xi32, #tpu.memory_space<vmem>> -> memref<128xi32, #tpu.memory_space<vmem>>
        %dma_start3A_347 = tpu.memref_slice %arg3[%add3A_333] : memref<327680xi32, #tpu.memory_space<hbm>> -> memref<128xi32, #tpu.memory_space<hbm>>
        %dma_start3A_348 = arith.constant 0 : i32
        %dma_start3A_349 = tpu.memref_slice %arg8[%dma_start3A_343, %dma_start3A_348] : memref<4x128xi32, #tpu.memory_space<vmem>> -> memref<1x128xi32, #tpu.memory_space<vmem>>
        %dma_start3A_350 = tpu.memref_squeeze %dma_start3A_349 : memref<1x128xi32, #tpu.memory_space<vmem>> -> memref<128xi32, #tpu.memory_space<vmem>>
        %dma_start3A_351 = tpu.memref_slice %arg3[%add3A_333] : memref<327680xi32, #tpu.memory_space<hbm>> -> memref<128xi32, #tpu.memory_space<hbm>>
        tpu.enqueue_dma source(%dma_start3A_351 : memref<128xi32, #tpu.memory_space<hbm>>) target(%dma_start3A_350 : memref<128xi32, #tpu.memory_space<vmem>>) target_semaphore(%arg11 : memref<!tpu.dma_semaphore, #tpu.memory_space<semaphore_mem>>)
      } else {
      }
      %dma_wait3A_205 = arith.constant 2 : i32
      %dma_wait3A_206 = arith.constant 0 : i32
      %dma_wait3A_207 = tpu.memref_slice %arg7[%dma_wait3A_205, %dma_wait3A_206] : memref<4x128xi32, #tpu.memory_space<vmem>> -> memref<1x128xi32, #tpu.memory_space<vmem>>
      %dma_wait3A_208 = tpu.memref_squeeze %dma_wait3A_207 : memref<1x128xi32, #tpu.memory_space<vmem>> -> memref<128xi32, #tpu.memory_space<vmem>>
      %dma_wait3A_209 = tpu.memref_slice %arg2[%mul3A_4] : memref<327680xi32, #tpu.memory_space<hbm>> -> memref<128xi32, #tpu.memory_space<hbm>>
      %dma_wait3A_210 = arith.constant 0 : i32
      %dma_wait3A_211 = tpu.memref_slice %arg7[%dma_wait3A_205, %dma_wait3A_210] : memref<4x128xi32, #tpu.memory_space<vmem>> -> memref<1x128xi32, #tpu.memory_space<vmem>>
      %dma_wait3A_212 = tpu.memref_squeeze %dma_wait3A_211 : memref<1x128xi32, #tpu.memory_space<vmem>> -> memref<128xi32, #tpu.memory_space<vmem>>
      %dma_wait3A_213 = tpu.memref_slice %arg2[%mul3A_4] : memref<327680xi32, #tpu.memory_space<hbm>> -> memref<128xi32, #tpu.memory_space<hbm>>
      tpu.wait_dma2 semaphore(%arg13 : memref<!tpu.dma_semaphore, #tpu.memory_space<semaphore_mem>>) src(%dma_wait3A_213 : memref<128xi32, #tpu.memory_space<hbm>>) dst(%dma_wait3A_212 : memref<128xi32, #tpu.memory_space<vmem>>)
      %dma_wait3A_214 = arith.constant 2 : i32
      %dma_wait3A_215 = arith.constant 0 : i32
      %dma_wait3A_216 = tpu.memref_slice %arg8[%dma_wait3A_214, %dma_wait3A_215] : memref<4x128xi32, #tpu.memory_space<vmem>> -> memref<1x128xi32, #tpu.memory_space<vmem>>
      %dma_wait3A_217 = tpu.memref_squeeze %dma_wait3A_216 : memref<1x128xi32, #tpu.memory_space<vmem>> -> memref<128xi32, #tpu.memory_space<vmem>>
      %dma_wait3A_218 = tpu.memref_slice %arg3[%mul3A_4] : memref<327680xi32, #tpu.memory_space<hbm>> -> memref<128xi32, #tpu.memory_space<hbm>>
      %dma_wait3A_219 = arith.constant 0 : i32
      %dma_wait3A_220 = tpu.memref_slice %arg8[%dma_wait3A_214, %dma_wait3A_219] : memref<4x128xi32, #tpu.memory_space<vmem>> -> memref<1x128xi32, #tpu.memory_space<vmem>>
      %dma_wait3A_221 = tpu.memref_squeeze %dma_wait3A_220 : memref<1x128xi32, #tpu.memory_space<vmem>> -> memref<128xi32, #tpu.memory_space<vmem>>
      %dma_wait3A_222 = tpu.memref_slice %arg3[%mul3A_4] : memref<327680xi32, #tpu.memory_space<hbm>> -> memref<128xi32, #tpu.memory_space<hbm>>
      tpu.wait_dma2 semaphore(%arg13 : memref<!tpu.dma_semaphore, #tpu.memory_space<semaphore_mem>>) src(%dma_wait3A_222 : memref<128xi32, #tpu.memory_space<hbm>>) dst(%dma_wait3A_221 : memref<128xi32, #tpu.memory_space<vmem>>)
      %dma_start3A_223 = arith.constant 2 : i32
      %dma_start3A_224 = arith.constant 0 : i32
      %dma_start3A_225 = tpu.memref_slice %arg7[%dma_start3A_223, %dma_start3A_224] : memref<4x128xi32, #tpu.memory_space<vmem>> -> memref<1x128xi32, #tpu.memory_space<vmem>>
      %dma_start3A_226 = tpu.memref_squeeze %dma_start3A_225 : memref<1x128xi32, #tpu.memory_space<vmem>> -> memref<128xi32, #tpu.memory_space<vmem>>
      %dma_start3A_227 = arith.constant 0 : i32
      %dma_start3A_228 = arith.constant 0 : i32
      %dma_start3A_229 = tpu.memref_slice %arg4[%dma_start3A_227, %dma_start3A_228] : memref<10000x128xf32, #tpu.memory_space<hbm>> -> memref<10000x128xf32, #tpu.memory_space<hbm>>
      tpu.enqueue_indirect_dma source(%dma_start3A_229 : memref<10000x128xf32, #tpu.memory_space<hbm>>) target(%arg9 : memref<128x128xf32, #tpu.memory_space<vmem>>) offsets(%dma_start3A_226 : memref<128xi32, #tpu.memory_space<vmem>>) semaphore(%arg15 : memref<!tpu.dma_semaphore, #tpu.memory_space<semaphore_mem>>)
      %dma_wait3A_230 = arith.constant 1 : i32
      %dma_wait3A_231 = arith.constant 0 : i32
      %dma_wait3A_232 = tpu.memref_slice %arg8[%dma_wait3A_230, %dma_wait3A_231] : memref<4x128xi32, #tpu.memory_space<vmem>> -> memref<1x128xi32, #tpu.memory_space<vmem>>
      %dma_wait3A_233 = tpu.memref_squeeze %dma_wait3A_232 : memref<1x128xi32, #tpu.memory_space<vmem>> -> memref<128xi32, #tpu.memory_space<vmem>>
      %dma_wait3A_234 = arith.constant 0 : i32
      %dma_wait3A_235 = arith.constant 0 : i32
      %dma_wait3A_236 = tpu.memref_slice %arg19[%dma_wait3A_234, %dma_wait3A_235] : memref<10240x128xf32, #tpu.memory_space<vmem_shared>> -> memref<10240x128xf32, #tpu.memory_space<vmem_shared>>
      tpu.wait_indirect_dma semaphore(%arg18 : memref<!tpu.dma_semaphore, #tpu.memory_space<semaphore_mem>>) src(%arg10 : memref<128x128xf32, #tpu.memory_space<vmem>>) dst(%dma_wait3A_236 : memref<10240x128xf32, #tpu.memory_space<vmem_shared>>)
      %add3A_237 = arith.constant 5 : i32
      %add3A_238 = arith.addi %mul3A_114, %add3A_237 : i32
      %add3A_239 = arith.constant 1 : i32
      %add3A_240 = arith.addi %scan3A_112, %add3A_239 : i32
      %lt3A_241 = arith.constant 20 : i32
      %lt3A_242 = arith.cmpi slt, %add3A_240, %lt3A_241 : i32
      %convert_element_type3A_243 = arith.extui %lt3A_242 : i1 to i32
      %cond3A_244 = arith.constant 0 : i32
      %cond3A_245 = arith.cmpi ne, %convert_element_type3A_243, %cond3A_244 : i32
      scf.if %cond3A_245 {
        %mul3A_331 = arith.constant 128 : i32
        %mul3A_332 = arith.muli %add3A_238, %mul3A_331 : i32
        %add3A_333 = arith.addi %mul3A_4, %mul3A_332 : i32
        %dma_start3A_334 = arith.constant 1 : i32
        %dma_start3A_335 = arith.constant 0 : i32
        %dma_start3A_336 = tpu.memref_slice %arg7[%dma_start3A_334, %dma_start3A_335] : memref<4x128xi32, #tpu.memory_space<vmem>> -> memref<1x128xi32, #tpu.memory_space<vmem>>
        %dma_start3A_337 = tpu.memref_squeeze %dma_start3A_336 : memref<1x128xi32, #tpu.memory_space<vmem>> -> memref<128xi32, #tpu.memory_space<vmem>>
        %dma_start3A_338 = tpu.memref_slice %arg2[%add3A_333] : memref<327680xi32, #tpu.memory_space<hbm>> -> memref<128xi32, #tpu.memory_space<hbm>>
        %dma_start3A_339 = arith.constant 0 : i32
        %dma_start3A_340 = tpu.memref_slice %arg7[%dma_start3A_334, %dma_start3A_339] : memref<4x128xi32, #tpu.memory_space<vmem>> -> memref<1x128xi32, #tpu.memory_space<vmem>>
        %dma_start3A_341 = tpu.memref_squeeze %dma_start3A_340 : memref<1x128xi32, #tpu.memory_space<vmem>> -> memref<128xi32, #tpu.memory_space<vmem>>
        %dma_start3A_342 = tpu.memref_slice %arg2[%add3A_333] : memref<327680xi32, #tpu.memory_space<hbm>> -> memref<128xi32, #tpu.memory_space<hbm>>
        tpu.enqueue_dma source(%dma_start3A_342 : memref<128xi32, #tpu.memory_space<hbm>>) target(%dma_start3A_341 : memref<128xi32, #tpu.memory_space<vmem>>) target_semaphore(%arg12 : memref<!tpu.dma_semaphore, #tpu.memory_space<semaphore_mem>>)
        %dma_start3A_343 = arith.constant 1 : i32
        %dma_start3A_344 = arith.constant 0 : i32
        %dma_start3A_345 = tpu.memref_slice %arg8[%dma_start3A_343, %dma_start3A_344] : memref<4x128xi32, #tpu.memory_space<vmem>> -> memref<1x128xi32, #tpu.memory_space<vmem>>
        %dma_start3A_346 = tpu.memref_squeeze %dma_start3A_345 : memref<1x128xi32, #tpu.memory_space<vmem>> -> memref<128xi32, #tpu.memory_space<vmem>>
        %dma_start3A_347 = tpu.memref_slice %arg3[%add3A_333] : memref<327680xi32, #tpu.memory_space<hbm>> -> memref<128xi32, #tpu.memory_space<hbm>>
        %dma_start3A_348 = arith.constant 0 : i32
        %dma_start3A_349 = tpu.memref_slice %arg8[%dma_start3A_343, %dma_start3A_348] : memref<4x128xi32, #tpu.memory_space<vmem>> -> memref<1x128xi32, #tpu.memory_space<vmem>>
        %dma_start3A_350 = tpu.memref_squeeze %dma_start3A_349 : memref<1x128xi32, #tpu.memory_space<vmem>> -> memref<128xi32, #tpu.memory_space<vmem>>
        %dma_start3A_351 = tpu.memref_slice %arg3[%add3A_333] : memref<327680xi32, #tpu.memory_space<hbm>> -> memref<128xi32, #tpu.memory_space<hbm>>
        tpu.enqueue_dma source(%dma_start3A_351 : memref<128xi32, #tpu.memory_space<hbm>>) target(%dma_start3A_350 : memref<128xi32, #tpu.memory_space<vmem>>) target_semaphore(%arg12 : memref<!tpu.dma_semaphore, #tpu.memory_space<semaphore_mem>>)
      } else {
      }
      %dma_wait3A_246 = arith.constant 3 : i32
      %dma_wait3A_247 = arith.constant 0 : i32
      %dma_wait3A_248 = tpu.memref_slice %arg7[%dma_wait3A_246, %dma_wait3A_247] : memref<4x128xi32, #tpu.memory_space<vmem>> -> memref<1x128xi32, #tpu.memory_space<vmem>>
      %dma_wait3A_249 = tpu.memref_squeeze %dma_wait3A_248 : memref<1x128xi32, #tpu.memory_space<vmem>> -> memref<128xi32, #tpu.memory_space<vmem>>
      %dma_wait3A_250 = tpu.memref_slice %arg2[%mul3A_4] : memref<327680xi32, #tpu.memory_space<hbm>> -> memref<128xi32, #tpu.memory_space<hbm>>
      %dma_wait3A_251 = arith.constant 0 : i32
      %dma_wait3A_252 = tpu.memref_slice %arg7[%dma_wait3A_246, %dma_wait3A_251] : memref<4x128xi32, #tpu.memory_space<vmem>> -> memref<1x128xi32, #tpu.memory_space<vmem>>
      %dma_wait3A_253 = tpu.memref_squeeze %dma_wait3A_252 : memref<1x128xi32, #tpu.memory_space<vmem>> -> memref<128xi32, #tpu.memory_space<vmem>>
      %dma_wait3A_254 = tpu.memref_slice %arg2[%mul3A_4] : memref<327680xi32, #tpu.memory_space<hbm>> -> memref<128xi32, #tpu.memory_space<hbm>>
      tpu.wait_dma2 semaphore(%arg14 : memref<!tpu.dma_semaphore, #tpu.memory_space<semaphore_mem>>) src(%dma_wait3A_254 : memref<128xi32, #tpu.memory_space<hbm>>) dst(%dma_wait3A_253 : memref<128xi32, #tpu.memory_space<vmem>>)
      %dma_wait3A_255 = arith.constant 3 : i32
      %dma_wait3A_256 = arith.constant 0 : i32
      %dma_wait3A_257 = tpu.memref_slice %arg8[%dma_wait3A_255, %dma_wait3A_256] : memref<4x128xi32, #tpu.memory_space<vmem>> -> memref<1x128xi32, #tpu.memory_space<vmem>>
      %dma_wait3A_258 = tpu.memref_squeeze %dma_wait3A_257 : memref<1x128xi32, #tpu.memory_space<vmem>> -> memref<128xi32, #tpu.memory_space<vmem>>
      %dma_wait3A_259 = tpu.memref_slice %arg3[%mul3A_4] : memref<327680xi32, #tpu.memory_space<hbm>> -> memref<128xi32, #tpu.memory_space<hbm>>
      %dma_wait3A_260 = arith.constant 0 : i32
      %dma_wait3A_261 = tpu.memref_slice %arg8[%dma_wait3A_255, %dma_wait3A_260] : memref<4x128xi32, #tpu.memory_space<vmem>> -> memref<1x128xi32, #tpu.memory_space<vmem>>
      %dma_wait3A_262 = tpu.memref_squeeze %dma_wait3A_261 : memref<1x128xi32, #tpu.memory_space<vmem>> -> memref<128xi32, #tpu.memory_space<vmem>>
      %dma_wait3A_263 = tpu.memref_slice %arg3[%mul3A_4] : memref<327680xi32, #tpu.memory_space<hbm>> -> memref<128xi32, #tpu.memory_space<hbm>>
      tpu.wait_dma2 semaphore(%arg14 : memref<!tpu.dma_semaphore, #tpu.memory_space<semaphore_mem>>) src(%dma_wait3A_263 : memref<128xi32, #tpu.memory_space<hbm>>) dst(%dma_wait3A_262 : memref<128xi32, #tpu.memory_space<vmem>>)
      %dma_start3A_264 = arith.constant 3 : i32
      %dma_start3A_265 = arith.constant 0 : i32
      %dma_start3A_266 = tpu.memref_slice %arg7[%dma_start3A_264, %dma_start3A_265] : memref<4x128xi32, #tpu.memory_space<vmem>> -> memref<1x128xi32, #tpu.memory_space<vmem>>
      %dma_start3A_267 = tpu.memref_squeeze %dma_start3A_266 : memref<1x128xi32, #tpu.memory_space<vmem>> -> memref<128xi32, #tpu.memory_space<vmem>>
      %dma_start3A_268 = arith.constant 0 : i32
      %dma_start3A_269 = arith.constant 0 : i32
      %dma_start3A_270 = tpu.memref_slice %arg4[%dma_start3A_268, %dma_start3A_269] : memref<10000x128xf32, #tpu.memory_space<hbm>> -> memref<10000x128xf32, #tpu.memory_space<hbm>>
      tpu.enqueue_indirect_dma source(%dma_start3A_270 : memref<10000x128xf32, #tpu.memory_space<hbm>>) target(%arg10 : memref<128x128xf32, #tpu.memory_space<vmem>>) offsets(%dma_start3A_267 : memref<128xi32, #tpu.memory_space<vmem>>) semaphore(%arg16 : memref<!tpu.dma_semaphore, #tpu.memory_space<semaphore_mem>>)
      %dma_wait3A_271 = arith.constant 2 : i32
      %dma_wait3A_272 = arith.constant 0 : i32
      %dma_wait3A_273 = tpu.memref_slice %arg7[%dma_wait3A_271, %dma_wait3A_272] : memref<4x128xi32, #tpu.memory_space<vmem>> -> memref<1x128xi32, #tpu.memory_space<vmem>>
      %dma_wait3A_274 = tpu.memref_squeeze %dma_wait3A_273 : memref<1x128xi32, #tpu.memory_space<vmem>> -> memref<128xi32, #tpu.memory_space<vmem>>
      %dma_wait3A_275 = arith.constant 0 : i32
      %dma_wait3A_276 = arith.constant 0 : i32
      %dma_wait3A_277 = tpu.memref_slice %arg4[%dma_wait3A_275, %dma_wait3A_276] : memref<10000x128xf32, #tpu.memory_space<hbm>> -> memref<10000x128xf32, #tpu.memory_space<hbm>>
      tpu.wait_indirect_dma semaphore(%arg15 : memref<!tpu.dma_semaphore, #tpu.memory_space<semaphore_mem>>) src(%dma_wait3A_277 : memref<10000x128xf32, #tpu.memory_space<hbm>>) dst(%arg9 : memref<128x128xf32, #tpu.memory_space<vmem>>)
      %dma_start3A_278 = arith.constant 2 : i32
      %dma_start3A_279 = arith.constant 0 : i32
      %dma_start3A_280 = tpu.memref_slice %arg8[%dma_start3A_278, %dma_start3A_279] : memref<4x128xi32, #tpu.memory_space<vmem>> -> memref<1x128xi32, #tpu.memory_space<vmem>>
      %dma_start3A_281 = tpu.memref_squeeze %dma_start3A_280 : memref<1x128xi32, #tpu.memory_space<vmem>> -> memref<128xi32, #tpu.memory_space<vmem>>
      %dma_start3A_282 = arith.constant 0 : i32
      %dma_start3A_283 = arith.constant 0 : i32
      %dma_start3A_284 = tpu.memref_slice %arg19[%dma_start3A_282, %dma_start3A_283] : memref<10240x128xf32, #tpu.memory_space<vmem_shared>> -> memref<10240x128xf32, #tpu.memory_space<vmem_shared>>
      tpu.enqueue_indirect_dma source(%arg9 : memref<128x128xf32, #tpu.memory_space<vmem>>) target(%dma_start3A_284 : memref<10240x128xf32, #tpu.memory_space<vmem_shared>>) offsets(%dma_start3A_281 : memref<128xi32, #tpu.memory_space<vmem>>) semaphore(%arg17 : memref<!tpu.dma_semaphore, #tpu.memory_space<semaphore_mem>>) {add = true}
      %dma_wait3A_285 = arith.constant 3 : i32
      %dma_wait3A_286 = arith.constant 0 : i32
      %dma_wait3A_287 = tpu.memref_slice %arg7[%dma_wait3A_285, %dma_wait3A_286] : memref<4x128xi32, #tpu.memory_space<vmem>> -> memref<1x128xi32, #tpu.memory_space<vmem>>
      %dma_wait3A_288 = tpu.memref_squeeze %dma_wait3A_287 : memref<1x128xi32, #tpu.memory_space<vmem>> -> memref<128xi32, #tpu.memory_space<vmem>>
      %dma_wait3A_289 = arith.constant 0 : i32
      %dma_wait3A_290 = arith.constant 0 : i32
      %dma_wait3A_291 = tpu.memref_slice %arg4[%dma_wait3A_289, %dma_wait3A_290] : memref<10000x128xf32, #tpu.memory_space<hbm>> -> memref<10000x128xf32, #tpu.memory_space<hbm>>
      tpu.wait_indirect_dma semaphore(%arg16 : memref<!tpu.dma_semaphore, #tpu.memory_space<semaphore_mem>>) src(%dma_wait3A_291 : memref<10000x128xf32, #tpu.memory_space<hbm>>) dst(%arg10 : memref<128x128xf32, #tpu.memory_space<vmem>>)
      %dma_start3A_292 = arith.constant 3 : i32
      %dma_start3A_293 = arith.constant 0 : i32
      %dma_start3A_294 = tpu.memref_slice %arg8[%dma_start3A_292, %dma_start3A_293] : memref<4x128xi32, #tpu.memory_space<vmem>> -> memref<1x128xi32, #tpu.memory_space<vmem>>
      %dma_start3A_295 = tpu.memref_squeeze %dma_start3A_294 : memref<1x128xi32, #tpu.memory_space<vmem>> -> memref<128xi32, #tpu.memory_space<vmem>>
      %dma_start3A_296 = arith.constant 0 : i32
      %dma_start3A_297 = arith.constant 0 : i32
      %dma_start3A_298 = tpu.memref_slice %arg19[%dma_start3A_296, %dma_start3A_297] : memref<10240x128xf32, #tpu.memory_space<vmem_shared>> -> memref<10240x128xf32, #tpu.memory_space<vmem_shared>>
      tpu.enqueue_indirect_dma source(%arg10 : memref<128x128xf32, #tpu.memory_space<vmem>>) target(%dma_start3A_298 : memref<10240x128xf32, #tpu.memory_space<vmem_shared>>) offsets(%dma_start3A_295 : memref<128xi32, #tpu.memory_space<vmem>>) semaphore(%arg18 : memref<!tpu.dma_semaphore, #tpu.memory_space<semaphore_mem>>) {add = true}
      %dma_wait3A_299 = arith.constant 2 : i32
      %dma_wait3A_300 = arith.constant 0 : i32
      %dma_wait3A_301 = tpu.memref_slice %arg8[%dma_wait3A_299, %dma_wait3A_300] : memref<4x128xi32, #tpu.memory_space<vmem>> -> memref<1x128xi32, #tpu.memory_space<vmem>>
      %dma_wait3A_302 = tpu.memref_squeeze %dma_wait3A_301 : memref<1x128xi32, #tpu.memory_space<vmem>> -> memref<128xi32, #tpu.memory_space<vmem>>
      %dma_wait3A_303 = arith.constant 0 : i32
      %dma_wait3A_304 = arith.constant 0 : i32
      %dma_wait3A_305 = tpu.memref_slice %arg19[%dma_wait3A_303, %dma_wait3A_304] : memref<10240x128xf32, #tpu.memory_space<vmem_shared>> -> memref<10240x128xf32, #tpu.memory_space<vmem_shared>>
      tpu.wait_indirect_dma semaphore(%arg17 : memref<!tpu.dma_semaphore, #tpu.memory_space<semaphore_mem>>) src(%arg9 : memref<128x128xf32, #tpu.memory_space<vmem>>) dst(%dma_wait3A_305 : memref<10240x128xf32, #tpu.memory_space<vmem_shared>>)
      %add3A_306 = arith.constant 6 : i32
      %add3A_307 = arith.addi %mul3A_114, %add3A_306 : i32
      %add3A_308 = arith.constant 1 : i32
      %add3A_309 = arith.addi %scan3A_112, %add3A_308 : i32
      %lt3A_310 = arith.constant 20 : i32
      %lt3A_311 = arith.cmpi slt, %add3A_309, %lt3A_310 : i32
      %convert_element_type3A_312 = arith.extui %lt3A_311 : i1 to i32
      %cond3A_313 = arith.constant 0 : i32
      %cond3A_314 = arith.cmpi ne, %convert_element_type3A_312, %cond3A_313 : i32
      scf.if %cond3A_314 {
        %mul3A_331 = arith.constant 128 : i32
        %mul3A_332 = arith.muli %add3A_307, %mul3A_331 : i32
        %add3A_333 = arith.addi %mul3A_4, %mul3A_332 : i32
        %dma_start3A_334 = arith.constant 2 : i32
        %dma_start3A_335 = arith.constant 0 : i32
        %dma_start3A_336 = tpu.memref_slice %arg7[%dma_start3A_334, %dma_start3A_335] : memref<4x128xi32, #tpu.memory_space<vmem>> -> memref<1x128xi32, #tpu.memory_space<vmem>>
        %dma_start3A_337 = tpu.memref_squeeze %dma_start3A_336 : memref<1x128xi32, #tpu.memory_space<vmem>> -> memref<128xi32, #tpu.memory_space<vmem>>
        %dma_start3A_338 = tpu.memref_slice %arg2[%add3A_333] : memref<327680xi32, #tpu.memory_space<hbm>> -> memref<128xi32, #tpu.memory_space<hbm>>
        %dma_start3A_339 = arith.constant 0 : i32
        %dma_start3A_340 = tpu.memref_slice %arg7[%dma_start3A_334, %dma_start3A_339] : memref<4x128xi32, #tpu.memory_space<vmem>> -> memref<1x128xi32, #tpu.memory_space<vmem>>
        %dma_start3A_341 = tpu.memref_squeeze %dma_start3A_340 : memref<1x128xi32, #tpu.memory_space<vmem>> -> memref<128xi32, #tpu.memory_space<vmem>>
        %dma_start3A_342 = tpu.memref_slice %arg2[%add3A_333] : memref<327680xi32, #tpu.memory_space<hbm>> -> memref<128xi32, #tpu.memory_space<hbm>>
        tpu.enqueue_dma source(%dma_start3A_342 : memref<128xi32, #tpu.memory_space<hbm>>) target(%dma_start3A_341 : memref<128xi32, #tpu.memory_space<vmem>>) target_semaphore(%arg13 : memref<!tpu.dma_semaphore, #tpu.memory_space<semaphore_mem>>)
        %dma_start3A_343 = arith.constant 2 : i32
        %dma_start3A_344 = arith.constant 0 : i32
        %dma_start3A_345 = tpu.memref_slice %arg8[%dma_start3A_343, %dma_start3A_344] : memref<4x128xi32, #tpu.memory_space<vmem>> -> memref<1x128xi32, #tpu.memory_space<vmem>>
        %dma_start3A_346 = tpu.memref_squeeze %dma_start3A_345 : memref<1x128xi32, #tpu.memory_space<vmem>> -> memref<128xi32, #tpu.memory_space<vmem>>
        %dma_start3A_347 = tpu.memref_slice %arg3[%add3A_333] : memref<327680xi32, #tpu.memory_space<hbm>> -> memref<128xi32, #tpu.memory_space<hbm>>
        %dma_start3A_348 = arith.constant 0 : i32
        %dma_start3A_349 = tpu.memref_slice %arg8[%dma_start3A_343, %dma_start3A_348] : memref<4x128xi32, #tpu.memory_space<vmem>> -> memref<1x128xi32, #tpu.memory_space<vmem>>
        %dma_start3A_350 = tpu.memref_squeeze %dma_start3A_349 : memref<1x128xi32, #tpu.memory_space<vmem>> -> memref<128xi32, #tpu.memory_space<vmem>>
        %dma_start3A_351 = tpu.memref_slice %arg3[%add3A_333] : memref<327680xi32, #tpu.memory_space<hbm>> -> memref<128xi32, #tpu.memory_space<hbm>>
        tpu.enqueue_dma source(%dma_start3A_351 : memref<128xi32, #tpu.memory_space<hbm>>) target(%dma_start3A_350 : memref<128xi32, #tpu.memory_space<vmem>>) target_semaphore(%arg13 : memref<!tpu.dma_semaphore, #tpu.memory_space<semaphore_mem>>)
      } else {
      }
      %dma_wait3A_315 = arith.constant 3 : i32
      %dma_wait3A_316 = arith.constant 0 : i32
      %dma_wait3A_317 = tpu.memref_slice %arg8[%dma_wait3A_315, %dma_wait3A_316] : memref<4x128xi32, #tpu.memory_space<vmem>> -> memref<1x128xi32, #tpu.memory_space<vmem>>
      %dma_wait3A_318 = tpu.memref_squeeze %dma_wait3A_317 : memref<1x128xi32, #tpu.memory_space<vmem>> -> memref<128xi32, #tpu.memory_space<vmem>>
      %dma_wait3A_319 = arith.constant 0 : i32
      %dma_wait3A_320 = arith.constant 0 : i32
      %dma_wait3A_321 = tpu.memref_slice %arg19[%dma_wait3A_319, %dma_wait3A_320] : memref<10240x128xf32, #tpu.memory_space<vmem_shared>> -> memref<10240x128xf32, #tpu.memory_space<vmem_shared>>
      tpu.wait_indirect_dma semaphore(%arg18 : memref<!tpu.dma_semaphore, #tpu.memory_space<semaphore_mem>>) src(%arg10 : memref<128x128xf32, #tpu.memory_space<vmem>>) dst(%dma_wait3A_321 : memref<10240x128xf32, #tpu.memory_space<vmem_shared>>)
      %add3A_322 = arith.constant 7 : i32
      %add3A_323 = arith.addi %mul3A_114, %add3A_322 : i32
      %add3A_324 = arith.constant 1 : i32
      %add3A_325 = arith.addi %scan3A_112, %add3A_324 : i32
      %lt3A_326 = arith.constant 20 : i32
      %lt3A_327 = arith.cmpi slt, %add3A_325, %lt3A_326 : i32
      %convert_element_type3A_328 = arith.extui %lt3A_327 : i1 to i32
      %cond3A_329 = arith.constant 0 : i32
      %cond3A_330 = arith.cmpi ne, %convert_element_type3A_328, %cond3A_329 : i32
      scf.if %cond3A_330 {
        %mul3A_331 = arith.constant 128 : i32
        %mul3A_332 = arith.muli %add3A_323, %mul3A_331 : i32
        %add3A_333 = arith.addi %mul3A_4, %mul3A_332 : i32
        %dma_start3A_334 = arith.constant 3 : i32
        %dma_start3A_335 = arith.constant 0 : i32
        %dma_start3A_336 = tpu.memref_slice %arg7[%dma_start3A_334, %dma_start3A_335] : memref<4x128xi32, #tpu.memory_space<vmem>> -> memref<1x128xi32, #tpu.memory_space<vmem>>
        %dma_start3A_337 = tpu.memref_squeeze %dma_start3A_336 : memref<1x128xi32, #tpu.memory_space<vmem>> -> memref<128xi32, #tpu.memory_space<vmem>>
        %dma_start3A_338 = tpu.memref_slice %arg2[%add3A_333] : memref<327680xi32, #tpu.memory_space<hbm>> -> memref<128xi32, #tpu.memory_space<hbm>>
        %dma_start3A_339 = arith.constant 0 : i32
        %dma_start3A_340 = tpu.memref_slice %arg7[%dma_start3A_334, %dma_start3A_339] : memref<4x128xi32, #tpu.memory_space<vmem>> -> memref<1x128xi32, #tpu.memory_space<vmem>>
        %dma_start3A_341 = tpu.memref_squeeze %dma_start3A_340 : memref<1x128xi32, #tpu.memory_space<vmem>> -> memref<128xi32, #tpu.memory_space<vmem>>
        %dma_start3A_342 = tpu.memref_slice %arg2[%add3A_333] : memref<327680xi32, #tpu.memory_space<hbm>> -> memref<128xi32, #tpu.memory_space<hbm>>
        tpu.enqueue_dma source(%dma_start3A_342 : memref<128xi32, #tpu.memory_space<hbm>>) target(%dma_start3A_341 : memref<128xi32, #tpu.memory_space<vmem>>) target_semaphore(%arg14 : memref<!tpu.dma_semaphore, #tpu.memory_space<semaphore_mem>>)
        %dma_start3A_343 = arith.constant 3 : i32
        %dma_start3A_344 = arith.constant 0 : i32
        %dma_start3A_345 = tpu.memref_slice %arg8[%dma_start3A_343, %dma_start3A_344] : memref<4x128xi32, #tpu.memory_space<vmem>> -> memref<1x128xi32, #tpu.memory_space<vmem>>
        %dma_start3A_346 = tpu.memref_squeeze %dma_start3A_345 : memref<1x128xi32, #tpu.memory_space<vmem>> -> memref<128xi32, #tpu.memory_space<vmem>>
        %dma_start3A_347 = tpu.memref_slice %arg3[%add3A_333] : memref<327680xi32, #tpu.memory_space<hbm>> -> memref<128xi32, #tpu.memory_space<hbm>>
        %dma_start3A_348 = arith.constant 0 : i32
        %dma_start3A_349 = tpu.memref_slice %arg8[%dma_start3A_343, %dma_start3A_348] : memref<4x128xi32, #tpu.memory_space<vmem>> -> memref<1x128xi32, #tpu.memory_space<vmem>>
        %dma_start3A_350 = tpu.memref_squeeze %dma_start3A_349 : memref<1x128xi32, #tpu.memory_space<vmem>> -> memref<128xi32, #tpu.memory_space<vmem>>
        %dma_start3A_351 = tpu.memref_slice %arg3[%add3A_333] : memref<327680xi32, #tpu.memory_space<hbm>> -> memref<128xi32, #tpu.memory_space<hbm>>
        tpu.enqueue_dma source(%dma_start3A_351 : memref<128xi32, #tpu.memory_space<hbm>>) target(%dma_start3A_350 : memref<128xi32, #tpu.memory_space<vmem>>) target_semaphore(%arg14 : memref<!tpu.dma_semaphore, #tpu.memory_space<semaphore_mem>>)
      } else {
      }
    }
    %scan3A_100 = arith.constant 20 : i32
    %barrier3A_101 = arith.constant 0 : index
    tpu.barrier barrier_id(%barrier3A_101)
    %add3A_102 = arith.constant 0 : i32
    %add3A_103 = arith.addi %mul3A_85, %add3A_102 : i32
    "tpu.region"() ({
      %run_scoped3A = tpu.sem_alloc : memref<!tpu.dma_semaphore, #tpu.memory_space<semaphore_mem>>
      %dma_start3A_112 = arith.constant 0 : i32
      %dma_start3A_113 = arith.constant 0 : i32
      %dma_start3A_114 = tpu.memref_slice %arg6[%arg0, %dma_start3A_112, %dma_start3A_113] : memref<2x10240x128xf32, #tpu.memory_space<hbm>> -> memref<1x10240x128xf32, #tpu.memory_space<hbm>>
      %dma_start3A_115 = tpu.memref_squeeze %dma_start3A_114 : memref<1x10240x128xf32, #tpu.memory_space<hbm>> -> memref<10240x128xf32, #tpu.memory_space<hbm>>
      %dma_start3A_116 = arith.constant 0 : i32
      %dma_start3A_117 = tpu.memref_slice %dma_start3A_115[%add3A_103, %dma_start3A_116] : memref<10240x128xf32, #tpu.memory_space<hbm>> -> memref<128x128xf32, #tpu.memory_space<hbm>>
      %dma_start3A_118 = arith.constant 0 : i32
      %dma_start3A_119 = tpu.memref_slice %arg19[%add3A_103, %dma_start3A_118] : memref<10240x128xf32, #tpu.memory_space<vmem_shared>> -> memref<128x128xf32, #tpu.memory_space<vmem_shared>>
      tpu.enqueue_dma source(%dma_start3A_119 : memref<128x128xf32, #tpu.memory_space<vmem_shared>>) target(%dma_start3A_117 : memref<128x128xf32, #tpu.memory_space<hbm>>) target_semaphore(%run_scoped3A : memref<!tpu.dma_semaphore, #tpu.memory_space<semaphore_mem>>)
      %dma_wait3A = arith.constant 0 : i32
      %dma_wait3A_120 = arith.constant 0 : i32
      %dma_wait3A_121 = tpu.memref_slice %arg6[%arg0, %dma_wait3A, %dma_wait3A_120] : memref<2x10240x128xf32, #tpu.memory_space<hbm>> -> memref<1x10240x128xf32, #tpu.memory_space<hbm>>
      %dma_wait3A_122 = tpu.memref_squeeze %dma_wait3A_121 : memref<1x10240x128xf32, #tpu.memory_space<hbm>> -> memref<10240x128xf32, #tpu.memory_space<hbm>>
      %dma_wait3A_123 = arith.constant 0 : i32
      %dma_wait3A_124 = tpu.memref_slice %dma_wait3A_122[%add3A_103, %dma_wait3A_123] : memref<10240x128xf32, #tpu.memory_space<hbm>> -> memref<128x128xf32, #tpu.memory_space<hbm>>
      %dma_wait3A_125 = arith.constant 0 : i32
      %dma_wait3A_126 = tpu.memref_slice %arg19[%add3A_103, %dma_wait3A_125] : memref<10240x128xf32, #tpu.memory_space<vmem_shared>> -> memref<128x128xf32, #tpu.memory_space<vmem_shared>>
      tpu.wait_dma2 semaphore(%run_scoped3A : memref<!tpu.dma_semaphore, #tpu.memory_space<semaphore_mem>>) src(%dma_wait3A_126 : memref<128x128xf32, #tpu.memory_space<vmem_shared>>) dst(%dma_wait3A_124 : memref<128x128xf32, #tpu.memory_space<hbm>>)
      tpu.yield
    }) : () -> ()
    %add3A_104 = arith.constant 128 : i32
    %add3A_105 = arith.addi %mul3A_85, %add3A_104 : i32
    "tpu.region"() ({
      %run_scoped3A = tpu.sem_alloc : memref<!tpu.dma_semaphore, #tpu.memory_space<semaphore_mem>>
      %dma_start3A_112 = arith.constant 0 : i32
      %dma_start3A_113 = arith.constant 0 : i32
      %dma_start3A_114 = tpu.memref_slice %arg6[%arg0, %dma_start3A_112, %dma_start3A_113] : memref<2x10240x128xf32, #tpu.memory_space<hbm>> -> memref<1x10240x128xf32, #tpu.memory_space<hbm>>
      %dma_start3A_115 = tpu.memref_squeeze %dma_start3A_114 : memref<1x10240x128xf32, #tpu.memory_space<hbm>> -> memref<10240x128xf32, #tpu.memory_space<hbm>>
      %dma_start3A_116 = arith.constant 0 : i32
      %dma_start3A_117 = tpu.memref_slice %dma_start3A_115[%add3A_105, %dma_start3A_116] : memref<10240x128xf32, #tpu.memory_space<hbm>> -> memref<128x128xf32, #tpu.memory_space<hbm>>
      %dma_start3A_118 = arith.constant 0 : i32
      %dma_start3A_119 = tpu.memref_slice %arg19[%add3A_105, %dma_start3A_118] : memref<10240x128xf32, #tpu.memory_space<vmem_shared>> -> memref<128x128xf32, #tpu.memory_space<vmem_shared>>
      tpu.enqueue_dma source(%dma_start3A_119 : memref<128x128xf32, #tpu.memory_space<vmem_shared>>) target(%dma_start3A_117 : memref<128x128xf32, #tpu.memory_space<hbm>>) target_semaphore(%run_scoped3A : memref<!tpu.dma_semaphore, #tpu.memory_space<semaphore_mem>>)
      %dma_wait3A = arith.constant 0 : i32
      %dma_wait3A_120 = arith.constant 0 : i32
      %dma_wait3A_121 = tpu.memref_slice %arg6[%arg0, %dma_wait3A, %dma_wait3A_120] : memref<2x10240x128xf32, #tpu.memory_space<hbm>> -> memref<1x10240x128xf32, #tpu.memory_space<hbm>>
      %dma_wait3A_122 = tpu.memref_squeeze %dma_wait3A_121 : memref<1x10240x128xf32, #tpu.memory_space<hbm>> -> memref<10240x128xf32, #tpu.memory_space<hbm>>
      %dma_wait3A_123 = arith.constant 0 : i32
      %dma_wait3A_124 = tpu.memref_slice %dma_wait3A_122[%add3A_105, %dma_wait3A_123] : memref<10240x128xf32, #tpu.memory_space<hbm>> -> memref<128x128xf32, #tpu.memory_space<hbm>>
      %dma_wait3A_125 = arith.constant 0 : i32
      %dma_wait3A_126 = tpu.memref_slice %arg19[%add3A_105, %dma_wait3A_125] : memref<10240x128xf32, #tpu.memory_space<vmem_shared>> -> memref<128x128xf32, #tpu.memory_space<vmem_shared>>
      tpu.wait_dma2 semaphore(%run_scoped3A : memref<!tpu.dma_semaphore, #tpu.memory_space<semaphore_mem>>) src(%dma_wait3A_126 : memref<128x128xf32, #tpu.memory_space<vmem_shared>>) dst(%dma_wait3A_124 : memref<128x128xf32, #tpu.memory_space<hbm>>)
      tpu.yield
    }) : () -> ()
    %add3A_106 = arith.constant 256 : i32
    %add3A_107 = arith.addi %mul3A_85, %add3A_106 : i32
    "tpu.region"() ({
      %run_scoped3A = tpu.sem_alloc : memref<!tpu.dma_semaphore, #tpu.memory_space<semaphore_mem>>
      %dma_start3A_112 = arith.constant 0 : i32
      %dma_start3A_113 = arith.constant 0 : i32
      %dma_start3A_114 = tpu.memref_slice %arg6[%arg0, %dma_start3A_112, %dma_start3A_113] : memref<2x10240x128xf32, #tpu.memory_space<hbm>> -> memref<1x10240x128xf32, #tpu.memory_space<hbm>>
      %dma_start3A_115 = tpu.memref_squeeze %dma_start3A_114 : memref<1x10240x128xf32, #tpu.memory_space<hbm>> -> memref<10240x128xf32, #tpu.memory_space<hbm>>
      %dma_start3A_116 = arith.constant 0 : i32
      %dma_start3A_117 = tpu.memref_slice %dma_start3A_115[%add3A_107, %dma_start3A_116] : memref<10240x128xf32, #tpu.memory_space<hbm>> -> memref<128x128xf32, #tpu.memory_space<hbm>>
      %dma_start3A_118 = arith.constant 0 : i32
      %dma_start3A_119 = tpu.memref_slice %arg19[%add3A_107, %dma_start3A_118] : memref<10240x128xf32, #tpu.memory_space<vmem_shared>> -> memref<128x128xf32, #tpu.memory_space<vmem_shared>>
      tpu.enqueue_dma source(%dma_start3A_119 : memref<128x128xf32, #tpu.memory_space<vmem_shared>>) target(%dma_start3A_117 : memref<128x128xf32, #tpu.memory_space<hbm>>) target_semaphore(%run_scoped3A : memref<!tpu.dma_semaphore, #tpu.memory_space<semaphore_mem>>)
      %dma_wait3A = arith.constant 0 : i32
      %dma_wait3A_120 = arith.constant 0 : i32
      %dma_wait3A_121 = tpu.memref_slice %arg6[%arg0, %dma_wait3A, %dma_wait3A_120] : memref<2x10240x128xf32, #tpu.memory_space<hbm>> -> memref<1x10240x128xf32, #tpu.memory_space<hbm>>
      %dma_wait3A_122 = tpu.memref_squeeze %dma_wait3A_121 : memref<1x10240x128xf32, #tpu.memory_space<hbm>> -> memref<10240x128xf32, #tpu.memory_space<hbm>>
      %dma_wait3A_123 = arith.constant 0 : i32
      %dma_wait3A_124 = tpu.memref_slice %dma_wait3A_122[%add3A_107, %dma_wait3A_123] : memref<10240x128xf32, #tpu.memory_space<hbm>> -> memref<128x128xf32, #tpu.memory_space<hbm>>
      %dma_wait3A_125 = arith.constant 0 : i32
      %dma_wait3A_126 = tpu.memref_slice %arg19[%add3A_107, %dma_wait3A_125] : memref<10240x128xf32, #tpu.memory_space<vmem_shared>> -> memref<128x128xf32, #tpu.memory_space<vmem_shared>>
      tpu.wait_dma2 semaphore(%run_scoped3A : memref<!tpu.dma_semaphore, #tpu.memory_space<semaphore_mem>>) src(%dma_wait3A_126 : memref<128x128xf32, #tpu.memory_space<vmem_shared>>) dst(%dma_wait3A_124 : memref<128x128xf32, #tpu.memory_space<hbm>>)
      tpu.yield
    }) : () -> ()
    %add3A_108 = arith.constant 384 : i32
    %add3A_109 = arith.addi %mul3A_85, %add3A_108 : i32
    "tpu.region"() ({
      %run_scoped3A = tpu.sem_alloc : memref<!tpu.dma_semaphore, #tpu.memory_space<semaphore_mem>>
      %dma_start3A_112 = arith.constant 0 : i32
      %dma_start3A_113 = arith.constant 0 : i32
      %dma_start3A_114 = tpu.memref_slice %arg6[%arg0, %dma_start3A_112, %dma_start3A_113] : memref<2x10240x128xf32, #tpu.memory_space<hbm>> -> memref<1x10240x128xf32, #tpu.memory_space<hbm>>
      %dma_start3A_115 = tpu.memref_squeeze %dma_start3A_114 : memref<1x10240x128xf32, #tpu.memory_space<hbm>> -> memref<10240x128xf32, #tpu.memory_space<hbm>>
      %dma_start3A_116 = arith.constant 0 : i32
      %dma_start3A_117 = tpu.memref_slice %dma_start3A_115[%add3A_109, %dma_start3A_116] : memref<10240x128xf32, #tpu.memory_space<hbm>> -> memref<128x128xf32, #tpu.memory_space<hbm>>
      %dma_start3A_118 = arith.constant 0 : i32
      %dma_start3A_119 = tpu.memref_slice %arg19[%add3A_109, %dma_start3A_118] : memref<10240x128xf32, #tpu.memory_space<vmem_shared>> -> memref<128x128xf32, #tpu.memory_space<vmem_shared>>
      tpu.enqueue_dma source(%dma_start3A_119 : memref<128x128xf32, #tpu.memory_space<vmem_shared>>) target(%dma_start3A_117 : memref<128x128xf32, #tpu.memory_space<hbm>>) target_semaphore(%run_scoped3A : memref<!tpu.dma_semaphore, #tpu.memory_space<semaphore_mem>>)
      %dma_wait3A = arith.constant 0 : i32
      %dma_wait3A_120 = arith.constant 0 : i32
      %dma_wait3A_121 = tpu.memref_slice %arg6[%arg0, %dma_wait3A, %dma_wait3A_120] : memref<2x10240x128xf32, #tpu.memory_space<hbm>> -> memref<1x10240x128xf32, #tpu.memory_space<hbm>>
      %dma_wait3A_122 = tpu.memref_squeeze %dma_wait3A_121 : memref<1x10240x128xf32, #tpu.memory_space<hbm>> -> memref<10240x128xf32, #tpu.memory_space<hbm>>
      %dma_wait3A_123 = arith.constant 0 : i32
      %dma_wait3A_124 = tpu.memref_slice %dma_wait3A_122[%add3A_109, %dma_wait3A_123] : memref<10240x128xf32, #tpu.memory_space<hbm>> -> memref<128x128xf32, #tpu.memory_space<hbm>>
      %dma_wait3A_125 = arith.constant 0 : i32
      %dma_wait3A_126 = tpu.memref_slice %arg19[%add3A_109, %dma_wait3A_125] : memref<10240x128xf32, #tpu.memory_space<vmem_shared>> -> memref<128x128xf32, #tpu.memory_space<vmem_shared>>
      tpu.wait_dma2 semaphore(%run_scoped3A : memref<!tpu.dma_semaphore, #tpu.memory_space<semaphore_mem>>) src(%dma_wait3A_126 : memref<128x128xf32, #tpu.memory_space<vmem_shared>>) dst(%dma_wait3A_124 : memref<128x128xf32, #tpu.memory_space<hbm>>)
      tpu.yield
    }) : () -> ()
    %add3A_110 = arith.constant 512 : i32
    %add3A_111 = arith.addi %mul3A_85, %add3A_110 : i32
    "tpu.region"() ({
      %run_scoped3A = tpu.sem_alloc : memref<!tpu.dma_semaphore, #tpu.memory_space<semaphore_mem>>
      %dma_start3A_112 = arith.constant 0 : i32
      %dma_start3A_113 = arith.constant 0 : i32
      %dma_start3A_114 = tpu.memref_slice %arg6[%arg0, %dma_start3A_112, %dma_start3A_113] : memref<2x10240x128xf32, #tpu.memory_space<hbm>> -> memref<1x10240x128xf32, #tpu.memory_space<hbm>>
      %dma_start3A_115 = tpu.memref_squeeze %dma_start3A_114 : memref<1x10240x128xf32, #tpu.memory_space<hbm>> -> memref<10240x128xf32, #tpu.memory_space<hbm>>
      %dma_start3A_116 = arith.constant 0 : i32
      %dma_start3A_117 = tpu.memref_slice %dma_start3A_115[%add3A_111, %dma_start3A_116] : memref<10240x128xf32, #tpu.memory_space<hbm>> -> memref<128x128xf32, #tpu.memory_space<hbm>>
      %dma_start3A_118 = arith.constant 0 : i32
      %dma_start3A_119 = tpu.memref_slice %arg19[%add3A_111, %dma_start3A_118] : memref<10240x128xf32, #tpu.memory_space<vmem_shared>> -> memref<128x128xf32, #tpu.memory_space<vmem_shared>>
      tpu.enqueue_dma source(%dma_start3A_119 : memref<128x128xf32, #tpu.memory_space<vmem_shared>>) target(%dma_start3A_117 : memref<128x128xf32, #tpu.memory_space<hbm>>) target_semaphore(%run_scoped3A : memref<!tpu.dma_semaphore, #tpu.memory_space<semaphore_mem>>)
      %dma_wait3A = arith.constant 0 : i32
      %dma_wait3A_120 = arith.constant 0 : i32
      %dma_wait3A_121 = tpu.memref_slice %arg6[%arg0, %dma_wait3A, %dma_wait3A_120] : memref<2x10240x128xf32, #tpu.memory_space<hbm>> -> memref<1x10240x128xf32, #tpu.memory_space<hbm>>
      %dma_wait3A_122 = tpu.memref_squeeze %dma_wait3A_121 : memref<1x10240x128xf32, #tpu.memory_space<hbm>> -> memref<10240x128xf32, #tpu.memory_space<hbm>>
      %dma_wait3A_123 = arith.constant 0 : i32
      %dma_wait3A_124 = tpu.memref_slice %dma_wait3A_122[%add3A_111, %dma_wait3A_123] : memref<10240x128xf32, #tpu.memory_space<hbm>> -> memref<128x128xf32, #tpu.memory_space<hbm>>
      %dma_wait3A_125 = arith.constant 0 : i32
      %dma_wait3A_126 = tpu.memref_slice %arg19[%add3A_111, %dma_wait3A_125] : memref<10240x128xf32, #tpu.memory_space<vmem_shared>> -> memref<128x128xf32, #tpu.memory_space<vmem_shared>>
      tpu.wait_dma2 semaphore(%run_scoped3A : memref<!tpu.dma_semaphore, #tpu.memory_space<semaphore_mem>>) src(%dma_wait3A_126 : memref<128x128xf32, #tpu.memory_space<vmem_shared>>) dst(%dma_wait3A_124 : memref<128x128xf32, #tpu.memory_space<hbm>>)
      tpu.yield
    }) : () -> ()
    return
  }
}

#map = affine_map<(d0, d1) -> (0)>
#map1 = affine_map<(d0, d1) -> (0, 0)>
#map2 = affine_map<(d0, d1) -> (0, 0, 0)>
module attributes {stable_mosaic.version = 14 : i64} {
  func.func @_sc_agg_body(%arg0: i32, %arg1: i32, %arg2: memref<327680xi32, #tpu.memory_space<hbm>>, %arg3: memref<327680xi32, #tpu.memory_space<hbm>>, %arg4: memref<10000x128xf32, #tpu.memory_space<hbm>>, %arg5: memref<128x128xf32, #tpu.memory_space<hbm>>, %arg6: memref<2x10240x128xf32, #tpu.memory_space<hbm>>, %arg7: memref<4x128xi32, #tpu.memory_space<vmem>>, %arg8: memref<4x128xi32, #tpu.memory_space<vmem>>, %arg9: memref<128x128xf32, #tpu.memory_space<vmem>>, %arg10: memref<128x128xf32, #tpu.memory_space<vmem>>, %arg11: memref<!tpu.dma_semaphore, #tpu.memory_space<semaphore_mem>>, %arg12: memref<!tpu.dma_semaphore, #tpu.memory_space<semaphore_mem>>, %arg13: memref<!tpu.dma_semaphore, #tpu.memory_space<semaphore_mem>>, %arg14: memref<!tpu.dma_semaphore, #tpu.memory_space<semaphore_mem>>, %arg15: memref<!tpu.dma_semaphore, #tpu.memory_space<semaphore_mem>>, %arg16: memref<!tpu.dma_semaphore, #tpu.memory_space<semaphore_mem>>, %arg17: memref<!tpu.dma_semaphore, #tpu.memory_space<semaphore_mem>>, %arg18: memref<!tpu.dma_semaphore, #tpu.memory_space<semaphore_mem>>, %arg19: memref<10240x128xf32, #tpu.memory_space<vmem_shared>>) attributes {dimension_semantics = [#tpu.dimension_semantics<core_parallel>, #tpu.dimension_semantics<subcore_parallel>], iteration_bounds = array<i64: 2, 16>, scalar_prefetch = 0 : i64, scratch_operands = 13 : i64, tpu.core_type = #tpu.core_type<sc_vector_subcore>, window_params = [{transform_indices = #map}, {transform_indices = #map}, {transform_indices = #map1}, {transform_indices = #map1}, {transform_indices = #map2}]} {
    %mul3A = arith.constant 2 : i32
    %mul3A_0 = arith.muli %arg1, %mul3A : i32
    %add3A = arith.addi %mul3A_0, %arg0 : i32
    %mul3A_1 = arith.constant 80 : i32
    %mul3A_2 = arith.muli %add3A, %mul3A_1 : i32
    %mul3A_3 = arith.constant 128 : i32
    %mul3A_4 = arith.muli %mul3A_2, %mul3A_3 : i32
    %add3A_5 = arith.constant 0 : i32
    %add3A_6 = arith.addi %mul3A_4, %add3A_5 : i32
    %dma_start3A = arith.constant 0 : i32
    %dma_start3A_7 = arith.constant 0 : i32
    %dma_start3A_8 = tpu.memref_slice %arg7[%dma_start3A, %dma_start3A_7] : memref<4x128xi32, #tpu.memory_space<vmem>> -> memref<1x128xi32, #tpu.memory_space<vmem>>
    %dma_start3A_9 = tpu.memref_squeeze %dma_start3A_8 : memref<1x128xi32, #tpu.memory_space<vmem>> -> memref<128xi32, #tpu.memory_space<vmem>>
    %dma_start3A_10 = tpu.memref_slice %arg2[%add3A_6] : memref<327680xi32, #tpu.memory_space<hbm>> -> memref<128xi32, #tpu.memory_space<hbm>>
    %dma_start3A_11 = arith.constant 0 : i32
    %dma_start3A_12 = tpu.memref_slice %arg7[%dma_start3A, %dma_start3A_11] : memref<4x128xi32, #tpu.memory_space<vmem>> -> memref<1x128xi32, #tpu.memory_space<vmem>>
    %dma_start3A_13 = tpu.memref_squeeze %dma_start3A_12 : memref<1x128xi32, #tpu.memory_space<vmem>> -> memref<128xi32, #tpu.memory_space<vmem>>
    %dma_start3A_14 = tpu.memref_slice %arg2[%add3A_6] : memref<327680xi32, #tpu.memory_space<hbm>> -> memref<128xi32, #tpu.memory_space<hbm>>
    tpu.enqueue_dma source(%dma_start3A_14 : memref<128xi32, #tpu.memory_space<hbm>>) target(%dma_start3A_13 : memref<128xi32, #tpu.memory_space<vmem>>) target_semaphore(%arg11 : memref<!tpu.dma_semaphore, #tpu.memory_space<semaphore_mem>>)
    %dma_start3A_15 = arith.constant 0 : i32
    %dma_start3A_16 = arith.constant 0 : i32
    %dma_start3A_17 = tpu.memref_slice %arg8[%dma_start3A_15, %dma_start3A_16] : memref<4x128xi32, #tpu.memory_space<vmem>> -> memref<1x128xi32, #tpu.memory_space<vmem>>
    %dma_start3A_18 = tpu.memref_squeeze %dma_start3A_17 : memref<1x128xi32, #tpu.memory_space<vmem>> -> memref<128xi32, #tpu.memory_space<vmem>>
    %dma_start3A_19 = tpu.memref_slice %arg3[%add3A_6] : memref<327680xi32, #tpu.memory_space<hbm>> -> memref<128xi32, #tpu.memory_space<hbm>>
    %dma_start3A_20 = arith.constant 0 : i32
    %dma_start3A_21 = tpu.memref_slice %arg8[%dma_start3A_15, %dma_start3A_20] : memref<4x128xi32, #tpu.memory_space<vmem>> -> memref<1x128xi32, #tpu.memory_space<vmem>>
    %dma_start3A_22 = tpu.memref_squeeze %dma_start3A_21 : memref<1x128xi32, #tpu.memory_space<vmem>> -> memref<128xi32, #tpu.memory_space<vmem>>
    %dma_start3A_23 = tpu.memref_slice %arg3[%add3A_6] : memref<327680xi32, #tpu.memory_space<hbm>> -> memref<128xi32, #tpu.memory_space<hbm>>
    tpu.enqueue_dma source(%dma_start3A_23 : memref<128xi32, #tpu.memory_space<hbm>>) target(%dma_start3A_22 : memref<128xi32, #tpu.memory_space<vmem>>) target_semaphore(%arg11 : memref<!tpu.dma_semaphore, #tpu.memory_space<semaphore_mem>>)
    %add3A_24 = arith.constant 128 : i32
    %add3A_25 = arith.addi %mul3A_4, %add3A_24 : i32
    %dma_start3A_26 = arith.constant 1 : i32
    %dma_start3A_27 = arith.constant 0 : i32
    %dma_start3A_28 = tpu.memref_slice %arg7[%dma_start3A_26, %dma_start3A_27] : memref<4x128xi32, #tpu.memory_space<vmem>> -> memref<1x128xi32, #tpu.memory_space<vmem>>
    %dma_start3A_29 = tpu.memref_squeeze %dma_start3A_28 : memref<1x128xi32, #tpu.memory_space<vmem>> -> memref<128xi32, #tpu.memory_space<vmem>>
    %dma_start3A_30 = tpu.memref_slice %arg2[%add3A_25] : memref<327680xi32, #tpu.memory_space<hbm>> -> memref<128xi32, #tpu.memory_space<hbm>>
    %dma_start3A_31 = arith.constant 0 : i32
    %dma_start3A_32 = tpu.memref_slice %arg7[%dma_start3A_26, %dma_start3A_31] : memref<4x128xi32, #tpu.memory_space<vmem>> -> memref<1x128xi32, #tpu.memory_space<vmem>>
    %dma_start3A_33 = tpu.memref_squeeze %dma_start3A_32 : memref<1x128xi32, #tpu.memory_space<vmem>> -> memref<128xi32, #tpu.memory_space<vmem>>
    %dma_start3A_34 = tpu.memref_slice %arg2[%add3A_25] : memref<327680xi32, #tpu.memory_space<hbm>> -> memref<128xi32, #tpu.memory_space<hbm>>
    tpu.enqueue_dma source(%dma_start3A_34 : memref<128xi32, #tpu.memory_space<hbm>>) target(%dma_start3A_33 : memref<128xi32, #tpu.memory_space<vmem>>) target_semaphore(%arg12 : memref<!tpu.dma_semaphore, #tpu.memory_space<semaphore_mem>>)
    %dma_start3A_35 = arith.constant 1 : i32
    %dma_start3A_36 = arith.constant 0 : i32
    %dma_start3A_37 = tpu.memref_slice %arg8[%dma_start3A_35, %dma_start3A_36] : memref<4x128xi32, #tpu.memory_space<vmem>> -> memref<1x128xi32, #tpu.memory_space<vmem>>
    %dma_start3A_38 = tpu.memref_squeeze %dma_start3A_37 : memref<1x128xi32, #tpu.memory_space<vmem>> -> memref<128xi32, #tpu.memory_space<vmem>>
    %dma_start3A_39 = tpu.memref_slice %arg3[%add3A_25] : memref<327680xi32, #tpu.memory_space<hbm>> -> memref<128xi32, #tpu.memory_space<hbm>>
    %dma_start3A_40 = arith.constant 0 : i32
    %dma_start3A_41 = tpu.memref_slice %arg8[%dma_start3A_35, %dma_start3A_40] : memref<4x128xi32, #tpu.memory_space<vmem>> -> memref<1x128xi32, #tpu.memory_space<vmem>>
    %dma_start3A_42 = tpu.memref_squeeze %dma_start3A_41 : memref<1x128xi32, #tpu.memory_space<vmem>> -> memref<128xi32, #tpu.memory_space<vmem>>
    %dma_start3A_43 = tpu.memref_slice %arg3[%add3A_25] : memref<327680xi32, #tpu.memory_space<hbm>> -> memref<128xi32, #tpu.memory_space<hbm>>
    tpu.enqueue_dma source(%dma_start3A_43 : memref<128xi32, #tpu.memory_space<hbm>>) target(%dma_start3A_42 : memref<128xi32, #tpu.memory_space<vmem>>) target_semaphore(%arg12 : memref<!tpu.dma_semaphore, #tpu.memory_space<semaphore_mem>>)
    %add3A_44 = arith.constant 256 : i32
    %add3A_45 = arith.addi %mul3A_4, %add3A_44 : i32
    %dma_start3A_46 = arith.constant 2 : i32
    %dma_start3A_47 = arith.constant 0 : i32
    %dma_start3A_48 = tpu.memref_slice %arg7[%dma_start3A_46, %dma_start3A_47] : memref<4x128xi32, #tpu.memory_space<vmem>> -> memref<1x128xi32, #tpu.memory_space<vmem>>
    %dma_start3A_49 = tpu.memref_squeeze %dma_start3A_48 : memref<1x128xi32, #tpu.memory_space<vmem>> -> memref<128xi32, #tpu.memory_space<vmem>>
    %dma_start3A_50 = tpu.memref_slice %arg2[%add3A_45] : memref<327680xi32, #tpu.memory_space<hbm>> -> memref<128xi32, #tpu.memory_space<hbm>>
    %dma_start3A_51 = arith.constant 0 : i32
    %dma_start3A_52 = tpu.memref_slice %arg7[%dma_start3A_46, %dma_start3A_51] : memref<4x128xi32, #tpu.memory_space<vmem>> -> memref<1x128xi32, #tpu.memory_space<vmem>>
    %dma_start3A_53 = tpu.memref_squeeze %dma_start3A_52 : memref<1x128xi32, #tpu.memory_space<vmem>> -> memref<128xi32, #tpu.memory_space<vmem>>
    %dma_start3A_54 = tpu.memref_slice %arg2[%add3A_45] : memref<327680xi32, #tpu.memory_space<hbm>> -> memref<128xi32, #tpu.memory_space<hbm>>
    tpu.enqueue_dma source(%dma_start3A_54 : memref<128xi32, #tpu.memory_space<hbm>>) target(%dma_start3A_53 : memref<128xi32, #tpu.memory_space<vmem>>) target_semaphore(%arg13 : memref<!tpu.dma_semaphore, #tpu.memory_space<semaphore_mem>>)
    %dma_start3A_55 = arith.constant 2 : i32
    %dma_start3A_56 = arith.constant 0 : i32
    %dma_start3A_57 = tpu.memref_slice %arg8[%dma_start3A_55, %dma_start3A_56] : memref<4x128xi32, #tpu.memory_space<vmem>> -> memref<1x128xi32, #tpu.memory_space<vmem>>
    %dma_start3A_58 = tpu.memref_squeeze %dma_start3A_57 : memref<1x128xi32, #tpu.memory_space<vmem>> -> memref<128xi32, #tpu.memory_space<vmem>>
    %dma_start3A_59 = tpu.memref_slice %arg3[%add3A_45] : memref<327680xi32, #tpu.memory_space<hbm>> -> memref<128xi32, #tpu.memory_space<hbm>>
    %dma_start3A_60 = arith.constant 0 : i32
    %dma_start3A_61 = tpu.memref_slice %arg8[%dma_start3A_55, %dma_start3A_60] : memref<4x128xi32, #tpu.memory_space<vmem>> -> memref<1x128xi32, #tpu.memory_space<vmem>>
    %dma_start3A_62 = tpu.memref_squeeze %dma_start3A_61 : memref<1x128xi32, #tpu.memory_space<vmem>> -> memref<128xi32, #tpu.memory_space<vmem>>
    %dma_start3A_63 = tpu.memref_slice %arg3[%add3A_45] : memref<327680xi32, #tpu.memory_space<hbm>> -> memref<128xi32, #tpu.memory_space<hbm>>
    tpu.enqueue_dma source(%dma_start3A_63 : memref<128xi32, #tpu.memory_space<hbm>>) target(%dma_start3A_62 : memref<128xi32, #tpu.memory_space<vmem>>) target_semaphore(%arg13 : memref<!tpu.dma_semaphore, #tpu.memory_space<semaphore_mem>>)
    %add3A_64 = arith.constant 384 : i32
    %add3A_65 = arith.addi %mul3A_4, %add3A_64 : i32
    %dma_start3A_66 = arith.constant 3 : i32
    %dma_start3A_67 = arith.constant 0 : i32
    %dma_start3A_68 = tpu.memref_slice %arg7[%dma_start3A_66, %dma_start3A_67] : memref<4x128xi32, #tpu.memory_space<vmem>> -> memref<1x128xi32, #tpu.memory_space<vmem>>
    %dma_start3A_69 = tpu.memref_squeeze %dma_start3A_68 : memref<1x128xi32, #tpu.memory_space<vmem>> -> memref<128xi32, #tpu.memory_space<vmem>>
    %dma_start3A_70 = tpu.memref_slice %arg2[%add3A_65] : memref<327680xi32, #tpu.memory_space<hbm>> -> memref<128xi32, #tpu.memory_space<hbm>>
    %dma_start3A_71 = arith.constant 0 : i32
    %dma_start3A_72 = tpu.memref_slice %arg7[%dma_start3A_66, %dma_start3A_71] : memref<4x128xi32, #tpu.memory_space<vmem>> -> memref<1x128xi32, #tpu.memory_space<vmem>>
    %dma_start3A_73 = tpu.memref_squeeze %dma_start3A_72 : memref<1x128xi32, #tpu.memory_space<vmem>> -> memref<128xi32, #tpu.memory_space<vmem>>
    %dma_start3A_74 = tpu.memref_slice %arg2[%add3A_65] : memref<327680xi32, #tpu.memory_space<hbm>> -> memref<128xi32, #tpu.memory_space<hbm>>
    tpu.enqueue_dma source(%dma_start3A_74 : memref<128xi32, #tpu.memory_space<hbm>>) target(%dma_start3A_73 : memref<128xi32, #tpu.memory_space<vmem>>) target_semaphore(%arg14 : memref<!tpu.dma_semaphore, #tpu.memory_space<semaphore_mem>>)
    %dma_start3A_75 = arith.constant 3 : i32
    %dma_start3A_76 = arith.constant 0 : i32
    %dma_start3A_77 = tpu.memref_slice %arg8[%dma_start3A_75, %dma_start3A_76] : memref<4x128xi32, #tpu.memory_space<vmem>> -> memref<1x128xi32, #tpu.memory_space<vmem>>
    %dma_start3A_78 = tpu.memref_squeeze %dma_start3A_77 : memref<1x128xi32, #tpu.memory_space<vmem>> -> memref<128xi32, #tpu.memory_space<vmem>>
    %dma_start3A_79 = tpu.memref_slice %arg3[%add3A_65] : memref<327680xi32, #tpu.memory_space<hbm>> -> memref<128xi32, #tpu.memory_space<hbm>>
    %dma_start3A_80 = arith.constant 0 : i32
    %dma_start3A_81 = tpu.memref_slice %arg8[%dma_start3A_75, %dma_start3A_80] : memref<4x128xi32, #tpu.memory_space<vmem>> -> memref<1x128xi32, #tpu.memory_space<vmem>>
    %dma_start3A_82 = tpu.memref_squeeze %dma_start3A_81 : memref<1x128xi32, #tpu.memory_space<vmem>> -> memref<128xi32, #tpu.memory_space<vmem>>
    %dma_start3A_83 = tpu.memref_slice %arg3[%add3A_65] : memref<327680xi32, #tpu.memory_space<hbm>> -> memref<128xi32, #tpu.memory_space<hbm>>
    tpu.enqueue_dma source(%dma_start3A_83 : memref<128xi32, #tpu.memory_space<hbm>>) target(%dma_start3A_82 : memref<128xi32, #tpu.memory_space<vmem>>) target_semaphore(%arg14 : memref<!tpu.dma_semaphore, #tpu.memory_space<semaphore_mem>>)
    "tpu.region"() ({
      %run_scoped3A = tpu.sem_alloc : memref<!tpu.dma_semaphore, #tpu.memory_space<semaphore_mem>>
      tpu.enqueue_dma source(%arg5 : memref<128x128xf32, #tpu.memory_space<hbm>>) target(%arg9 : memref<128x128xf32, #tpu.memory_space<vmem>>) target_semaphore(%run_scoped3A : memref<!tpu.dma_semaphore, #tpu.memory_space<semaphore_mem>>)
      tpu.wait_dma2 semaphore(%run_scoped3A : memref<!tpu.dma_semaphore, #tpu.memory_space<semaphore_mem>>) src(%arg5 : memref<128x128xf32, #tpu.memory_space<hbm>>) dst(%arg9 : memref<128x128xf32, #tpu.memory_space<vmem>>)
      tpu.yield
    }) : () -> ()
    %mul3A_84 = arith.constant 640 : i32
    %mul3A_85 = arith.muli %arg1, %mul3A_84 : i32
    %add3A_86 = arith.constant 0 : i32
    %add3A_87 = arith.addi %mul3A_85, %add3A_86 : i32
    "tpu.region"() ({
      %run_scoped3A = tpu.sem_alloc : memref<!tpu.dma_semaphore, #tpu.memory_space<semaphore_mem>>
      %dma_start3A_112 = arith.constant 0 : i32
      %dma_start3A_113 = tpu.memref_slice %arg19[%add3A_87, %dma_start3A_112] : memref<10240x128xf32, #tpu.memory_space<vmem_shared>> -> memref<128x128xf32, #tpu.memory_space<vmem_shared>>
      %dma_start3A_114 = arith.constant 0 : i32
      %dma_start3A_115 = tpu.memref_slice %arg19[%add3A_87, %dma_start3A_114] : memref<10240x128xf32, #tpu.memory_space<vmem_shared>> -> memref<128x128xf32, #tpu.memory_space<vmem_shared>>
      tpu.enqueue_dma source(%arg9 : memref<128x128xf32, #tpu.memory_space<vmem>>) target(%dma_start3A_115 : memref<128x128xf32, #tpu.memory_space<vmem_shared>>) target_semaphore(%run_scoped3A : memref<!tpu.dma_semaphore, #tpu.memory_space<semaphore_mem>>)
      %dma_wait3A = arith.constant 0 : i32
      %dma_wait3A_116 = tpu.memref_slice %arg19[%add3A_87, %dma_wait3A] : memref<10240x128xf32, #tpu.memory_space<vmem_shared>> -> memref<128x128xf32, #tpu.memory_space<vmem_shared>>
      %dma_wait3A_117 = arith.constant 0 : i32
      %dma_wait3A_118 = tpu.memref_slice %arg19[%add3A_87, %dma_wait3A_117] : memref<10240x128xf32, #tpu.memory_space<vmem_shared>> -> memref<128x128xf32, #tpu.memory_space<vmem_shared>>
      tpu.wait_dma2 semaphore(%run_scoped3A : memref<!tpu.dma_semaphore, #tpu.memory_space<semaphore_mem>>) src(%arg9 : memref<128x128xf32, #tpu.memory_space<vmem>>) dst(%dma_wait3A_118 : memref<128x128xf32, #tpu.memory_space<vmem_shared>>)
      tpu.yield
    }) : () -> ()
    %add3A_88 = arith.constant 128 : i32
    %add3A_89 = arith.addi %mul3A_85, %add3A_88 : i32
    "tpu.region"() ({
      %run_scoped3A = tpu.sem_alloc : memref<!tpu.dma_semaphore, #tpu.memory_space<semaphore_mem>>
      %dma_start3A_112 = arith.constant 0 : i32
      %dma_start3A_113 = tpu.memref_slice %arg19[%add3A_89, %dma_start3A_112] : memref<10240x128xf32, #tpu.memory_space<vmem_shared>> -> memref<128x128xf32, #tpu.memory_space<vmem_shared>>
      %dma_start3A_114 = arith.constant 0 : i32
      %dma_start3A_115 = tpu.memref_slice %arg19[%add3A_89, %dma_start3A_114] : memref<10240x128xf32, #tpu.memory_space<vmem_shared>> -> memref<128x128xf32, #tpu.memory_space<vmem_shared>>
      tpu.enqueue_dma source(%arg9 : memref<128x128xf32, #tpu.memory_space<vmem>>) target(%dma_start3A_115 : memref<128x128xf32, #tpu.memory_space<vmem_shared>>) target_semaphore(%run_scoped3A : memref<!tpu.dma_semaphore, #tpu.memory_space<semaphore_mem>>)
      %dma_wait3A = arith.constant 0 : i32
      %dma_wait3A_116 = tpu.memref_slice %arg19[%add3A_89, %dma_wait3A] : memref<10240x128xf32, #tpu.memory_space<vmem_shared>> -> memref<128x128xf32, #tpu.memory_space<vmem_shared>>
      %dma_wait3A_117 = arith.constant 0 : i32
      %dma_wait3A_118 = tpu.memref_slice %arg19[%add3A_89, %dma_wait3A_117] : memref<10240x128xf32, #tpu.memory_space<vmem_shared>> -> memref<128x128xf32, #tpu.memory_space<vmem_shared>>
      tpu.wait_dma2 semaphore(%run_scoped3A : memref<!tpu.dma_semaphore, #tpu.memory_space<semaphore_mem>>) src(%arg9 : memref<128x128xf32, #tpu.memory_space<vmem>>) dst(%dma_wait3A_118 : memref<128x128xf32, #tpu.memory_space<vmem_shared>>)
      tpu.yield
    }) : () -> ()
    %add3A_90 = arith.constant 256 : i32
    %add3A_91 = arith.addi %mul3A_85, %add3A_90 : i32
    "tpu.region"() ({
      %run_scoped3A = tpu.sem_alloc : memref<!tpu.dma_semaphore, #tpu.memory_space<semaphore_mem>>
      %dma_start3A_112 = arith.constant 0 : i32
      %dma_start3A_113 = tpu.memref_slice %arg19[%add3A_91, %dma_start3A_112] : memref<10240x128xf32, #tpu.memory_space<vmem_shared>> -> memref<128x128xf32, #tpu.memory_space<vmem_shared>>
      %dma_start3A_114 = arith.constant 0 : i32
      %dma_start3A_115 = tpu.memref_slice %arg19[%add3A_91, %dma_start3A_114] : memref<10240x128xf32, #tpu.memory_space<vmem_shared>> -> memref<128x128xf32, #tpu.memory_space<vmem_shared>>
      tpu.enqueue_dma source(%arg9 : memref<128x128xf32, #tpu.memory_space<vmem>>) target(%dma_start3A_115 : memref<128x128xf32, #tpu.memory_space<vmem_shared>>) target_semaphore(%run_scoped3A : memref<!tpu.dma_semaphore, #tpu.memory_space<semaphore_mem>>)
      %dma_wait3A = arith.constant 0 : i32
      %dma_wait3A_116 = tpu.memref_slice %arg19[%add3A_91, %dma_wait3A] : memref<10240x128xf32, #tpu.memory_space<vmem_shared>> -> memref<128x128xf32, #tpu.memory_space<vmem_shared>>
      %dma_wait3A_117 = arith.constant 0 : i32
      %dma_wait3A_118 = tpu.memref_slice %arg19[%add3A_91, %dma_wait3A_117] : memref<10240x128xf32, #tpu.memory_space<vmem_shared>> -> memref<128x128xf32, #tpu.memory_space<vmem_shared>>
      tpu.wait_dma2 semaphore(%run_scoped3A : memref<!tpu.dma_semaphore, #tpu.memory_space<semaphore_mem>>) src(%arg9 : memref<128x128xf32, #tpu.memory_space<vmem>>) dst(%dma_wait3A_118 : memref<128x128xf32, #tpu.memory_space<vmem_shared>>)
      tpu.yield
    }) : () -> ()
    %add3A_92 = arith.constant 384 : i32
    %add3A_93 = arith.addi %mul3A_85, %add3A_92 : i32
    "tpu.region"() ({
      %run_scoped3A = tpu.sem_alloc : memref<!tpu.dma_semaphore, #tpu.memory_space<semaphore_mem>>
      %dma_start3A_112 = arith.constant 0 : i32
      %dma_start3A_113 = tpu.memref_slice %arg19[%add3A_93, %dma_start3A_112] : memref<10240x128xf32, #tpu.memory_space<vmem_shared>> -> memref<128x128xf32, #tpu.memory_space<vmem_shared>>
      %dma_start3A_114 = arith.constant 0 : i32
      %dma_start3A_115 = tpu.memref_slice %arg19[%add3A_93, %dma_start3A_114] : memref<10240x128xf32, #tpu.memory_space<vmem_shared>> -> memref<128x128xf32, #tpu.memory_space<vmem_shared>>
      tpu.enqueue_dma source(%arg9 : memref<128x128xf32, #tpu.memory_space<vmem>>) target(%dma_start3A_115 : memref<128x128xf32, #tpu.memory_space<vmem_shared>>) target_semaphore(%run_scoped3A : memref<!tpu.dma_semaphore, #tpu.memory_space<semaphore_mem>>)
      %dma_wait3A = arith.constant 0 : i32
      %dma_wait3A_116 = tpu.memref_slice %arg19[%add3A_93, %dma_wait3A] : memref<10240x128xf32, #tpu.memory_space<vmem_shared>> -> memref<128x128xf32, #tpu.memory_space<vmem_shared>>
      %dma_wait3A_117 = arith.constant 0 : i32
      %dma_wait3A_118 = tpu.memref_slice %arg19[%add3A_93, %dma_wait3A_117] : memref<10240x128xf32, #tpu.memory_space<vmem_shared>> -> memref<128x128xf32, #tpu.memory_space<vmem_shared>>
      tpu.wait_dma2 semaphore(%run_scoped3A : memref<!tpu.dma_semaphore, #tpu.memory_space<semaphore_mem>>) src(%arg9 : memref<128x128xf32, #tpu.memory_space<vmem>>) dst(%dma_wait3A_118 : memref<128x128xf32, #tpu.memory_space<vmem_shared>>)
      tpu.yield
    }) : () -> ()
    %add3A_94 = arith.constant 512 : i32
    %add3A_95 = arith.addi %mul3A_85, %add3A_94 : i32
    "tpu.region"() ({
      %run_scoped3A = tpu.sem_alloc : memref<!tpu.dma_semaphore, #tpu.memory_space<semaphore_mem>>
      %dma_start3A_112 = arith.constant 0 : i32
      %dma_start3A_113 = tpu.memref_slice %arg19[%add3A_95, %dma_start3A_112] : memref<10240x128xf32, #tpu.memory_space<vmem_shared>> -> memref<128x128xf32, #tpu.memory_space<vmem_shared>>
      %dma_start3A_114 = arith.constant 0 : i32
      %dma_start3A_115 = tpu.memref_slice %arg19[%add3A_95, %dma_start3A_114] : memref<10240x128xf32, #tpu.memory_space<vmem_shared>> -> memref<128x128xf32, #tpu.memory_space<vmem_shared>>
      tpu.enqueue_dma source(%arg9 : memref<128x128xf32, #tpu.memory_space<vmem>>) target(%dma_start3A_115 : memref<128x128xf32, #tpu.memory_space<vmem_shared>>) target_semaphore(%run_scoped3A : memref<!tpu.dma_semaphore, #tpu.memory_space<semaphore_mem>>)
      %dma_wait3A = arith.constant 0 : i32
      %dma_wait3A_116 = tpu.memref_slice %arg19[%add3A_95, %dma_wait3A] : memref<10240x128xf32, #tpu.memory_space<vmem_shared>> -> memref<128x128xf32, #tpu.memory_space<vmem_shared>>
      %dma_wait3A_117 = arith.constant 0 : i32
      %dma_wait3A_118 = tpu.memref_slice %arg19[%add3A_95, %dma_wait3A_117] : memref<10240x128xf32, #tpu.memory_space<vmem_shared>> -> memref<128x128xf32, #tpu.memory_space<vmem_shared>>
      tpu.wait_dma2 semaphore(%run_scoped3A : memref<!tpu.dma_semaphore, #tpu.memory_space<semaphore_mem>>) src(%arg9 : memref<128x128xf32, #tpu.memory_space<vmem>>) dst(%dma_wait3A_118 : memref<128x128xf32, #tpu.memory_space<vmem_shared>>)
      tpu.yield
    }) : () -> ()
    %barrier3A = arith.constant 0 : index
    tpu.barrier barrier_id(%barrier3A)
    %scan3A = arith.constant 0 : i32
    %scan3A_96 = arith.constant 0 : i32
    %scan3A_97 = arith.constant 20 : i32
    %scan3A_98 = arith.addi %scan3A_96, %scan3A_97 : i32
    %scan3A_99 = arith.constant 1 : i32
    scf.for %scan3A_112 = %scan3A_96 to %scan3A_98 step %scan3A_99  : i32 {
      %mul3A_113 = arith.constant 4 : i32
      %mul3A_114 = arith.muli %mul3A_113, %scan3A_112 : i32
      %dma_wait3A = arith.constant 0 : i32
      %dma_wait3A_115 = arith.constant 0 : i32
      %dma_wait3A_116 = tpu.memref_slice %arg7[%dma_wait3A, %dma_wait3A_115] : memref<4x128xi32, #tpu.memory_space<vmem>> -> memref<1x128xi32, #tpu.memory_space<vmem>>
      %dma_wait3A_117 = tpu.memref_squeeze %dma_wait3A_116 : memref<1x128xi32, #tpu.memory_space<vmem>> -> memref<128xi32, #tpu.memory_space<vmem>>
      %dma_wait3A_118 = tpu.memref_slice %arg2[%mul3A_4] : memref<327680xi32, #tpu.memory_space<hbm>> -> memref<128xi32, #tpu.memory_space<hbm>>
      %dma_wait3A_119 = arith.constant 0 : i32
      %dma_wait3A_120 = tpu.memref_slice %arg7[%dma_wait3A, %dma_wait3A_119] : memref<4x128xi32, #tpu.memory_space<vmem>> -> memref<1x128xi32, #tpu.memory_space<vmem>>
      %dma_wait3A_121 = tpu.memref_squeeze %dma_wait3A_120 : memref<1x128xi32, #tpu.memory_space<vmem>> -> memref<128xi32, #tpu.memory_space<vmem>>
      %dma_wait3A_122 = tpu.memref_slice %arg2[%mul3A_4] : memref<327680xi32, #tpu.memory_space<hbm>> -> memref<128xi32, #tpu.memory_space<hbm>>
      tpu.wait_dma2 semaphore(%arg11 : memref<!tpu.dma_semaphore, #tpu.memory_space<semaphore_mem>>) src(%dma_wait3A_122 : memref<128xi32, #tpu.memory_space<hbm>>) dst(%dma_wait3A_121 : memref<128xi32, #tpu.memory_space<vmem>>)
      %dma_wait3A_123 = arith.constant 0 : i32
      %dma_wait3A_124 = arith.constant 0 : i32
      %dma_wait3A_125 = tpu.memref_slice %arg8[%dma_wait3A_123, %dma_wait3A_124] : memref<4x128xi32, #tpu.memory_space<vmem>> -> memref<1x128xi32, #tpu.memory_space<vmem>>
      %dma_wait3A_126 = tpu.memref_squeeze %dma_wait3A_125 : memref<1x128xi32, #tpu.memory_space<vmem>> -> memref<128xi32, #tpu.memory_space<vmem>>
      %dma_wait3A_127 = tpu.memref_slice %arg3[%mul3A_4] : memref<327680xi32, #tpu.memory_space<hbm>> -> memref<128xi32, #tpu.memory_space<hbm>>
      %dma_wait3A_128 = arith.constant 0 : i32
      %dma_wait3A_129 = tpu.memref_slice %arg8[%dma_wait3A_123, %dma_wait3A_128] : memref<4x128xi32, #tpu.memory_space<vmem>> -> memref<1x128xi32, #tpu.memory_space<vmem>>
      %dma_wait3A_130 = tpu.memref_squeeze %dma_wait3A_129 : memref<1x128xi32, #tpu.memory_space<vmem>> -> memref<128xi32, #tpu.memory_space<vmem>>
      %dma_wait3A_131 = tpu.memref_slice %arg3[%mul3A_4] : memref<327680xi32, #tpu.memory_space<hbm>> -> memref<128xi32, #tpu.memory_space<hbm>>
      tpu.wait_dma2 semaphore(%arg11 : memref<!tpu.dma_semaphore, #tpu.memory_space<semaphore_mem>>) src(%dma_wait3A_131 : memref<128xi32, #tpu.memory_space<hbm>>) dst(%dma_wait3A_130 : memref<128xi32, #tpu.memory_space<vmem>>)
      %dma_start3A_132 = arith.constant 0 : i32
      %dma_start3A_133 = arith.constant 0 : i32
      %dma_start3A_134 = tpu.memref_slice %arg7[%dma_start3A_132, %dma_start3A_133] : memref<4x128xi32, #tpu.memory_space<vmem>> -> memref<1x128xi32, #tpu.memory_space<vmem>>
      %dma_start3A_135 = tpu.memref_squeeze %dma_start3A_134 : memref<1x128xi32, #tpu.memory_space<vmem>> -> memref<128xi32, #tpu.memory_space<vmem>>
      %dma_start3A_136 = arith.constant 0 : i32
      %dma_start3A_137 = arith.constant 0 : i32
      %dma_start3A_138 = tpu.memref_slice %arg4[%dma_start3A_136, %dma_start3A_137] : memref<10000x128xf32, #tpu.memory_space<hbm>> -> memref<10000x128xf32, #tpu.memory_space<hbm>>
      tpu.enqueue_indirect_dma source(%dma_start3A_138 : memref<10000x128xf32, #tpu.memory_space<hbm>>) target(%arg9 : memref<128x128xf32, #tpu.memory_space<vmem>>) offsets(%dma_start3A_135 : memref<128xi32, #tpu.memory_space<vmem>>) semaphore(%arg15 : memref<!tpu.dma_semaphore, #tpu.memory_space<semaphore_mem>>)
      %dma_wait3A_139 = arith.constant 1 : i32
      %dma_wait3A_140 = arith.constant 0 : i32
      %dma_wait3A_141 = tpu.memref_slice %arg7[%dma_wait3A_139, %dma_wait3A_140] : memref<4x128xi32, #tpu.memory_space<vmem>> -> memref<1x128xi32, #tpu.memory_space<vmem>>
      %dma_wait3A_142 = tpu.memref_squeeze %dma_wait3A_141 : memref<1x128xi32, #tpu.memory_space<vmem>> -> memref<128xi32, #tpu.memory_space<vmem>>
      %dma_wait3A_143 = tpu.memref_slice %arg2[%mul3A_4] : memref<327680xi32, #tpu.memory_space<hbm>> -> memref<128xi32, #tpu.memory_space<hbm>>
      %dma_wait3A_144 = arith.constant 0 : i32
      %dma_wait3A_145 = tpu.memref_slice %arg7[%dma_wait3A_139, %dma_wait3A_144] : memref<4x128xi32, #tpu.memory_space<vmem>> -> memref<1x128xi32, #tpu.memory_space<vmem>>
      %dma_wait3A_146 = tpu.memref_squeeze %dma_wait3A_145 : memref<1x128xi32, #tpu.memory_space<vmem>> -> memref<128xi32, #tpu.memory_space<vmem>>
      %dma_wait3A_147 = tpu.memref_slice %arg2[%mul3A_4] : memref<327680xi32, #tpu.memory_space<hbm>> -> memref<128xi32, #tpu.memory_space<hbm>>
      tpu.wait_dma2 semaphore(%arg12 : memref<!tpu.dma_semaphore, #tpu.memory_space<semaphore_mem>>) src(%dma_wait3A_147 : memref<128xi32, #tpu.memory_space<hbm>>) dst(%dma_wait3A_146 : memref<128xi32, #tpu.memory_space<vmem>>)
      %dma_wait3A_148 = arith.constant 1 : i32
      %dma_wait3A_149 = arith.constant 0 : i32
      %dma_wait3A_150 = tpu.memref_slice %arg8[%dma_wait3A_148, %dma_wait3A_149] : memref<4x128xi32, #tpu.memory_space<vmem>> -> memref<1x128xi32, #tpu.memory_space<vmem>>
      %dma_wait3A_151 = tpu.memref_squeeze %dma_wait3A_150 : memref<1x128xi32, #tpu.memory_space<vmem>> -> memref<128xi32, #tpu.memory_space<vmem>>
      %dma_wait3A_152 = tpu.memref_slice %arg3[%mul3A_4] : memref<327680xi32, #tpu.memory_space<hbm>> -> memref<128xi32, #tpu.memory_space<hbm>>
      %dma_wait3A_153 = arith.constant 0 : i32
      %dma_wait3A_154 = tpu.memref_slice %arg8[%dma_wait3A_148, %dma_wait3A_153] : memref<4x128xi32, #tpu.memory_space<vmem>> -> memref<1x128xi32, #tpu.memory_space<vmem>>
      %dma_wait3A_155 = tpu.memref_squeeze %dma_wait3A_154 : memref<1x128xi32, #tpu.memory_space<vmem>> -> memref<128xi32, #tpu.memory_space<vmem>>
      %dma_wait3A_156 = tpu.memref_slice %arg3[%mul3A_4] : memref<327680xi32, #tpu.memory_space<hbm>> -> memref<128xi32, #tpu.memory_space<hbm>>
      tpu.wait_dma2 semaphore(%arg12 : memref<!tpu.dma_semaphore, #tpu.memory_space<semaphore_mem>>) src(%dma_wait3A_156 : memref<128xi32, #tpu.memory_space<hbm>>) dst(%dma_wait3A_155 : memref<128xi32, #tpu.memory_space<vmem>>)
      %dma_start3A_157 = arith.constant 1 : i32
      %dma_start3A_158 = arith.constant 0 : i32
      %dma_start3A_159 = tpu.memref_slice %arg7[%dma_start3A_157, %dma_start3A_158] : memref<4x128xi32, #tpu.memory_space<vmem>> -> memref<1x128xi32, #tpu.memory_space<vmem>>
      %dma_start3A_160 = tpu.memref_squeeze %dma_start3A_159 : memref<1x128xi32, #tpu.memory_space<vmem>> -> memref<128xi32, #tpu.memory_space<vmem>>
      %dma_start3A_161 = arith.constant 0 : i32
      %dma_start3A_162 = arith.constant 0 : i32
      %dma_start3A_163 = tpu.memref_slice %arg4[%dma_start3A_161, %dma_start3A_162] : memref<10000x128xf32, #tpu.memory_space<hbm>> -> memref<10000x128xf32, #tpu.memory_space<hbm>>
      tpu.enqueue_indirect_dma source(%dma_start3A_163 : memref<10000x128xf32, #tpu.memory_space<hbm>>) target(%arg10 : memref<128x128xf32, #tpu.memory_space<vmem>>) offsets(%dma_start3A_160 : memref<128xi32, #tpu.memory_space<vmem>>) semaphore(%arg16 : memref<!tpu.dma_semaphore, #tpu.memory_space<semaphore_mem>>)
      %dma_wait3A_164 = arith.constant 0 : i32
      %dma_wait3A_165 = arith.constant 0 : i32
      %dma_wait3A_166 = tpu.memref_slice %arg7[%dma_wait3A_164, %dma_wait3A_165] : memref<4x128xi32, #tpu.memory_space<vmem>> -> memref<1x128xi32, #tpu.memory_space<vmem>>
      %dma_wait3A_167 = tpu.memref_squeeze %dma_wait3A_166 : memref<1x128xi32, #tpu.memory_space<vmem>> -> memref<128xi32, #tpu.memory_space<vmem>>
      %dma_wait3A_168 = arith.constant 0 : i32
      %dma_wait3A_169 = arith.constant 0 : i32
      %dma_wait3A_170 = tpu.memref_slice %arg4[%dma_wait3A_168, %dma_wait3A_169] : memref<10000x128xf32, #tpu.memory_space<hbm>> -> memref<10000x128xf32, #tpu.memory_space<hbm>>
      tpu.wait_indirect_dma semaphore(%arg15 : memref<!tpu.dma_semaphore, #tpu.memory_space<semaphore_mem>>) src(%dma_wait3A_170 : memref<10000x128xf32, #tpu.memory_space<hbm>>) dst(%arg9 : memref<128x128xf32, #tpu.memory_space<vmem>>)
      %dma_start3A_171 = arith.constant 0 : i32
      %dma_start3A_172 = arith.constant 0 : i32
      %dma_start3A_173 = tpu.memref_slice %arg8[%dma_start3A_171, %dma_start3A_172] : memref<4x128xi32, #tpu.memory_space<vmem>> -> memref<1x128xi32, #tpu.memory_space<vmem>>
      %dma_start3A_174 = tpu.memref_squeeze %dma_start3A_173 : memref<1x128xi32, #tpu.memory_space<vmem>> -> memref<128xi32, #tpu.memory_space<vmem>>
      %dma_start3A_175 = arith.constant 0 : i32
      %dma_start3A_176 = arith.constant 0 : i32
      %dma_start3A_177 = tpu.memref_slice %arg19[%dma_start3A_175, %dma_start3A_176] : memref<10240x128xf32, #tpu.memory_space<vmem_shared>> -> memref<10240x128xf32, #tpu.memory_space<vmem_shared>>
      tpu.enqueue_indirect_dma source(%arg9 : memref<128x128xf32, #tpu.memory_space<vmem>>) target(%dma_start3A_177 : memref<10240x128xf32, #tpu.memory_space<vmem_shared>>) offsets(%dma_start3A_174 : memref<128xi32, #tpu.memory_space<vmem>>) semaphore(%arg17 : memref<!tpu.dma_semaphore, #tpu.memory_space<semaphore_mem>>) {add = true}
      %dma_wait3A_178 = arith.constant 1 : i32
      %dma_wait3A_179 = arith.constant 0 : i32
      %dma_wait3A_180 = tpu.memref_slice %arg7[%dma_wait3A_178, %dma_wait3A_179] : memref<4x128xi32, #tpu.memory_space<vmem>> -> memref<1x128xi32, #tpu.memory_space<vmem>>
      %dma_wait3A_181 = tpu.memref_squeeze %dma_wait3A_180 : memref<1x128xi32, #tpu.memory_space<vmem>> -> memref<128xi32, #tpu.memory_space<vmem>>
      %dma_wait3A_182 = arith.constant 0 : i32
      %dma_wait3A_183 = arith.constant 0 : i32
      %dma_wait3A_184 = tpu.memref_slice %arg4[%dma_wait3A_182, %dma_wait3A_183] : memref<10000x128xf32, #tpu.memory_space<hbm>> -> memref<10000x128xf32, #tpu.memory_space<hbm>>
      tpu.wait_indirect_dma semaphore(%arg16 : memref<!tpu.dma_semaphore, #tpu.memory_space<semaphore_mem>>) src(%dma_wait3A_184 : memref<10000x128xf32, #tpu.memory_space<hbm>>) dst(%arg10 : memref<128x128xf32, #tpu.memory_space<vmem>>)
      %dma_start3A_185 = arith.constant 1 : i32
      %dma_start3A_186 = arith.constant 0 : i32
      %dma_start3A_187 = tpu.memref_slice %arg8[%dma_start3A_185, %dma_start3A_186] : memref<4x128xi32, #tpu.memory_space<vmem>> -> memref<1x128xi32, #tpu.memory_space<vmem>>
      %dma_start3A_188 = tpu.memref_squeeze %dma_start3A_187 : memref<1x128xi32, #tpu.memory_space<vmem>> -> memref<128xi32, #tpu.memory_space<vmem>>
      %dma_start3A_189 = arith.constant 0 : i32
      %dma_start3A_190 = arith.constant 0 : i32
      %dma_start3A_191 = tpu.memref_slice %arg19[%dma_start3A_189, %dma_start3A_190] : memref<10240x128xf32, #tpu.memory_space<vmem_shared>> -> memref<10240x128xf32, #tpu.memory_space<vmem_shared>>
      tpu.enqueue_indirect_dma source(%arg10 : memref<128x128xf32, #tpu.memory_space<vmem>>) target(%dma_start3A_191 : memref<10240x128xf32, #tpu.memory_space<vmem_shared>>) offsets(%dma_start3A_188 : memref<128xi32, #tpu.memory_space<vmem>>) semaphore(%arg18 : memref<!tpu.dma_semaphore, #tpu.memory_space<semaphore_mem>>) {add = true}
      %dma_wait3A_192 = arith.constant 0 : i32
      %dma_wait3A_193 = arith.constant 0 : i32
      %dma_wait3A_194 = tpu.memref_slice %arg8[%dma_wait3A_192, %dma_wait3A_193] : memref<4x128xi32, #tpu.memory_space<vmem>> -> memref<1x128xi32, #tpu.memory_space<vmem>>
      %dma_wait3A_195 = tpu.memref_squeeze %dma_wait3A_194 : memref<1x128xi32, #tpu.memory_space<vmem>> -> memref<128xi32, #tpu.memory_space<vmem>>
      %dma_wait3A_196 = arith.constant 0 : i32
      %dma_wait3A_197 = arith.constant 0 : i32
      %dma_wait3A_198 = tpu.memref_slice %arg19[%dma_wait3A_196, %dma_wait3A_197] : memref<10240x128xf32, #tpu.memory_space<vmem_shared>> -> memref<10240x128xf32, #tpu.memory_space<vmem_shared>>
      tpu.wait_indirect_dma semaphore(%arg17 : memref<!tpu.dma_semaphore, #tpu.memory_space<semaphore_mem>>) src(%arg9 : memref<128x128xf32, #tpu.memory_space<vmem>>) dst(%dma_wait3A_198 : memref<10240x128xf32, #tpu.memory_space<vmem_shared>>)
      %add3A_199 = arith.constant 4 : i32
      %add3A_200 = arith.addi %mul3A_114, %add3A_199 : i32
      %add3A_201 = arith.constant 1 : i32
      %add3A_202 = arith.addi %scan3A_112, %add3A_201 : i32
      %lt3A = arith.constant 20 : i32
      %lt3A_203 = arith.cmpi slt, %add3A_202, %lt3A : i32
      %convert_element_type3A = arith.extui %lt3A_203 : i1 to i32
      %cond3A = arith.constant 0 : i32
      %cond3A_204 = arith.cmpi ne, %convert_element_type3A, %cond3A : i32
      scf.if %cond3A_204 {
        %mul3A_331 = arith.constant 128 : i32
        %mul3A_332 = arith.muli %add3A_200, %mul3A_331 : i32
        %add3A_333 = arith.addi %mul3A_4, %mul3A_332 : i32
        %dma_start3A_334 = arith.constant 0 : i32
        %dma_start3A_335 = arith.constant 0 : i32
        %dma_start3A_336 = tpu.memref_slice %arg7[%dma_start3A_334, %dma_start3A_335] : memref<4x128xi32, #tpu.memory_space<vmem>> -> memref<1x128xi32, #tpu.memory_space<vmem>>
        %dma_start3A_337 = tpu.memref_squeeze %dma_start3A_336 : memref<1x128xi32, #tpu.memory_space<vmem>> -> memref<128xi32, #tpu.memory_space<vmem>>
        %dma_start3A_338 = tpu.memref_slice %arg2[%add3A_333] : memref<327680xi32, #tpu.memory_space<hbm>> -> memref<128xi32, #tpu.memory_space<hbm>>
        %dma_start3A_339 = arith.constant 0 : i32
        %dma_start3A_340 = tpu.memref_slice %arg7[%dma_start3A_334, %dma_start3A_339] : memref<4x128xi32, #tpu.memory_space<vmem>> -> memref<1x128xi32, #tpu.memory_space<vmem>>
        %dma_start3A_341 = tpu.memref_squeeze %dma_start3A_340 : memref<1x128xi32, #tpu.memory_space<vmem>> -> memref<128xi32, #tpu.memory_space<vmem>>
        %dma_start3A_342 = tpu.memref_slice %arg2[%add3A_333] : memref<327680xi32, #tpu.memory_space<hbm>> -> memref<128xi32, #tpu.memory_space<hbm>>
        tpu.enqueue_dma source(%dma_start3A_342 : memref<128xi32, #tpu.memory_space<hbm>>) target(%dma_start3A_341 : memref<128xi32, #tpu.memory_space<vmem>>) target_semaphore(%arg11 : memref<!tpu.dma_semaphore, #tpu.memory_space<semaphore_mem>>)
        %dma_start3A_343 = arith.constant 0 : i32
        %dma_start3A_344 = arith.constant 0 : i32
        %dma_start3A_345 = tpu.memref_slice %arg8[%dma_start3A_343, %dma_start3A_344] : memref<4x128xi32, #tpu.memory_space<vmem>> -> memref<1x128xi32, #tpu.memory_space<vmem>>
        %dma_start3A_346 = tpu.memref_squeeze %dma_start3A_345 : memref<1x128xi32, #tpu.memory_space<vmem>> -> memref<128xi32, #tpu.memory_space<vmem>>
        %dma_start3A_347 = tpu.memref_slice %arg3[%add3A_333] : memref<327680xi32, #tpu.memory_space<hbm>> -> memref<128xi32, #tpu.memory_space<hbm>>
        %dma_start3A_348 = arith.constant 0 : i32
        %dma_start3A_349 = tpu.memref_slice %arg8[%dma_start3A_343, %dma_start3A_348] : memref<4x128xi32, #tpu.memory_space<vmem>> -> memref<1x128xi32, #tpu.memory_space<vmem>>
        %dma_start3A_350 = tpu.memref_squeeze %dma_start3A_349 : memref<1x128xi32, #tpu.memory_space<vmem>> -> memref<128xi32, #tpu.memory_space<vmem>>
        %dma_start3A_351 = tpu.memref_slice %arg3[%add3A_333] : memref<327680xi32, #tpu.memory_space<hbm>> -> memref<128xi32, #tpu.memory_space<hbm>>
        tpu.enqueue_dma source(%dma_start3A_351 : memref<128xi32, #tpu.memory_space<hbm>>) target(%dma_start3A_350 : memref<128xi32, #tpu.memory_space<vmem>>) target_semaphore(%arg11 : memref<!tpu.dma_semaphore, #tpu.memory_space<semaphore_mem>>)
      } else {
      }
      %dma_wait3A_205 = arith.constant 2 : i32
      %dma_wait3A_206 = arith.constant 0 : i32
      %dma_wait3A_207 = tpu.memref_slice %arg7[%dma_wait3A_205, %dma_wait3A_206] : memref<4x128xi32, #tpu.memory_space<vmem>> -> memref<1x128xi32, #tpu.memory_space<vmem>>
      %dma_wait3A_208 = tpu.memref_squeeze %dma_wait3A_207 : memref<1x128xi32, #tpu.memory_space<vmem>> -> memref<128xi32, #tpu.memory_space<vmem>>
      %dma_wait3A_209 = tpu.memref_slice %arg2[%mul3A_4] : memref<327680xi32, #tpu.memory_space<hbm>> -> memref<128xi32, #tpu.memory_space<hbm>>
      %dma_wait3A_210 = arith.constant 0 : i32
      %dma_wait3A_211 = tpu.memref_slice %arg7[%dma_wait3A_205, %dma_wait3A_210] : memref<4x128xi32, #tpu.memory_space<vmem>> -> memref<1x128xi32, #tpu.memory_space<vmem>>
      %dma_wait3A_212 = tpu.memref_squeeze %dma_wait3A_211 : memref<1x128xi32, #tpu.memory_space<vmem>> -> memref<128xi32, #tpu.memory_space<vmem>>
      %dma_wait3A_213 = tpu.memref_slice %arg2[%mul3A_4] : memref<327680xi32, #tpu.memory_space<hbm>> -> memref<128xi32, #tpu.memory_space<hbm>>
      tpu.wait_dma2 semaphore(%arg13 : memref<!tpu.dma_semaphore, #tpu.memory_space<semaphore_mem>>) src(%dma_wait3A_213 : memref<128xi32, #tpu.memory_space<hbm>>) dst(%dma_wait3A_212 : memref<128xi32, #tpu.memory_space<vmem>>)
      %dma_wait3A_214 = arith.constant 2 : i32
      %dma_wait3A_215 = arith.constant 0 : i32
      %dma_wait3A_216 = tpu.memref_slice %arg8[%dma_wait3A_214, %dma_wait3A_215] : memref<4x128xi32, #tpu.memory_space<vmem>> -> memref<1x128xi32, #tpu.memory_space<vmem>>
      %dma_wait3A_217 = tpu.memref_squeeze %dma_wait3A_216 : memref<1x128xi32, #tpu.memory_space<vmem>> -> memref<128xi32, #tpu.memory_space<vmem>>
      %dma_wait3A_218 = tpu.memref_slice %arg3[%mul3A_4] : memref<327680xi32, #tpu.memory_space<hbm>> -> memref<128xi32, #tpu.memory_space<hbm>>
      %dma_wait3A_219 = arith.constant 0 : i32
      %dma_wait3A_220 = tpu.memref_slice %arg8[%dma_wait3A_214, %dma_wait3A_219] : memref<4x128xi32, #tpu.memory_space<vmem>> -> memref<1x128xi32, #tpu.memory_space<vmem>>
      %dma_wait3A_221 = tpu.memref_squeeze %dma_wait3A_220 : memref<1x128xi32, #tpu.memory_space<vmem>> -> memref<128xi32, #tpu.memory_space<vmem>>
      %dma_wait3A_222 = tpu.memref_slice %arg3[%mul3A_4] : memref<327680xi32, #tpu.memory_space<hbm>> -> memref<128xi32, #tpu.memory_space<hbm>>
      tpu.wait_dma2 semaphore(%arg13 : memref<!tpu.dma_semaphore, #tpu.memory_space<semaphore_mem>>) src(%dma_wait3A_222 : memref<128xi32, #tpu.memory_space<hbm>>) dst(%dma_wait3A_221 : memref<128xi32, #tpu.memory_space<vmem>>)
      %dma_start3A_223 = arith.constant 2 : i32
      %dma_start3A_224 = arith.constant 0 : i32
      %dma_start3A_225 = tpu.memref_slice %arg7[%dma_start3A_223, %dma_start3A_224] : memref<4x128xi32, #tpu.memory_space<vmem>> -> memref<1x128xi32, #tpu.memory_space<vmem>>
      %dma_start3A_226 = tpu.memref_squeeze %dma_start3A_225 : memref<1x128xi32, #tpu.memory_space<vmem>> -> memref<128xi32, #tpu.memory_space<vmem>>
      %dma_start3A_227 = arith.constant 0 : i32
      %dma_start3A_228 = arith.constant 0 : i32
      %dma_start3A_229 = tpu.memref_slice %arg4[%dma_start3A_227, %dma_start3A_228] : memref<10000x128xf32, #tpu.memory_space<hbm>> -> memref<10000x128xf32, #tpu.memory_space<hbm>>
      tpu.enqueue_indirect_dma source(%dma_start3A_229 : memref<10000x128xf32, #tpu.memory_space<hbm>>) target(%arg9 : memref<128x128xf32, #tpu.memory_space<vmem>>) offsets(%dma_start3A_226 : memref<128xi32, #tpu.memory_space<vmem>>) semaphore(%arg15 : memref<!tpu.dma_semaphore, #tpu.memory_space<semaphore_mem>>)
      %dma_wait3A_230 = arith.constant 1 : i32
      %dma_wait3A_231 = arith.constant 0 : i32
      %dma_wait3A_232 = tpu.memref_slice %arg8[%dma_wait3A_230, %dma_wait3A_231] : memref<4x128xi32, #tpu.memory_space<vmem>> -> memref<1x128xi32, #tpu.memory_space<vmem>>
      %dma_wait3A_233 = tpu.memref_squeeze %dma_wait3A_232 : memref<1x128xi32, #tpu.memory_space<vmem>> -> memref<128xi32, #tpu.memory_space<vmem>>
      %dma_wait3A_234 = arith.constant 0 : i32
      %dma_wait3A_235 = arith.constant 0 : i32
      %dma_wait3A_236 = tpu.memref_slice %arg19[%dma_wait3A_234, %dma_wait3A_235] : memref<10240x128xf32, #tpu.memory_space<vmem_shared>> -> memref<10240x128xf32, #tpu.memory_space<vmem_shared>>
      tpu.wait_indirect_dma semaphore(%arg18 : memref<!tpu.dma_semaphore, #tpu.memory_space<semaphore_mem>>) src(%arg10 : memref<128x128xf32, #tpu.memory_space<vmem>>) dst(%dma_wait3A_236 : memref<10240x128xf32, #tpu.memory_space<vmem_shared>>)
      %add3A_237 = arith.constant 5 : i32
      %add3A_238 = arith.addi %mul3A_114, %add3A_237 : i32
      %add3A_239 = arith.constant 1 : i32
      %add3A_240 = arith.addi %scan3A_112, %add3A_239 : i32
      %lt3A_241 = arith.constant 20 : i32
      %lt3A_242 = arith.cmpi slt, %add3A_240, %lt3A_241 : i32
      %convert_element_type3A_243 = arith.extui %lt3A_242 : i1 to i32
      %cond3A_244 = arith.constant 0 : i32
      %cond3A_245 = arith.cmpi ne, %convert_element_type3A_243, %cond3A_244 : i32
      scf.if %cond3A_245 {
        %mul3A_331 = arith.constant 128 : i32
        %mul3A_332 = arith.muli %add3A_238, %mul3A_331 : i32
        %add3A_333 = arith.addi %mul3A_4, %mul3A_332 : i32
        %dma_start3A_334 = arith.constant 1 : i32
        %dma_start3A_335 = arith.constant 0 : i32
        %dma_start3A_336 = tpu.memref_slice %arg7[%dma_start3A_334, %dma_start3A_335] : memref<4x128xi32, #tpu.memory_space<vmem>> -> memref<1x128xi32, #tpu.memory_space<vmem>>
        %dma_start3A_337 = tpu.memref_squeeze %dma_start3A_336 : memref<1x128xi32, #tpu.memory_space<vmem>> -> memref<128xi32, #tpu.memory_space<vmem>>
        %dma_start3A_338 = tpu.memref_slice %arg2[%add3A_333] : memref<327680xi32, #tpu.memory_space<hbm>> -> memref<128xi32, #tpu.memory_space<hbm>>
        %dma_start3A_339 = arith.constant 0 : i32
        %dma_start3A_340 = tpu.memref_slice %arg7[%dma_start3A_334, %dma_start3A_339] : memref<4x128xi32, #tpu.memory_space<vmem>> -> memref<1x128xi32, #tpu.memory_space<vmem>>
        %dma_start3A_341 = tpu.memref_squeeze %dma_start3A_340 : memref<1x128xi32, #tpu.memory_space<vmem>> -> memref<128xi32, #tpu.memory_space<vmem>>
        %dma_start3A_342 = tpu.memref_slice %arg2[%add3A_333] : memref<327680xi32, #tpu.memory_space<hbm>> -> memref<128xi32, #tpu.memory_space<hbm>>
        tpu.enqueue_dma source(%dma_start3A_342 : memref<128xi32, #tpu.memory_space<hbm>>) target(%dma_start3A_341 : memref<128xi32, #tpu.memory_space<vmem>>) target_semaphore(%arg12 : memref<!tpu.dma_semaphore, #tpu.memory_space<semaphore_mem>>)
        %dma_start3A_343 = arith.constant 1 : i32
        %dma_start3A_344 = arith.constant 0 : i32
        %dma_start3A_345 = tpu.memref_slice %arg8[%dma_start3A_343, %dma_start3A_344] : memref<4x128xi32, #tpu.memory_space<vmem>> -> memref<1x128xi32, #tpu.memory_space<vmem>>
        %dma_start3A_346 = tpu.memref_squeeze %dma_start3A_345 : memref<1x128xi32, #tpu.memory_space<vmem>> -> memref<128xi32, #tpu.memory_space<vmem>>
        %dma_start3A_347 = tpu.memref_slice %arg3[%add3A_333] : memref<327680xi32, #tpu.memory_space<hbm>> -> memref<128xi32, #tpu.memory_space<hbm>>
        %dma_start3A_348 = arith.constant 0 : i32
        %dma_start3A_349 = tpu.memref_slice %arg8[%dma_start3A_343, %dma_start3A_348] : memref<4x128xi32, #tpu.memory_space<vmem>> -> memref<1x128xi32, #tpu.memory_space<vmem>>
        %dma_start3A_350 = tpu.memref_squeeze %dma_start3A_349 : memref<1x128xi32, #tpu.memory_space<vmem>> -> memref<128xi32, #tpu.memory_space<vmem>>
        %dma_start3A_351 = tpu.memref_slice %arg3[%add3A_333] : memref<327680xi32, #tpu.memory_space<hbm>> -> memref<128xi32, #tpu.memory_space<hbm>>
        tpu.enqueue_dma source(%dma_start3A_351 : memref<128xi32, #tpu.memory_space<hbm>>) target(%dma_start3A_350 : memref<128xi32, #tpu.memory_space<vmem>>) target_semaphore(%arg12 : memref<!tpu.dma_semaphore, #tpu.memory_space<semaphore_mem>>)
      } else {
      }
      %dma_wait3A_246 = arith.constant 3 : i32
      %dma_wait3A_247 = arith.constant 0 : i32
      %dma_wait3A_248 = tpu.memref_slice %arg7[%dma_wait3A_246, %dma_wait3A_247] : memref<4x128xi32, #tpu.memory_space<vmem>> -> memref<1x128xi32, #tpu.memory_space<vmem>>
      %dma_wait3A_249 = tpu.memref_squeeze %dma_wait3A_248 : memref<1x128xi32, #tpu.memory_space<vmem>> -> memref<128xi32, #tpu.memory_space<vmem>>
      %dma_wait3A_250 = tpu.memref_slice %arg2[%mul3A_4] : memref<327680xi32, #tpu.memory_space<hbm>> -> memref<128xi32, #tpu.memory_space<hbm>>
      %dma_wait3A_251 = arith.constant 0 : i32
      %dma_wait3A_252 = tpu.memref_slice %arg7[%dma_wait3A_246, %dma_wait3A_251] : memref<4x128xi32, #tpu.memory_space<vmem>> -> memref<1x128xi32, #tpu.memory_space<vmem>>
      %dma_wait3A_253 = tpu.memref_squeeze %dma_wait3A_252 : memref<1x128xi32, #tpu.memory_space<vmem>> -> memref<128xi32, #tpu.memory_space<vmem>>
      %dma_wait3A_254 = tpu.memref_slice %arg2[%mul3A_4] : memref<327680xi32, #tpu.memory_space<hbm>> -> memref<128xi32, #tpu.memory_space<hbm>>
      tpu.wait_dma2 semaphore(%arg14 : memref<!tpu.dma_semaphore, #tpu.memory_space<semaphore_mem>>) src(%dma_wait3A_254 : memref<128xi32, #tpu.memory_space<hbm>>) dst(%dma_wait3A_253 : memref<128xi32, #tpu.memory_space<vmem>>)
      %dma_wait3A_255 = arith.constant 3 : i32
      %dma_wait3A_256 = arith.constant 0 : i32
      %dma_wait3A_257 = tpu.memref_slice %arg8[%dma_wait3A_255, %dma_wait3A_256] : memref<4x128xi32, #tpu.memory_space<vmem>> -> memref<1x128xi32, #tpu.memory_space<vmem>>
      %dma_wait3A_258 = tpu.memref_squeeze %dma_wait3A_257 : memref<1x128xi32, #tpu.memory_space<vmem>> -> memref<128xi32, #tpu.memory_space<vmem>>
      %dma_wait3A_259 = tpu.memref_slice %arg3[%mul3A_4] : memref<327680xi32, #tpu.memory_space<hbm>> -> memref<128xi32, #tpu.memory_space<hbm>>
      %dma_wait3A_260 = arith.constant 0 : i32
      %dma_wait3A_261 = tpu.memref_slice %arg8[%dma_wait3A_255, %dma_wait3A_260] : memref<4x128xi32, #tpu.memory_space<vmem>> -> memref<1x128xi32, #tpu.memory_space<vmem>>
      %dma_wait3A_262 = tpu.memref_squeeze %dma_wait3A_261 : memref<1x128xi32, #tpu.memory_space<vmem>> -> memref<128xi32, #tpu.memory_space<vmem>>
      %dma_wait3A_263 = tpu.memref_slice %arg3[%mul3A_4] : memref<327680xi32, #tpu.memory_space<hbm>> -> memref<128xi32, #tpu.memory_space<hbm>>
      tpu.wait_dma2 semaphore(%arg14 : memref<!tpu.dma_semaphore, #tpu.memory_space<semaphore_mem>>) src(%dma_wait3A_263 : memref<128xi32, #tpu.memory_space<hbm>>) dst(%dma_wait3A_262 : memref<128xi32, #tpu.memory_space<vmem>>)
      %dma_start3A_264 = arith.constant 3 : i32
      %dma_start3A_265 = arith.constant 0 : i32
      %dma_start3A_266 = tpu.memref_slice %arg7[%dma_start3A_264, %dma_start3A_265] : memref<4x128xi32, #tpu.memory_space<vmem>> -> memref<1x128xi32, #tpu.memory_space<vmem>>
      %dma_start3A_267 = tpu.memref_squeeze %dma_start3A_266 : memref<1x128xi32, #tpu.memory_space<vmem>> -> memref<128xi32, #tpu.memory_space<vmem>>
      %dma_start3A_268 = arith.constant 0 : i32
      %dma_start3A_269 = arith.constant 0 : i32
      %dma_start3A_270 = tpu.memref_slice %arg4[%dma_start3A_268, %dma_start3A_269] : memref<10000x128xf32, #tpu.memory_space<hbm>> -> memref<10000x128xf32, #tpu.memory_space<hbm>>
      tpu.enqueue_indirect_dma source(%dma_start3A_270 : memref<10000x128xf32, #tpu.memory_space<hbm>>) target(%arg10 : memref<128x128xf32, #tpu.memory_space<vmem>>) offsets(%dma_start3A_267 : memref<128xi32, #tpu.memory_space<vmem>>) semaphore(%arg16 : memref<!tpu.dma_semaphore, #tpu.memory_space<semaphore_mem>>)
      %dma_wait3A_271 = arith.constant 2 : i32
      %dma_wait3A_272 = arith.constant 0 : i32
      %dma_wait3A_273 = tpu.memref_slice %arg7[%dma_wait3A_271, %dma_wait3A_272] : memref<4x128xi32, #tpu.memory_space<vmem>> -> memref<1x128xi32, #tpu.memory_space<vmem>>
      %dma_wait3A_274 = tpu.memref_squeeze %dma_wait3A_273 : memref<1x128xi32, #tpu.memory_space<vmem>> -> memref<128xi32, #tpu.memory_space<vmem>>
      %dma_wait3A_275 = arith.constant 0 : i32
      %dma_wait3A_276 = arith.constant 0 : i32
      %dma_wait3A_277 = tpu.memref_slice %arg4[%dma_wait3A_275, %dma_wait3A_276] : memref<10000x128xf32, #tpu.memory_space<hbm>> -> memref<10000x128xf32, #tpu.memory_space<hbm>>
      tpu.wait_indirect_dma semaphore(%arg15 : memref<!tpu.dma_semaphore, #tpu.memory_space<semaphore_mem>>) src(%dma_wait3A_277 : memref<10000x128xf32, #tpu.memory_space<hbm>>) dst(%arg9 : memref<128x128xf32, #tpu.memory_space<vmem>>)
      %dma_start3A_278 = arith.constant 2 : i32
      %dma_start3A_279 = arith.constant 0 : i32
      %dma_start3A_280 = tpu.memref_slice %arg8[%dma_start3A_278, %dma_start3A_279] : memref<4x128xi32, #tpu.memory_space<vmem>> -> memref<1x128xi32, #tpu.memory_space<vmem>>
      %dma_start3A_281 = tpu.memref_squeeze %dma_start3A_280 : memref<1x128xi32, #tpu.memory_space<vmem>> -> memref<128xi32, #tpu.memory_space<vmem>>
      %dma_start3A_282 = arith.constant 0 : i32
      %dma_start3A_283 = arith.constant 0 : i32
      %dma_start3A_284 = tpu.memref_slice %arg19[%dma_start3A_282, %dma_start3A_283] : memref<10240x128xf32, #tpu.memory_space<vmem_shared>> -> memref<10240x128xf32, #tpu.memory_space<vmem_shared>>
      tpu.enqueue_indirect_dma source(%arg9 : memref<128x128xf32, #tpu.memory_space<vmem>>) target(%dma_start3A_284 : memref<10240x128xf32, #tpu.memory_space<vmem_shared>>) offsets(%dma_start3A_281 : memref<128xi32, #tpu.memory_space<vmem>>) semaphore(%arg17 : memref<!tpu.dma_semaphore, #tpu.memory_space<semaphore_mem>>) {add = true}
      %dma_wait3A_285 = arith.constant 3 : i32
      %dma_wait3A_286 = arith.constant 0 : i32
      %dma_wait3A_287 = tpu.memref_slice %arg7[%dma_wait3A_285, %dma_wait3A_286] : memref<4x128xi32, #tpu.memory_space<vmem>> -> memref<1x128xi32, #tpu.memory_space<vmem>>
      %dma_wait3A_288 = tpu.memref_squeeze %dma_wait3A_287 : memref<1x128xi32, #tpu.memory_space<vmem>> -> memref<128xi32, #tpu.memory_space<vmem>>
      %dma_wait3A_289 = arith.constant 0 : i32
      %dma_wait3A_290 = arith.constant 0 : i32
      %dma_wait3A_291 = tpu.memref_slice %arg4[%dma_wait3A_289, %dma_wait3A_290] : memref<10000x128xf32, #tpu.memory_space<hbm>> -> memref<10000x128xf32, #tpu.memory_space<hbm>>
      tpu.wait_indirect_dma semaphore(%arg16 : memref<!tpu.dma_semaphore, #tpu.memory_space<semaphore_mem>>) src(%dma_wait3A_291 : memref<10000x128xf32, #tpu.memory_space<hbm>>) dst(%arg10 : memref<128x128xf32, #tpu.memory_space<vmem>>)
      %dma_start3A_292 = arith.constant 3 : i32
      %dma_start3A_293 = arith.constant 0 : i32
      %dma_start3A_294 = tpu.memref_slice %arg8[%dma_start3A_292, %dma_start3A_293] : memref<4x128xi32, #tpu.memory_space<vmem>> -> memref<1x128xi32, #tpu.memory_space<vmem>>
      %dma_start3A_295 = tpu.memref_squeeze %dma_start3A_294 : memref<1x128xi32, #tpu.memory_space<vmem>> -> memref<128xi32, #tpu.memory_space<vmem>>
      %dma_start3A_296 = arith.constant 0 : i32
      %dma_start3A_297 = arith.constant 0 : i32
      %dma_start3A_298 = tpu.memref_slice %arg19[%dma_start3A_296, %dma_start3A_297] : memref<10240x128xf32, #tpu.memory_space<vmem_shared>> -> memref<10240x128xf32, #tpu.memory_space<vmem_shared>>
      tpu.enqueue_indirect_dma source(%arg10 : memref<128x128xf32, #tpu.memory_space<vmem>>) target(%dma_start3A_298 : memref<10240x128xf32, #tpu.memory_space<vmem_shared>>) offsets(%dma_start3A_295 : memref<128xi32, #tpu.memory_space<vmem>>) semaphore(%arg18 : memref<!tpu.dma_semaphore, #tpu.memory_space<semaphore_mem>>) {add = true}
      %dma_wait3A_299 = arith.constant 2 : i32
      %dma_wait3A_300 = arith.constant 0 : i32
      %dma_wait3A_301 = tpu.memref_slice %arg8[%dma_wait3A_299, %dma_wait3A_300] : memref<4x128xi32, #tpu.memory_space<vmem>> -> memref<1x128xi32, #tpu.memory_space<vmem>>
      %dma_wait3A_302 = tpu.memref_squeeze %dma_wait3A_301 : memref<1x128xi32, #tpu.memory_space<vmem>> -> memref<128xi32, #tpu.memory_space<vmem>>
      %dma_wait3A_303 = arith.constant 0 : i32
      %dma_wait3A_304 = arith.constant 0 : i32
      %dma_wait3A_305 = tpu.memref_slice %arg19[%dma_wait3A_303, %dma_wait3A_304] : memref<10240x128xf32, #tpu.memory_space<vmem_shared>> -> memref<10240x128xf32, #tpu.memory_space<vmem_shared>>
      tpu.wait_indirect_dma semaphore(%arg17 : memref<!tpu.dma_semaphore, #tpu.memory_space<semaphore_mem>>) src(%arg9 : memref<128x128xf32, #tpu.memory_space<vmem>>) dst(%dma_wait3A_305 : memref<10240x128xf32, #tpu.memory_space<vmem_shared>>)
      %add3A_306 = arith.constant 6 : i32
      %add3A_307 = arith.addi %mul3A_114, %add3A_306 : i32
      %add3A_308 = arith.constant 1 : i32
      %add3A_309 = arith.addi %scan3A_112, %add3A_308 : i32
      %lt3A_310 = arith.constant 20 : i32
      %lt3A_311 = arith.cmpi slt, %add3A_309, %lt3A_310 : i32
      %convert_element_type3A_312 = arith.extui %lt3A_311 : i1 to i32
      %cond3A_313 = arith.constant 0 : i32
      %cond3A_314 = arith.cmpi ne, %convert_element_type3A_312, %cond3A_313 : i32
      scf.if %cond3A_314 {
        %mul3A_331 = arith.constant 128 : i32
        %mul3A_332 = arith.muli %add3A_307, %mul3A_331 : i32
        %add3A_333 = arith.addi %mul3A_4, %mul3A_332 : i32
        %dma_start3A_334 = arith.constant 2 : i32
        %dma_start3A_335 = arith.constant 0 : i32
        %dma_start3A_336 = tpu.memref_slice %arg7[%dma_start3A_334, %dma_start3A_335] : memref<4x128xi32, #tpu.memory_space<vmem>> -> memref<1x128xi32, #tpu.memory_space<vmem>>
        %dma_start3A_337 = tpu.memref_squeeze %dma_start3A_336 : memref<1x128xi32, #tpu.memory_space<vmem>> -> memref<128xi32, #tpu.memory_space<vmem>>
        %dma_start3A_338 = tpu.memref_slice %arg2[%add3A_333] : memref<327680xi32, #tpu.memory_space<hbm>> -> memref<128xi32, #tpu.memory_space<hbm>>
        %dma_start3A_339 = arith.constant 0 : i32
        %dma_start3A_340 = tpu.memref_slice %arg7[%dma_start3A_334, %dma_start3A_339] : memref<4x128xi32, #tpu.memory_space<vmem>> -> memref<1x128xi32, #tpu.memory_space<vmem>>
        %dma_start3A_341 = tpu.memref_squeeze %dma_start3A_340 : memref<1x128xi32, #tpu.memory_space<vmem>> -> memref<128xi32, #tpu.memory_space<vmem>>
        %dma_start3A_342 = tpu.memref_slice %arg2[%add3A_333] : memref<327680xi32, #tpu.memory_space<hbm>> -> memref<128xi32, #tpu.memory_space<hbm>>
        tpu.enqueue_dma source(%dma_start3A_342 : memref<128xi32, #tpu.memory_space<hbm>>) target(%dma_start3A_341 : memref<128xi32, #tpu.memory_space<vmem>>) target_semaphore(%arg13 : memref<!tpu.dma_semaphore, #tpu.memory_space<semaphore_mem>>)
        %dma_start3A_343 = arith.constant 2 : i32
        %dma_start3A_344 = arith.constant 0 : i32
        %dma_start3A_345 = tpu.memref_slice %arg8[%dma_start3A_343, %dma_start3A_344] : memref<4x128xi32, #tpu.memory_space<vmem>> -> memref<1x128xi32, #tpu.memory_space<vmem>>
        %dma_start3A_346 = tpu.memref_squeeze %dma_start3A_345 : memref<1x128xi32, #tpu.memory_space<vmem>> -> memref<128xi32, #tpu.memory_space<vmem>>
        %dma_start3A_347 = tpu.memref_slice %arg3[%add3A_333] : memref<327680xi32, #tpu.memory_space<hbm>> -> memref<128xi32, #tpu.memory_space<hbm>>
        %dma_start3A_348 = arith.constant 0 : i32
        %dma_start3A_349 = tpu.memref_slice %arg8[%dma_start3A_343, %dma_start3A_348] : memref<4x128xi32, #tpu.memory_space<vmem>> -> memref<1x128xi32, #tpu.memory_space<vmem>>
        %dma_start3A_350 = tpu.memref_squeeze %dma_start3A_349 : memref<1x128xi32, #tpu.memory_space<vmem>> -> memref<128xi32, #tpu.memory_space<vmem>>
        %dma_start3A_351 = tpu.memref_slice %arg3[%add3A_333] : memref<327680xi32, #tpu.memory_space<hbm>> -> memref<128xi32, #tpu.memory_space<hbm>>
        tpu.enqueue_dma source(%dma_start3A_351 : memref<128xi32, #tpu.memory_space<hbm>>) target(%dma_start3A_350 : memref<128xi32, #tpu.memory_space<vmem>>) target_semaphore(%arg13 : memref<!tpu.dma_semaphore, #tpu.memory_space<semaphore_mem>>)
      } else {
      }
      %dma_wait3A_315 = arith.constant 3 : i32
      %dma_wait3A_316 = arith.constant 0 : i32
      %dma_wait3A_317 = tpu.memref_slice %arg8[%dma_wait3A_315, %dma_wait3A_316] : memref<4x128xi32, #tpu.memory_space<vmem>> -> memref<1x128xi32, #tpu.memory_space<vmem>>
      %dma_wait3A_318 = tpu.memref_squeeze %dma_wait3A_317 : memref<1x128xi32, #tpu.memory_space<vmem>> -> memref<128xi32, #tpu.memory_space<vmem>>
      %dma_wait3A_319 = arith.constant 0 : i32
      %dma_wait3A_320 = arith.constant 0 : i32
      %dma_wait3A_321 = tpu.memref_slice %arg19[%dma_wait3A_319, %dma_wait3A_320] : memref<10240x128xf32, #tpu.memory_space<vmem_shared>> -> memref<10240x128xf32, #tpu.memory_space<vmem_shared>>
      tpu.wait_indirect_dma semaphore(%arg18 : memref<!tpu.dma_semaphore, #tpu.memory_space<semaphore_mem>>) src(%arg10 : memref<128x128xf32, #tpu.memory_space<vmem>>) dst(%dma_wait3A_321 : memref<10240x128xf32, #tpu.memory_space<vmem_shared>>)
      %add3A_322 = arith.constant 7 : i32
      %add3A_323 = arith.addi %mul3A_114, %add3A_322 : i32
      %add3A_324 = arith.constant 1 : i32
      %add3A_325 = arith.addi %scan3A_112, %add3A_324 : i32
      %lt3A_326 = arith.constant 20 : i32
      %lt3A_327 = arith.cmpi slt, %add3A_325, %lt3A_326 : i32
      %convert_element_type3A_328 = arith.extui %lt3A_327 : i1 to i32
      %cond3A_329 = arith.constant 0 : i32
      %cond3A_330 = arith.cmpi ne, %convert_element_type3A_328, %cond3A_329 : i32
      scf.if %cond3A_330 {
        %mul3A_331 = arith.constant 128 : i32
        %mul3A_332 = arith.muli %add3A_323, %mul3A_331 : i32
        %add3A_333 = arith.addi %mul3A_4, %mul3A_332 : i32
        %dma_start3A_334 = arith.constant 3 : i32
        %dma_start3A_335 = arith.constant 0 : i32
        %dma_start3A_336 = tpu.memref_slice %arg7[%dma_start3A_334, %dma_start3A_335] : memref<4x128xi32, #tpu.memory_space<vmem>> -> memref<1x128xi32, #tpu.memory_space<vmem>>
        %dma_start3A_337 = tpu.memref_squeeze %dma_start3A_336 : memref<1x128xi32, #tpu.memory_space<vmem>> -> memref<128xi32, #tpu.memory_space<vmem>>
        %dma_start3A_338 = tpu.memref_slice %arg2[%add3A_333] : memref<327680xi32, #tpu.memory_space<hbm>> -> memref<128xi32, #tpu.memory_space<hbm>>
        %dma_start3A_339 = arith.constant 0 : i32
        %dma_start3A_340 = tpu.memref_slice %arg7[%dma_start3A_334, %dma_start3A_339] : memref<4x128xi32, #tpu.memory_space<vmem>> -> memref<1x128xi32, #tpu.memory_space<vmem>>
        %dma_start3A_341 = tpu.memref_squeeze %dma_start3A_340 : memref<1x128xi32, #tpu.memory_space<vmem>> -> memref<128xi32, #tpu.memory_space<vmem>>
        %dma_start3A_342 = tpu.memref_slice %arg2[%add3A_333] : memref<327680xi32, #tpu.memory_space<hbm>> -> memref<128xi32, #tpu.memory_space<hbm>>
        tpu.enqueue_dma source(%dma_start3A_342 : memref<128xi32, #tpu.memory_space<hbm>>) target(%dma_start3A_341 : memref<128xi32, #tpu.memory_space<vmem>>) target_semaphore(%arg14 : memref<!tpu.dma_semaphore, #tpu.memory_space<semaphore_mem>>)
        %dma_start3A_343 = arith.constant 3 : i32
        %dma_start3A_344 = arith.constant 0 : i32
        %dma_start3A_345 = tpu.memref_slice %arg8[%dma_start3A_343, %dma_start3A_344] : memref<4x128xi32, #tpu.memory_space<vmem>> -> memref<1x128xi32, #tpu.memory_space<vmem>>
        %dma_start3A_346 = tpu.memref_squeeze %dma_start3A_345 : memref<1x128xi32, #tpu.memory_space<vmem>> -> memref<128xi32, #tpu.memory_space<vmem>>
        %dma_start3A_347 = tpu.memref_slice %arg3[%add3A_333] : memref<327680xi32, #tpu.memory_space<hbm>> -> memref<128xi32, #tpu.memory_space<hbm>>
        %dma_start3A_348 = arith.constant 0 : i32
        %dma_start3A_349 = tpu.memref_slice %arg8[%dma_start3A_343, %dma_start3A_348] : memref<4x128xi32, #tpu.memory_space<vmem>> -> memref<1x128xi32, #tpu.memory_space<vmem>>
        %dma_start3A_350 = tpu.memref_squeeze %dma_start3A_349 : memref<1x128xi32, #tpu.memory_space<vmem>> -> memref<128xi32, #tpu.memory_space<vmem>>
        %dma_start3A_351 = tpu.memref_slice %arg3[%add3A_333] : memref<327680xi32, #tpu.memory_space<hbm>> -> memref<128xi32, #tpu.memory_space<hbm>>
        tpu.enqueue_dma source(%dma_start3A_351 : memref<128xi32, #tpu.memory_space<hbm>>) target(%dma_start3A_350 : memref<128xi32, #tpu.memory_space<vmem>>) target_semaphore(%arg14 : memref<!tpu.dma_semaphore, #tpu.memory_space<semaphore_mem>>)
      } else {
      }
    }
    %scan3A_100 = arith.constant 20 : i32
    %barrier3A_101 = arith.constant 0 : index
    tpu.barrier barrier_id(%barrier3A_101)
    %add3A_102 = arith.constant 0 : i32
    %add3A_103 = arith.addi %mul3A_85, %add3A_102 : i32
    "tpu.region"() ({
      %run_scoped3A = tpu.sem_alloc : memref<!tpu.dma_semaphore, #tpu.memory_space<semaphore_mem>>
      %dma_start3A_112 = arith.constant 0 : i32
      %dma_start3A_113 = arith.constant 0 : i32
      %dma_start3A_114 = tpu.memref_slice %arg6[%arg0, %dma_start3A_112, %dma_start3A_113] : memref<2x10240x128xf32, #tpu.memory_space<hbm>> -> memref<1x10240x128xf32, #tpu.memory_space<hbm>>
      %dma_start3A_115 = tpu.memref_squeeze %dma_start3A_114 : memref<1x10240x128xf32, #tpu.memory_space<hbm>> -> memref<10240x128xf32, #tpu.memory_space<hbm>>
      %dma_start3A_116 = arith.constant 0 : i32
      %dma_start3A_117 = tpu.memref_slice %dma_start3A_115[%add3A_103, %dma_start3A_116] : memref<10240x128xf32, #tpu.memory_space<hbm>> -> memref<128x128xf32, #tpu.memory_space<hbm>>
      %dma_start3A_118 = arith.constant 0 : i32
      %dma_start3A_119 = tpu.memref_slice %arg19[%add3A_103, %dma_start3A_118] : memref<10240x128xf32, #tpu.memory_space<vmem_shared>> -> memref<128x128xf32, #tpu.memory_space<vmem_shared>>
      tpu.enqueue_dma source(%dma_start3A_119 : memref<128x128xf32, #tpu.memory_space<vmem_shared>>) target(%dma_start3A_117 : memref<128x128xf32, #tpu.memory_space<hbm>>) target_semaphore(%run_scoped3A : memref<!tpu.dma_semaphore, #tpu.memory_space<semaphore_mem>>)
      %dma_wait3A = arith.constant 0 : i32
      %dma_wait3A_120 = arith.constant 0 : i32
      %dma_wait3A_121 = tpu.memref_slice %arg6[%arg0, %dma_wait3A, %dma_wait3A_120] : memref<2x10240x128xf32, #tpu.memory_space<hbm>> -> memref<1x10240x128xf32, #tpu.memory_space<hbm>>
      %dma_wait3A_122 = tpu.memref_squeeze %dma_wait3A_121 : memref<1x10240x128xf32, #tpu.memory_space<hbm>> -> memref<10240x128xf32, #tpu.memory_space<hbm>>
      %dma_wait3A_123 = arith.constant 0 : i32
      %dma_wait3A_124 = tpu.memref_slice %dma_wait3A_122[%add3A_103, %dma_wait3A_123] : memref<10240x128xf32, #tpu.memory_space<hbm>> -> memref<128x128xf32, #tpu.memory_space<hbm>>
      %dma_wait3A_125 = arith.constant 0 : i32
      %dma_wait3A_126 = tpu.memref_slice %arg19[%add3A_103, %dma_wait3A_125] : memref<10240x128xf32, #tpu.memory_space<vmem_shared>> -> memref<128x128xf32, #tpu.memory_space<vmem_shared>>
      tpu.wait_dma2 semaphore(%run_scoped3A : memref<!tpu.dma_semaphore, #tpu.memory_space<semaphore_mem>>) src(%dma_wait3A_126 : memref<128x128xf32, #tpu.memory_space<vmem_shared>>) dst(%dma_wait3A_124 : memref<128x128xf32, #tpu.memory_space<hbm>>)
      tpu.yield
    }) : () -> ()
    %add3A_104 = arith.constant 128 : i32
    %add3A_105 = arith.addi %mul3A_85, %add3A_104 : i32
    "tpu.region"() ({
      %run_scoped3A = tpu.sem_alloc : memref<!tpu.dma_semaphore, #tpu.memory_space<semaphore_mem>>
      %dma_start3A_112 = arith.constant 0 : i32
      %dma_start3A_113 = arith.constant 0 : i32
      %dma_start3A_114 = tpu.memref_slice %arg6[%arg0, %dma_start3A_112, %dma_start3A_113] : memref<2x10240x128xf32, #tpu.memory_space<hbm>> -> memref<1x10240x128xf32, #tpu.memory_space<hbm>>
      %dma_start3A_115 = tpu.memref_squeeze %dma_start3A_114 : memref<1x10240x128xf32, #tpu.memory_space<hbm>> -> memref<10240x128xf32, #tpu.memory_space<hbm>>
      %dma_start3A_116 = arith.constant 0 : i32
      %dma_start3A_117 = tpu.memref_slice %dma_start3A_115[%add3A_105, %dma_start3A_116] : memref<10240x128xf32, #tpu.memory_space<hbm>> -> memref<128x128xf32, #tpu.memory_space<hbm>>
      %dma_start3A_118 = arith.constant 0 : i32
      %dma_start3A_119 = tpu.memref_slice %arg19[%add3A_105, %dma_start3A_118] : memref<10240x128xf32, #tpu.memory_space<vmem_shared>> -> memref<128x128xf32, #tpu.memory_space<vmem_shared>>
      tpu.enqueue_dma source(%dma_start3A_119 : memref<128x128xf32, #tpu.memory_space<vmem_shared>>) target(%dma_start3A_117 : memref<128x128xf32, #tpu.memory_space<hbm>>) target_semaphore(%run_scoped3A : memref<!tpu.dma_semaphore, #tpu.memory_space<semaphore_mem>>)
      %dma_wait3A = arith.constant 0 : i32
      %dma_wait3A_120 = arith.constant 0 : i32
      %dma_wait3A_121 = tpu.memref_slice %arg6[%arg0, %dma_wait3A, %dma_wait3A_120] : memref<2x10240x128xf32, #tpu.memory_space<hbm>> -> memref<1x10240x128xf32, #tpu.memory_space<hbm>>
      %dma_wait3A_122 = tpu.memref_squeeze %dma_wait3A_121 : memref<1x10240x128xf32, #tpu.memory_space<hbm>> -> memref<10240x128xf32, #tpu.memory_space<hbm>>
      %dma_wait3A_123 = arith.constant 0 : i32
      %dma_wait3A_124 = tpu.memref_slice %dma_wait3A_122[%add3A_105, %dma_wait3A_123] : memref<10240x128xf32, #tpu.memory_space<hbm>> -> memref<128x128xf32, #tpu.memory_space<hbm>>
      %dma_wait3A_125 = arith.constant 0 : i32
      %dma_wait3A_126 = tpu.memref_slice %arg19[%add3A_105, %dma_wait3A_125] : memref<10240x128xf32, #tpu.memory_space<vmem_shared>> -> memref<128x128xf32, #tpu.memory_space<vmem_shared>>
      tpu.wait_dma2 semaphore(%run_scoped3A : memref<!tpu.dma_semaphore, #tpu.memory_space<semaphore_mem>>) src(%dma_wait3A_126 : memref<128x128xf32, #tpu.memory_space<vmem_shared>>) dst(%dma_wait3A_124 : memref<128x128xf32, #tpu.memory_space<hbm>>)
      tpu.yield
    }) : () -> ()
    %add3A_106 = arith.constant 256 : i32
    %add3A_107 = arith.addi %mul3A_85, %add3A_106 : i32
    "tpu.region"() ({
      %run_scoped3A = tpu.sem_alloc : memref<!tpu.dma_semaphore, #tpu.memory_space<semaphore_mem>>
      %dma_start3A_112 = arith.constant 0 : i32
      %dma_start3A_113 = arith.constant 0 : i32
      %dma_start3A_114 = tpu.memref_slice %arg6[%arg0, %dma_start3A_112, %dma_start3A_113] : memref<2x10240x128xf32, #tpu.memory_space<hbm>> -> memref<1x10240x128xf32, #tpu.memory_space<hbm>>
      %dma_start3A_115 = tpu.memref_squeeze %dma_start3A_114 : memref<1x10240x128xf32, #tpu.memory_space<hbm>> -> memref<10240x128xf32, #tpu.memory_space<hbm>>
      %dma_start3A_116 = arith.constant 0 : i32
      %dma_start3A_117 = tpu.memref_slice %dma_start3A_115[%add3A_107, %dma_start3A_116] : memref<10240x128xf32, #tpu.memory_space<hbm>> -> memref<128x128xf32, #tpu.memory_space<hbm>>
      %dma_start3A_118 = arith.constant 0 : i32
      %dma_start3A_119 = tpu.memref_slice %arg19[%add3A_107, %dma_start3A_118] : memref<10240x128xf32, #tpu.memory_space<vmem_shared>> -> memref<128x128xf32, #tpu.memory_space<vmem_shared>>
      tpu.enqueue_dma source(%dma_start3A_119 : memref<128x128xf32, #tpu.memory_space<vmem_shared>>) target(%dma_start3A_117 : memref<128x128xf32, #tpu.memory_space<hbm>>) target_semaphore(%run_scoped3A : memref<!tpu.dma_semaphore, #tpu.memory_space<semaphore_mem>>)
      %dma_wait3A = arith.constant 0 : i32
      %dma_wait3A_120 = arith.constant 0 : i32
      %dma_wait3A_121 = tpu.memref_slice %arg6[%arg0, %dma_wait3A, %dma_wait3A_120] : memref<2x10240x128xf32, #tpu.memory_space<hbm>> -> memref<1x10240x128xf32, #tpu.memory_space<hbm>>
      %dma_wait3A_122 = tpu.memref_squeeze %dma_wait3A_121 : memref<1x10240x128xf32, #tpu.memory_space<hbm>> -> memref<10240x128xf32, #tpu.memory_space<hbm>>
      %dma_wait3A_123 = arith.constant 0 : i32
      %dma_wait3A_124 = tpu.memref_slice %dma_wait3A_122[%add3A_107, %dma_wait3A_123] : memref<10240x128xf32, #tpu.memory_space<hbm>> -> memref<128x128xf32, #tpu.memory_space<hbm>>
      %dma_wait3A_125 = arith.constant 0 : i32
      %dma_wait3A_126 = tpu.memref_slice %arg19[%add3A_107, %dma_wait3A_125] : memref<10240x128xf32, #tpu.memory_space<vmem_shared>> -> memref<128x128xf32, #tpu.memory_space<vmem_shared>>
      tpu.wait_dma2 semaphore(%run_scoped3A : memref<!tpu.dma_semaphore, #tpu.memory_space<semaphore_mem>>) src(%dma_wait3A_126 : memref<128x128xf32, #tpu.memory_space<vmem_shared>>) dst(%dma_wait3A_124 : memref<128x128xf32, #tpu.memory_space<hbm>>)
      tpu.yield
    }) : () -> ()
    %add3A_108 = arith.constant 384 : i32
    %add3A_109 = arith.addi %mul3A_85, %add3A_108 : i32
    "tpu.region"() ({
      %run_scoped3A = tpu.sem_alloc : memref<!tpu.dma_semaphore, #tpu.memory_space<semaphore_mem>>
      %dma_start3A_112 = arith.constant 0 : i32
      %dma_start3A_113 = arith.constant 0 : i32
      %dma_start3A_114 = tpu.memref_slice %arg6[%arg0, %dma_start3A_112, %dma_start3A_113] : memref<2x10240x128xf32, #tpu.memory_space<hbm>> -> memref<1x10240x128xf32, #tpu.memory_space<hbm>>
      %dma_start3A_115 = tpu.memref_squeeze %dma_start3A_114 : memref<1x10240x128xf32, #tpu.memory_space<hbm>> -> memref<10240x128xf32, #tpu.memory_space<hbm>>
      %dma_start3A_116 = arith.constant 0 : i32
      %dma_start3A_117 = tpu.memref_slice %dma_start3A_115[%add3A_109, %dma_start3A_116] : memref<10240x128xf32, #tpu.memory_space<hbm>> -> memref<128x128xf32, #tpu.memory_space<hbm>>
      %dma_start3A_118 = arith.constant 0 : i32
      %dma_start3A_119 = tpu.memref_slice %arg19[%add3A_109, %dma_start3A_118] : memref<10240x128xf32, #tpu.memory_space<vmem_shared>> -> memref<128x128xf32, #tpu.memory_space<vmem_shared>>
      tpu.enqueue_dma source(%dma_start3A_119 : memref<128x128xf32, #tpu.memory_space<vmem_shared>>) target(%dma_start3A_117 : memref<128x128xf32, #tpu.memory_space<hbm>>) target_semaphore(%run_scoped3A : memref<!tpu.dma_semaphore, #tpu.memory_space<semaphore_mem>>)
      %dma_wait3A = arith.constant 0 : i32
      %dma_wait3A_120 = arith.constant 0 : i32
      %dma_wait3A_121 = tpu.memref_slice %arg6[%arg0, %dma_wait3A, %dma_wait3A_120] : memref<2x10240x128xf32, #tpu.memory_space<hbm>> -> memref<1x10240x128xf32, #tpu.memory_space<hbm>>
      %dma_wait3A_122 = tpu.memref_squeeze %dma_wait3A_121 : memref<1x10240x128xf32, #tpu.memory_space<hbm>> -> memref<10240x128xf32, #tpu.memory_space<hbm>>
      %dma_wait3A_123 = arith.constant 0 : i32
      %dma_wait3A_124 = tpu.memref_slice %dma_wait3A_122[%add3A_109, %dma_wait3A_123] : memref<10240x128xf32, #tpu.memory_space<hbm>> -> memref<128x128xf32, #tpu.memory_space<hbm>>
      %dma_wait3A_125 = arith.constant 0 : i32
      %dma_wait3A_126 = tpu.memref_slice %arg19[%add3A_109, %dma_wait3A_125] : memref<10240x128xf32, #tpu.memory_space<vmem_shared>> -> memref<128x128xf32, #tpu.memory_space<vmem_shared>>
      tpu.wait_dma2 semaphore(%run_scoped3A : memref<!tpu.dma_semaphore, #tpu.memory_space<semaphore_mem>>) src(%dma_wait3A_126 : memref<128x128xf32, #tpu.memory_space<vmem_shared>>) dst(%dma_wait3A_124 : memref<128x128xf32, #tpu.memory_space<hbm>>)
      tpu.yield
    }) : () -> ()
    %add3A_110 = arith.constant 512 : i32
    %add3A_111 = arith.addi %mul3A_85, %add3A_110 : i32
    "tpu.region"() ({
      %run_scoped3A = tpu.sem_alloc : memref<!tpu.dma_semaphore, #tpu.memory_space<semaphore_mem>>
      %dma_start3A_112 = arith.constant 0 : i32
      %dma_start3A_113 = arith.constant 0 : i32
      %dma_start3A_114 = tpu.memref_slice %arg6[%arg0, %dma_start3A_112, %dma_start3A_113] : memref<2x10240x128xf32, #tpu.memory_space<hbm>> -> memref<1x10240x128xf32, #tpu.memory_space<hbm>>
      %dma_start3A_115 = tpu.memref_squeeze %dma_start3A_114 : memref<1x10240x128xf32, #tpu.memory_space<hbm>> -> memref<10240x128xf32, #tpu.memory_space<hbm>>
      %dma_start3A_116 = arith.constant 0 : i32
      %dma_start3A_117 = tpu.memref_slice %dma_start3A_115[%add3A_111, %dma_start3A_116] : memref<10240x128xf32, #tpu.memory_space<hbm>> -> memref<128x128xf32, #tpu.memory_space<hbm>>
      %dma_start3A_118 = arith.constant 0 : i32
      %dma_start3A_119 = tpu.memref_slice %arg19[%add3A_111, %dma_start3A_118] : memref<10240x128xf32, #tpu.memory_space<vmem_shared>> -> memref<128x128xf32, #tpu.memory_space<vmem_shared>>
      tpu.enqueue_dma source(%dma_start3A_119 : memref<128x128xf32, #tpu.memory_space<vmem_shared>>) target(%dma_start3A_117 : memref<128x128xf32, #tpu.memory_space<hbm>>) target_semaphore(%run_scoped3A : memref<!tpu.dma_semaphore, #tpu.memory_space<semaphore_mem>>)
      %dma_wait3A = arith.constant 0 : i32
      %dma_wait3A_120 = arith.constant 0 : i32
      %dma_wait3A_121 = tpu.memref_slice %arg6[%arg0, %dma_wait3A, %dma_wait3A_120] : memref<2x10240x128xf32, #tpu.memory_space<hbm>> -> memref<1x10240x128xf32, #tpu.memory_space<hbm>>
      %dma_wait3A_122 = tpu.memref_squeeze %dma_wait3A_121 : memref<1x10240x128xf32, #tpu.memory_space<hbm>> -> memref<10240x128xf32, #tpu.memory_space<hbm>>
      %dma_wait3A_123 = arith.constant 0 : i32
      %dma_wait3A_124 = tpu.memref_slice %dma_wait3A_122[%add3A_111, %dma_wait3A_123] : memref<10240x128xf32, #tpu.memory_space<hbm>> -> memref<128x128xf32, #tpu.memory_space<hbm>>
      %dma_wait3A_125 = arith.constant 0 : i32
      %dma_wait3A_126 = tpu.memref_slice %arg19[%add3A_111, %dma_wait3A_125] : memref<10240x128xf32, #tpu.memory_space<vmem_shared>> -> memref<128x128xf32, #tpu.memory_space<vmem_shared>>
      tpu.wait_dma2 semaphore(%run_scoped3A : memref<!tpu.dma_semaphore, #tpu.memory_space<semaphore_mem>>) src(%dma_wait3A_126 : memref<128x128xf32, #tpu.memory_space<vmem_shared>>) dst(%dma_wait3A_124 : memref<128x128xf32, #tpu.memory_space<hbm>>)
      tpu.yield
    }) : () -> ()
    return
  }
}

#map = affine_map<(d0, d1) -> (0)>
#map1 = affine_map<(d0, d1) -> (0, 0)>
#map2 = affine_map<(d0, d1) -> (0, 0, 0)>
module attributes {stable_mosaic.version = 14 : i64} {
  func.func @_sc_agg_body(%arg0: i32, %arg1: i32, %arg2: memref<327680xi32, #tpu.memory_space<hbm>>, %arg3: memref<327680xi32, #tpu.memory_space<hbm>>, %arg4: memref<10000x128xf32, #tpu.memory_space<hbm>>, %arg5: memref<128x128xf32, #tpu.memory_space<hbm>>, %arg6: memref<2x10240x128xf32, #tpu.memory_space<hbm>>, %arg7: memref<4x128xi32, #tpu.memory_space<vmem>>, %arg8: memref<4x128xi32, #tpu.memory_space<vmem>>, %arg9: memref<128x128xf32, #tpu.memory_space<vmem>>, %arg10: memref<128x128xf32, #tpu.memory_space<vmem>>, %arg11: memref<!tpu.dma_semaphore, #tpu.memory_space<semaphore_mem>>, %arg12: memref<!tpu.dma_semaphore, #tpu.memory_space<semaphore_mem>>, %arg13: memref<!tpu.dma_semaphore, #tpu.memory_space<semaphore_mem>>, %arg14: memref<!tpu.dma_semaphore, #tpu.memory_space<semaphore_mem>>, %arg15: memref<!tpu.dma_semaphore, #tpu.memory_space<semaphore_mem>>, %arg16: memref<!tpu.dma_semaphore, #tpu.memory_space<semaphore_mem>>, %arg17: memref<!tpu.dma_semaphore, #tpu.memory_space<semaphore_mem>>, %arg18: memref<!tpu.dma_semaphore, #tpu.memory_space<semaphore_mem>>, %arg19: memref<10240x128xf32, #tpu.memory_space<vmem_shared>>) attributes {dimension_semantics = [#tpu.dimension_semantics<core_parallel>, #tpu.dimension_semantics<subcore_parallel>], iteration_bounds = array<i64: 2, 16>, scalar_prefetch = 0 : i64, scratch_operands = 13 : i64, tpu.core_type = #tpu.core_type<sc_vector_subcore>, window_params = [{transform_indices = #map}, {transform_indices = #map}, {transform_indices = #map1}, {transform_indices = #map1}, {transform_indices = #map2}]} {
    %mul3A = arith.constant 2 : i32
    %mul3A_0 = arith.muli %arg1, %mul3A : i32
    %add3A = arith.addi %mul3A_0, %arg0 : i32
    %mul3A_1 = arith.constant 80 : i32
    %mul3A_2 = arith.muli %add3A, %mul3A_1 : i32
    %mul3A_3 = arith.constant 128 : i32
    %mul3A_4 = arith.muli %mul3A_2, %mul3A_3 : i32
    %add3A_5 = arith.constant 0 : i32
    %add3A_6 = arith.addi %mul3A_4, %add3A_5 : i32
    %dma_start3A = arith.constant 0 : i32
    %dma_start3A_7 = arith.constant 0 : i32
    %dma_start3A_8 = tpu.memref_slice %arg7[%dma_start3A, %dma_start3A_7] : memref<4x128xi32, #tpu.memory_space<vmem>> -> memref<1x128xi32, #tpu.memory_space<vmem>>
    %dma_start3A_9 = tpu.memref_squeeze %dma_start3A_8 : memref<1x128xi32, #tpu.memory_space<vmem>> -> memref<128xi32, #tpu.memory_space<vmem>>
    %dma_start3A_10 = tpu.memref_slice %arg2[%add3A_6] : memref<327680xi32, #tpu.memory_space<hbm>> -> memref<128xi32, #tpu.memory_space<hbm>>
    %dma_start3A_11 = arith.constant 0 : i32
    %dma_start3A_12 = tpu.memref_slice %arg7[%dma_start3A, %dma_start3A_11] : memref<4x128xi32, #tpu.memory_space<vmem>> -> memref<1x128xi32, #tpu.memory_space<vmem>>
    %dma_start3A_13 = tpu.memref_squeeze %dma_start3A_12 : memref<1x128xi32, #tpu.memory_space<vmem>> -> memref<128xi32, #tpu.memory_space<vmem>>
    %dma_start3A_14 = tpu.memref_slice %arg2[%add3A_6] : memref<327680xi32, #tpu.memory_space<hbm>> -> memref<128xi32, #tpu.memory_space<hbm>>
    tpu.enqueue_dma source(%dma_start3A_14 : memref<128xi32, #tpu.memory_space<hbm>>) target(%dma_start3A_13 : memref<128xi32, #tpu.memory_space<vmem>>) target_semaphore(%arg11 : memref<!tpu.dma_semaphore, #tpu.memory_space<semaphore_mem>>)
    %dma_start3A_15 = arith.constant 0 : i32
    %dma_start3A_16 = arith.constant 0 : i32
    %dma_start3A_17 = tpu.memref_slice %arg8[%dma_start3A_15, %dma_start3A_16] : memref<4x128xi32, #tpu.memory_space<vmem>> -> memref<1x128xi32, #tpu.memory_space<vmem>>
    %dma_start3A_18 = tpu.memref_squeeze %dma_start3A_17 : memref<1x128xi32, #tpu.memory_space<vmem>> -> memref<128xi32, #tpu.memory_space<vmem>>
    %dma_start3A_19 = tpu.memref_slice %arg3[%add3A_6] : memref<327680xi32, #tpu.memory_space<hbm>> -> memref<128xi32, #tpu.memory_space<hbm>>
    %dma_start3A_20 = arith.constant 0 : i32
    %dma_start3A_21 = tpu.memref_slice %arg8[%dma_start3A_15, %dma_start3A_20] : memref<4x128xi32, #tpu.memory_space<vmem>> -> memref<1x128xi32, #tpu.memory_space<vmem>>
    %dma_start3A_22 = tpu.memref_squeeze %dma_start3A_21 : memref<1x128xi32, #tpu.memory_space<vmem>> -> memref<128xi32, #tpu.memory_space<vmem>>
    %dma_start3A_23 = tpu.memref_slice %arg3[%add3A_6] : memref<327680xi32, #tpu.memory_space<hbm>> -> memref<128xi32, #tpu.memory_space<hbm>>
    tpu.enqueue_dma source(%dma_start3A_23 : memref<128xi32, #tpu.memory_space<hbm>>) target(%dma_start3A_22 : memref<128xi32, #tpu.memory_space<vmem>>) target_semaphore(%arg11 : memref<!tpu.dma_semaphore, #tpu.memory_space<semaphore_mem>>)
    %add3A_24 = arith.constant 128 : i32
    %add3A_25 = arith.addi %mul3A_4, %add3A_24 : i32
    %dma_start3A_26 = arith.constant 1 : i32
    %dma_start3A_27 = arith.constant 0 : i32
    %dma_start3A_28 = tpu.memref_slice %arg7[%dma_start3A_26, %dma_start3A_27] : memref<4x128xi32, #tpu.memory_space<vmem>> -> memref<1x128xi32, #tpu.memory_space<vmem>>
    %dma_start3A_29 = tpu.memref_squeeze %dma_start3A_28 : memref<1x128xi32, #tpu.memory_space<vmem>> -> memref<128xi32, #tpu.memory_space<vmem>>
    %dma_start3A_30 = tpu.memref_slice %arg2[%add3A_25] : memref<327680xi32, #tpu.memory_space<hbm>> -> memref<128xi32, #tpu.memory_space<hbm>>
    %dma_start3A_31 = arith.constant 0 : i32
    %dma_start3A_32 = tpu.memref_slice %arg7[%dma_start3A_26, %dma_start3A_31] : memref<4x128xi32, #tpu.memory_space<vmem>> -> memref<1x128xi32, #tpu.memory_space<vmem>>
    %dma_start3A_33 = tpu.memref_squeeze %dma_start3A_32 : memref<1x128xi32, #tpu.memory_space<vmem>> -> memref<128xi32, #tpu.memory_space<vmem>>
    %dma_start3A_34 = tpu.memref_slice %arg2[%add3A_25] : memref<327680xi32, #tpu.memory_space<hbm>> -> memref<128xi32, #tpu.memory_space<hbm>>
    tpu.enqueue_dma source(%dma_start3A_34 : memref<128xi32, #tpu.memory_space<hbm>>) target(%dma_start3A_33 : memref<128xi32, #tpu.memory_space<vmem>>) target_semaphore(%arg12 : memref<!tpu.dma_semaphore, #tpu.memory_space<semaphore_mem>>)
    %dma_start3A_35 = arith.constant 1 : i32
    %dma_start3A_36 = arith.constant 0 : i32
    %dma_start3A_37 = tpu.memref_slice %arg8[%dma_start3A_35, %dma_start3A_36] : memref<4x128xi32, #tpu.memory_space<vmem>> -> memref<1x128xi32, #tpu.memory_space<vmem>>
    %dma_start3A_38 = tpu.memref_squeeze %dma_start3A_37 : memref<1x128xi32, #tpu.memory_space<vmem>> -> memref<128xi32, #tpu.memory_space<vmem>>
    %dma_start3A_39 = tpu.memref_slice %arg3[%add3A_25] : memref<327680xi32, #tpu.memory_space<hbm>> -> memref<128xi32, #tpu.memory_space<hbm>>
    %dma_start3A_40 = arith.constant 0 : i32
    %dma_start3A_41 = tpu.memref_slice %arg8[%dma_start3A_35, %dma_start3A_40] : memref<4x128xi32, #tpu.memory_space<vmem>> -> memref<1x128xi32, #tpu.memory_space<vmem>>
    %dma_start3A_42 = tpu.memref_squeeze %dma_start3A_41 : memref<1x128xi32, #tpu.memory_space<vmem>> -> memref<128xi32, #tpu.memory_space<vmem>>
    %dma_start3A_43 = tpu.memref_slice %arg3[%add3A_25] : memref<327680xi32, #tpu.memory_space<hbm>> -> memref<128xi32, #tpu.memory_space<hbm>>
    tpu.enqueue_dma source(%dma_start3A_43 : memref<128xi32, #tpu.memory_space<hbm>>) target(%dma_start3A_42 : memref<128xi32, #tpu.memory_space<vmem>>) target_semaphore(%arg12 : memref<!tpu.dma_semaphore, #tpu.memory_space<semaphore_mem>>)
    %add3A_44 = arith.constant 256 : i32
    %add3A_45 = arith.addi %mul3A_4, %add3A_44 : i32
    %dma_start3A_46 = arith.constant 2 : i32
    %dma_start3A_47 = arith.constant 0 : i32
    %dma_start3A_48 = tpu.memref_slice %arg7[%dma_start3A_46, %dma_start3A_47] : memref<4x128xi32, #tpu.memory_space<vmem>> -> memref<1x128xi32, #tpu.memory_space<vmem>>
    %dma_start3A_49 = tpu.memref_squeeze %dma_start3A_48 : memref<1x128xi32, #tpu.memory_space<vmem>> -> memref<128xi32, #tpu.memory_space<vmem>>
    %dma_start3A_50 = tpu.memref_slice %arg2[%add3A_45] : memref<327680xi32, #tpu.memory_space<hbm>> -> memref<128xi32, #tpu.memory_space<hbm>>
    %dma_start3A_51 = arith.constant 0 : i32
    %dma_start3A_52 = tpu.memref_slice %arg7[%dma_start3A_46, %dma_start3A_51] : memref<4x128xi32, #tpu.memory_space<vmem>> -> memref<1x128xi32, #tpu.memory_space<vmem>>
    %dma_start3A_53 = tpu.memref_squeeze %dma_start3A_52 : memref<1x128xi32, #tpu.memory_space<vmem>> -> memref<128xi32, #tpu.memory_space<vmem>>
    %dma_start3A_54 = tpu.memref_slice %arg2[%add3A_45] : memref<327680xi32, #tpu.memory_space<hbm>> -> memref<128xi32, #tpu.memory_space<hbm>>
    tpu.enqueue_dma source(%dma_start3A_54 : memref<128xi32, #tpu.memory_space<hbm>>) target(%dma_start3A_53 : memref<128xi32, #tpu.memory_space<vmem>>) target_semaphore(%arg13 : memref<!tpu.dma_semaphore, #tpu.memory_space<semaphore_mem>>)
    %dma_start3A_55 = arith.constant 2 : i32
    %dma_start3A_56 = arith.constant 0 : i32
    %dma_start3A_57 = tpu.memref_slice %arg8[%dma_start3A_55, %dma_start3A_56] : memref<4x128xi32, #tpu.memory_space<vmem>> -> memref<1x128xi32, #tpu.memory_space<vmem>>
    %dma_start3A_58 = tpu.memref_squeeze %dma_start3A_57 : memref<1x128xi32, #tpu.memory_space<vmem>> -> memref<128xi32, #tpu.memory_space<vmem>>
    %dma_start3A_59 = tpu.memref_slice %arg3[%add3A_45] : memref<327680xi32, #tpu.memory_space<hbm>> -> memref<128xi32, #tpu.memory_space<hbm>>
    %dma_start3A_60 = arith.constant 0 : i32
    %dma_start3A_61 = tpu.memref_slice %arg8[%dma_start3A_55, %dma_start3A_60] : memref<4x128xi32, #tpu.memory_space<vmem>> -> memref<1x128xi32, #tpu.memory_space<vmem>>
    %dma_start3A_62 = tpu.memref_squeeze %dma_start3A_61 : memref<1x128xi32, #tpu.memory_space<vmem>> -> memref<128xi32, #tpu.memory_space<vmem>>
    %dma_start3A_63 = tpu.memref_slice %arg3[%add3A_45] : memref<327680xi32, #tpu.memory_space<hbm>> -> memref<128xi32, #tpu.memory_space<hbm>>
    tpu.enqueue_dma source(%dma_start3A_63 : memref<128xi32, #tpu.memory_space<hbm>>) target(%dma_start3A_62 : memref<128xi32, #tpu.memory_space<vmem>>) target_semaphore(%arg13 : memref<!tpu.dma_semaphore, #tpu.memory_space<semaphore_mem>>)
    %add3A_64 = arith.constant 384 : i32
    %add3A_65 = arith.addi %mul3A_4, %add3A_64 : i32
    %dma_start3A_66 = arith.constant 3 : i32
    %dma_start3A_67 = arith.constant 0 : i32
    %dma_start3A_68 = tpu.memref_slice %arg7[%dma_start3A_66, %dma_start3A_67] : memref<4x128xi32, #tpu.memory_space<vmem>> -> memref<1x128xi32, #tpu.memory_space<vmem>>
    %dma_start3A_69 = tpu.memref_squeeze %dma_start3A_68 : memref<1x128xi32, #tpu.memory_space<vmem>> -> memref<128xi32, #tpu.memory_space<vmem>>
    %dma_start3A_70 = tpu.memref_slice %arg2[%add3A_65] : memref<327680xi32, #tpu.memory_space<hbm>> -> memref<128xi32, #tpu.memory_space<hbm>>
    %dma_start3A_71 = arith.constant 0 : i32
    %dma_start3A_72 = tpu.memref_slice %arg7[%dma_start3A_66, %dma_start3A_71] : memref<4x128xi32, #tpu.memory_space<vmem>> -> memref<1x128xi32, #tpu.memory_space<vmem>>
    %dma_start3A_73 = tpu.memref_squeeze %dma_start3A_72 : memref<1x128xi32, #tpu.memory_space<vmem>> -> memref<128xi32, #tpu.memory_space<vmem>>
    %dma_start3A_74 = tpu.memref_slice %arg2[%add3A_65] : memref<327680xi32, #tpu.memory_space<hbm>> -> memref<128xi32, #tpu.memory_space<hbm>>
    tpu.enqueue_dma source(%dma_start3A_74 : memref<128xi32, #tpu.memory_space<hbm>>) target(%dma_start3A_73 : memref<128xi32, #tpu.memory_space<vmem>>) target_semaphore(%arg14 : memref<!tpu.dma_semaphore, #tpu.memory_space<semaphore_mem>>)
    %dma_start3A_75 = arith.constant 3 : i32
    %dma_start3A_76 = arith.constant 0 : i32
    %dma_start3A_77 = tpu.memref_slice %arg8[%dma_start3A_75, %dma_start3A_76] : memref<4x128xi32, #tpu.memory_space<vmem>> -> memref<1x128xi32, #tpu.memory_space<vmem>>
    %dma_start3A_78 = tpu.memref_squeeze %dma_start3A_77 : memref<1x128xi32, #tpu.memory_space<vmem>> -> memref<128xi32, #tpu.memory_space<vmem>>
    %dma_start3A_79 = tpu.memref_slice %arg3[%add3A_65] : memref<327680xi32, #tpu.memory_space<hbm>> -> memref<128xi32, #tpu.memory_space<hbm>>
    %dma_start3A_80 = arith.constant 0 : i32
    %dma_start3A_81 = tpu.memref_slice %arg8[%dma_start3A_75, %dma_start3A_80] : memref<4x128xi32, #tpu.memory_space<vmem>> -> memref<1x128xi32, #tpu.memory_space<vmem>>
    %dma_start3A_82 = tpu.memref_squeeze %dma_start3A_81 : memref<1x128xi32, #tpu.memory_space<vmem>> -> memref<128xi32, #tpu.memory_space<vmem>>
    %dma_start3A_83 = tpu.memref_slice %arg3[%add3A_65] : memref<327680xi32, #tpu.memory_space<hbm>> -> memref<128xi32, #tpu.memory_space<hbm>>
    tpu.enqueue_dma source(%dma_start3A_83 : memref<128xi32, #tpu.memory_space<hbm>>) target(%dma_start3A_82 : memref<128xi32, #tpu.memory_space<vmem>>) target_semaphore(%arg14 : memref<!tpu.dma_semaphore, #tpu.memory_space<semaphore_mem>>)
    "tpu.region"() ({
      %run_scoped3A = tpu.sem_alloc : memref<!tpu.dma_semaphore, #tpu.memory_space<semaphore_mem>>
      tpu.enqueue_dma source(%arg5 : memref<128x128xf32, #tpu.memory_space<hbm>>) target(%arg9 : memref<128x128xf32, #tpu.memory_space<vmem>>) target_semaphore(%run_scoped3A : memref<!tpu.dma_semaphore, #tpu.memory_space<semaphore_mem>>)
      tpu.wait_dma2 semaphore(%run_scoped3A : memref<!tpu.dma_semaphore, #tpu.memory_space<semaphore_mem>>) src(%arg5 : memref<128x128xf32, #tpu.memory_space<hbm>>) dst(%arg9 : memref<128x128xf32, #tpu.memory_space<vmem>>)
      tpu.yield
    }) : () -> ()
    %mul3A_84 = arith.constant 640 : i32
    %mul3A_85 = arith.muli %arg1, %mul3A_84 : i32
    %add3A_86 = arith.constant 0 : i32
    %add3A_87 = arith.addi %mul3A_85, %add3A_86 : i32
    "tpu.region"() ({
      %run_scoped3A = tpu.sem_alloc : memref<!tpu.dma_semaphore, #tpu.memory_space<semaphore_mem>>
      %dma_start3A_112 = arith.constant 0 : i32
      %dma_start3A_113 = tpu.memref_slice %arg19[%add3A_87, %dma_start3A_112] : memref<10240x128xf32, #tpu.memory_space<vmem_shared>> -> memref<128x128xf32, #tpu.memory_space<vmem_shared>>
      %dma_start3A_114 = arith.constant 0 : i32
      %dma_start3A_115 = tpu.memref_slice %arg19[%add3A_87, %dma_start3A_114] : memref<10240x128xf32, #tpu.memory_space<vmem_shared>> -> memref<128x128xf32, #tpu.memory_space<vmem_shared>>
      tpu.enqueue_dma source(%arg9 : memref<128x128xf32, #tpu.memory_space<vmem>>) target(%dma_start3A_115 : memref<128x128xf32, #tpu.memory_space<vmem_shared>>) target_semaphore(%run_scoped3A : memref<!tpu.dma_semaphore, #tpu.memory_space<semaphore_mem>>)
      %dma_wait3A = arith.constant 0 : i32
      %dma_wait3A_116 = tpu.memref_slice %arg19[%add3A_87, %dma_wait3A] : memref<10240x128xf32, #tpu.memory_space<vmem_shared>> -> memref<128x128xf32, #tpu.memory_space<vmem_shared>>
      %dma_wait3A_117 = arith.constant 0 : i32
      %dma_wait3A_118 = tpu.memref_slice %arg19[%add3A_87, %dma_wait3A_117] : memref<10240x128xf32, #tpu.memory_space<vmem_shared>> -> memref<128x128xf32, #tpu.memory_space<vmem_shared>>
      tpu.wait_dma2 semaphore(%run_scoped3A : memref<!tpu.dma_semaphore, #tpu.memory_space<semaphore_mem>>) src(%arg9 : memref<128x128xf32, #tpu.memory_space<vmem>>) dst(%dma_wait3A_118 : memref<128x128xf32, #tpu.memory_space<vmem_shared>>)
      tpu.yield
    }) : () -> ()
    %add3A_88 = arith.constant 128 : i32
    %add3A_89 = arith.addi %mul3A_85, %add3A_88 : i32
    "tpu.region"() ({
      %run_scoped3A = tpu.sem_alloc : memref<!tpu.dma_semaphore, #tpu.memory_space<semaphore_mem>>
      %dma_start3A_112 = arith.constant 0 : i32
      %dma_start3A_113 = tpu.memref_slice %arg19[%add3A_89, %dma_start3A_112] : memref<10240x128xf32, #tpu.memory_space<vmem_shared>> -> memref<128x128xf32, #tpu.memory_space<vmem_shared>>
      %dma_start3A_114 = arith.constant 0 : i32
      %dma_start3A_115 = tpu.memref_slice %arg19[%add3A_89, %dma_start3A_114] : memref<10240x128xf32, #tpu.memory_space<vmem_shared>> -> memref<128x128xf32, #tpu.memory_space<vmem_shared>>
      tpu.enqueue_dma source(%arg9 : memref<128x128xf32, #tpu.memory_space<vmem>>) target(%dma_start3A_115 : memref<128x128xf32, #tpu.memory_space<vmem_shared>>) target_semaphore(%run_scoped3A : memref<!tpu.dma_semaphore, #tpu.memory_space<semaphore_mem>>)
      %dma_wait3A = arith.constant 0 : i32
      %dma_wait3A_116 = tpu.memref_slice %arg19[%add3A_89, %dma_wait3A] : memref<10240x128xf32, #tpu.memory_space<vmem_shared>> -> memref<128x128xf32, #tpu.memory_space<vmem_shared>>
      %dma_wait3A_117 = arith.constant 0 : i32
      %dma_wait3A_118 = tpu.memref_slice %arg19[%add3A_89, %dma_wait3A_117] : memref<10240x128xf32, #tpu.memory_space<vmem_shared>> -> memref<128x128xf32, #tpu.memory_space<vmem_shared>>
      tpu.wait_dma2 semaphore(%run_scoped3A : memref<!tpu.dma_semaphore, #tpu.memory_space<semaphore_mem>>) src(%arg9 : memref<128x128xf32, #tpu.memory_space<vmem>>) dst(%dma_wait3A_118 : memref<128x128xf32, #tpu.memory_space<vmem_shared>>)
      tpu.yield
    }) : () -> ()
    %add3A_90 = arith.constant 256 : i32
    %add3A_91 = arith.addi %mul3A_85, %add3A_90 : i32
    "tpu.region"() ({
      %run_scoped3A = tpu.sem_alloc : memref<!tpu.dma_semaphore, #tpu.memory_space<semaphore_mem>>
      %dma_start3A_112 = arith.constant 0 : i32
      %dma_start3A_113 = tpu.memref_slice %arg19[%add3A_91, %dma_start3A_112] : memref<10240x128xf32, #tpu.memory_space<vmem_shared>> -> memref<128x128xf32, #tpu.memory_space<vmem_shared>>
      %dma_start3A_114 = arith.constant 0 : i32
      %dma_start3A_115 = tpu.memref_slice %arg19[%add3A_91, %dma_start3A_114] : memref<10240x128xf32, #tpu.memory_space<vmem_shared>> -> memref<128x128xf32, #tpu.memory_space<vmem_shared>>
      tpu.enqueue_dma source(%arg9 : memref<128x128xf32, #tpu.memory_space<vmem>>) target(%dma_start3A_115 : memref<128x128xf32, #tpu.memory_space<vmem_shared>>) target_semaphore(%run_scoped3A : memref<!tpu.dma_semaphore, #tpu.memory_space<semaphore_mem>>)
      %dma_wait3A = arith.constant 0 : i32
      %dma_wait3A_116 = tpu.memref_slice %arg19[%add3A_91, %dma_wait3A] : memref<10240x128xf32, #tpu.memory_space<vmem_shared>> -> memref<128x128xf32, #tpu.memory_space<vmem_shared>>
      %dma_wait3A_117 = arith.constant 0 : i32
      %dma_wait3A_118 = tpu.memref_slice %arg19[%add3A_91, %dma_wait3A_117] : memref<10240x128xf32, #tpu.memory_space<vmem_shared>> -> memref<128x128xf32, #tpu.memory_space<vmem_shared>>
      tpu.wait_dma2 semaphore(%run_scoped3A : memref<!tpu.dma_semaphore, #tpu.memory_space<semaphore_mem>>) src(%arg9 : memref<128x128xf32, #tpu.memory_space<vmem>>) dst(%dma_wait3A_118 : memref<128x128xf32, #tpu.memory_space<vmem_shared>>)
      tpu.yield
    }) : () -> ()
    %add3A_92 = arith.constant 384 : i32
    %add3A_93 = arith.addi %mul3A_85, %add3A_92 : i32
    "tpu.region"() ({
      %run_scoped3A = tpu.sem_alloc : memref<!tpu.dma_semaphore, #tpu.memory_space<semaphore_mem>>
      %dma_start3A_112 = arith.constant 0 : i32
      %dma_start3A_113 = tpu.memref_slice %arg19[%add3A_93, %dma_start3A_112] : memref<10240x128xf32, #tpu.memory_space<vmem_shared>> -> memref<128x128xf32, #tpu.memory_space<vmem_shared>>
      %dma_start3A_114 = arith.constant 0 : i32
      %dma_start3A_115 = tpu.memref_slice %arg19[%add3A_93, %dma_start3A_114] : memref<10240x128xf32, #tpu.memory_space<vmem_shared>> -> memref<128x128xf32, #tpu.memory_space<vmem_shared>>
      tpu.enqueue_dma source(%arg9 : memref<128x128xf32, #tpu.memory_space<vmem>>) target(%dma_start3A_115 : memref<128x128xf32, #tpu.memory_space<vmem_shared>>) target_semaphore(%run_scoped3A : memref<!tpu.dma_semaphore, #tpu.memory_space<semaphore_mem>>)
      %dma_wait3A = arith.constant 0 : i32
      %dma_wait3A_116 = tpu.memref_slice %arg19[%add3A_93, %dma_wait3A] : memref<10240x128xf32, #tpu.memory_space<vmem_shared>> -> memref<128x128xf32, #tpu.memory_space<vmem_shared>>
      %dma_wait3A_117 = arith.constant 0 : i32
      %dma_wait3A_118 = tpu.memref_slice %arg19[%add3A_93, %dma_wait3A_117] : memref<10240x128xf32, #tpu.memory_space<vmem_shared>> -> memref<128x128xf32, #tpu.memory_space<vmem_shared>>
      tpu.wait_dma2 semaphore(%run_scoped3A : memref<!tpu.dma_semaphore, #tpu.memory_space<semaphore_mem>>) src(%arg9 : memref<128x128xf32, #tpu.memory_space<vmem>>) dst(%dma_wait3A_118 : memref<128x128xf32, #tpu.memory_space<vmem_shared>>)
      tpu.yield
    }) : () -> ()
    %add3A_94 = arith.constant 512 : i32
    %add3A_95 = arith.addi %mul3A_85, %add3A_94 : i32
    "tpu.region"() ({
      %run_scoped3A = tpu.sem_alloc : memref<!tpu.dma_semaphore, #tpu.memory_space<semaphore_mem>>
      %dma_start3A_112 = arith.constant 0 : i32
      %dma_start3A_113 = tpu.memref_slice %arg19[%add3A_95, %dma_start3A_112] : memref<10240x128xf32, #tpu.memory_space<vmem_shared>> -> memref<128x128xf32, #tpu.memory_space<vmem_shared>>
      %dma_start3A_114 = arith.constant 0 : i32
      %dma_start3A_115 = tpu.memref_slice %arg19[%add3A_95, %dma_start3A_114] : memref<10240x128xf32, #tpu.memory_space<vmem_shared>> -> memref<128x128xf32, #tpu.memory_space<vmem_shared>>
      tpu.enqueue_dma source(%arg9 : memref<128x128xf32, #tpu.memory_space<vmem>>) target(%dma_start3A_115 : memref<128x128xf32, #tpu.memory_space<vmem_shared>>) target_semaphore(%run_scoped3A : memref<!tpu.dma_semaphore, #tpu.memory_space<semaphore_mem>>)
      %dma_wait3A = arith.constant 0 : i32
      %dma_wait3A_116 = tpu.memref_slice %arg19[%add3A_95, %dma_wait3A] : memref<10240x128xf32, #tpu.memory_space<vmem_shared>> -> memref<128x128xf32, #tpu.memory_space<vmem_shared>>
      %dma_wait3A_117 = arith.constant 0 : i32
      %dma_wait3A_118 = tpu.memref_slice %arg19[%add3A_95, %dma_wait3A_117] : memref<10240x128xf32, #tpu.memory_space<vmem_shared>> -> memref<128x128xf32, #tpu.memory_space<vmem_shared>>
      tpu.wait_dma2 semaphore(%run_scoped3A : memref<!tpu.dma_semaphore, #tpu.memory_space<semaphore_mem>>) src(%arg9 : memref<128x128xf32, #tpu.memory_space<vmem>>) dst(%dma_wait3A_118 : memref<128x128xf32, #tpu.memory_space<vmem_shared>>)
      tpu.yield
    }) : () -> ()
    %barrier3A = arith.constant 0 : index
    tpu.barrier barrier_id(%barrier3A)
    %scan3A = arith.constant 0 : i32
    %scan3A_96 = arith.constant 0 : i32
    %scan3A_97 = arith.constant 20 : i32
    %scan3A_98 = arith.addi %scan3A_96, %scan3A_97 : i32
    %scan3A_99 = arith.constant 1 : i32
    scf.for %scan3A_112 = %scan3A_96 to %scan3A_98 step %scan3A_99  : i32 {
      %mul3A_113 = arith.constant 4 : i32
      %mul3A_114 = arith.muli %mul3A_113, %scan3A_112 : i32
      %dma_wait3A = arith.constant 0 : i32
      %dma_wait3A_115 = arith.constant 0 : i32
      %dma_wait3A_116 = tpu.memref_slice %arg7[%dma_wait3A, %dma_wait3A_115] : memref<4x128xi32, #tpu.memory_space<vmem>> -> memref<1x128xi32, #tpu.memory_space<vmem>>
      %dma_wait3A_117 = tpu.memref_squeeze %dma_wait3A_116 : memref<1x128xi32, #tpu.memory_space<vmem>> -> memref<128xi32, #tpu.memory_space<vmem>>
      %dma_wait3A_118 = tpu.memref_slice %arg2[%mul3A_4] : memref<327680xi32, #tpu.memory_space<hbm>> -> memref<128xi32, #tpu.memory_space<hbm>>
      %dma_wait3A_119 = arith.constant 0 : i32
      %dma_wait3A_120 = tpu.memref_slice %arg7[%dma_wait3A, %dma_wait3A_119] : memref<4x128xi32, #tpu.memory_space<vmem>> -> memref<1x128xi32, #tpu.memory_space<vmem>>
      %dma_wait3A_121 = tpu.memref_squeeze %dma_wait3A_120 : memref<1x128xi32, #tpu.memory_space<vmem>> -> memref<128xi32, #tpu.memory_space<vmem>>
      %dma_wait3A_122 = tpu.memref_slice %arg2[%mul3A_4] : memref<327680xi32, #tpu.memory_space<hbm>> -> memref<128xi32, #tpu.memory_space<hbm>>
      tpu.wait_dma2 semaphore(%arg11 : memref<!tpu.dma_semaphore, #tpu.memory_space<semaphore_mem>>) src(%dma_wait3A_122 : memref<128xi32, #tpu.memory_space<hbm>>) dst(%dma_wait3A_121 : memref<128xi32, #tpu.memory_space<vmem>>)
      %dma_wait3A_123 = arith.constant 0 : i32
      %dma_wait3A_124 = arith.constant 0 : i32
      %dma_wait3A_125 = tpu.memref_slice %arg8[%dma_wait3A_123, %dma_wait3A_124] : memref<4x128xi32, #tpu.memory_space<vmem>> -> memref<1x128xi32, #tpu.memory_space<vmem>>
      %dma_wait3A_126 = tpu.memref_squeeze %dma_wait3A_125 : memref<1x128xi32, #tpu.memory_space<vmem>> -> memref<128xi32, #tpu.memory_space<vmem>>
      %dma_wait3A_127 = tpu.memref_slice %arg3[%mul3A_4] : memref<327680xi32, #tpu.memory_space<hbm>> -> memref<128xi32, #tpu.memory_space<hbm>>
      %dma_wait3A_128 = arith.constant 0 : i32
      %dma_wait3A_129 = tpu.memref_slice %arg8[%dma_wait3A_123, %dma_wait3A_128] : memref<4x128xi32, #tpu.memory_space<vmem>> -> memref<1x128xi32, #tpu.memory_space<vmem>>
      %dma_wait3A_130 = tpu.memref_squeeze %dma_wait3A_129 : memref<1x128xi32, #tpu.memory_space<vmem>> -> memref<128xi32, #tpu.memory_space<vmem>>
      %dma_wait3A_131 = tpu.memref_slice %arg3[%mul3A_4] : memref<327680xi32, #tpu.memory_space<hbm>> -> memref<128xi32, #tpu.memory_space<hbm>>
      tpu.wait_dma2 semaphore(%arg11 : memref<!tpu.dma_semaphore, #tpu.memory_space<semaphore_mem>>) src(%dma_wait3A_131 : memref<128xi32, #tpu.memory_space<hbm>>) dst(%dma_wait3A_130 : memref<128xi32, #tpu.memory_space<vmem>>)
      %dma_start3A_132 = arith.constant 0 : i32
      %dma_start3A_133 = arith.constant 0 : i32
      %dma_start3A_134 = tpu.memref_slice %arg7[%dma_start3A_132, %dma_start3A_133] : memref<4x128xi32, #tpu.memory_space<vmem>> -> memref<1x128xi32, #tpu.memory_space<vmem>>
      %dma_start3A_135 = tpu.memref_squeeze %dma_start3A_134 : memref<1x128xi32, #tpu.memory_space<vmem>> -> memref<128xi32, #tpu.memory_space<vmem>>
      %dma_start3A_136 = arith.constant 0 : i32
      %dma_start3A_137 = arith.constant 0 : i32
      %dma_start3A_138 = tpu.memref_slice %arg4[%dma_start3A_136, %dma_start3A_137] : memref<10000x128xf32, #tpu.memory_space<hbm>> -> memref<10000x128xf32, #tpu.memory_space<hbm>>
      tpu.enqueue_indirect_dma source(%dma_start3A_138 : memref<10000x128xf32, #tpu.memory_space<hbm>>) target(%arg9 : memref<128x128xf32, #tpu.memory_space<vmem>>) offsets(%dma_start3A_135 : memref<128xi32, #tpu.memory_space<vmem>>) semaphore(%arg15 : memref<!tpu.dma_semaphore, #tpu.memory_space<semaphore_mem>>)
      %dma_wait3A_139 = arith.constant 1 : i32
      %dma_wait3A_140 = arith.constant 0 : i32
      %dma_wait3A_141 = tpu.memref_slice %arg7[%dma_wait3A_139, %dma_wait3A_140] : memref<4x128xi32, #tpu.memory_space<vmem>> -> memref<1x128xi32, #tpu.memory_space<vmem>>
      %dma_wait3A_142 = tpu.memref_squeeze %dma_wait3A_141 : memref<1x128xi32, #tpu.memory_space<vmem>> -> memref<128xi32, #tpu.memory_space<vmem>>
      %dma_wait3A_143 = tpu.memref_slice %arg2[%mul3A_4] : memref<327680xi32, #tpu.memory_space<hbm>> -> memref<128xi32, #tpu.memory_space<hbm>>
      %dma_wait3A_144 = arith.constant 0 : i32
      %dma_wait3A_145 = tpu.memref_slice %arg7[%dma_wait3A_139, %dma_wait3A_144] : memref<4x128xi32, #tpu.memory_space<vmem>> -> memref<1x128xi32, #tpu.memory_space<vmem>>
      %dma_wait3A_146 = tpu.memref_squeeze %dma_wait3A_145 : memref<1x128xi32, #tpu.memory_space<vmem>> -> memref<128xi32, #tpu.memory_space<vmem>>
      %dma_wait3A_147 = tpu.memref_slice %arg2[%mul3A_4] : memref<327680xi32, #tpu.memory_space<hbm>> -> memref<128xi32, #tpu.memory_space<hbm>>
      tpu.wait_dma2 semaphore(%arg12 : memref<!tpu.dma_semaphore, #tpu.memory_space<semaphore_mem>>) src(%dma_wait3A_147 : memref<128xi32, #tpu.memory_space<hbm>>) dst(%dma_wait3A_146 : memref<128xi32, #tpu.memory_space<vmem>>)
      %dma_wait3A_148 = arith.constant 1 : i32
      %dma_wait3A_149 = arith.constant 0 : i32
      %dma_wait3A_150 = tpu.memref_slice %arg8[%dma_wait3A_148, %dma_wait3A_149] : memref<4x128xi32, #tpu.memory_space<vmem>> -> memref<1x128xi32, #tpu.memory_space<vmem>>
      %dma_wait3A_151 = tpu.memref_squeeze %dma_wait3A_150 : memref<1x128xi32, #tpu.memory_space<vmem>> -> memref<128xi32, #tpu.memory_space<vmem>>
      %dma_wait3A_152 = tpu.memref_slice %arg3[%mul3A_4] : memref<327680xi32, #tpu.memory_space<hbm>> -> memref<128xi32, #tpu.memory_space<hbm>>
      %dma_wait3A_153 = arith.constant 0 : i32
      %dma_wait3A_154 = tpu.memref_slice %arg8[%dma_wait3A_148, %dma_wait3A_153] : memref<4x128xi32, #tpu.memory_space<vmem>> -> memref<1x128xi32, #tpu.memory_space<vmem>>
      %dma_wait3A_155 = tpu.memref_squeeze %dma_wait3A_154 : memref<1x128xi32, #tpu.memory_space<vmem>> -> memref<128xi32, #tpu.memory_space<vmem>>
      %dma_wait3A_156 = tpu.memref_slice %arg3[%mul3A_4] : memref<327680xi32, #tpu.memory_space<hbm>> -> memref<128xi32, #tpu.memory_space<hbm>>
      tpu.wait_dma2 semaphore(%arg12 : memref<!tpu.dma_semaphore, #tpu.memory_space<semaphore_mem>>) src(%dma_wait3A_156 : memref<128xi32, #tpu.memory_space<hbm>>) dst(%dma_wait3A_155 : memref<128xi32, #tpu.memory_space<vmem>>)
      %dma_start3A_157 = arith.constant 1 : i32
      %dma_start3A_158 = arith.constant 0 : i32
      %dma_start3A_159 = tpu.memref_slice %arg7[%dma_start3A_157, %dma_start3A_158] : memref<4x128xi32, #tpu.memory_space<vmem>> -> memref<1x128xi32, #tpu.memory_space<vmem>>
      %dma_start3A_160 = tpu.memref_squeeze %dma_start3A_159 : memref<1x128xi32, #tpu.memory_space<vmem>> -> memref<128xi32, #tpu.memory_space<vmem>>
      %dma_start3A_161 = arith.constant 0 : i32
      %dma_start3A_162 = arith.constant 0 : i32
      %dma_start3A_163 = tpu.memref_slice %arg4[%dma_start3A_161, %dma_start3A_162] : memref<10000x128xf32, #tpu.memory_space<hbm>> -> memref<10000x128xf32, #tpu.memory_space<hbm>>
      tpu.enqueue_indirect_dma source(%dma_start3A_163 : memref<10000x128xf32, #tpu.memory_space<hbm>>) target(%arg10 : memref<128x128xf32, #tpu.memory_space<vmem>>) offsets(%dma_start3A_160 : memref<128xi32, #tpu.memory_space<vmem>>) semaphore(%arg16 : memref<!tpu.dma_semaphore, #tpu.memory_space<semaphore_mem>>)
      %dma_wait3A_164 = arith.constant 0 : i32
      %dma_wait3A_165 = arith.constant 0 : i32
      %dma_wait3A_166 = tpu.memref_slice %arg7[%dma_wait3A_164, %dma_wait3A_165] : memref<4x128xi32, #tpu.memory_space<vmem>> -> memref<1x128xi32, #tpu.memory_space<vmem>>
      %dma_wait3A_167 = tpu.memref_squeeze %dma_wait3A_166 : memref<1x128xi32, #tpu.memory_space<vmem>> -> memref<128xi32, #tpu.memory_space<vmem>>
      %dma_wait3A_168 = arith.constant 0 : i32
      %dma_wait3A_169 = arith.constant 0 : i32
      %dma_wait3A_170 = tpu.memref_slice %arg4[%dma_wait3A_168, %dma_wait3A_169] : memref<10000x128xf32, #tpu.memory_space<hbm>> -> memref<10000x128xf32, #tpu.memory_space<hbm>>
      tpu.wait_indirect_dma semaphore(%arg15 : memref<!tpu.dma_semaphore, #tpu.memory_space<semaphore_mem>>) src(%dma_wait3A_170 : memref<10000x128xf32, #tpu.memory_space<hbm>>) dst(%arg9 : memref<128x128xf32, #tpu.memory_space<vmem>>)
      %dma_start3A_171 = arith.constant 0 : i32
      %dma_start3A_172 = arith.constant 0 : i32
      %dma_start3A_173 = tpu.memref_slice %arg8[%dma_start3A_171, %dma_start3A_172] : memref<4x128xi32, #tpu.memory_space<vmem>> -> memref<1x128xi32, #tpu.memory_space<vmem>>
      %dma_start3A_174 = tpu.memref_squeeze %dma_start3A_173 : memref<1x128xi32, #tpu.memory_space<vmem>> -> memref<128xi32, #tpu.memory_space<vmem>>
      %dma_start3A_175 = arith.constant 0 : i32
      %dma_start3A_176 = arith.constant 0 : i32
      %dma_start3A_177 = tpu.memref_slice %arg19[%dma_start3A_175, %dma_start3A_176] : memref<10240x128xf32, #tpu.memory_space<vmem_shared>> -> memref<10240x128xf32, #tpu.memory_space<vmem_shared>>
      tpu.enqueue_indirect_dma source(%arg9 : memref<128x128xf32, #tpu.memory_space<vmem>>) target(%dma_start3A_177 : memref<10240x128xf32, #tpu.memory_space<vmem_shared>>) offsets(%dma_start3A_174 : memref<128xi32, #tpu.memory_space<vmem>>) semaphore(%arg17 : memref<!tpu.dma_semaphore, #tpu.memory_space<semaphore_mem>>) {add = true}
      %dma_wait3A_178 = arith.constant 1 : i32
      %dma_wait3A_179 = arith.constant 0 : i32
      %dma_wait3A_180 = tpu.memref_slice %arg7[%dma_wait3A_178, %dma_wait3A_179] : memref<4x128xi32, #tpu.memory_space<vmem>> -> memref<1x128xi32, #tpu.memory_space<vmem>>
      %dma_wait3A_181 = tpu.memref_squeeze %dma_wait3A_180 : memref<1x128xi32, #tpu.memory_space<vmem>> -> memref<128xi32, #tpu.memory_space<vmem>>
      %dma_wait3A_182 = arith.constant 0 : i32
      %dma_wait3A_183 = arith.constant 0 : i32
      %dma_wait3A_184 = tpu.memref_slice %arg4[%dma_wait3A_182, %dma_wait3A_183] : memref<10000x128xf32, #tpu.memory_space<hbm>> -> memref<10000x128xf32, #tpu.memory_space<hbm>>
      tpu.wait_indirect_dma semaphore(%arg16 : memref<!tpu.dma_semaphore, #tpu.memory_space<semaphore_mem>>) src(%dma_wait3A_184 : memref<10000x128xf32, #tpu.memory_space<hbm>>) dst(%arg10 : memref<128x128xf32, #tpu.memory_space<vmem>>)
      %dma_start3A_185 = arith.constant 1 : i32
      %dma_start3A_186 = arith.constant 0 : i32
      %dma_start3A_187 = tpu.memref_slice %arg8[%dma_start3A_185, %dma_start3A_186] : memref<4x128xi32, #tpu.memory_space<vmem>> -> memref<1x128xi32, #tpu.memory_space<vmem>>
      %dma_start3A_188 = tpu.memref_squeeze %dma_start3A_187 : memref<1x128xi32, #tpu.memory_space<vmem>> -> memref<128xi32, #tpu.memory_space<vmem>>
      %dma_start3A_189 = arith.constant 0 : i32
      %dma_start3A_190 = arith.constant 0 : i32
      %dma_start3A_191 = tpu.memref_slice %arg19[%dma_start3A_189, %dma_start3A_190] : memref<10240x128xf32, #tpu.memory_space<vmem_shared>> -> memref<10240x128xf32, #tpu.memory_space<vmem_shared>>
      tpu.enqueue_indirect_dma source(%arg10 : memref<128x128xf32, #tpu.memory_space<vmem>>) target(%dma_start3A_191 : memref<10240x128xf32, #tpu.memory_space<vmem_shared>>) offsets(%dma_start3A_188 : memref<128xi32, #tpu.memory_space<vmem>>) semaphore(%arg18 : memref<!tpu.dma_semaphore, #tpu.memory_space<semaphore_mem>>) {add = true}
      %dma_wait3A_192 = arith.constant 0 : i32
      %dma_wait3A_193 = arith.constant 0 : i32
      %dma_wait3A_194 = tpu.memref_slice %arg8[%dma_wait3A_192, %dma_wait3A_193] : memref<4x128xi32, #tpu.memory_space<vmem>> -> memref<1x128xi32, #tpu.memory_space<vmem>>
      %dma_wait3A_195 = tpu.memref_squeeze %dma_wait3A_194 : memref<1x128xi32, #tpu.memory_space<vmem>> -> memref<128xi32, #tpu.memory_space<vmem>>
      %dma_wait3A_196 = arith.constant 0 : i32
      %dma_wait3A_197 = arith.constant 0 : i32
      %dma_wait3A_198 = tpu.memref_slice %arg19[%dma_wait3A_196, %dma_wait3A_197] : memref<10240x128xf32, #tpu.memory_space<vmem_shared>> -> memref<10240x128xf32, #tpu.memory_space<vmem_shared>>
      tpu.wait_indirect_dma semaphore(%arg17 : memref<!tpu.dma_semaphore, #tpu.memory_space<semaphore_mem>>) src(%arg9 : memref<128x128xf32, #tpu.memory_space<vmem>>) dst(%dma_wait3A_198 : memref<10240x128xf32, #tpu.memory_space<vmem_shared>>)
      %add3A_199 = arith.constant 4 : i32
      %add3A_200 = arith.addi %mul3A_114, %add3A_199 : i32
      %add3A_201 = arith.constant 1 : i32
      %add3A_202 = arith.addi %scan3A_112, %add3A_201 : i32
      %lt3A = arith.constant 20 : i32
      %lt3A_203 = arith.cmpi slt, %add3A_202, %lt3A : i32
      %convert_element_type3A = arith.extui %lt3A_203 : i1 to i32
      %cond3A = arith.constant 0 : i32
      %cond3A_204 = arith.cmpi ne, %convert_element_type3A, %cond3A : i32
      scf.if %cond3A_204 {
        %mul3A_331 = arith.constant 128 : i32
        %mul3A_332 = arith.muli %add3A_200, %mul3A_331 : i32
        %add3A_333 = arith.addi %mul3A_4, %mul3A_332 : i32
        %dma_start3A_334 = arith.constant 0 : i32
        %dma_start3A_335 = arith.constant 0 : i32
        %dma_start3A_336 = tpu.memref_slice %arg7[%dma_start3A_334, %dma_start3A_335] : memref<4x128xi32, #tpu.memory_space<vmem>> -> memref<1x128xi32, #tpu.memory_space<vmem>>
        %dma_start3A_337 = tpu.memref_squeeze %dma_start3A_336 : memref<1x128xi32, #tpu.memory_space<vmem>> -> memref<128xi32, #tpu.memory_space<vmem>>
        %dma_start3A_338 = tpu.memref_slice %arg2[%add3A_333] : memref<327680xi32, #tpu.memory_space<hbm>> -> memref<128xi32, #tpu.memory_space<hbm>>
        %dma_start3A_339 = arith.constant 0 : i32
        %dma_start3A_340 = tpu.memref_slice %arg7[%dma_start3A_334, %dma_start3A_339] : memref<4x128xi32, #tpu.memory_space<vmem>> -> memref<1x128xi32, #tpu.memory_space<vmem>>
        %dma_start3A_341 = tpu.memref_squeeze %dma_start3A_340 : memref<1x128xi32, #tpu.memory_space<vmem>> -> memref<128xi32, #tpu.memory_space<vmem>>
        %dma_start3A_342 = tpu.memref_slice %arg2[%add3A_333] : memref<327680xi32, #tpu.memory_space<hbm>> -> memref<128xi32, #tpu.memory_space<hbm>>
        tpu.enqueue_dma source(%dma_start3A_342 : memref<128xi32, #tpu.memory_space<hbm>>) target(%dma_start3A_341 : memref<128xi32, #tpu.memory_space<vmem>>) target_semaphore(%arg11 : memref<!tpu.dma_semaphore, #tpu.memory_space<semaphore_mem>>)
        %dma_start3A_343 = arith.constant 0 : i32
        %dma_start3A_344 = arith.constant 0 : i32
        %dma_start3A_345 = tpu.memref_slice %arg8[%dma_start3A_343, %dma_start3A_344] : memref<4x128xi32, #tpu.memory_space<vmem>> -> memref<1x128xi32, #tpu.memory_space<vmem>>
        %dma_start3A_346 = tpu.memref_squeeze %dma_start3A_345 : memref<1x128xi32, #tpu.memory_space<vmem>> -> memref<128xi32, #tpu.memory_space<vmem>>
        %dma_start3A_347 = tpu.memref_slice %arg3[%add3A_333] : memref<327680xi32, #tpu.memory_space<hbm>> -> memref<128xi32, #tpu.memory_space<hbm>>
        %dma_start3A_348 = arith.constant 0 : i32
        %dma_start3A_349 = tpu.memref_slice %arg8[%dma_start3A_343, %dma_start3A_348] : memref<4x128xi32, #tpu.memory_space<vmem>> -> memref<1x128xi32, #tpu.memory_space<vmem>>
        %dma_start3A_350 = tpu.memref_squeeze %dma_start3A_349 : memref<1x128xi32, #tpu.memory_space<vmem>> -> memref<128xi32, #tpu.memory_space<vmem>>
        %dma_start3A_351 = tpu.memref_slice %arg3[%add3A_333] : memref<327680xi32, #tpu.memory_space<hbm>> -> memref<128xi32, #tpu.memory_space<hbm>>
        tpu.enqueue_dma source(%dma_start3A_351 : memref<128xi32, #tpu.memory_space<hbm>>) target(%dma_start3A_350 : memref<128xi32, #tpu.memory_space<vmem>>) target_semaphore(%arg11 : memref<!tpu.dma_semaphore, #tpu.memory_space<semaphore_mem>>)
      } else {
      }
      %dma_wait3A_205 = arith.constant 2 : i32
      %dma_wait3A_206 = arith.constant 0 : i32
      %dma_wait3A_207 = tpu.memref_slice %arg7[%dma_wait3A_205, %dma_wait3A_206] : memref<4x128xi32, #tpu.memory_space<vmem>> -> memref<1x128xi32, #tpu.memory_space<vmem>>
      %dma_wait3A_208 = tpu.memref_squeeze %dma_wait3A_207 : memref<1x128xi32, #tpu.memory_space<vmem>> -> memref<128xi32, #tpu.memory_space<vmem>>
      %dma_wait3A_209 = tpu.memref_slice %arg2[%mul3A_4] : memref<327680xi32, #tpu.memory_space<hbm>> -> memref<128xi32, #tpu.memory_space<hbm>>
      %dma_wait3A_210 = arith.constant 0 : i32
      %dma_wait3A_211 = tpu.memref_slice %arg7[%dma_wait3A_205, %dma_wait3A_210] : memref<4x128xi32, #tpu.memory_space<vmem>> -> memref<1x128xi32, #tpu.memory_space<vmem>>
      %dma_wait3A_212 = tpu.memref_squeeze %dma_wait3A_211 : memref<1x128xi32, #tpu.memory_space<vmem>> -> memref<128xi32, #tpu.memory_space<vmem>>
      %dma_wait3A_213 = tpu.memref_slice %arg2[%mul3A_4] : memref<327680xi32, #tpu.memory_space<hbm>> -> memref<128xi32, #tpu.memory_space<hbm>>
      tpu.wait_dma2 semaphore(%arg13 : memref<!tpu.dma_semaphore, #tpu.memory_space<semaphore_mem>>) src(%dma_wait3A_213 : memref<128xi32, #tpu.memory_space<hbm>>) dst(%dma_wait3A_212 : memref<128xi32, #tpu.memory_space<vmem>>)
      %dma_wait3A_214 = arith.constant 2 : i32
      %dma_wait3A_215 = arith.constant 0 : i32
      %dma_wait3A_216 = tpu.memref_slice %arg8[%dma_wait3A_214, %dma_wait3A_215] : memref<4x128xi32, #tpu.memory_space<vmem>> -> memref<1x128xi32, #tpu.memory_space<vmem>>
      %dma_wait3A_217 = tpu.memref_squeeze %dma_wait3A_216 : memref<1x128xi32, #tpu.memory_space<vmem>> -> memref<128xi32, #tpu.memory_space<vmem>>
      %dma_wait3A_218 = tpu.memref_slice %arg3[%mul3A_4] : memref<327680xi32, #tpu.memory_space<hbm>> -> memref<128xi32, #tpu.memory_space<hbm>>
      %dma_wait3A_219 = arith.constant 0 : i32
      %dma_wait3A_220 = tpu.memref_slice %arg8[%dma_wait3A_214, %dma_wait3A_219] : memref<4x128xi32, #tpu.memory_space<vmem>> -> memref<1x128xi32, #tpu.memory_space<vmem>>
      %dma_wait3A_221 = tpu.memref_squeeze %dma_wait3A_220 : memref<1x128xi32, #tpu.memory_space<vmem>> -> memref<128xi32, #tpu.memory_space<vmem>>
      %dma_wait3A_222 = tpu.memref_slice %arg3[%mul3A_4] : memref<327680xi32, #tpu.memory_space<hbm>> -> memref<128xi32, #tpu.memory_space<hbm>>
      tpu.wait_dma2 semaphore(%arg13 : memref<!tpu.dma_semaphore, #tpu.memory_space<semaphore_mem>>) src(%dma_wait3A_222 : memref<128xi32, #tpu.memory_space<hbm>>) dst(%dma_wait3A_221 : memref<128xi32, #tpu.memory_space<vmem>>)
      %dma_start3A_223 = arith.constant 2 : i32
      %dma_start3A_224 = arith.constant 0 : i32
      %dma_start3A_225 = tpu.memref_slice %arg7[%dma_start3A_223, %dma_start3A_224] : memref<4x128xi32, #tpu.memory_space<vmem>> -> memref<1x128xi32, #tpu.memory_space<vmem>>
      %dma_start3A_226 = tpu.memref_squeeze %dma_start3A_225 : memref<1x128xi32, #tpu.memory_space<vmem>> -> memref<128xi32, #tpu.memory_space<vmem>>
      %dma_start3A_227 = arith.constant 0 : i32
      %dma_start3A_228 = arith.constant 0 : i32
      %dma_start3A_229 = tpu.memref_slice %arg4[%dma_start3A_227, %dma_start3A_228] : memref<10000x128xf32, #tpu.memory_space<hbm>> -> memref<10000x128xf32, #tpu.memory_space<hbm>>
      tpu.enqueue_indirect_dma source(%dma_start3A_229 : memref<10000x128xf32, #tpu.memory_space<hbm>>) target(%arg9 : memref<128x128xf32, #tpu.memory_space<vmem>>) offsets(%dma_start3A_226 : memref<128xi32, #tpu.memory_space<vmem>>) semaphore(%arg15 : memref<!tpu.dma_semaphore, #tpu.memory_space<semaphore_mem>>)
      %dma_wait3A_230 = arith.constant 1 : i32
      %dma_wait3A_231 = arith.constant 0 : i32
      %dma_wait3A_232 = tpu.memref_slice %arg8[%dma_wait3A_230, %dma_wait3A_231] : memref<4x128xi32, #tpu.memory_space<vmem>> -> memref<1x128xi32, #tpu.memory_space<vmem>>
      %dma_wait3A_233 = tpu.memref_squeeze %dma_wait3A_232 : memref<1x128xi32, #tpu.memory_space<vmem>> -> memref<128xi32, #tpu.memory_space<vmem>>
      %dma_wait3A_234 = arith.constant 0 : i32
      %dma_wait3A_235 = arith.constant 0 : i32
      %dma_wait3A_236 = tpu.memref_slice %arg19[%dma_wait3A_234, %dma_wait3A_235] : memref<10240x128xf32, #tpu.memory_space<vmem_shared>> -> memref<10240x128xf32, #tpu.memory_space<vmem_shared>>
      tpu.wait_indirect_dma semaphore(%arg18 : memref<!tpu.dma_semaphore, #tpu.memory_space<semaphore_mem>>) src(%arg10 : memref<128x128xf32, #tpu.memory_space<vmem>>) dst(%dma_wait3A_236 : memref<10240x128xf32, #tpu.memory_space<vmem_shared>>)
      %add3A_237 = arith.constant 5 : i32
      %add3A_238 = arith.addi %mul3A_114, %add3A_237 : i32
      %add3A_239 = arith.constant 1 : i32
      %add3A_240 = arith.addi %scan3A_112, %add3A_239 : i32
      %lt3A_241 = arith.constant 20 : i32
      %lt3A_242 = arith.cmpi slt, %add3A_240, %lt3A_241 : i32
      %convert_element_type3A_243 = arith.extui %lt3A_242 : i1 to i32
      %cond3A_244 = arith.constant 0 : i32
      %cond3A_245 = arith.cmpi ne, %convert_element_type3A_243, %cond3A_244 : i32
      scf.if %cond3A_245 {
        %mul3A_331 = arith.constant 128 : i32
        %mul3A_332 = arith.muli %add3A_238, %mul3A_331 : i32
        %add3A_333 = arith.addi %mul3A_4, %mul3A_332 : i32
        %dma_start3A_334 = arith.constant 1 : i32
        %dma_start3A_335 = arith.constant 0 : i32
        %dma_start3A_336 = tpu.memref_slice %arg7[%dma_start3A_334, %dma_start3A_335] : memref<4x128xi32, #tpu.memory_space<vmem>> -> memref<1x128xi32, #tpu.memory_space<vmem>>
        %dma_start3A_337 = tpu.memref_squeeze %dma_start3A_336 : memref<1x128xi32, #tpu.memory_space<vmem>> -> memref<128xi32, #tpu.memory_space<vmem>>
        %dma_start3A_338 = tpu.memref_slice %arg2[%add3A_333] : memref<327680xi32, #tpu.memory_space<hbm>> -> memref<128xi32, #tpu.memory_space<hbm>>
        %dma_start3A_339 = arith.constant 0 : i32
        %dma_start3A_340 = tpu.memref_slice %arg7[%dma_start3A_334, %dma_start3A_339] : memref<4x128xi32, #tpu.memory_space<vmem>> -> memref<1x128xi32, #tpu.memory_space<vmem>>
        %dma_start3A_341 = tpu.memref_squeeze %dma_start3A_340 : memref<1x128xi32, #tpu.memory_space<vmem>> -> memref<128xi32, #tpu.memory_space<vmem>>
        %dma_start3A_342 = tpu.memref_slice %arg2[%add3A_333] : memref<327680xi32, #tpu.memory_space<hbm>> -> memref<128xi32, #tpu.memory_space<hbm>>
        tpu.enqueue_dma source(%dma_start3A_342 : memref<128xi32, #tpu.memory_space<hbm>>) target(%dma_start3A_341 : memref<128xi32, #tpu.memory_space<vmem>>) target_semaphore(%arg12 : memref<!tpu.dma_semaphore, #tpu.memory_space<semaphore_mem>>)
        %dma_start3A_343 = arith.constant 1 : i32
        %dma_start3A_344 = arith.constant 0 : i32
        %dma_start3A_345 = tpu.memref_slice %arg8[%dma_start3A_343, %dma_start3A_344] : memref<4x128xi32, #tpu.memory_space<vmem>> -> memref<1x128xi32, #tpu.memory_space<vmem>>
        %dma_start3A_346 = tpu.memref_squeeze %dma_start3A_345 : memref<1x128xi32, #tpu.memory_space<vmem>> -> memref<128xi32, #tpu.memory_space<vmem>>
        %dma_start3A_347 = tpu.memref_slice %arg3[%add3A_333] : memref<327680xi32, #tpu.memory_space<hbm>> -> memref<128xi32, #tpu.memory_space<hbm>>
        %dma_start3A_348 = arith.constant 0 : i32
        %dma_start3A_349 = tpu.memref_slice %arg8[%dma_start3A_343, %dma_start3A_348] : memref<4x128xi32, #tpu.memory_space<vmem>> -> memref<1x128xi32, #tpu.memory_space<vmem>>
        %dma_start3A_350 = tpu.memref_squeeze %dma_start3A_349 : memref<1x128xi32, #tpu.memory_space<vmem>> -> memref<128xi32, #tpu.memory_space<vmem>>
        %dma_start3A_351 = tpu.memref_slice %arg3[%add3A_333] : memref<327680xi32, #tpu.memory_space<hbm>> -> memref<128xi32, #tpu.memory_space<hbm>>
        tpu.enqueue_dma source(%dma_start3A_351 : memref<128xi32, #tpu.memory_space<hbm>>) target(%dma_start3A_350 : memref<128xi32, #tpu.memory_space<vmem>>) target_semaphore(%arg12 : memref<!tpu.dma_semaphore, #tpu.memory_space<semaphore_mem>>)
      } else {
      }
      %dma_wait3A_246 = arith.constant 3 : i32
      %dma_wait3A_247 = arith.constant 0 : i32
      %dma_wait3A_248 = tpu.memref_slice %arg7[%dma_wait3A_246, %dma_wait3A_247] : memref<4x128xi32, #tpu.memory_space<vmem>> -> memref<1x128xi32, #tpu.memory_space<vmem>>
      %dma_wait3A_249 = tpu.memref_squeeze %dma_wait3A_248 : memref<1x128xi32, #tpu.memory_space<vmem>> -> memref<128xi32, #tpu.memory_space<vmem>>
      %dma_wait3A_250 = tpu.memref_slice %arg2[%mul3A_4] : memref<327680xi32, #tpu.memory_space<hbm>> -> memref<128xi32, #tpu.memory_space<hbm>>
      %dma_wait3A_251 = arith.constant 0 : i32
      %dma_wait3A_252 = tpu.memref_slice %arg7[%dma_wait3A_246, %dma_wait3A_251] : memref<4x128xi32, #tpu.memory_space<vmem>> -> memref<1x128xi32, #tpu.memory_space<vmem>>
      %dma_wait3A_253 = tpu.memref_squeeze %dma_wait3A_252 : memref<1x128xi32, #tpu.memory_space<vmem>> -> memref<128xi32, #tpu.memory_space<vmem>>
      %dma_wait3A_254 = tpu.memref_slice %arg2[%mul3A_4] : memref<327680xi32, #tpu.memory_space<hbm>> -> memref<128xi32, #tpu.memory_space<hbm>>
      tpu.wait_dma2 semaphore(%arg14 : memref<!tpu.dma_semaphore, #tpu.memory_space<semaphore_mem>>) src(%dma_wait3A_254 : memref<128xi32, #tpu.memory_space<hbm>>) dst(%dma_wait3A_253 : memref<128xi32, #tpu.memory_space<vmem>>)
      %dma_wait3A_255 = arith.constant 3 : i32
      %dma_wait3A_256 = arith.constant 0 : i32
      %dma_wait3A_257 = tpu.memref_slice %arg8[%dma_wait3A_255, %dma_wait3A_256] : memref<4x128xi32, #tpu.memory_space<vmem>> -> memref<1x128xi32, #tpu.memory_space<vmem>>
      %dma_wait3A_258 = tpu.memref_squeeze %dma_wait3A_257 : memref<1x128xi32, #tpu.memory_space<vmem>> -> memref<128xi32, #tpu.memory_space<vmem>>
      %dma_wait3A_259 = tpu.memref_slice %arg3[%mul3A_4] : memref<327680xi32, #tpu.memory_space<hbm>> -> memref<128xi32, #tpu.memory_space<hbm>>
      %dma_wait3A_260 = arith.constant 0 : i32
      %dma_wait3A_261 = tpu.memref_slice %arg8[%dma_wait3A_255, %dma_wait3A_260] : memref<4x128xi32, #tpu.memory_space<vmem>> -> memref<1x128xi32, #tpu.memory_space<vmem>>
      %dma_wait3A_262 = tpu.memref_squeeze %dma_wait3A_261 : memref<1x128xi32, #tpu.memory_space<vmem>> -> memref<128xi32, #tpu.memory_space<vmem>>
      %dma_wait3A_263 = tpu.memref_slice %arg3[%mul3A_4] : memref<327680xi32, #tpu.memory_space<hbm>> -> memref<128xi32, #tpu.memory_space<hbm>>
      tpu.wait_dma2 semaphore(%arg14 : memref<!tpu.dma_semaphore, #tpu.memory_space<semaphore_mem>>) src(%dma_wait3A_263 : memref<128xi32, #tpu.memory_space<hbm>>) dst(%dma_wait3A_262 : memref<128xi32, #tpu.memory_space<vmem>>)
      %dma_start3A_264 = arith.constant 3 : i32
      %dma_start3A_265 = arith.constant 0 : i32
      %dma_start3A_266 = tpu.memref_slice %arg7[%dma_start3A_264, %dma_start3A_265] : memref<4x128xi32, #tpu.memory_space<vmem>> -> memref<1x128xi32, #tpu.memory_space<vmem>>
      %dma_start3A_267 = tpu.memref_squeeze %dma_start3A_266 : memref<1x128xi32, #tpu.memory_space<vmem>> -> memref<128xi32, #tpu.memory_space<vmem>>
      %dma_start3A_268 = arith.constant 0 : i32
      %dma_start3A_269 = arith.constant 0 : i32
      %dma_start3A_270 = tpu.memref_slice %arg4[%dma_start3A_268, %dma_start3A_269] : memref<10000x128xf32, #tpu.memory_space<hbm>> -> memref<10000x128xf32, #tpu.memory_space<hbm>>
      tpu.enqueue_indirect_dma source(%dma_start3A_270 : memref<10000x128xf32, #tpu.memory_space<hbm>>) target(%arg10 : memref<128x128xf32, #tpu.memory_space<vmem>>) offsets(%dma_start3A_267 : memref<128xi32, #tpu.memory_space<vmem>>) semaphore(%arg16 : memref<!tpu.dma_semaphore, #tpu.memory_space<semaphore_mem>>)
      %dma_wait3A_271 = arith.constant 2 : i32
      %dma_wait3A_272 = arith.constant 0 : i32
      %dma_wait3A_273 = tpu.memref_slice %arg7[%dma_wait3A_271, %dma_wait3A_272] : memref<4x128xi32, #tpu.memory_space<vmem>> -> memref<1x128xi32, #tpu.memory_space<vmem>>
      %dma_wait3A_274 = tpu.memref_squeeze %dma_wait3A_273 : memref<1x128xi32, #tpu.memory_space<vmem>> -> memref<128xi32, #tpu.memory_space<vmem>>
      %dma_wait3A_275 = arith.constant 0 : i32
      %dma_wait3A_276 = arith.constant 0 : i32
      %dma_wait3A_277 = tpu.memref_slice %arg4[%dma_wait3A_275, %dma_wait3A_276] : memref<10000x128xf32, #tpu.memory_space<hbm>> -> memref<10000x128xf32, #tpu.memory_space<hbm>>
      tpu.wait_indirect_dma semaphore(%arg15 : memref<!tpu.dma_semaphore, #tpu.memory_space<semaphore_mem>>) src(%dma_wait3A_277 : memref<10000x128xf32, #tpu.memory_space<hbm>>) dst(%arg9 : memref<128x128xf32, #tpu.memory_space<vmem>>)
      %dma_start3A_278 = arith.constant 2 : i32
      %dma_start3A_279 = arith.constant 0 : i32
      %dma_start3A_280 = tpu.memref_slice %arg8[%dma_start3A_278, %dma_start3A_279] : memref<4x128xi32, #tpu.memory_space<vmem>> -> memref<1x128xi32, #tpu.memory_space<vmem>>
      %dma_start3A_281 = tpu.memref_squeeze %dma_start3A_280 : memref<1x128xi32, #tpu.memory_space<vmem>> -> memref<128xi32, #tpu.memory_space<vmem>>
      %dma_start3A_282 = arith.constant 0 : i32
      %dma_start3A_283 = arith.constant 0 : i32
      %dma_start3A_284 = tpu.memref_slice %arg19[%dma_start3A_282, %dma_start3A_283] : memref<10240x128xf32, #tpu.memory_space<vmem_shared>> -> memref<10240x128xf32, #tpu.memory_space<vmem_shared>>
      tpu.enqueue_indirect_dma source(%arg9 : memref<128x128xf32, #tpu.memory_space<vmem>>) target(%dma_start3A_284 : memref<10240x128xf32, #tpu.memory_space<vmem_shared>>) offsets(%dma_start3A_281 : memref<128xi32, #tpu.memory_space<vmem>>) semaphore(%arg17 : memref<!tpu.dma_semaphore, #tpu.memory_space<semaphore_mem>>) {add = true}
      %dma_wait3A_285 = arith.constant 3 : i32
      %dma_wait3A_286 = arith.constant 0 : i32
      %dma_wait3A_287 = tpu.memref_slice %arg7[%dma_wait3A_285, %dma_wait3A_286] : memref<4x128xi32, #tpu.memory_space<vmem>> -> memref<1x128xi32, #tpu.memory_space<vmem>>
      %dma_wait3A_288 = tpu.memref_squeeze %dma_wait3A_287 : memref<1x128xi32, #tpu.memory_space<vmem>> -> memref<128xi32, #tpu.memory_space<vmem>>
      %dma_wait3A_289 = arith.constant 0 : i32
      %dma_wait3A_290 = arith.constant 0 : i32
      %dma_wait3A_291 = tpu.memref_slice %arg4[%dma_wait3A_289, %dma_wait3A_290] : memref<10000x128xf32, #tpu.memory_space<hbm>> -> memref<10000x128xf32, #tpu.memory_space<hbm>>
      tpu.wait_indirect_dma semaphore(%arg16 : memref<!tpu.dma_semaphore, #tpu.memory_space<semaphore_mem>>) src(%dma_wait3A_291 : memref<10000x128xf32, #tpu.memory_space<hbm>>) dst(%arg10 : memref<128x128xf32, #tpu.memory_space<vmem>>)
      %dma_start3A_292 = arith.constant 3 : i32
      %dma_start3A_293 = arith.constant 0 : i32
      %dma_start3A_294 = tpu.memref_slice %arg8[%dma_start3A_292, %dma_start3A_293] : memref<4x128xi32, #tpu.memory_space<vmem>> -> memref<1x128xi32, #tpu.memory_space<vmem>>
      %dma_start3A_295 = tpu.memref_squeeze %dma_start3A_294 : memref<1x128xi32, #tpu.memory_space<vmem>> -> memref<128xi32, #tpu.memory_space<vmem>>
      %dma_start3A_296 = arith.constant 0 : i32
      %dma_start3A_297 = arith.constant 0 : i32
      %dma_start3A_298 = tpu.memref_slice %arg19[%dma_start3A_296, %dma_start3A_297] : memref<10240x128xf32, #tpu.memory_space<vmem_shared>> -> memref<10240x128xf32, #tpu.memory_space<vmem_shared>>
      tpu.enqueue_indirect_dma source(%arg10 : memref<128x128xf32, #tpu.memory_space<vmem>>) target(%dma_start3A_298 : memref<10240x128xf32, #tpu.memory_space<vmem_shared>>) offsets(%dma_start3A_295 : memref<128xi32, #tpu.memory_space<vmem>>) semaphore(%arg18 : memref<!tpu.dma_semaphore, #tpu.memory_space<semaphore_mem>>) {add = true}
      %dma_wait3A_299 = arith.constant 2 : i32
      %dma_wait3A_300 = arith.constant 0 : i32
      %dma_wait3A_301 = tpu.memref_slice %arg8[%dma_wait3A_299, %dma_wait3A_300] : memref<4x128xi32, #tpu.memory_space<vmem>> -> memref<1x128xi32, #tpu.memory_space<vmem>>
      %dma_wait3A_302 = tpu.memref_squeeze %dma_wait3A_301 : memref<1x128xi32, #tpu.memory_space<vmem>> -> memref<128xi32, #tpu.memory_space<vmem>>
      %dma_wait3A_303 = arith.constant 0 : i32
      %dma_wait3A_304 = arith.constant 0 : i32
      %dma_wait3A_305 = tpu.memref_slice %arg19[%dma_wait3A_303, %dma_wait3A_304] : memref<10240x128xf32, #tpu.memory_space<vmem_shared>> -> memref<10240x128xf32, #tpu.memory_space<vmem_shared>>
      tpu.wait_indirect_dma semaphore(%arg17 : memref<!tpu.dma_semaphore, #tpu.memory_space<semaphore_mem>>) src(%arg9 : memref<128x128xf32, #tpu.memory_space<vmem>>) dst(%dma_wait3A_305 : memref<10240x128xf32, #tpu.memory_space<vmem_shared>>)
      %add3A_306 = arith.constant 6 : i32
      %add3A_307 = arith.addi %mul3A_114, %add3A_306 : i32
      %add3A_308 = arith.constant 1 : i32
      %add3A_309 = arith.addi %scan3A_112, %add3A_308 : i32
      %lt3A_310 = arith.constant 20 : i32
      %lt3A_311 = arith.cmpi slt, %add3A_309, %lt3A_310 : i32
      %convert_element_type3A_312 = arith.extui %lt3A_311 : i1 to i32
      %cond3A_313 = arith.constant 0 : i32
      %cond3A_314 = arith.cmpi ne, %convert_element_type3A_312, %cond3A_313 : i32
      scf.if %cond3A_314 {
        %mul3A_331 = arith.constant 128 : i32
        %mul3A_332 = arith.muli %add3A_307, %mul3A_331 : i32
        %add3A_333 = arith.addi %mul3A_4, %mul3A_332 : i32
        %dma_start3A_334 = arith.constant 2 : i32
        %dma_start3A_335 = arith.constant 0 : i32
        %dma_start3A_336 = tpu.memref_slice %arg7[%dma_start3A_334, %dma_start3A_335] : memref<4x128xi32, #tpu.memory_space<vmem>> -> memref<1x128xi32, #tpu.memory_space<vmem>>
        %dma_start3A_337 = tpu.memref_squeeze %dma_start3A_336 : memref<1x128xi32, #tpu.memory_space<vmem>> -> memref<128xi32, #tpu.memory_space<vmem>>
        %dma_start3A_338 = tpu.memref_slice %arg2[%add3A_333] : memref<327680xi32, #tpu.memory_space<hbm>> -> memref<128xi32, #tpu.memory_space<hbm>>
        %dma_start3A_339 = arith.constant 0 : i32
        %dma_start3A_340 = tpu.memref_slice %arg7[%dma_start3A_334, %dma_start3A_339] : memref<4x128xi32, #tpu.memory_space<vmem>> -> memref<1x128xi32, #tpu.memory_space<vmem>>
        %dma_start3A_341 = tpu.memref_squeeze %dma_start3A_340 : memref<1x128xi32, #tpu.memory_space<vmem>> -> memref<128xi32, #tpu.memory_space<vmem>>
        %dma_start3A_342 = tpu.memref_slice %arg2[%add3A_333] : memref<327680xi32, #tpu.memory_space<hbm>> -> memref<128xi32, #tpu.memory_space<hbm>>
        tpu.enqueue_dma source(%dma_start3A_342 : memref<128xi32, #tpu.memory_space<hbm>>) target(%dma_start3A_341 : memref<128xi32, #tpu.memory_space<vmem>>) target_semaphore(%arg13 : memref<!tpu.dma_semaphore, #tpu.memory_space<semaphore_mem>>)
        %dma_start3A_343 = arith.constant 2 : i32
        %dma_start3A_344 = arith.constant 0 : i32
        %dma_start3A_345 = tpu.memref_slice %arg8[%dma_start3A_343, %dma_start3A_344] : memref<4x128xi32, #tpu.memory_space<vmem>> -> memref<1x128xi32, #tpu.memory_space<vmem>>
        %dma_start3A_346 = tpu.memref_squeeze %dma_start3A_345 : memref<1x128xi32, #tpu.memory_space<vmem>> -> memref<128xi32, #tpu.memory_space<vmem>>
        %dma_start3A_347 = tpu.memref_slice %arg3[%add3A_333] : memref<327680xi32, #tpu.memory_space<hbm>> -> memref<128xi32, #tpu.memory_space<hbm>>
        %dma_start3A_348 = arith.constant 0 : i32
        %dma_start3A_349 = tpu.memref_slice %arg8[%dma_start3A_343, %dma_start3A_348] : memref<4x128xi32, #tpu.memory_space<vmem>> -> memref<1x128xi32, #tpu.memory_space<vmem>>
        %dma_start3A_350 = tpu.memref_squeeze %dma_start3A_349 : memref<1x128xi32, #tpu.memory_space<vmem>> -> memref<128xi32, #tpu.memory_space<vmem>>
        %dma_start3A_351 = tpu.memref_slice %arg3[%add3A_333] : memref<327680xi32, #tpu.memory_space<hbm>> -> memref<128xi32, #tpu.memory_space<hbm>>
        tpu.enqueue_dma source(%dma_start3A_351 : memref<128xi32, #tpu.memory_space<hbm>>) target(%dma_start3A_350 : memref<128xi32, #tpu.memory_space<vmem>>) target_semaphore(%arg13 : memref<!tpu.dma_semaphore, #tpu.memory_space<semaphore_mem>>)
      } else {
      }
      %dma_wait3A_315 = arith.constant 3 : i32
      %dma_wait3A_316 = arith.constant 0 : i32
      %dma_wait3A_317 = tpu.memref_slice %arg8[%dma_wait3A_315, %dma_wait3A_316] : memref<4x128xi32, #tpu.memory_space<vmem>> -> memref<1x128xi32, #tpu.memory_space<vmem>>
      %dma_wait3A_318 = tpu.memref_squeeze %dma_wait3A_317 : memref<1x128xi32, #tpu.memory_space<vmem>> -> memref<128xi32, #tpu.memory_space<vmem>>
      %dma_wait3A_319 = arith.constant 0 : i32
      %dma_wait3A_320 = arith.constant 0 : i32
      %dma_wait3A_321 = tpu.memref_slice %arg19[%dma_wait3A_319, %dma_wait3A_320] : memref<10240x128xf32, #tpu.memory_space<vmem_shared>> -> memref<10240x128xf32, #tpu.memory_space<vmem_shared>>
      tpu.wait_indirect_dma semaphore(%arg18 : memref<!tpu.dma_semaphore, #tpu.memory_space<semaphore_mem>>) src(%arg10 : memref<128x128xf32, #tpu.memory_space<vmem>>) dst(%dma_wait3A_321 : memref<10240x128xf32, #tpu.memory_space<vmem_shared>>)
      %add3A_322 = arith.constant 7 : i32
      %add3A_323 = arith.addi %mul3A_114, %add3A_322 : i32
      %add3A_324 = arith.constant 1 : i32
      %add3A_325 = arith.addi %scan3A_112, %add3A_324 : i32
      %lt3A_326 = arith.constant 20 : i32
      %lt3A_327 = arith.cmpi slt, %add3A_325, %lt3A_326 : i32
      %convert_element_type3A_328 = arith.extui %lt3A_327 : i1 to i32
      %cond3A_329 = arith.constant 0 : i32
      %cond3A_330 = arith.cmpi ne, %convert_element_type3A_328, %cond3A_329 : i32
      scf.if %cond3A_330 {
        %mul3A_331 = arith.constant 128 : i32
        %mul3A_332 = arith.muli %add3A_323, %mul3A_331 : i32
        %add3A_333 = arith.addi %mul3A_4, %mul3A_332 : i32
        %dma_start3A_334 = arith.constant 3 : i32
        %dma_start3A_335 = arith.constant 0 : i32
        %dma_start3A_336 = tpu.memref_slice %arg7[%dma_start3A_334, %dma_start3A_335] : memref<4x128xi32, #tpu.memory_space<vmem>> -> memref<1x128xi32, #tpu.memory_space<vmem>>
        %dma_start3A_337 = tpu.memref_squeeze %dma_start3A_336 : memref<1x128xi32, #tpu.memory_space<vmem>> -> memref<128xi32, #tpu.memory_space<vmem>>
        %dma_start3A_338 = tpu.memref_slice %arg2[%add3A_333] : memref<327680xi32, #tpu.memory_space<hbm>> -> memref<128xi32, #tpu.memory_space<hbm>>
        %dma_start3A_339 = arith.constant 0 : i32
        %dma_start3A_340 = tpu.memref_slice %arg7[%dma_start3A_334, %dma_start3A_339] : memref<4x128xi32, #tpu.memory_space<vmem>> -> memref<1x128xi32, #tpu.memory_space<vmem>>
        %dma_start3A_341 = tpu.memref_squeeze %dma_start3A_340 : memref<1x128xi32, #tpu.memory_space<vmem>> -> memref<128xi32, #tpu.memory_space<vmem>>
        %dma_start3A_342 = tpu.memref_slice %arg2[%add3A_333] : memref<327680xi32, #tpu.memory_space<hbm>> -> memref<128xi32, #tpu.memory_space<hbm>>
        tpu.enqueue_dma source(%dma_start3A_342 : memref<128xi32, #tpu.memory_space<hbm>>) target(%dma_start3A_341 : memref<128xi32, #tpu.memory_space<vmem>>) target_semaphore(%arg14 : memref<!tpu.dma_semaphore, #tpu.memory_space<semaphore_mem>>)
        %dma_start3A_343 = arith.constant 3 : i32
        %dma_start3A_344 = arith.constant 0 : i32
        %dma_start3A_345 = tpu.memref_slice %arg8[%dma_start3A_343, %dma_start3A_344] : memref<4x128xi32, #tpu.memory_space<vmem>> -> memref<1x128xi32, #tpu.memory_space<vmem>>
        %dma_start3A_346 = tpu.memref_squeeze %dma_start3A_345 : memref<1x128xi32, #tpu.memory_space<vmem>> -> memref<128xi32, #tpu.memory_space<vmem>>
        %dma_start3A_347 = tpu.memref_slice %arg3[%add3A_333] : memref<327680xi32, #tpu.memory_space<hbm>> -> memref<128xi32, #tpu.memory_space<hbm>>
        %dma_start3A_348 = arith.constant 0 : i32
        %dma_start3A_349 = tpu.memref_slice %arg8[%dma_start3A_343, %dma_start3A_348] : memref<4x128xi32, #tpu.memory_space<vmem>> -> memref<1x128xi32, #tpu.memory_space<vmem>>
        %dma_start3A_350 = tpu.memref_squeeze %dma_start3A_349 : memref<1x128xi32, #tpu.memory_space<vmem>> -> memref<128xi32, #tpu.memory_space<vmem>>
        %dma_start3A_351 = tpu.memref_slice %arg3[%add3A_333] : memref<327680xi32, #tpu.memory_space<hbm>> -> memref<128xi32, #tpu.memory_space<hbm>>
        tpu.enqueue_dma source(%dma_start3A_351 : memref<128xi32, #tpu.memory_space<hbm>>) target(%dma_start3A_350 : memref<128xi32, #tpu.memory_space<vmem>>) target_semaphore(%arg14 : memref<!tpu.dma_semaphore, #tpu.memory_space<semaphore_mem>>)
      } else {
      }
    }
    %scan3A_100 = arith.constant 20 : i32
    %barrier3A_101 = arith.constant 0 : index
    tpu.barrier barrier_id(%barrier3A_101)
    %add3A_102 = arith.constant 0 : i32
    %add3A_103 = arith.addi %mul3A_85, %add3A_102 : i32
    "tpu.region"() ({
      %run_scoped3A = tpu.sem_alloc : memref<!tpu.dma_semaphore, #tpu.memory_space<semaphore_mem>>
      %dma_start3A_112 = arith.constant 0 : i32
      %dma_start3A_113 = arith.constant 0 : i32
      %dma_start3A_114 = tpu.memref_slice %arg6[%arg0, %dma_start3A_112, %dma_start3A_113] : memref<2x10240x128xf32, #tpu.memory_space<hbm>> -> memref<1x10240x128xf32, #tpu.memory_space<hbm>>
      %dma_start3A_115 = tpu.memref_squeeze %dma_start3A_114 : memref<1x10240x128xf32, #tpu.memory_space<hbm>> -> memref<10240x128xf32, #tpu.memory_space<hbm>>
      %dma_start3A_116 = arith.constant 0 : i32
      %dma_start3A_117 = tpu.memref_slice %dma_start3A_115[%add3A_103, %dma_start3A_116] : memref<10240x128xf32, #tpu.memory_space<hbm>> -> memref<128x128xf32, #tpu.memory_space<hbm>>
      %dma_start3A_118 = arith.constant 0 : i32
      %dma_start3A_119 = tpu.memref_slice %arg19[%add3A_103, %dma_start3A_118] : memref<10240x128xf32, #tpu.memory_space<vmem_shared>> -> memref<128x128xf32, #tpu.memory_space<vmem_shared>>
      tpu.enqueue_dma source(%dma_start3A_119 : memref<128x128xf32, #tpu.memory_space<vmem_shared>>) target(%dma_start3A_117 : memref<128x128xf32, #tpu.memory_space<hbm>>) target_semaphore(%run_scoped3A : memref<!tpu.dma_semaphore, #tpu.memory_space<semaphore_mem>>)
      %dma_wait3A = arith.constant 0 : i32
      %dma_wait3A_120 = arith.constant 0 : i32
      %dma_wait3A_121 = tpu.memref_slice %arg6[%arg0, %dma_wait3A, %dma_wait3A_120] : memref<2x10240x128xf32, #tpu.memory_space<hbm>> -> memref<1x10240x128xf32, #tpu.memory_space<hbm>>
      %dma_wait3A_122 = tpu.memref_squeeze %dma_wait3A_121 : memref<1x10240x128xf32, #tpu.memory_space<hbm>> -> memref<10240x128xf32, #tpu.memory_space<hbm>>
      %dma_wait3A_123 = arith.constant 0 : i32
      %dma_wait3A_124 = tpu.memref_slice %dma_wait3A_122[%add3A_103, %dma_wait3A_123] : memref<10240x128xf32, #tpu.memory_space<hbm>> -> memref<128x128xf32, #tpu.memory_space<hbm>>
      %dma_wait3A_125 = arith.constant 0 : i32
      %dma_wait3A_126 = tpu.memref_slice %arg19[%add3A_103, %dma_wait3A_125] : memref<10240x128xf32, #tpu.memory_space<vmem_shared>> -> memref<128x128xf32, #tpu.memory_space<vmem_shared>>
      tpu.wait_dma2 semaphore(%run_scoped3A : memref<!tpu.dma_semaphore, #tpu.memory_space<semaphore_mem>>) src(%dma_wait3A_126 : memref<128x128xf32, #tpu.memory_space<vmem_shared>>) dst(%dma_wait3A_124 : memref<128x128xf32, #tpu.memory_space<hbm>>)
      tpu.yield
    }) : () -> ()
    %add3A_104 = arith.constant 128 : i32
    %add3A_105 = arith.addi %mul3A_85, %add3A_104 : i32
    "tpu.region"() ({
      %run_scoped3A = tpu.sem_alloc : memref<!tpu.dma_semaphore, #tpu.memory_space<semaphore_mem>>
      %dma_start3A_112 = arith.constant 0 : i32
      %dma_start3A_113 = arith.constant 0 : i32
      %dma_start3A_114 = tpu.memref_slice %arg6[%arg0, %dma_start3A_112, %dma_start3A_113] : memref<2x10240x128xf32, #tpu.memory_space<hbm>> -> memref<1x10240x128xf32, #tpu.memory_space<hbm>>
      %dma_start3A_115 = tpu.memref_squeeze %dma_start3A_114 : memref<1x10240x128xf32, #tpu.memory_space<hbm>> -> memref<10240x128xf32, #tpu.memory_space<hbm>>
      %dma_start3A_116 = arith.constant 0 : i32
      %dma_start3A_117 = tpu.memref_slice %dma_start3A_115[%add3A_105, %dma_start3A_116] : memref<10240x128xf32, #tpu.memory_space<hbm>> -> memref<128x128xf32, #tpu.memory_space<hbm>>
      %dma_start3A_118 = arith.constant 0 : i32
      %dma_start3A_119 = tpu.memref_slice %arg19[%add3A_105, %dma_start3A_118] : memref<10240x128xf32, #tpu.memory_space<vmem_shared>> -> memref<128x128xf32, #tpu.memory_space<vmem_shared>>
      tpu.enqueue_dma source(%dma_start3A_119 : memref<128x128xf32, #tpu.memory_space<vmem_shared>>) target(%dma_start3A_117 : memref<128x128xf32, #tpu.memory_space<hbm>>) target_semaphore(%run_scoped3A : memref<!tpu.dma_semaphore, #tpu.memory_space<semaphore_mem>>)
      %dma_wait3A = arith.constant 0 : i32
      %dma_wait3A_120 = arith.constant 0 : i32
      %dma_wait3A_121 = tpu.memref_slice %arg6[%arg0, %dma_wait3A, %dma_wait3A_120] : memref<2x10240x128xf32, #tpu.memory_space<hbm>> -> memref<1x10240x128xf32, #tpu.memory_space<hbm>>
      %dma_wait3A_122 = tpu.memref_squeeze %dma_wait3A_121 : memref<1x10240x128xf32, #tpu.memory_space<hbm>> -> memref<10240x128xf32, #tpu.memory_space<hbm>>
      %dma_wait3A_123 = arith.constant 0 : i32
      %dma_wait3A_124 = tpu.memref_slice %dma_wait3A_122[%add3A_105, %dma_wait3A_123] : memref<10240x128xf32, #tpu.memory_space<hbm>> -> memref<128x128xf32, #tpu.memory_space<hbm>>
      %dma_wait3A_125 = arith.constant 0 : i32
      %dma_wait3A_126 = tpu.memref_slice %arg19[%add3A_105, %dma_wait3A_125] : memref<10240x128xf32, #tpu.memory_space<vmem_shared>> -> memref<128x128xf32, #tpu.memory_space<vmem_shared>>
      tpu.wait_dma2 semaphore(%run_scoped3A : memref<!tpu.dma_semaphore, #tpu.memory_space<semaphore_mem>>) src(%dma_wait3A_126 : memref<128x128xf32, #tpu.memory_space<vmem_shared>>) dst(%dma_wait3A_124 : memref<128x128xf32, #tpu.memory_space<hbm>>)
      tpu.yield
    }) : () -> ()
    %add3A_106 = arith.constant 256 : i32
    %add3A_107 = arith.addi %mul3A_85, %add3A_106 : i32
    "tpu.region"() ({
      %run_scoped3A = tpu.sem_alloc : memref<!tpu.dma_semaphore, #tpu.memory_space<semaphore_mem>>
      %dma_start3A_112 = arith.constant 0 : i32
      %dma_start3A_113 = arith.constant 0 : i32
      %dma_start3A_114 = tpu.memref_slice %arg6[%arg0, %dma_start3A_112, %dma_start3A_113] : memref<2x10240x128xf32, #tpu.memory_space<hbm>> -> memref<1x10240x128xf32, #tpu.memory_space<hbm>>
      %dma_start3A_115 = tpu.memref_squeeze %dma_start3A_114 : memref<1x10240x128xf32, #tpu.memory_space<hbm>> -> memref<10240x128xf32, #tpu.memory_space<hbm>>
      %dma_start3A_116 = arith.constant 0 : i32
      %dma_start3A_117 = tpu.memref_slice %dma_start3A_115[%add3A_107, %dma_start3A_116] : memref<10240x128xf32, #tpu.memory_space<hbm>> -> memref<128x128xf32, #tpu.memory_space<hbm>>
      %dma_start3A_118 = arith.constant 0 : i32
      %dma_start3A_119 = tpu.memref_slice %arg19[%add3A_107, %dma_start3A_118] : memref<10240x128xf32, #tpu.memory_space<vmem_shared>> -> memref<128x128xf32, #tpu.memory_space<vmem_shared>>
      tpu.enqueue_dma source(%dma_start3A_119 : memref<128x128xf32, #tpu.memory_space<vmem_shared>>) target(%dma_start3A_117 : memref<128x128xf32, #tpu.memory_space<hbm>>) target_semaphore(%run_scoped3A : memref<!tpu.dma_semaphore, #tpu.memory_space<semaphore_mem>>)
      %dma_wait3A = arith.constant 0 : i32
      %dma_wait3A_120 = arith.constant 0 : i32
      %dma_wait3A_121 = tpu.memref_slice %arg6[%arg0, %dma_wait3A, %dma_wait3A_120] : memref<2x10240x128xf32, #tpu.memory_space<hbm>> -> memref<1x10240x128xf32, #tpu.memory_space<hbm>>
      %dma_wait3A_122 = tpu.memref_squeeze %dma_wait3A_121 : memref<1x10240x128xf32, #tpu.memory_space<hbm>> -> memref<10240x128xf32, #tpu.memory_space<hbm>>
      %dma_wait3A_123 = arith.constant 0 : i32
      %dma_wait3A_124 = tpu.memref_slice %dma_wait3A_122[%add3A_107, %dma_wait3A_123] : memref<10240x128xf32, #tpu.memory_space<hbm>> -> memref<128x128xf32, #tpu.memory_space<hbm>>
      %dma_wait3A_125 = arith.constant 0 : i32
      %dma_wait3A_126 = tpu.memref_slice %arg19[%add3A_107, %dma_wait3A_125] : memref<10240x128xf32, #tpu.memory_space<vmem_shared>> -> memref<128x128xf32, #tpu.memory_space<vmem_shared>>
      tpu.wait_dma2 semaphore(%run_scoped3A : memref<!tpu.dma_semaphore, #tpu.memory_space<semaphore_mem>>) src(%dma_wait3A_126 : memref<128x128xf32, #tpu.memory_space<vmem_shared>>) dst(%dma_wait3A_124 : memref<128x128xf32, #tpu.memory_space<hbm>>)
      tpu.yield
    }) : () -> ()
    %add3A_108 = arith.constant 384 : i32
    %add3A_109 = arith.addi %mul3A_85, %add3A_108 : i32
    "tpu.region"() ({
      %run_scoped3A = tpu.sem_alloc : memref<!tpu.dma_semaphore, #tpu.memory_space<semaphore_mem>>
      %dma_start3A_112 = arith.constant 0 : i32
      %dma_start3A_113 = arith.constant 0 : i32
      %dma_start3A_114 = tpu.memref_slice %arg6[%arg0, %dma_start3A_112, %dma_start3A_113] : memref<2x10240x128xf32, #tpu.memory_space<hbm>> -> memref<1x10240x128xf32, #tpu.memory_space<hbm>>
      %dma_start3A_115 = tpu.memref_squeeze %dma_start3A_114 : memref<1x10240x128xf32, #tpu.memory_space<hbm>> -> memref<10240x128xf32, #tpu.memory_space<hbm>>
      %dma_start3A_116 = arith.constant 0 : i32
      %dma_start3A_117 = tpu.memref_slice %dma_start3A_115[%add3A_109, %dma_start3A_116] : memref<10240x128xf32, #tpu.memory_space<hbm>> -> memref<128x128xf32, #tpu.memory_space<hbm>>
      %dma_start3A_118 = arith.constant 0 : i32
      %dma_start3A_119 = tpu.memref_slice %arg19[%add3A_109, %dma_start3A_118] : memref<10240x128xf32, #tpu.memory_space<vmem_shared>> -> memref<128x128xf32, #tpu.memory_space<vmem_shared>>
      tpu.enqueue_dma source(%dma_start3A_119 : memref<128x128xf32, #tpu.memory_space<vmem_shared>>) target(%dma_start3A_117 : memref<128x128xf32, #tpu.memory_space<hbm>>) target_semaphore(%run_scoped3A : memref<!tpu.dma_semaphore, #tpu.memory_space<semaphore_mem>>)
      %dma_wait3A = arith.constant 0 : i32
      %dma_wait3A_120 = arith.constant 0 : i32
      %dma_wait3A_121 = tpu.memref_slice %arg6[%arg0, %dma_wait3A, %dma_wait3A_120] : memref<2x10240x128xf32, #tpu.memory_space<hbm>> -> memref<1x10240x128xf32, #tpu.memory_space<hbm>>
      %dma_wait3A_122 = tpu.memref_squeeze %dma_wait3A_121 : memref<1x10240x128xf32, #tpu.memory_space<hbm>> -> memref<10240x128xf32, #tpu.memory_space<hbm>>
      %dma_wait3A_123 = arith.constant 0 : i32
      %dma_wait3A_124 = tpu.memref_slice %dma_wait3A_122[%add3A_109, %dma_wait3A_123] : memref<10240x128xf32, #tpu.memory_space<hbm>> -> memref<128x128xf32, #tpu.memory_space<hbm>>
      %dma_wait3A_125 = arith.constant 0 : i32
      %dma_wait3A_126 = tpu.memref_slice %arg19[%add3A_109, %dma_wait3A_125] : memref<10240x128xf32, #tpu.memory_space<vmem_shared>> -> memref<128x128xf32, #tpu.memory_space<vmem_shared>>
      tpu.wait_dma2 semaphore(%run_scoped3A : memref<!tpu.dma_semaphore, #tpu.memory_space<semaphore_mem>>) src(%dma_wait3A_126 : memref<128x128xf32, #tpu.memory_space<vmem_shared>>) dst(%dma_wait3A_124 : memref<128x128xf32, #tpu.memory_space<hbm>>)
      tpu.yield
    }) : () -> ()
    %add3A_110 = arith.constant 512 : i32
    %add3A_111 = arith.addi %mul3A_85, %add3A_110 : i32
    "tpu.region"() ({
      %run_scoped3A = tpu.sem_alloc : memref<!tpu.dma_semaphore, #tpu.memory_space<semaphore_mem>>
      %dma_start3A_112 = arith.constant 0 : i32
      %dma_start3A_113 = arith.constant 0 : i32
      %dma_start3A_114 = tpu.memref_slice %arg6[%arg0, %dma_start3A_112, %dma_start3A_113] : memref<2x10240x128xf32, #tpu.memory_space<hbm>> -> memref<1x10240x128xf32, #tpu.memory_space<hbm>>
      %dma_start3A_115 = tpu.memref_squeeze %dma_start3A_114 : memref<1x10240x128xf32, #tpu.memory_space<hbm>> -> memref<10240x128xf32, #tpu.memory_space<hbm>>
      %dma_start3A_116 = arith.constant 0 : i32
      %dma_start3A_117 = tpu.memref_slice %dma_start3A_115[%add3A_111, %dma_start3A_116] : memref<10240x128xf32, #tpu.memory_space<hbm>> -> memref<128x128xf32, #tpu.memory_space<hbm>>
      %dma_start3A_118 = arith.constant 0 : i32
      %dma_start3A_119 = tpu.memref_slice %arg19[%add3A_111, %dma_start3A_118] : memref<10240x128xf32, #tpu.memory_space<vmem_shared>> -> memref<128x128xf32, #tpu.memory_space<vmem_shared>>
      tpu.enqueue_dma source(%dma_start3A_119 : memref<128x128xf32, #tpu.memory_space<vmem_shared>>) target(%dma_start3A_117 : memref<128x128xf32, #tpu.memory_space<hbm>>) target_semaphore(%run_scoped3A : memref<!tpu.dma_semaphore, #tpu.memory_space<semaphore_mem>>)
      %dma_wait3A = arith.constant 0 : i32
      %dma_wait3A_120 = arith.constant 0 : i32
      %dma_wait3A_121 = tpu.memref_slice %arg6[%arg0, %dma_wait3A, %dma_wait3A_120] : memref<2x10240x128xf32, #tpu.memory_space<hbm>> -> memref<1x10240x128xf32, #tpu.memory_space<hbm>>
      %dma_wait3A_122 = tpu.memref_squeeze %dma_wait3A_121 : memref<1x10240x128xf32, #tpu.memory_space<hbm>> -> memref<10240x128xf32, #tpu.memory_space<hbm>>
      %dma_wait3A_123 = arith.constant 0 : i32
      %dma_wait3A_124 = tpu.memref_slice %dma_wait3A_122[%add3A_111, %dma_wait3A_123] : memref<10240x128xf32, #tpu.memory_space<hbm>> -> memref<128x128xf32, #tpu.memory_space<hbm>>
      %dma_wait3A_125 = arith.constant 0 : i32
      %dma_wait3A_126 = tpu.memref_slice %arg19[%add3A_111, %dma_wait3A_125] : memref<10240x128xf32, #tpu.memory_space<vmem_shared>> -> memref<128x128xf32, #tpu.memory_space<vmem_shared>>
      tpu.wait_dma2 semaphore(%run_scoped3A : memref<!tpu.dma_semaphore, #tpu.memory_space<semaphore_mem>>) src(%dma_wait3A_126 : memref<128x128xf32, #tpu.memory_space<vmem_shared>>) dst(%dma_wait3A_124 : memref<128x128xf32, #tpu.memory_space<hbm>>)
      tpu.yield
    }) : () -> ()
    return
  }
}

#map = affine_map<(d0, d1) -> (0)>
#map1 = affine_map<(d0, d1) -> (0, 0)>
#map2 = affine_map<(d0, d1) -> (0, 0, 0)>
module attributes {stable_mosaic.version = 14 : i64} {
  func.func @_sc_agg_body(%arg0: i32, %arg1: i32, %arg2: memref<327680xi32, #tpu.memory_space<hbm>>, %arg3: memref<327680xi32, #tpu.memory_space<hbm>>, %arg4: memref<10000x128xf32, #tpu.memory_space<hbm>>, %arg5: memref<128x128xf32, #tpu.memory_space<hbm>>, %arg6: memref<2x10240x128xf32, #tpu.memory_space<hbm>>, %arg7: memref<4x128xi32, #tpu.memory_space<vmem>>, %arg8: memref<4x128xi32, #tpu.memory_space<vmem>>, %arg9: memref<128x128xf32, #tpu.memory_space<vmem>>, %arg10: memref<128x128xf32, #tpu.memory_space<vmem>>, %arg11: memref<!tpu.dma_semaphore, #tpu.memory_space<semaphore_mem>>, %arg12: memref<!tpu.dma_semaphore, #tpu.memory_space<semaphore_mem>>, %arg13: memref<!tpu.dma_semaphore, #tpu.memory_space<semaphore_mem>>, %arg14: memref<!tpu.dma_semaphore, #tpu.memory_space<semaphore_mem>>, %arg15: memref<!tpu.dma_semaphore, #tpu.memory_space<semaphore_mem>>, %arg16: memref<!tpu.dma_semaphore, #tpu.memory_space<semaphore_mem>>, %arg17: memref<!tpu.dma_semaphore, #tpu.memory_space<semaphore_mem>>, %arg18: memref<!tpu.dma_semaphore, #tpu.memory_space<semaphore_mem>>, %arg19: memref<10240x128xf32, #tpu.memory_space<vmem_shared>>) attributes {dimension_semantics = [#tpu.dimension_semantics<core_parallel>, #tpu.dimension_semantics<subcore_parallel>], iteration_bounds = array<i64: 2, 16>, scalar_prefetch = 0 : i64, scratch_operands = 13 : i64, tpu.core_type = #tpu.core_type<sc_vector_subcore>, window_params = [{transform_indices = #map}, {transform_indices = #map}, {transform_indices = #map1}, {transform_indices = #map1}, {transform_indices = #map2}]} {
    %mul3A = arith.constant 2 : i32
    %mul3A_0 = arith.muli %arg1, %mul3A : i32
    %add3A = arith.addi %mul3A_0, %arg0 : i32
    %mul3A_1 = arith.constant 80 : i32
    %mul3A_2 = arith.muli %add3A, %mul3A_1 : i32
    %mul3A_3 = arith.constant 128 : i32
    %mul3A_4 = arith.muli %mul3A_2, %mul3A_3 : i32
    %add3A_5 = arith.constant 0 : i32
    %add3A_6 = arith.addi %mul3A_4, %add3A_5 : i32
    %dma_start3A = arith.constant 0 : i32
    %dma_start3A_7 = arith.constant 0 : i32
    %dma_start3A_8 = tpu.memref_slice %arg7[%dma_start3A, %dma_start3A_7] : memref<4x128xi32, #tpu.memory_space<vmem>> -> memref<1x128xi32, #tpu.memory_space<vmem>>
    %dma_start3A_9 = tpu.memref_squeeze %dma_start3A_8 : memref<1x128xi32, #tpu.memory_space<vmem>> -> memref<128xi32, #tpu.memory_space<vmem>>
    %dma_start3A_10 = tpu.memref_slice %arg2[%add3A_6] : memref<327680xi32, #tpu.memory_space<hbm>> -> memref<128xi32, #tpu.memory_space<hbm>>
    %dma_start3A_11 = arith.constant 0 : i32
    %dma_start3A_12 = tpu.memref_slice %arg7[%dma_start3A, %dma_start3A_11] : memref<4x128xi32, #tpu.memory_space<vmem>> -> memref<1x128xi32, #tpu.memory_space<vmem>>
    %dma_start3A_13 = tpu.memref_squeeze %dma_start3A_12 : memref<1x128xi32, #tpu.memory_space<vmem>> -> memref<128xi32, #tpu.memory_space<vmem>>
    %dma_start3A_14 = tpu.memref_slice %arg2[%add3A_6] : memref<327680xi32, #tpu.memory_space<hbm>> -> memref<128xi32, #tpu.memory_space<hbm>>
    tpu.enqueue_dma source(%dma_start3A_14 : memref<128xi32, #tpu.memory_space<hbm>>) target(%dma_start3A_13 : memref<128xi32, #tpu.memory_space<vmem>>) target_semaphore(%arg11 : memref<!tpu.dma_semaphore, #tpu.memory_space<semaphore_mem>>)
    %dma_start3A_15 = arith.constant 0 : i32
    %dma_start3A_16 = arith.constant 0 : i32
    %dma_start3A_17 = tpu.memref_slice %arg8[%dma_start3A_15, %dma_start3A_16] : memref<4x128xi32, #tpu.memory_space<vmem>> -> memref<1x128xi32, #tpu.memory_space<vmem>>
    %dma_start3A_18 = tpu.memref_squeeze %dma_start3A_17 : memref<1x128xi32, #tpu.memory_space<vmem>> -> memref<128xi32, #tpu.memory_space<vmem>>
    %dma_start3A_19 = tpu.memref_slice %arg3[%add3A_6] : memref<327680xi32, #tpu.memory_space<hbm>> -> memref<128xi32, #tpu.memory_space<hbm>>
    %dma_start3A_20 = arith.constant 0 : i32
    %dma_start3A_21 = tpu.memref_slice %arg8[%dma_start3A_15, %dma_start3A_20] : memref<4x128xi32, #tpu.memory_space<vmem>> -> memref<1x128xi32, #tpu.memory_space<vmem>>
    %dma_start3A_22 = tpu.memref_squeeze %dma_start3A_21 : memref<1x128xi32, #tpu.memory_space<vmem>> -> memref<128xi32, #tpu.memory_space<vmem>>
    %dma_start3A_23 = tpu.memref_slice %arg3[%add3A_6] : memref<327680xi32, #tpu.memory_space<hbm>> -> memref<128xi32, #tpu.memory_space<hbm>>
    tpu.enqueue_dma source(%dma_start3A_23 : memref<128xi32, #tpu.memory_space<hbm>>) target(%dma_start3A_22 : memref<128xi32, #tpu.memory_space<vmem>>) target_semaphore(%arg11 : memref<!tpu.dma_semaphore, #tpu.memory_space<semaphore_mem>>)
    %add3A_24 = arith.constant 128 : i32
    %add3A_25 = arith.addi %mul3A_4, %add3A_24 : i32
    %dma_start3A_26 = arith.constant 1 : i32
    %dma_start3A_27 = arith.constant 0 : i32
    %dma_start3A_28 = tpu.memref_slice %arg7[%dma_start3A_26, %dma_start3A_27] : memref<4x128xi32, #tpu.memory_space<vmem>> -> memref<1x128xi32, #tpu.memory_space<vmem>>
    %dma_start3A_29 = tpu.memref_squeeze %dma_start3A_28 : memref<1x128xi32, #tpu.memory_space<vmem>> -> memref<128xi32, #tpu.memory_space<vmem>>
    %dma_start3A_30 = tpu.memref_slice %arg2[%add3A_25] : memref<327680xi32, #tpu.memory_space<hbm>> -> memref<128xi32, #tpu.memory_space<hbm>>
    %dma_start3A_31 = arith.constant 0 : i32
    %dma_start3A_32 = tpu.memref_slice %arg7[%dma_start3A_26, %dma_start3A_31] : memref<4x128xi32, #tpu.memory_space<vmem>> -> memref<1x128xi32, #tpu.memory_space<vmem>>
    %dma_start3A_33 = tpu.memref_squeeze %dma_start3A_32 : memref<1x128xi32, #tpu.memory_space<vmem>> -> memref<128xi32, #tpu.memory_space<vmem>>
    %dma_start3A_34 = tpu.memref_slice %arg2[%add3A_25] : memref<327680xi32, #tpu.memory_space<hbm>> -> memref<128xi32, #tpu.memory_space<hbm>>
    tpu.enqueue_dma source(%dma_start3A_34 : memref<128xi32, #tpu.memory_space<hbm>>) target(%dma_start3A_33 : memref<128xi32, #tpu.memory_space<vmem>>) target_semaphore(%arg12 : memref<!tpu.dma_semaphore, #tpu.memory_space<semaphore_mem>>)
    %dma_start3A_35 = arith.constant 1 : i32
    %dma_start3A_36 = arith.constant 0 : i32
    %dma_start3A_37 = tpu.memref_slice %arg8[%dma_start3A_35, %dma_start3A_36] : memref<4x128xi32, #tpu.memory_space<vmem>> -> memref<1x128xi32, #tpu.memory_space<vmem>>
    %dma_start3A_38 = tpu.memref_squeeze %dma_start3A_37 : memref<1x128xi32, #tpu.memory_space<vmem>> -> memref<128xi32, #tpu.memory_space<vmem>>
    %dma_start3A_39 = tpu.memref_slice %arg3[%add3A_25] : memref<327680xi32, #tpu.memory_space<hbm>> -> memref<128xi32, #tpu.memory_space<hbm>>
    %dma_start3A_40 = arith.constant 0 : i32
    %dma_start3A_41 = tpu.memref_slice %arg8[%dma_start3A_35, %dma_start3A_40] : memref<4x128xi32, #tpu.memory_space<vmem>> -> memref<1x128xi32, #tpu.memory_space<vmem>>
    %dma_start3A_42 = tpu.memref_squeeze %dma_start3A_41 : memref<1x128xi32, #tpu.memory_space<vmem>> -> memref<128xi32, #tpu.memory_space<vmem>>
    %dma_start3A_43 = tpu.memref_slice %arg3[%add3A_25] : memref<327680xi32, #tpu.memory_space<hbm>> -> memref<128xi32, #tpu.memory_space<hbm>>
    tpu.enqueue_dma source(%dma_start3A_43 : memref<128xi32, #tpu.memory_space<hbm>>) target(%dma_start3A_42 : memref<128xi32, #tpu.memory_space<vmem>>) target_semaphore(%arg12 : memref<!tpu.dma_semaphore, #tpu.memory_space<semaphore_mem>>)
    %add3A_44 = arith.constant 256 : i32
    %add3A_45 = arith.addi %mul3A_4, %add3A_44 : i32
    %dma_start3A_46 = arith.constant 2 : i32
    %dma_start3A_47 = arith.constant 0 : i32
    %dma_start3A_48 = tpu.memref_slice %arg7[%dma_start3A_46, %dma_start3A_47] : memref<4x128xi32, #tpu.memory_space<vmem>> -> memref<1x128xi32, #tpu.memory_space<vmem>>
    %dma_start3A_49 = tpu.memref_squeeze %dma_start3A_48 : memref<1x128xi32, #tpu.memory_space<vmem>> -> memref<128xi32, #tpu.memory_space<vmem>>
    %dma_start3A_50 = tpu.memref_slice %arg2[%add3A_45] : memref<327680xi32, #tpu.memory_space<hbm>> -> memref<128xi32, #tpu.memory_space<hbm>>
    %dma_start3A_51 = arith.constant 0 : i32
    %dma_start3A_52 = tpu.memref_slice %arg7[%dma_start3A_46, %dma_start3A_51] : memref<4x128xi32, #tpu.memory_space<vmem>> -> memref<1x128xi32, #tpu.memory_space<vmem>>
    %dma_start3A_53 = tpu.memref_squeeze %dma_start3A_52 : memref<1x128xi32, #tpu.memory_space<vmem>> -> memref<128xi32, #tpu.memory_space<vmem>>
    %dma_start3A_54 = tpu.memref_slice %arg2[%add3A_45] : memref<327680xi32, #tpu.memory_space<hbm>> -> memref<128xi32, #tpu.memory_space<hbm>>
    tpu.enqueue_dma source(%dma_start3A_54 : memref<128xi32, #tpu.memory_space<hbm>>) target(%dma_start3A_53 : memref<128xi32, #tpu.memory_space<vmem>>) target_semaphore(%arg13 : memref<!tpu.dma_semaphore, #tpu.memory_space<semaphore_mem>>)
    %dma_start3A_55 = arith.constant 2 : i32
    %dma_start3A_56 = arith.constant 0 : i32
    %dma_start3A_57 = tpu.memref_slice %arg8[%dma_start3A_55, %dma_start3A_56] : memref<4x128xi32, #tpu.memory_space<vmem>> -> memref<1x128xi32, #tpu.memory_space<vmem>>
    %dma_start3A_58 = tpu.memref_squeeze %dma_start3A_57 : memref<1x128xi32, #tpu.memory_space<vmem>> -> memref<128xi32, #tpu.memory_space<vmem>>
    %dma_start3A_59 = tpu.memref_slice %arg3[%add3A_45] : memref<327680xi32, #tpu.memory_space<hbm>> -> memref<128xi32, #tpu.memory_space<hbm>>
    %dma_start3A_60 = arith.constant 0 : i32
    %dma_start3A_61 = tpu.memref_slice %arg8[%dma_start3A_55, %dma_start3A_60] : memref<4x128xi32, #tpu.memory_space<vmem>> -> memref<1x128xi32, #tpu.memory_space<vmem>>
    %dma_start3A_62 = tpu.memref_squeeze %dma_start3A_61 : memref<1x128xi32, #tpu.memory_space<vmem>> -> memref<128xi32, #tpu.memory_space<vmem>>
    %dma_start3A_63 = tpu.memref_slice %arg3[%add3A_45] : memref<327680xi32, #tpu.memory_space<hbm>> -> memref<128xi32, #tpu.memory_space<hbm>>
    tpu.enqueue_dma source(%dma_start3A_63 : memref<128xi32, #tpu.memory_space<hbm>>) target(%dma_start3A_62 : memref<128xi32, #tpu.memory_space<vmem>>) target_semaphore(%arg13 : memref<!tpu.dma_semaphore, #tpu.memory_space<semaphore_mem>>)
    %add3A_64 = arith.constant 384 : i32
    %add3A_65 = arith.addi %mul3A_4, %add3A_64 : i32
    %dma_start3A_66 = arith.constant 3 : i32
    %dma_start3A_67 = arith.constant 0 : i32
    %dma_start3A_68 = tpu.memref_slice %arg7[%dma_start3A_66, %dma_start3A_67] : memref<4x128xi32, #tpu.memory_space<vmem>> -> memref<1x128xi32, #tpu.memory_space<vmem>>
    %dma_start3A_69 = tpu.memref_squeeze %dma_start3A_68 : memref<1x128xi32, #tpu.memory_space<vmem>> -> memref<128xi32, #tpu.memory_space<vmem>>
    %dma_start3A_70 = tpu.memref_slice %arg2[%add3A_65] : memref<327680xi32, #tpu.memory_space<hbm>> -> memref<128xi32, #tpu.memory_space<hbm>>
    %dma_start3A_71 = arith.constant 0 : i32
    %dma_start3A_72 = tpu.memref_slice %arg7[%dma_start3A_66, %dma_start3A_71] : memref<4x128xi32, #tpu.memory_space<vmem>> -> memref<1x128xi32, #tpu.memory_space<vmem>>
    %dma_start3A_73 = tpu.memref_squeeze %dma_start3A_72 : memref<1x128xi32, #tpu.memory_space<vmem>> -> memref<128xi32, #tpu.memory_space<vmem>>
    %dma_start3A_74 = tpu.memref_slice %arg2[%add3A_65] : memref<327680xi32, #tpu.memory_space<hbm>> -> memref<128xi32, #tpu.memory_space<hbm>>
    tpu.enqueue_dma source(%dma_start3A_74 : memref<128xi32, #tpu.memory_space<hbm>>) target(%dma_start3A_73 : memref<128xi32, #tpu.memory_space<vmem>>) target_semaphore(%arg14 : memref<!tpu.dma_semaphore, #tpu.memory_space<semaphore_mem>>)
    %dma_start3A_75 = arith.constant 3 : i32
    %dma_start3A_76 = arith.constant 0 : i32
    %dma_start3A_77 = tpu.memref_slice %arg8[%dma_start3A_75, %dma_start3A_76] : memref<4x128xi32, #tpu.memory_space<vmem>> -> memref<1x128xi32, #tpu.memory_space<vmem>>
    %dma_start3A_78 = tpu.memref_squeeze %dma_start3A_77 : memref<1x128xi32, #tpu.memory_space<vmem>> -> memref<128xi32, #tpu.memory_space<vmem>>
    %dma_start3A_79 = tpu.memref_slice %arg3[%add3A_65] : memref<327680xi32, #tpu.memory_space<hbm>> -> memref<128xi32, #tpu.memory_space<hbm>>
    %dma_start3A_80 = arith.constant 0 : i32
    %dma_start3A_81 = tpu.memref_slice %arg8[%dma_start3A_75, %dma_start3A_80] : memref<4x128xi32, #tpu.memory_space<vmem>> -> memref<1x128xi32, #tpu.memory_space<vmem>>
    %dma_start3A_82 = tpu.memref_squeeze %dma_start3A_81 : memref<1x128xi32, #tpu.memory_space<vmem>> -> memref<128xi32, #tpu.memory_space<vmem>>
    %dma_start3A_83 = tpu.memref_slice %arg3[%add3A_65] : memref<327680xi32, #tpu.memory_space<hbm>> -> memref<128xi32, #tpu.memory_space<hbm>>
    tpu.enqueue_dma source(%dma_start3A_83 : memref<128xi32, #tpu.memory_space<hbm>>) target(%dma_start3A_82 : memref<128xi32, #tpu.memory_space<vmem>>) target_semaphore(%arg14 : memref<!tpu.dma_semaphore, #tpu.memory_space<semaphore_mem>>)
    "tpu.region"() ({
      %run_scoped3A = tpu.sem_alloc : memref<!tpu.dma_semaphore, #tpu.memory_space<semaphore_mem>>
      tpu.enqueue_dma source(%arg5 : memref<128x128xf32, #tpu.memory_space<hbm>>) target(%arg9 : memref<128x128xf32, #tpu.memory_space<vmem>>) target_semaphore(%run_scoped3A : memref<!tpu.dma_semaphore, #tpu.memory_space<semaphore_mem>>)
      tpu.wait_dma2 semaphore(%run_scoped3A : memref<!tpu.dma_semaphore, #tpu.memory_space<semaphore_mem>>) src(%arg5 : memref<128x128xf32, #tpu.memory_space<hbm>>) dst(%arg9 : memref<128x128xf32, #tpu.memory_space<vmem>>)
      tpu.yield
    }) : () -> ()
    %mul3A_84 = arith.constant 640 : i32
    %mul3A_85 = arith.muli %arg1, %mul3A_84 : i32
    %add3A_86 = arith.constant 0 : i32
    %add3A_87 = arith.addi %mul3A_85, %add3A_86 : i32
    "tpu.region"() ({
      %run_scoped3A = tpu.sem_alloc : memref<!tpu.dma_semaphore, #tpu.memory_space<semaphore_mem>>
      %dma_start3A_112 = arith.constant 0 : i32
      %dma_start3A_113 = tpu.memref_slice %arg19[%add3A_87, %dma_start3A_112] : memref<10240x128xf32, #tpu.memory_space<vmem_shared>> -> memref<128x128xf32, #tpu.memory_space<vmem_shared>>
      %dma_start3A_114 = arith.constant 0 : i32
      %dma_start3A_115 = tpu.memref_slice %arg19[%add3A_87, %dma_start3A_114] : memref<10240x128xf32, #tpu.memory_space<vmem_shared>> -> memref<128x128xf32, #tpu.memory_space<vmem_shared>>
      tpu.enqueue_dma source(%arg9 : memref<128x128xf32, #tpu.memory_space<vmem>>) target(%dma_start3A_115 : memref<128x128xf32, #tpu.memory_space<vmem_shared>>) target_semaphore(%run_scoped3A : memref<!tpu.dma_semaphore, #tpu.memory_space<semaphore_mem>>)
      %dma_wait3A = arith.constant 0 : i32
      %dma_wait3A_116 = tpu.memref_slice %arg19[%add3A_87, %dma_wait3A] : memref<10240x128xf32, #tpu.memory_space<vmem_shared>> -> memref<128x128xf32, #tpu.memory_space<vmem_shared>>
      %dma_wait3A_117 = arith.constant 0 : i32
      %dma_wait3A_118 = tpu.memref_slice %arg19[%add3A_87, %dma_wait3A_117] : memref<10240x128xf32, #tpu.memory_space<vmem_shared>> -> memref<128x128xf32, #tpu.memory_space<vmem_shared>>
      tpu.wait_dma2 semaphore(%run_scoped3A : memref<!tpu.dma_semaphore, #tpu.memory_space<semaphore_mem>>) src(%arg9 : memref<128x128xf32, #tpu.memory_space<vmem>>) dst(%dma_wait3A_118 : memref<128x128xf32, #tpu.memory_space<vmem_shared>>)
      tpu.yield
    }) : () -> ()
    %add3A_88 = arith.constant 128 : i32
    %add3A_89 = arith.addi %mul3A_85, %add3A_88 : i32
    "tpu.region"() ({
      %run_scoped3A = tpu.sem_alloc : memref<!tpu.dma_semaphore, #tpu.memory_space<semaphore_mem>>
      %dma_start3A_112 = arith.constant 0 : i32
      %dma_start3A_113 = tpu.memref_slice %arg19[%add3A_89, %dma_start3A_112] : memref<10240x128xf32, #tpu.memory_space<vmem_shared>> -> memref<128x128xf32, #tpu.memory_space<vmem_shared>>
      %dma_start3A_114 = arith.constant 0 : i32
      %dma_start3A_115 = tpu.memref_slice %arg19[%add3A_89, %dma_start3A_114] : memref<10240x128xf32, #tpu.memory_space<vmem_shared>> -> memref<128x128xf32, #tpu.memory_space<vmem_shared>>
      tpu.enqueue_dma source(%arg9 : memref<128x128xf32, #tpu.memory_space<vmem>>) target(%dma_start3A_115 : memref<128x128xf32, #tpu.memory_space<vmem_shared>>) target_semaphore(%run_scoped3A : memref<!tpu.dma_semaphore, #tpu.memory_space<semaphore_mem>>)
      %dma_wait3A = arith.constant 0 : i32
      %dma_wait3A_116 = tpu.memref_slice %arg19[%add3A_89, %dma_wait3A] : memref<10240x128xf32, #tpu.memory_space<vmem_shared>> -> memref<128x128xf32, #tpu.memory_space<vmem_shared>>
      %dma_wait3A_117 = arith.constant 0 : i32
      %dma_wait3A_118 = tpu.memref_slice %arg19[%add3A_89, %dma_wait3A_117] : memref<10240x128xf32, #tpu.memory_space<vmem_shared>> -> memref<128x128xf32, #tpu.memory_space<vmem_shared>>
      tpu.wait_dma2 semaphore(%run_scoped3A : memref<!tpu.dma_semaphore, #tpu.memory_space<semaphore_mem>>) src(%arg9 : memref<128x128xf32, #tpu.memory_space<vmem>>) dst(%dma_wait3A_118 : memref<128x128xf32, #tpu.memory_space<vmem_shared>>)
      tpu.yield
    }) : () -> ()
    %add3A_90 = arith.constant 256 : i32
    %add3A_91 = arith.addi %mul3A_85, %add3A_90 : i32
    "tpu.region"() ({
      %run_scoped3A = tpu.sem_alloc : memref<!tpu.dma_semaphore, #tpu.memory_space<semaphore_mem>>
      %dma_start3A_112 = arith.constant 0 : i32
      %dma_start3A_113 = tpu.memref_slice %arg19[%add3A_91, %dma_start3A_112] : memref<10240x128xf32, #tpu.memory_space<vmem_shared>> -> memref<128x128xf32, #tpu.memory_space<vmem_shared>>
      %dma_start3A_114 = arith.constant 0 : i32
      %dma_start3A_115 = tpu.memref_slice %arg19[%add3A_91, %dma_start3A_114] : memref<10240x128xf32, #tpu.memory_space<vmem_shared>> -> memref<128x128xf32, #tpu.memory_space<vmem_shared>>
      tpu.enqueue_dma source(%arg9 : memref<128x128xf32, #tpu.memory_space<vmem>>) target(%dma_start3A_115 : memref<128x128xf32, #tpu.memory_space<vmem_shared>>) target_semaphore(%run_scoped3A : memref<!tpu.dma_semaphore, #tpu.memory_space<semaphore_mem>>)
      %dma_wait3A = arith.constant 0 : i32
      %dma_wait3A_116 = tpu.memref_slice %arg19[%add3A_91, %dma_wait3A] : memref<10240x128xf32, #tpu.memory_space<vmem_shared>> -> memref<128x128xf32, #tpu.memory_space<vmem_shared>>
      %dma_wait3A_117 = arith.constant 0 : i32
      %dma_wait3A_118 = tpu.memref_slice %arg19[%add3A_91, %dma_wait3A_117] : memref<10240x128xf32, #tpu.memory_space<vmem_shared>> -> memref<128x128xf32, #tpu.memory_space<vmem_shared>>
      tpu.wait_dma2 semaphore(%run_scoped3A : memref<!tpu.dma_semaphore, #tpu.memory_space<semaphore_mem>>) src(%arg9 : memref<128x128xf32, #tpu.memory_space<vmem>>) dst(%dma_wait3A_118 : memref<128x128xf32, #tpu.memory_space<vmem_shared>>)
      tpu.yield
    }) : () -> ()
    %add3A_92 = arith.constant 384 : i32
    %add3A_93 = arith.addi %mul3A_85, %add3A_92 : i32
    "tpu.region"() ({
      %run_scoped3A = tpu.sem_alloc : memref<!tpu.dma_semaphore, #tpu.memory_space<semaphore_mem>>
      %dma_start3A_112 = arith.constant 0 : i32
      %dma_start3A_113 = tpu.memref_slice %arg19[%add3A_93, %dma_start3A_112] : memref<10240x128xf32, #tpu.memory_space<vmem_shared>> -> memref<128x128xf32, #tpu.memory_space<vmem_shared>>
      %dma_start3A_114 = arith.constant 0 : i32
      %dma_start3A_115 = tpu.memref_slice %arg19[%add3A_93, %dma_start3A_114] : memref<10240x128xf32, #tpu.memory_space<vmem_shared>> -> memref<128x128xf32, #tpu.memory_space<vmem_shared>>
      tpu.enqueue_dma source(%arg9 : memref<128x128xf32, #tpu.memory_space<vmem>>) target(%dma_start3A_115 : memref<128x128xf32, #tpu.memory_space<vmem_shared>>) target_semaphore(%run_scoped3A : memref<!tpu.dma_semaphore, #tpu.memory_space<semaphore_mem>>)
      %dma_wait3A = arith.constant 0 : i32
      %dma_wait3A_116 = tpu.memref_slice %arg19[%add3A_93, %dma_wait3A] : memref<10240x128xf32, #tpu.memory_space<vmem_shared>> -> memref<128x128xf32, #tpu.memory_space<vmem_shared>>
      %dma_wait3A_117 = arith.constant 0 : i32
      %dma_wait3A_118 = tpu.memref_slice %arg19[%add3A_93, %dma_wait3A_117] : memref<10240x128xf32, #tpu.memory_space<vmem_shared>> -> memref<128x128xf32, #tpu.memory_space<vmem_shared>>
      tpu.wait_dma2 semaphore(%run_scoped3A : memref<!tpu.dma_semaphore, #tpu.memory_space<semaphore_mem>>) src(%arg9 : memref<128x128xf32, #tpu.memory_space<vmem>>) dst(%dma_wait3A_118 : memref<128x128xf32, #tpu.memory_space<vmem_shared>>)
      tpu.yield
    }) : () -> ()
    %add3A_94 = arith.constant 512 : i32
    %add3A_95 = arith.addi %mul3A_85, %add3A_94 : i32
    "tpu.region"() ({
      %run_scoped3A = tpu.sem_alloc : memref<!tpu.dma_semaphore, #tpu.memory_space<semaphore_mem>>
      %dma_start3A_112 = arith.constant 0 : i32
      %dma_start3A_113 = tpu.memref_slice %arg19[%add3A_95, %dma_start3A_112] : memref<10240x128xf32, #tpu.memory_space<vmem_shared>> -> memref<128x128xf32, #tpu.memory_space<vmem_shared>>
      %dma_start3A_114 = arith.constant 0 : i32
      %dma_start3A_115 = tpu.memref_slice %arg19[%add3A_95, %dma_start3A_114] : memref<10240x128xf32, #tpu.memory_space<vmem_shared>> -> memref<128x128xf32, #tpu.memory_space<vmem_shared>>
      tpu.enqueue_dma source(%arg9 : memref<128x128xf32, #tpu.memory_space<vmem>>) target(%dma_start3A_115 : memref<128x128xf32, #tpu.memory_space<vmem_shared>>) target_semaphore(%run_scoped3A : memref<!tpu.dma_semaphore, #tpu.memory_space<semaphore_mem>>)
      %dma_wait3A = arith.constant 0 : i32
      %dma_wait3A_116 = tpu.memref_slice %arg19[%add3A_95, %dma_wait3A] : memref<10240x128xf32, #tpu.memory_space<vmem_shared>> -> memref<128x128xf32, #tpu.memory_space<vmem_shared>>
      %dma_wait3A_117 = arith.constant 0 : i32
      %dma_wait3A_118 = tpu.memref_slice %arg19[%add3A_95, %dma_wait3A_117] : memref<10240x128xf32, #tpu.memory_space<vmem_shared>> -> memref<128x128xf32, #tpu.memory_space<vmem_shared>>
      tpu.wait_dma2 semaphore(%run_scoped3A : memref<!tpu.dma_semaphore, #tpu.memory_space<semaphore_mem>>) src(%arg9 : memref<128x128xf32, #tpu.memory_space<vmem>>) dst(%dma_wait3A_118 : memref<128x128xf32, #tpu.memory_space<vmem_shared>>)
      tpu.yield
    }) : () -> ()
    %barrier3A = arith.constant 0 : index
    tpu.barrier barrier_id(%barrier3A)
    %scan3A = arith.constant 0 : i32
    %scan3A_96 = arith.constant 0 : i32
    %scan3A_97 = arith.constant 20 : i32
    %scan3A_98 = arith.addi %scan3A_96, %scan3A_97 : i32
    %scan3A_99 = arith.constant 1 : i32
    scf.for %scan3A_112 = %scan3A_96 to %scan3A_98 step %scan3A_99  : i32 {
      %mul3A_113 = arith.constant 4 : i32
      %mul3A_114 = arith.muli %mul3A_113, %scan3A_112 : i32
      %dma_wait3A = arith.constant 0 : i32
      %dma_wait3A_115 = arith.constant 0 : i32
      %dma_wait3A_116 = tpu.memref_slice %arg7[%dma_wait3A, %dma_wait3A_115] : memref<4x128xi32, #tpu.memory_space<vmem>> -> memref<1x128xi32, #tpu.memory_space<vmem>>
      %dma_wait3A_117 = tpu.memref_squeeze %dma_wait3A_116 : memref<1x128xi32, #tpu.memory_space<vmem>> -> memref<128xi32, #tpu.memory_space<vmem>>
      %dma_wait3A_118 = tpu.memref_slice %arg2[%mul3A_4] : memref<327680xi32, #tpu.memory_space<hbm>> -> memref<128xi32, #tpu.memory_space<hbm>>
      %dma_wait3A_119 = arith.constant 0 : i32
      %dma_wait3A_120 = tpu.memref_slice %arg7[%dma_wait3A, %dma_wait3A_119] : memref<4x128xi32, #tpu.memory_space<vmem>> -> memref<1x128xi32, #tpu.memory_space<vmem>>
      %dma_wait3A_121 = tpu.memref_squeeze %dma_wait3A_120 : memref<1x128xi32, #tpu.memory_space<vmem>> -> memref<128xi32, #tpu.memory_space<vmem>>
      %dma_wait3A_122 = tpu.memref_slice %arg2[%mul3A_4] : memref<327680xi32, #tpu.memory_space<hbm>> -> memref<128xi32, #tpu.memory_space<hbm>>
      tpu.wait_dma2 semaphore(%arg11 : memref<!tpu.dma_semaphore, #tpu.memory_space<semaphore_mem>>) src(%dma_wait3A_122 : memref<128xi32, #tpu.memory_space<hbm>>) dst(%dma_wait3A_121 : memref<128xi32, #tpu.memory_space<vmem>>)
      %dma_wait3A_123 = arith.constant 0 : i32
      %dma_wait3A_124 = arith.constant 0 : i32
      %dma_wait3A_125 = tpu.memref_slice %arg8[%dma_wait3A_123, %dma_wait3A_124] : memref<4x128xi32, #tpu.memory_space<vmem>> -> memref<1x128xi32, #tpu.memory_space<vmem>>
      %dma_wait3A_126 = tpu.memref_squeeze %dma_wait3A_125 : memref<1x128xi32, #tpu.memory_space<vmem>> -> memref<128xi32, #tpu.memory_space<vmem>>
      %dma_wait3A_127 = tpu.memref_slice %arg3[%mul3A_4] : memref<327680xi32, #tpu.memory_space<hbm>> -> memref<128xi32, #tpu.memory_space<hbm>>
      %dma_wait3A_128 = arith.constant 0 : i32
      %dma_wait3A_129 = tpu.memref_slice %arg8[%dma_wait3A_123, %dma_wait3A_128] : memref<4x128xi32, #tpu.memory_space<vmem>> -> memref<1x128xi32, #tpu.memory_space<vmem>>
      %dma_wait3A_130 = tpu.memref_squeeze %dma_wait3A_129 : memref<1x128xi32, #tpu.memory_space<vmem>> -> memref<128xi32, #tpu.memory_space<vmem>>
      %dma_wait3A_131 = tpu.memref_slice %arg3[%mul3A_4] : memref<327680xi32, #tpu.memory_space<hbm>> -> memref<128xi32, #tpu.memory_space<hbm>>
      tpu.wait_dma2 semaphore(%arg11 : memref<!tpu.dma_semaphore, #tpu.memory_space<semaphore_mem>>) src(%dma_wait3A_131 : memref<128xi32, #tpu.memory_space<hbm>>) dst(%dma_wait3A_130 : memref<128xi32, #tpu.memory_space<vmem>>)
      %dma_start3A_132 = arith.constant 0 : i32
      %dma_start3A_133 = arith.constant 0 : i32
      %dma_start3A_134 = tpu.memref_slice %arg7[%dma_start3A_132, %dma_start3A_133] : memref<4x128xi32, #tpu.memory_space<vmem>> -> memref<1x128xi32, #tpu.memory_space<vmem>>
      %dma_start3A_135 = tpu.memref_squeeze %dma_start3A_134 : memref<1x128xi32, #tpu.memory_space<vmem>> -> memref<128xi32, #tpu.memory_space<vmem>>
      %dma_start3A_136 = arith.constant 0 : i32
      %dma_start3A_137 = arith.constant 0 : i32
      %dma_start3A_138 = tpu.memref_slice %arg4[%dma_start3A_136, %dma_start3A_137] : memref<10000x128xf32, #tpu.memory_space<hbm>> -> memref<10000x128xf32, #tpu.memory_space<hbm>>
      tpu.enqueue_indirect_dma source(%dma_start3A_138 : memref<10000x128xf32, #tpu.memory_space<hbm>>) target(%arg9 : memref<128x128xf32, #tpu.memory_space<vmem>>) offsets(%dma_start3A_135 : memref<128xi32, #tpu.memory_space<vmem>>) semaphore(%arg15 : memref<!tpu.dma_semaphore, #tpu.memory_space<semaphore_mem>>)
      %dma_wait3A_139 = arith.constant 1 : i32
      %dma_wait3A_140 = arith.constant 0 : i32
      %dma_wait3A_141 = tpu.memref_slice %arg7[%dma_wait3A_139, %dma_wait3A_140] : memref<4x128xi32, #tpu.memory_space<vmem>> -> memref<1x128xi32, #tpu.memory_space<vmem>>
      %dma_wait3A_142 = tpu.memref_squeeze %dma_wait3A_141 : memref<1x128xi32, #tpu.memory_space<vmem>> -> memref<128xi32, #tpu.memory_space<vmem>>
      %dma_wait3A_143 = tpu.memref_slice %arg2[%mul3A_4] : memref<327680xi32, #tpu.memory_space<hbm>> -> memref<128xi32, #tpu.memory_space<hbm>>
      %dma_wait3A_144 = arith.constant 0 : i32
      %dma_wait3A_145 = tpu.memref_slice %arg7[%dma_wait3A_139, %dma_wait3A_144] : memref<4x128xi32, #tpu.memory_space<vmem>> -> memref<1x128xi32, #tpu.memory_space<vmem>>
      %dma_wait3A_146 = tpu.memref_squeeze %dma_wait3A_145 : memref<1x128xi32, #tpu.memory_space<vmem>> -> memref<128xi32, #tpu.memory_space<vmem>>
      %dma_wait3A_147 = tpu.memref_slice %arg2[%mul3A_4] : memref<327680xi32, #tpu.memory_space<hbm>> -> memref<128xi32, #tpu.memory_space<hbm>>
      tpu.wait_dma2 semaphore(%arg12 : memref<!tpu.dma_semaphore, #tpu.memory_space<semaphore_mem>>) src(%dma_wait3A_147 : memref<128xi32, #tpu.memory_space<hbm>>) dst(%dma_wait3A_146 : memref<128xi32, #tpu.memory_space<vmem>>)
      %dma_wait3A_148 = arith.constant 1 : i32
      %dma_wait3A_149 = arith.constant 0 : i32
      %dma_wait3A_150 = tpu.memref_slice %arg8[%dma_wait3A_148, %dma_wait3A_149] : memref<4x128xi32, #tpu.memory_space<vmem>> -> memref<1x128xi32, #tpu.memory_space<vmem>>
      %dma_wait3A_151 = tpu.memref_squeeze %dma_wait3A_150 : memref<1x128xi32, #tpu.memory_space<vmem>> -> memref<128xi32, #tpu.memory_space<vmem>>
      %dma_wait3A_152 = tpu.memref_slice %arg3[%mul3A_4] : memref<327680xi32, #tpu.memory_space<hbm>> -> memref<128xi32, #tpu.memory_space<hbm>>
      %dma_wait3A_153 = arith.constant 0 : i32
      %dma_wait3A_154 = tpu.memref_slice %arg8[%dma_wait3A_148, %dma_wait3A_153] : memref<4x128xi32, #tpu.memory_space<vmem>> -> memref<1x128xi32, #tpu.memory_space<vmem>>
      %dma_wait3A_155 = tpu.memref_squeeze %dma_wait3A_154 : memref<1x128xi32, #tpu.memory_space<vmem>> -> memref<128xi32, #tpu.memory_space<vmem>>
      %dma_wait3A_156 = tpu.memref_slice %arg3[%mul3A_4] : memref<327680xi32, #tpu.memory_space<hbm>> -> memref<128xi32, #tpu.memory_space<hbm>>
      tpu.wait_dma2 semaphore(%arg12 : memref<!tpu.dma_semaphore, #tpu.memory_space<semaphore_mem>>) src(%dma_wait3A_156 : memref<128xi32, #tpu.memory_space<hbm>>) dst(%dma_wait3A_155 : memref<128xi32, #tpu.memory_space<vmem>>)
      %dma_start3A_157 = arith.constant 1 : i32
      %dma_start3A_158 = arith.constant 0 : i32
      %dma_start3A_159 = tpu.memref_slice %arg7[%dma_start3A_157, %dma_start3A_158] : memref<4x128xi32, #tpu.memory_space<vmem>> -> memref<1x128xi32, #tpu.memory_space<vmem>>
      %dma_start3A_160 = tpu.memref_squeeze %dma_start3A_159 : memref<1x128xi32, #tpu.memory_space<vmem>> -> memref<128xi32, #tpu.memory_space<vmem>>
      %dma_start3A_161 = arith.constant 0 : i32
      %dma_start3A_162 = arith.constant 0 : i32
      %dma_start3A_163 = tpu.memref_slice %arg4[%dma_start3A_161, %dma_start3A_162] : memref<10000x128xf32, #tpu.memory_space<hbm>> -> memref<10000x128xf32, #tpu.memory_space<hbm>>
      tpu.enqueue_indirect_dma source(%dma_start3A_163 : memref<10000x128xf32, #tpu.memory_space<hbm>>) target(%arg10 : memref<128x128xf32, #tpu.memory_space<vmem>>) offsets(%dma_start3A_160 : memref<128xi32, #tpu.memory_space<vmem>>) semaphore(%arg16 : memref<!tpu.dma_semaphore, #tpu.memory_space<semaphore_mem>>)
      %dma_wait3A_164 = arith.constant 0 : i32
      %dma_wait3A_165 = arith.constant 0 : i32
      %dma_wait3A_166 = tpu.memref_slice %arg7[%dma_wait3A_164, %dma_wait3A_165] : memref<4x128xi32, #tpu.memory_space<vmem>> -> memref<1x128xi32, #tpu.memory_space<vmem>>
      %dma_wait3A_167 = tpu.memref_squeeze %dma_wait3A_166 : memref<1x128xi32, #tpu.memory_space<vmem>> -> memref<128xi32, #tpu.memory_space<vmem>>
      %dma_wait3A_168 = arith.constant 0 : i32
      %dma_wait3A_169 = arith.constant 0 : i32
      %dma_wait3A_170 = tpu.memref_slice %arg4[%dma_wait3A_168, %dma_wait3A_169] : memref<10000x128xf32, #tpu.memory_space<hbm>> -> memref<10000x128xf32, #tpu.memory_space<hbm>>
      tpu.wait_indirect_dma semaphore(%arg15 : memref<!tpu.dma_semaphore, #tpu.memory_space<semaphore_mem>>) src(%dma_wait3A_170 : memref<10000x128xf32, #tpu.memory_space<hbm>>) dst(%arg9 : memref<128x128xf32, #tpu.memory_space<vmem>>)
      %dma_start3A_171 = arith.constant 0 : i32
      %dma_start3A_172 = arith.constant 0 : i32
      %dma_start3A_173 = tpu.memref_slice %arg8[%dma_start3A_171, %dma_start3A_172] : memref<4x128xi32, #tpu.memory_space<vmem>> -> memref<1x128xi32, #tpu.memory_space<vmem>>
      %dma_start3A_174 = tpu.memref_squeeze %dma_start3A_173 : memref<1x128xi32, #tpu.memory_space<vmem>> -> memref<128xi32, #tpu.memory_space<vmem>>
      %dma_start3A_175 = arith.constant 0 : i32
      %dma_start3A_176 = arith.constant 0 : i32
      %dma_start3A_177 = tpu.memref_slice %arg19[%dma_start3A_175, %dma_start3A_176] : memref<10240x128xf32, #tpu.memory_space<vmem_shared>> -> memref<10240x128xf32, #tpu.memory_space<vmem_shared>>
      tpu.enqueue_indirect_dma source(%arg9 : memref<128x128xf32, #tpu.memory_space<vmem>>) target(%dma_start3A_177 : memref<10240x128xf32, #tpu.memory_space<vmem_shared>>) offsets(%dma_start3A_174 : memref<128xi32, #tpu.memory_space<vmem>>) semaphore(%arg17 : memref<!tpu.dma_semaphore, #tpu.memory_space<semaphore_mem>>) {add = true}
      %dma_wait3A_178 = arith.constant 1 : i32
      %dma_wait3A_179 = arith.constant 0 : i32
      %dma_wait3A_180 = tpu.memref_slice %arg7[%dma_wait3A_178, %dma_wait3A_179] : memref<4x128xi32, #tpu.memory_space<vmem>> -> memref<1x128xi32, #tpu.memory_space<vmem>>
      %dma_wait3A_181 = tpu.memref_squeeze %dma_wait3A_180 : memref<1x128xi32, #tpu.memory_space<vmem>> -> memref<128xi32, #tpu.memory_space<vmem>>
      %dma_wait3A_182 = arith.constant 0 : i32
      %dma_wait3A_183 = arith.constant 0 : i32
      %dma_wait3A_184 = tpu.memref_slice %arg4[%dma_wait3A_182, %dma_wait3A_183] : memref<10000x128xf32, #tpu.memory_space<hbm>> -> memref<10000x128xf32, #tpu.memory_space<hbm>>
      tpu.wait_indirect_dma semaphore(%arg16 : memref<!tpu.dma_semaphore, #tpu.memory_space<semaphore_mem>>) src(%dma_wait3A_184 : memref<10000x128xf32, #tpu.memory_space<hbm>>) dst(%arg10 : memref<128x128xf32, #tpu.memory_space<vmem>>)
      %dma_start3A_185 = arith.constant 1 : i32
      %dma_start3A_186 = arith.constant 0 : i32
      %dma_start3A_187 = tpu.memref_slice %arg8[%dma_start3A_185, %dma_start3A_186] : memref<4x128xi32, #tpu.memory_space<vmem>> -> memref<1x128xi32, #tpu.memory_space<vmem>>
      %dma_start3A_188 = tpu.memref_squeeze %dma_start3A_187 : memref<1x128xi32, #tpu.memory_space<vmem>> -> memref<128xi32, #tpu.memory_space<vmem>>
      %dma_start3A_189 = arith.constant 0 : i32
      %dma_start3A_190 = arith.constant 0 : i32
      %dma_start3A_191 = tpu.memref_slice %arg19[%dma_start3A_189, %dma_start3A_190] : memref<10240x128xf32, #tpu.memory_space<vmem_shared>> -> memref<10240x128xf32, #tpu.memory_space<vmem_shared>>
      tpu.enqueue_indirect_dma source(%arg10 : memref<128x128xf32, #tpu.memory_space<vmem>>) target(%dma_start3A_191 : memref<10240x128xf32, #tpu.memory_space<vmem_shared>>) offsets(%dma_start3A_188 : memref<128xi32, #tpu.memory_space<vmem>>) semaphore(%arg18 : memref<!tpu.dma_semaphore, #tpu.memory_space<semaphore_mem>>) {add = true}
      %dma_wait3A_192 = arith.constant 0 : i32
      %dma_wait3A_193 = arith.constant 0 : i32
      %dma_wait3A_194 = tpu.memref_slice %arg8[%dma_wait3A_192, %dma_wait3A_193] : memref<4x128xi32, #tpu.memory_space<vmem>> -> memref<1x128xi32, #tpu.memory_space<vmem>>
      %dma_wait3A_195 = tpu.memref_squeeze %dma_wait3A_194 : memref<1x128xi32, #tpu.memory_space<vmem>> -> memref<128xi32, #tpu.memory_space<vmem>>
      %dma_wait3A_196 = arith.constant 0 : i32
      %dma_wait3A_197 = arith.constant 0 : i32
      %dma_wait3A_198 = tpu.memref_slice %arg19[%dma_wait3A_196, %dma_wait3A_197] : memref<10240x128xf32, #tpu.memory_space<vmem_shared>> -> memref<10240x128xf32, #tpu.memory_space<vmem_shared>>
      tpu.wait_indirect_dma semaphore(%arg17 : memref<!tpu.dma_semaphore, #tpu.memory_space<semaphore_mem>>) src(%arg9 : memref<128x128xf32, #tpu.memory_space<vmem>>) dst(%dma_wait3A_198 : memref<10240x128xf32, #tpu.memory_space<vmem_shared>>)
      %add3A_199 = arith.constant 4 : i32
      %add3A_200 = arith.addi %mul3A_114, %add3A_199 : i32
      %add3A_201 = arith.constant 1 : i32
      %add3A_202 = arith.addi %scan3A_112, %add3A_201 : i32
      %lt3A = arith.constant 20 : i32
      %lt3A_203 = arith.cmpi slt, %add3A_202, %lt3A : i32
      %convert_element_type3A = arith.extui %lt3A_203 : i1 to i32
      %cond3A = arith.constant 0 : i32
      %cond3A_204 = arith.cmpi ne, %convert_element_type3A, %cond3A : i32
      scf.if %cond3A_204 {
        %mul3A_331 = arith.constant 128 : i32
        %mul3A_332 = arith.muli %add3A_200, %mul3A_331 : i32
        %add3A_333 = arith.addi %mul3A_4, %mul3A_332 : i32
        %dma_start3A_334 = arith.constant 0 : i32
        %dma_start3A_335 = arith.constant 0 : i32
        %dma_start3A_336 = tpu.memref_slice %arg7[%dma_start3A_334, %dma_start3A_335] : memref<4x128xi32, #tpu.memory_space<vmem>> -> memref<1x128xi32, #tpu.memory_space<vmem>>
        %dma_start3A_337 = tpu.memref_squeeze %dma_start3A_336 : memref<1x128xi32, #tpu.memory_space<vmem>> -> memref<128xi32, #tpu.memory_space<vmem>>
        %dma_start3A_338 = tpu.memref_slice %arg2[%add3A_333] : memref<327680xi32, #tpu.memory_space<hbm>> -> memref<128xi32, #tpu.memory_space<hbm>>
        %dma_start3A_339 = arith.constant 0 : i32
        %dma_start3A_340 = tpu.memref_slice %arg7[%dma_start3A_334, %dma_start3A_339] : memref<4x128xi32, #tpu.memory_space<vmem>> -> memref<1x128xi32, #tpu.memory_space<vmem>>
        %dma_start3A_341 = tpu.memref_squeeze %dma_start3A_340 : memref<1x128xi32, #tpu.memory_space<vmem>> -> memref<128xi32, #tpu.memory_space<vmem>>
        %dma_start3A_342 = tpu.memref_slice %arg2[%add3A_333] : memref<327680xi32, #tpu.memory_space<hbm>> -> memref<128xi32, #tpu.memory_space<hbm>>
        tpu.enqueue_dma source(%dma_start3A_342 : memref<128xi32, #tpu.memory_space<hbm>>) target(%dma_start3A_341 : memref<128xi32, #tpu.memory_space<vmem>>) target_semaphore(%arg11 : memref<!tpu.dma_semaphore, #tpu.memory_space<semaphore_mem>>)
        %dma_start3A_343 = arith.constant 0 : i32
        %dma_start3A_344 = arith.constant 0 : i32
        %dma_start3A_345 = tpu.memref_slice %arg8[%dma_start3A_343, %dma_start3A_344] : memref<4x128xi32, #tpu.memory_space<vmem>> -> memref<1x128xi32, #tpu.memory_space<vmem>>
        %dma_start3A_346 = tpu.memref_squeeze %dma_start3A_345 : memref<1x128xi32, #tpu.memory_space<vmem>> -> memref<128xi32, #tpu.memory_space<vmem>>
        %dma_start3A_347 = tpu.memref_slice %arg3[%add3A_333] : memref<327680xi32, #tpu.memory_space<hbm>> -> memref<128xi32, #tpu.memory_space<hbm>>
        %dma_start3A_348 = arith.constant 0 : i32
        %dma_start3A_349 = tpu.memref_slice %arg8[%dma_start3A_343, %dma_start3A_348] : memref<4x128xi32, #tpu.memory_space<vmem>> -> memref<1x128xi32, #tpu.memory_space<vmem>>
        %dma_start3A_350 = tpu.memref_squeeze %dma_start3A_349 : memref<1x128xi32, #tpu.memory_space<vmem>> -> memref<128xi32, #tpu.memory_space<vmem>>
        %dma_start3A_351 = tpu.memref_slice %arg3[%add3A_333] : memref<327680xi32, #tpu.memory_space<hbm>> -> memref<128xi32, #tpu.memory_space<hbm>>
        tpu.enqueue_dma source(%dma_start3A_351 : memref<128xi32, #tpu.memory_space<hbm>>) target(%dma_start3A_350 : memref<128xi32, #tpu.memory_space<vmem>>) target_semaphore(%arg11 : memref<!tpu.dma_semaphore, #tpu.memory_space<semaphore_mem>>)
      } else {
      }
      %dma_wait3A_205 = arith.constant 2 : i32
      %dma_wait3A_206 = arith.constant 0 : i32
      %dma_wait3A_207 = tpu.memref_slice %arg7[%dma_wait3A_205, %dma_wait3A_206] : memref<4x128xi32, #tpu.memory_space<vmem>> -> memref<1x128xi32, #tpu.memory_space<vmem>>
      %dma_wait3A_208 = tpu.memref_squeeze %dma_wait3A_207 : memref<1x128xi32, #tpu.memory_space<vmem>> -> memref<128xi32, #tpu.memory_space<vmem>>
      %dma_wait3A_209 = tpu.memref_slice %arg2[%mul3A_4] : memref<327680xi32, #tpu.memory_space<hbm>> -> memref<128xi32, #tpu.memory_space<hbm>>
      %dma_wait3A_210 = arith.constant 0 : i32
      %dma_wait3A_211 = tpu.memref_slice %arg7[%dma_wait3A_205, %dma_wait3A_210] : memref<4x128xi32, #tpu.memory_space<vmem>> -> memref<1x128xi32, #tpu.memory_space<vmem>>
      %dma_wait3A_212 = tpu.memref_squeeze %dma_wait3A_211 : memref<1x128xi32, #tpu.memory_space<vmem>> -> memref<128xi32, #tpu.memory_space<vmem>>
      %dma_wait3A_213 = tpu.memref_slice %arg2[%mul3A_4] : memref<327680xi32, #tpu.memory_space<hbm>> -> memref<128xi32, #tpu.memory_space<hbm>>
      tpu.wait_dma2 semaphore(%arg13 : memref<!tpu.dma_semaphore, #tpu.memory_space<semaphore_mem>>) src(%dma_wait3A_213 : memref<128xi32, #tpu.memory_space<hbm>>) dst(%dma_wait3A_212 : memref<128xi32, #tpu.memory_space<vmem>>)
      %dma_wait3A_214 = arith.constant 2 : i32
      %dma_wait3A_215 = arith.constant 0 : i32
      %dma_wait3A_216 = tpu.memref_slice %arg8[%dma_wait3A_214, %dma_wait3A_215] : memref<4x128xi32, #tpu.memory_space<vmem>> -> memref<1x128xi32, #tpu.memory_space<vmem>>
      %dma_wait3A_217 = tpu.memref_squeeze %dma_wait3A_216 : memref<1x128xi32, #tpu.memory_space<vmem>> -> memref<128xi32, #tpu.memory_space<vmem>>
      %dma_wait3A_218 = tpu.memref_slice %arg3[%mul3A_4] : memref<327680xi32, #tpu.memory_space<hbm>> -> memref<128xi32, #tpu.memory_space<hbm>>
      %dma_wait3A_219 = arith.constant 0 : i32
      %dma_wait3A_220 = tpu.memref_slice %arg8[%dma_wait3A_214, %dma_wait3A_219] : memref<4x128xi32, #tpu.memory_space<vmem>> -> memref<1x128xi32, #tpu.memory_space<vmem>>
      %dma_wait3A_221 = tpu.memref_squeeze %dma_wait3A_220 : memref<1x128xi32, #tpu.memory_space<vmem>> -> memref<128xi32, #tpu.memory_space<vmem>>
      %dma_wait3A_222 = tpu.memref_slice %arg3[%mul3A_4] : memref<327680xi32, #tpu.memory_space<hbm>> -> memref<128xi32, #tpu.memory_space<hbm>>
      tpu.wait_dma2 semaphore(%arg13 : memref<!tpu.dma_semaphore, #tpu.memory_space<semaphore_mem>>) src(%dma_wait3A_222 : memref<128xi32, #tpu.memory_space<hbm>>) dst(%dma_wait3A_221 : memref<128xi32, #tpu.memory_space<vmem>>)
      %dma_start3A_223 = arith.constant 2 : i32
      %dma_start3A_224 = arith.constant 0 : i32
      %dma_start3A_225 = tpu.memref_slice %arg7[%dma_start3A_223, %dma_start3A_224] : memref<4x128xi32, #tpu.memory_space<vmem>> -> memref<1x128xi32, #tpu.memory_space<vmem>>
      %dma_start3A_226 = tpu.memref_squeeze %dma_start3A_225 : memref<1x128xi32, #tpu.memory_space<vmem>> -> memref<128xi32, #tpu.memory_space<vmem>>
      %dma_start3A_227 = arith.constant 0 : i32
      %dma_start3A_228 = arith.constant 0 : i32
      %dma_start3A_229 = tpu.memref_slice %arg4[%dma_start3A_227, %dma_start3A_228] : memref<10000x128xf32, #tpu.memory_space<hbm>> -> memref<10000x128xf32, #tpu.memory_space<hbm>>
      tpu.enqueue_indirect_dma source(%dma_start3A_229 : memref<10000x128xf32, #tpu.memory_space<hbm>>) target(%arg9 : memref<128x128xf32, #tpu.memory_space<vmem>>) offsets(%dma_start3A_226 : memref<128xi32, #tpu.memory_space<vmem>>) semaphore(%arg15 : memref<!tpu.dma_semaphore, #tpu.memory_space<semaphore_mem>>)
      %dma_wait3A_230 = arith.constant 1 : i32
      %dma_wait3A_231 = arith.constant 0 : i32
      %dma_wait3A_232 = tpu.memref_slice %arg8[%dma_wait3A_230, %dma_wait3A_231] : memref<4x128xi32, #tpu.memory_space<vmem>> -> memref<1x128xi32, #tpu.memory_space<vmem>>
      %dma_wait3A_233 = tpu.memref_squeeze %dma_wait3A_232 : memref<1x128xi32, #tpu.memory_space<vmem>> -> memref<128xi32, #tpu.memory_space<vmem>>
      %dma_wait3A_234 = arith.constant 0 : i32
      %dma_wait3A_235 = arith.constant 0 : i32
      %dma_wait3A_236 = tpu.memref_slice %arg19[%dma_wait3A_234, %dma_wait3A_235] : memref<10240x128xf32, #tpu.memory_space<vmem_shared>> -> memref<10240x128xf32, #tpu.memory_space<vmem_shared>>
      tpu.wait_indirect_dma semaphore(%arg18 : memref<!tpu.dma_semaphore, #tpu.memory_space<semaphore_mem>>) src(%arg10 : memref<128x128xf32, #tpu.memory_space<vmem>>) dst(%dma_wait3A_236 : memref<10240x128xf32, #tpu.memory_space<vmem_shared>>)
      %add3A_237 = arith.constant 5 : i32
      %add3A_238 = arith.addi %mul3A_114, %add3A_237 : i32
      %add3A_239 = arith.constant 1 : i32
      %add3A_240 = arith.addi %scan3A_112, %add3A_239 : i32
      %lt3A_241 = arith.constant 20 : i32
      %lt3A_242 = arith.cmpi slt, %add3A_240, %lt3A_241 : i32
      %convert_element_type3A_243 = arith.extui %lt3A_242 : i1 to i32
      %cond3A_244 = arith.constant 0 : i32
      %cond3A_245 = arith.cmpi ne, %convert_element_type3A_243, %cond3A_244 : i32
      scf.if %cond3A_245 {
        %mul3A_331 = arith.constant 128 : i32
        %mul3A_332 = arith.muli %add3A_238, %mul3A_331 : i32
        %add3A_333 = arith.addi %mul3A_4, %mul3A_332 : i32
        %dma_start3A_334 = arith.constant 1 : i32
        %dma_start3A_335 = arith.constant 0 : i32
        %dma_start3A_336 = tpu.memref_slice %arg7[%dma_start3A_334, %dma_start3A_335] : memref<4x128xi32, #tpu.memory_space<vmem>> -> memref<1x128xi32, #tpu.memory_space<vmem>>
        %dma_start3A_337 = tpu.memref_squeeze %dma_start3A_336 : memref<1x128xi32, #tpu.memory_space<vmem>> -> memref<128xi32, #tpu.memory_space<vmem>>
        %dma_start3A_338 = tpu.memref_slice %arg2[%add3A_333] : memref<327680xi32, #tpu.memory_space<hbm>> -> memref<128xi32, #tpu.memory_space<hbm>>
        %dma_start3A_339 = arith.constant 0 : i32
        %dma_start3A_340 = tpu.memref_slice %arg7[%dma_start3A_334, %dma_start3A_339] : memref<4x128xi32, #tpu.memory_space<vmem>> -> memref<1x128xi32, #tpu.memory_space<vmem>>
        %dma_start3A_341 = tpu.memref_squeeze %dma_start3A_340 : memref<1x128xi32, #tpu.memory_space<vmem>> -> memref<128xi32, #tpu.memory_space<vmem>>
        %dma_start3A_342 = tpu.memref_slice %arg2[%add3A_333] : memref<327680xi32, #tpu.memory_space<hbm>> -> memref<128xi32, #tpu.memory_space<hbm>>
        tpu.enqueue_dma source(%dma_start3A_342 : memref<128xi32, #tpu.memory_space<hbm>>) target(%dma_start3A_341 : memref<128xi32, #tpu.memory_space<vmem>>) target_semaphore(%arg12 : memref<!tpu.dma_semaphore, #tpu.memory_space<semaphore_mem>>)
        %dma_start3A_343 = arith.constant 1 : i32
        %dma_start3A_344 = arith.constant 0 : i32
        %dma_start3A_345 = tpu.memref_slice %arg8[%dma_start3A_343, %dma_start3A_344] : memref<4x128xi32, #tpu.memory_space<vmem>> -> memref<1x128xi32, #tpu.memory_space<vmem>>
        %dma_start3A_346 = tpu.memref_squeeze %dma_start3A_345 : memref<1x128xi32, #tpu.memory_space<vmem>> -> memref<128xi32, #tpu.memory_space<vmem>>
        %dma_start3A_347 = tpu.memref_slice %arg3[%add3A_333] : memref<327680xi32, #tpu.memory_space<hbm>> -> memref<128xi32, #tpu.memory_space<hbm>>
        %dma_start3A_348 = arith.constant 0 : i32
        %dma_start3A_349 = tpu.memref_slice %arg8[%dma_start3A_343, %dma_start3A_348] : memref<4x128xi32, #tpu.memory_space<vmem>> -> memref<1x128xi32, #tpu.memory_space<vmem>>
        %dma_start3A_350 = tpu.memref_squeeze %dma_start3A_349 : memref<1x128xi32, #tpu.memory_space<vmem>> -> memref<128xi32, #tpu.memory_space<vmem>>
        %dma_start3A_351 = tpu.memref_slice %arg3[%add3A_333] : memref<327680xi32, #tpu.memory_space<hbm>> -> memref<128xi32, #tpu.memory_space<hbm>>
        tpu.enqueue_dma source(%dma_start3A_351 : memref<128xi32, #tpu.memory_space<hbm>>) target(%dma_start3A_350 : memref<128xi32, #tpu.memory_space<vmem>>) target_semaphore(%arg12 : memref<!tpu.dma_semaphore, #tpu.memory_space<semaphore_mem>>)
      } else {
      }
      %dma_wait3A_246 = arith.constant 3 : i32
      %dma_wait3A_247 = arith.constant 0 : i32
      %dma_wait3A_248 = tpu.memref_slice %arg7[%dma_wait3A_246, %dma_wait3A_247] : memref<4x128xi32, #tpu.memory_space<vmem>> -> memref<1x128xi32, #tpu.memory_space<vmem>>
      %dma_wait3A_249 = tpu.memref_squeeze %dma_wait3A_248 : memref<1x128xi32, #tpu.memory_space<vmem>> -> memref<128xi32, #tpu.memory_space<vmem>>
      %dma_wait3A_250 = tpu.memref_slice %arg2[%mul3A_4] : memref<327680xi32, #tpu.memory_space<hbm>> -> memref<128xi32, #tpu.memory_space<hbm>>
      %dma_wait3A_251 = arith.constant 0 : i32
      %dma_wait3A_252 = tpu.memref_slice %arg7[%dma_wait3A_246, %dma_wait3A_251] : memref<4x128xi32, #tpu.memory_space<vmem>> -> memref<1x128xi32, #tpu.memory_space<vmem>>
      %dma_wait3A_253 = tpu.memref_squeeze %dma_wait3A_252 : memref<1x128xi32, #tpu.memory_space<vmem>> -> memref<128xi32, #tpu.memory_space<vmem>>
      %dma_wait3A_254 = tpu.memref_slice %arg2[%mul3A_4] : memref<327680xi32, #tpu.memory_space<hbm>> -> memref<128xi32, #tpu.memory_space<hbm>>
      tpu.wait_dma2 semaphore(%arg14 : memref<!tpu.dma_semaphore, #tpu.memory_space<semaphore_mem>>) src(%dma_wait3A_254 : memref<128xi32, #tpu.memory_space<hbm>>) dst(%dma_wait3A_253 : memref<128xi32, #tpu.memory_space<vmem>>)
      %dma_wait3A_255 = arith.constant 3 : i32
      %dma_wait3A_256 = arith.constant 0 : i32
      %dma_wait3A_257 = tpu.memref_slice %arg8[%dma_wait3A_255, %dma_wait3A_256] : memref<4x128xi32, #tpu.memory_space<vmem>> -> memref<1x128xi32, #tpu.memory_space<vmem>>
      %dma_wait3A_258 = tpu.memref_squeeze %dma_wait3A_257 : memref<1x128xi32, #tpu.memory_space<vmem>> -> memref<128xi32, #tpu.memory_space<vmem>>
      %dma_wait3A_259 = tpu.memref_slice %arg3[%mul3A_4] : memref<327680xi32, #tpu.memory_space<hbm>> -> memref<128xi32, #tpu.memory_space<hbm>>
      %dma_wait3A_260 = arith.constant 0 : i32
      %dma_wait3A_261 = tpu.memref_slice %arg8[%dma_wait3A_255, %dma_wait3A_260] : memref<4x128xi32, #tpu.memory_space<vmem>> -> memref<1x128xi32, #tpu.memory_space<vmem>>
      %dma_wait3A_262 = tpu.memref_squeeze %dma_wait3A_261 : memref<1x128xi32, #tpu.memory_space<vmem>> -> memref<128xi32, #tpu.memory_space<vmem>>
      %dma_wait3A_263 = tpu.memref_slice %arg3[%mul3A_4] : memref<327680xi32, #tpu.memory_space<hbm>> -> memref<128xi32, #tpu.memory_space<hbm>>
      tpu.wait_dma2 semaphore(%arg14 : memref<!tpu.dma_semaphore, #tpu.memory_space<semaphore_mem>>) src(%dma_wait3A_263 : memref<128xi32, #tpu.memory_space<hbm>>) dst(%dma_wait3A_262 : memref<128xi32, #tpu.memory_space<vmem>>)
      %dma_start3A_264 = arith.constant 3 : i32
      %dma_start3A_265 = arith.constant 0 : i32
      %dma_start3A_266 = tpu.memref_slice %arg7[%dma_start3A_264, %dma_start3A_265] : memref<4x128xi32, #tpu.memory_space<vmem>> -> memref<1x128xi32, #tpu.memory_space<vmem>>
      %dma_start3A_267 = tpu.memref_squeeze %dma_start3A_266 : memref<1x128xi32, #tpu.memory_space<vmem>> -> memref<128xi32, #tpu.memory_space<vmem>>
      %dma_start3A_268 = arith.constant 0 : i32
      %dma_start3A_269 = arith.constant 0 : i32
      %dma_start3A_270 = tpu.memref_slice %arg4[%dma_start3A_268, %dma_start3A_269] : memref<10000x128xf32, #tpu.memory_space<hbm>> -> memref<10000x128xf32, #tpu.memory_space<hbm>>
      tpu.enqueue_indirect_dma source(%dma_start3A_270 : memref<10000x128xf32, #tpu.memory_space<hbm>>) target(%arg10 : memref<128x128xf32, #tpu.memory_space<vmem>>) offsets(%dma_start3A_267 : memref<128xi32, #tpu.memory_space<vmem>>) semaphore(%arg16 : memref<!tpu.dma_semaphore, #tpu.memory_space<semaphore_mem>>)
      %dma_wait3A_271 = arith.constant 2 : i32
      %dma_wait3A_272 = arith.constant 0 : i32
      %dma_wait3A_273 = tpu.memref_slice %arg7[%dma_wait3A_271, %dma_wait3A_272] : memref<4x128xi32, #tpu.memory_space<vmem>> -> memref<1x128xi32, #tpu.memory_space<vmem>>
      %dma_wait3A_274 = tpu.memref_squeeze %dma_wait3A_273 : memref<1x128xi32, #tpu.memory_space<vmem>> -> memref<128xi32, #tpu.memory_space<vmem>>
      %dma_wait3A_275 = arith.constant 0 : i32
      %dma_wait3A_276 = arith.constant 0 : i32
      %dma_wait3A_277 = tpu.memref_slice %arg4[%dma_wait3A_275, %dma_wait3A_276] : memref<10000x128xf32, #tpu.memory_space<hbm>> -> memref<10000x128xf32, #tpu.memory_space<hbm>>
      tpu.wait_indirect_dma semaphore(%arg15 : memref<!tpu.dma_semaphore, #tpu.memory_space<semaphore_mem>>) src(%dma_wait3A_277 : memref<10000x128xf32, #tpu.memory_space<hbm>>) dst(%arg9 : memref<128x128xf32, #tpu.memory_space<vmem>>)
      %dma_start3A_278 = arith.constant 2 : i32
      %dma_start3A_279 = arith.constant 0 : i32
      %dma_start3A_280 = tpu.memref_slice %arg8[%dma_start3A_278, %dma_start3A_279] : memref<4x128xi32, #tpu.memory_space<vmem>> -> memref<1x128xi32, #tpu.memory_space<vmem>>
      %dma_start3A_281 = tpu.memref_squeeze %dma_start3A_280 : memref<1x128xi32, #tpu.memory_space<vmem>> -> memref<128xi32, #tpu.memory_space<vmem>>
      %dma_start3A_282 = arith.constant 0 : i32
      %dma_start3A_283 = arith.constant 0 : i32
      %dma_start3A_284 = tpu.memref_slice %arg19[%dma_start3A_282, %dma_start3A_283] : memref<10240x128xf32, #tpu.memory_space<vmem_shared>> -> memref<10240x128xf32, #tpu.memory_space<vmem_shared>>
      tpu.enqueue_indirect_dma source(%arg9 : memref<128x128xf32, #tpu.memory_space<vmem>>) target(%dma_start3A_284 : memref<10240x128xf32, #tpu.memory_space<vmem_shared>>) offsets(%dma_start3A_281 : memref<128xi32, #tpu.memory_space<vmem>>) semaphore(%arg17 : memref<!tpu.dma_semaphore, #tpu.memory_space<semaphore_mem>>) {add = true}
      %dma_wait3A_285 = arith.constant 3 : i32
      %dma_wait3A_286 = arith.constant 0 : i32
      %dma_wait3A_287 = tpu.memref_slice %arg7[%dma_wait3A_285, %dma_wait3A_286] : memref<4x128xi32, #tpu.memory_space<vmem>> -> memref<1x128xi32, #tpu.memory_space<vmem>>
      %dma_wait3A_288 = tpu.memref_squeeze %dma_wait3A_287 : memref<1x128xi32, #tpu.memory_space<vmem>> -> memref<128xi32, #tpu.memory_space<vmem>>
      %dma_wait3A_289 = arith.constant 0 : i32
      %dma_wait3A_290 = arith.constant 0 : i32
      %dma_wait3A_291 = tpu.memref_slice %arg4[%dma_wait3A_289, %dma_wait3A_290] : memref<10000x128xf32, #tpu.memory_space<hbm>> -> memref<10000x128xf32, #tpu.memory_space<hbm>>
      tpu.wait_indirect_dma semaphore(%arg16 : memref<!tpu.dma_semaphore, #tpu.memory_space<semaphore_mem>>) src(%dma_wait3A_291 : memref<10000x128xf32, #tpu.memory_space<hbm>>) dst(%arg10 : memref<128x128xf32, #tpu.memory_space<vmem>>)
      %dma_start3A_292 = arith.constant 3 : i32
      %dma_start3A_293 = arith.constant 0 : i32
      %dma_start3A_294 = tpu.memref_slice %arg8[%dma_start3A_292, %dma_start3A_293] : memref<4x128xi32, #tpu.memory_space<vmem>> -> memref<1x128xi32, #tpu.memory_space<vmem>>
      %dma_start3A_295 = tpu.memref_squeeze %dma_start3A_294 : memref<1x128xi32, #tpu.memory_space<vmem>> -> memref<128xi32, #tpu.memory_space<vmem>>
      %dma_start3A_296 = arith.constant 0 : i32
      %dma_start3A_297 = arith.constant 0 : i32
      %dma_start3A_298 = tpu.memref_slice %arg19[%dma_start3A_296, %dma_start3A_297] : memref<10240x128xf32, #tpu.memory_space<vmem_shared>> -> memref<10240x128xf32, #tpu.memory_space<vmem_shared>>
      tpu.enqueue_indirect_dma source(%arg10 : memref<128x128xf32, #tpu.memory_space<vmem>>) target(%dma_start3A_298 : memref<10240x128xf32, #tpu.memory_space<vmem_shared>>) offsets(%dma_start3A_295 : memref<128xi32, #tpu.memory_space<vmem>>) semaphore(%arg18 : memref<!tpu.dma_semaphore, #tpu.memory_space<semaphore_mem>>) {add = true}
      %dma_wait3A_299 = arith.constant 2 : i32
      %dma_wait3A_300 = arith.constant 0 : i32
      %dma_wait3A_301 = tpu.memref_slice %arg8[%dma_wait3A_299, %dma_wait3A_300] : memref<4x128xi32, #tpu.memory_space<vmem>> -> memref<1x128xi32, #tpu.memory_space<vmem>>
      %dma_wait3A_302 = tpu.memref_squeeze %dma_wait3A_301 : memref<1x128xi32, #tpu.memory_space<vmem>> -> memref<128xi32, #tpu.memory_space<vmem>>
      %dma_wait3A_303 = arith.constant 0 : i32
      %dma_wait3A_304 = arith.constant 0 : i32
      %dma_wait3A_305 = tpu.memref_slice %arg19[%dma_wait3A_303, %dma_wait3A_304] : memref<10240x128xf32, #tpu.memory_space<vmem_shared>> -> memref<10240x128xf32, #tpu.memory_space<vmem_shared>>
      tpu.wait_indirect_dma semaphore(%arg17 : memref<!tpu.dma_semaphore, #tpu.memory_space<semaphore_mem>>) src(%arg9 : memref<128x128xf32, #tpu.memory_space<vmem>>) dst(%dma_wait3A_305 : memref<10240x128xf32, #tpu.memory_space<vmem_shared>>)
      %add3A_306 = arith.constant 6 : i32
      %add3A_307 = arith.addi %mul3A_114, %add3A_306 : i32
      %add3A_308 = arith.constant 1 : i32
      %add3A_309 = arith.addi %scan3A_112, %add3A_308 : i32
      %lt3A_310 = arith.constant 20 : i32
      %lt3A_311 = arith.cmpi slt, %add3A_309, %lt3A_310 : i32
      %convert_element_type3A_312 = arith.extui %lt3A_311 : i1 to i32
      %cond3A_313 = arith.constant 0 : i32
      %cond3A_314 = arith.cmpi ne, %convert_element_type3A_312, %cond3A_313 : i32
      scf.if %cond3A_314 {
        %mul3A_331 = arith.constant 128 : i32
        %mul3A_332 = arith.muli %add3A_307, %mul3A_331 : i32
        %add3A_333 = arith.addi %mul3A_4, %mul3A_332 : i32
        %dma_start3A_334 = arith.constant 2 : i32
        %dma_start3A_335 = arith.constant 0 : i32
        %dma_start3A_336 = tpu.memref_slice %arg7[%dma_start3A_334, %dma_start3A_335] : memref<4x128xi32, #tpu.memory_space<vmem>> -> memref<1x128xi32, #tpu.memory_space<vmem>>
        %dma_start3A_337 = tpu.memref_squeeze %dma_start3A_336 : memref<1x128xi32, #tpu.memory_space<vmem>> -> memref<128xi32, #tpu.memory_space<vmem>>
        %dma_start3A_338 = tpu.memref_slice %arg2[%add3A_333] : memref<327680xi32, #tpu.memory_space<hbm>> -> memref<128xi32, #tpu.memory_space<hbm>>
        %dma_start3A_339 = arith.constant 0 : i32
        %dma_start3A_340 = tpu.memref_slice %arg7[%dma_start3A_334, %dma_start3A_339] : memref<4x128xi32, #tpu.memory_space<vmem>> -> memref<1x128xi32, #tpu.memory_space<vmem>>
        %dma_start3A_341 = tpu.memref_squeeze %dma_start3A_340 : memref<1x128xi32, #tpu.memory_space<vmem>> -> memref<128xi32, #tpu.memory_space<vmem>>
        %dma_start3A_342 = tpu.memref_slice %arg2[%add3A_333] : memref<327680xi32, #tpu.memory_space<hbm>> -> memref<128xi32, #tpu.memory_space<hbm>>
        tpu.enqueue_dma source(%dma_start3A_342 : memref<128xi32, #tpu.memory_space<hbm>>) target(%dma_start3A_341 : memref<128xi32, #tpu.memory_space<vmem>>) target_semaphore(%arg13 : memref<!tpu.dma_semaphore, #tpu.memory_space<semaphore_mem>>)
        %dma_start3A_343 = arith.constant 2 : i32
        %dma_start3A_344 = arith.constant 0 : i32
        %dma_start3A_345 = tpu.memref_slice %arg8[%dma_start3A_343, %dma_start3A_344] : memref<4x128xi32, #tpu.memory_space<vmem>> -> memref<1x128xi32, #tpu.memory_space<vmem>>
        %dma_start3A_346 = tpu.memref_squeeze %dma_start3A_345 : memref<1x128xi32, #tpu.memory_space<vmem>> -> memref<128xi32, #tpu.memory_space<vmem>>
        %dma_start3A_347 = tpu.memref_slice %arg3[%add3A_333] : memref<327680xi32, #tpu.memory_space<hbm>> -> memref<128xi32, #tpu.memory_space<hbm>>
        %dma_start3A_348 = arith.constant 0 : i32
        %dma_start3A_349 = tpu.memref_slice %arg8[%dma_start3A_343, %dma_start3A_348] : memref<4x128xi32, #tpu.memory_space<vmem>> -> memref<1x128xi32, #tpu.memory_space<vmem>>
        %dma_start3A_350 = tpu.memref_squeeze %dma_start3A_349 : memref<1x128xi32, #tpu.memory_space<vmem>> -> memref<128xi32, #tpu.memory_space<vmem>>
        %dma_start3A_351 = tpu.memref_slice %arg3[%add3A_333] : memref<327680xi32, #tpu.memory_space<hbm>> -> memref<128xi32, #tpu.memory_space<hbm>>
        tpu.enqueue_dma source(%dma_start3A_351 : memref<128xi32, #tpu.memory_space<hbm>>) target(%dma_start3A_350 : memref<128xi32, #tpu.memory_space<vmem>>) target_semaphore(%arg13 : memref<!tpu.dma_semaphore, #tpu.memory_space<semaphore_mem>>)
      } else {
      }
      %dma_wait3A_315 = arith.constant 3 : i32
      %dma_wait3A_316 = arith.constant 0 : i32
      %dma_wait3A_317 = tpu.memref_slice %arg8[%dma_wait3A_315, %dma_wait3A_316] : memref<4x128xi32, #tpu.memory_space<vmem>> -> memref<1x128xi32, #tpu.memory_space<vmem>>
      %dma_wait3A_318 = tpu.memref_squeeze %dma_wait3A_317 : memref<1x128xi32, #tpu.memory_space<vmem>> -> memref<128xi32, #tpu.memory_space<vmem>>
      %dma_wait3A_319 = arith.constant 0 : i32
      %dma_wait3A_320 = arith.constant 0 : i32
      %dma_wait3A_321 = tpu.memref_slice %arg19[%dma_wait3A_319, %dma_wait3A_320] : memref<10240x128xf32, #tpu.memory_space<vmem_shared>> -> memref<10240x128xf32, #tpu.memory_space<vmem_shared>>
      tpu.wait_indirect_dma semaphore(%arg18 : memref<!tpu.dma_semaphore, #tpu.memory_space<semaphore_mem>>) src(%arg10 : memref<128x128xf32, #tpu.memory_space<vmem>>) dst(%dma_wait3A_321 : memref<10240x128xf32, #tpu.memory_space<vmem_shared>>)
      %add3A_322 = arith.constant 7 : i32
      %add3A_323 = arith.addi %mul3A_114, %add3A_322 : i32
      %add3A_324 = arith.constant 1 : i32
      %add3A_325 = arith.addi %scan3A_112, %add3A_324 : i32
      %lt3A_326 = arith.constant 20 : i32
      %lt3A_327 = arith.cmpi slt, %add3A_325, %lt3A_326 : i32
      %convert_element_type3A_328 = arith.extui %lt3A_327 : i1 to i32
      %cond3A_329 = arith.constant 0 : i32
      %cond3A_330 = arith.cmpi ne, %convert_element_type3A_328, %cond3A_329 : i32
      scf.if %cond3A_330 {
        %mul3A_331 = arith.constant 128 : i32
        %mul3A_332 = arith.muli %add3A_323, %mul3A_331 : i32
        %add3A_333 = arith.addi %mul3A_4, %mul3A_332 : i32
        %dma_start3A_334 = arith.constant 3 : i32
        %dma_start3A_335 = arith.constant 0 : i32
        %dma_start3A_336 = tpu.memref_slice %arg7[%dma_start3A_334, %dma_start3A_335] : memref<4x128xi32, #tpu.memory_space<vmem>> -> memref<1x128xi32, #tpu.memory_space<vmem>>
        %dma_start3A_337 = tpu.memref_squeeze %dma_start3A_336 : memref<1x128xi32, #tpu.memory_space<vmem>> -> memref<128xi32, #tpu.memory_space<vmem>>
        %dma_start3A_338 = tpu.memref_slice %arg2[%add3A_333] : memref<327680xi32, #tpu.memory_space<hbm>> -> memref<128xi32, #tpu.memory_space<hbm>>
        %dma_start3A_339 = arith.constant 0 : i32
        %dma_start3A_340 = tpu.memref_slice %arg7[%dma_start3A_334, %dma_start3A_339] : memref<4x128xi32, #tpu.memory_space<vmem>> -> memref<1x128xi32, #tpu.memory_space<vmem>>
        %dma_start3A_341 = tpu.memref_squeeze %dma_start3A_340 : memref<1x128xi32, #tpu.memory_space<vmem>> -> memref<128xi32, #tpu.memory_space<vmem>>
        %dma_start3A_342 = tpu.memref_slice %arg2[%add3A_333] : memref<327680xi32, #tpu.memory_space<hbm>> -> memref<128xi32, #tpu.memory_space<hbm>>
        tpu.enqueue_dma source(%dma_start3A_342 : memref<128xi32, #tpu.memory_space<hbm>>) target(%dma_start3A_341 : memref<128xi32, #tpu.memory_space<vmem>>) target_semaphore(%arg14 : memref<!tpu.dma_semaphore, #tpu.memory_space<semaphore_mem>>)
        %dma_start3A_343 = arith.constant 3 : i32
        %dma_start3A_344 = arith.constant 0 : i32
        %dma_start3A_345 = tpu.memref_slice %arg8[%dma_start3A_343, %dma_start3A_344] : memref<4x128xi32, #tpu.memory_space<vmem>> -> memref<1x128xi32, #tpu.memory_space<vmem>>
        %dma_start3A_346 = tpu.memref_squeeze %dma_start3A_345 : memref<1x128xi32, #tpu.memory_space<vmem>> -> memref<128xi32, #tpu.memory_space<vmem>>
        %dma_start3A_347 = tpu.memref_slice %arg3[%add3A_333] : memref<327680xi32, #tpu.memory_space<hbm>> -> memref<128xi32, #tpu.memory_space<hbm>>
        %dma_start3A_348 = arith.constant 0 : i32
        %dma_start3A_349 = tpu.memref_slice %arg8[%dma_start3A_343, %dma_start3A_348] : memref<4x128xi32, #tpu.memory_space<vmem>> -> memref<1x128xi32, #tpu.memory_space<vmem>>
        %dma_start3A_350 = tpu.memref_squeeze %dma_start3A_349 : memref<1x128xi32, #tpu.memory_space<vmem>> -> memref<128xi32, #tpu.memory_space<vmem>>
        %dma_start3A_351 = tpu.memref_slice %arg3[%add3A_333] : memref<327680xi32, #tpu.memory_space<hbm>> -> memref<128xi32, #tpu.memory_space<hbm>>
        tpu.enqueue_dma source(%dma_start3A_351 : memref<128xi32, #tpu.memory_space<hbm>>) target(%dma_start3A_350 : memref<128xi32, #tpu.memory_space<vmem>>) target_semaphore(%arg14 : memref<!tpu.dma_semaphore, #tpu.memory_space<semaphore_mem>>)
      } else {
      }
    }
    %scan3A_100 = arith.constant 20 : i32
    %barrier3A_101 = arith.constant 0 : index
    tpu.barrier barrier_id(%barrier3A_101)
    %add3A_102 = arith.constant 0 : i32
    %add3A_103 = arith.addi %mul3A_85, %add3A_102 : i32
    "tpu.region"() ({
      %run_scoped3A = tpu.sem_alloc : memref<!tpu.dma_semaphore, #tpu.memory_space<semaphore_mem>>
      %dma_start3A_112 = arith.constant 0 : i32
      %dma_start3A_113 = arith.constant 0 : i32
      %dma_start3A_114 = tpu.memref_slice %arg6[%arg0, %dma_start3A_112, %dma_start3A_113] : memref<2x10240x128xf32, #tpu.memory_space<hbm>> -> memref<1x10240x128xf32, #tpu.memory_space<hbm>>
      %dma_start3A_115 = tpu.memref_squeeze %dma_start3A_114 : memref<1x10240x128xf32, #tpu.memory_space<hbm>> -> memref<10240x128xf32, #tpu.memory_space<hbm>>
      %dma_start3A_116 = arith.constant 0 : i32
      %dma_start3A_117 = tpu.memref_slice %dma_start3A_115[%add3A_103, %dma_start3A_116] : memref<10240x128xf32, #tpu.memory_space<hbm>> -> memref<128x128xf32, #tpu.memory_space<hbm>>
      %dma_start3A_118 = arith.constant 0 : i32
      %dma_start3A_119 = tpu.memref_slice %arg19[%add3A_103, %dma_start3A_118] : memref<10240x128xf32, #tpu.memory_space<vmem_shared>> -> memref<128x128xf32, #tpu.memory_space<vmem_shared>>
      tpu.enqueue_dma source(%dma_start3A_119 : memref<128x128xf32, #tpu.memory_space<vmem_shared>>) target(%dma_start3A_117 : memref<128x128xf32, #tpu.memory_space<hbm>>) target_semaphore(%run_scoped3A : memref<!tpu.dma_semaphore, #tpu.memory_space<semaphore_mem>>)
      %dma_wait3A = arith.constant 0 : i32
      %dma_wait3A_120 = arith.constant 0 : i32
      %dma_wait3A_121 = tpu.memref_slice %arg6[%arg0, %dma_wait3A, %dma_wait3A_120] : memref<2x10240x128xf32, #tpu.memory_space<hbm>> -> memref<1x10240x128xf32, #tpu.memory_space<hbm>>
      %dma_wait3A_122 = tpu.memref_squeeze %dma_wait3A_121 : memref<1x10240x128xf32, #tpu.memory_space<hbm>> -> memref<10240x128xf32, #tpu.memory_space<hbm>>
      %dma_wait3A_123 = arith.constant 0 : i32
      %dma_wait3A_124 = tpu.memref_slice %dma_wait3A_122[%add3A_103, %dma_wait3A_123] : memref<10240x128xf32, #tpu.memory_space<hbm>> -> memref<128x128xf32, #tpu.memory_space<hbm>>
      %dma_wait3A_125 = arith.constant 0 : i32
      %dma_wait3A_126 = tpu.memref_slice %arg19[%add3A_103, %dma_wait3A_125] : memref<10240x128xf32, #tpu.memory_space<vmem_shared>> -> memref<128x128xf32, #tpu.memory_space<vmem_shared>>
      tpu.wait_dma2 semaphore(%run_scoped3A : memref<!tpu.dma_semaphore, #tpu.memory_space<semaphore_mem>>) src(%dma_wait3A_126 : memref<128x128xf32, #tpu.memory_space<vmem_shared>>) dst(%dma_wait3A_124 : memref<128x128xf32, #tpu.memory_space<hbm>>)
      tpu.yield
    }) : () -> ()
    %add3A_104 = arith.constant 128 : i32
    %add3A_105 = arith.addi %mul3A_85, %add3A_104 : i32
    "tpu.region"() ({
      %run_scoped3A = tpu.sem_alloc : memref<!tpu.dma_semaphore, #tpu.memory_space<semaphore_mem>>
      %dma_start3A_112 = arith.constant 0 : i32
      %dma_start3A_113 = arith.constant 0 : i32
      %dma_start3A_114 = tpu.memref_slice %arg6[%arg0, %dma_start3A_112, %dma_start3A_113] : memref<2x10240x128xf32, #tpu.memory_space<hbm>> -> memref<1x10240x128xf32, #tpu.memory_space<hbm>>
      %dma_start3A_115 = tpu.memref_squeeze %dma_start3A_114 : memref<1x10240x128xf32, #tpu.memory_space<hbm>> -> memref<10240x128xf32, #tpu.memory_space<hbm>>
      %dma_start3A_116 = arith.constant 0 : i32
      %dma_start3A_117 = tpu.memref_slice %dma_start3A_115[%add3A_105, %dma_start3A_116] : memref<10240x128xf32, #tpu.memory_space<hbm>> -> memref<128x128xf32, #tpu.memory_space<hbm>>
      %dma_start3A_118 = arith.constant 0 : i32
      %dma_start3A_119 = tpu.memref_slice %arg19[%add3A_105, %dma_start3A_118] : memref<10240x128xf32, #tpu.memory_space<vmem_shared>> -> memref<128x128xf32, #tpu.memory_space<vmem_shared>>
      tpu.enqueue_dma source(%dma_start3A_119 : memref<128x128xf32, #tpu.memory_space<vmem_shared>>) target(%dma_start3A_117 : memref<128x128xf32, #tpu.memory_space<hbm>>) target_semaphore(%run_scoped3A : memref<!tpu.dma_semaphore, #tpu.memory_space<semaphore_mem>>)
      %dma_wait3A = arith.constant 0 : i32
      %dma_wait3A_120 = arith.constant 0 : i32
      %dma_wait3A_121 = tpu.memref_slice %arg6[%arg0, %dma_wait3A, %dma_wait3A_120] : memref<2x10240x128xf32, #tpu.memory_space<hbm>> -> memref<1x10240x128xf32, #tpu.memory_space<hbm>>
      %dma_wait3A_122 = tpu.memref_squeeze %dma_wait3A_121 : memref<1x10240x128xf32, #tpu.memory_space<hbm>> -> memref<10240x128xf32, #tpu.memory_space<hbm>>
      %dma_wait3A_123 = arith.constant 0 : i32
      %dma_wait3A_124 = tpu.memref_slice %dma_wait3A_122[%add3A_105, %dma_wait3A_123] : memref<10240x128xf32, #tpu.memory_space<hbm>> -> memref<128x128xf32, #tpu.memory_space<hbm>>
      %dma_wait3A_125 = arith.constant 0 : i32
      %dma_wait3A_126 = tpu.memref_slice %arg19[%add3A_105, %dma_wait3A_125] : memref<10240x128xf32, #tpu.memory_space<vmem_shared>> -> memref<128x128xf32, #tpu.memory_space<vmem_shared>>
      tpu.wait_dma2 semaphore(%run_scoped3A : memref<!tpu.dma_semaphore, #tpu.memory_space<semaphore_mem>>) src(%dma_wait3A_126 : memref<128x128xf32, #tpu.memory_space<vmem_shared>>) dst(%dma_wait3A_124 : memref<128x128xf32, #tpu.memory_space<hbm>>)
      tpu.yield
    }) : () -> ()
    %add3A_106 = arith.constant 256 : i32
    %add3A_107 = arith.addi %mul3A_85, %add3A_106 : i32
    "tpu.region"() ({
      %run_scoped3A = tpu.sem_alloc : memref<!tpu.dma_semaphore, #tpu.memory_space<semaphore_mem>>
      %dma_start3A_112 = arith.constant 0 : i32
      %dma_start3A_113 = arith.constant 0 : i32
      %dma_start3A_114 = tpu.memref_slice %arg6[%arg0, %dma_start3A_112, %dma_start3A_113] : memref<2x10240x128xf32, #tpu.memory_space<hbm>> -> memref<1x10240x128xf32, #tpu.memory_space<hbm>>
      %dma_start3A_115 = tpu.memref_squeeze %dma_start3A_114 : memref<1x10240x128xf32, #tpu.memory_space<hbm>> -> memref<10240x128xf32, #tpu.memory_space<hbm>>
      %dma_start3A_116 = arith.constant 0 : i32
      %dma_start3A_117 = tpu.memref_slice %dma_start3A_115[%add3A_107, %dma_start3A_116] : memref<10240x128xf32, #tpu.memory_space<hbm>> -> memref<128x128xf32, #tpu.memory_space<hbm>>
      %dma_start3A_118 = arith.constant 0 : i32
      %dma_start3A_119 = tpu.memref_slice %arg19[%add3A_107, %dma_start3A_118] : memref<10240x128xf32, #tpu.memory_space<vmem_shared>> -> memref<128x128xf32, #tpu.memory_space<vmem_shared>>
      tpu.enqueue_dma source(%dma_start3A_119 : memref<128x128xf32, #tpu.memory_space<vmem_shared>>) target(%dma_start3A_117 : memref<128x128xf32, #tpu.memory_space<hbm>>) target_semaphore(%run_scoped3A : memref<!tpu.dma_semaphore, #tpu.memory_space<semaphore_mem>>)
      %dma_wait3A = arith.constant 0 : i32
      %dma_wait3A_120 = arith.constant 0 : i32
      %dma_wait3A_121 = tpu.memref_slice %arg6[%arg0, %dma_wait3A, %dma_wait3A_120] : memref<2x10240x128xf32, #tpu.memory_space<hbm>> -> memref<1x10240x128xf32, #tpu.memory_space<hbm>>
      %dma_wait3A_122 = tpu.memref_squeeze %dma_wait3A_121 : memref<1x10240x128xf32, #tpu.memory_space<hbm>> -> memref<10240x128xf32, #tpu.memory_space<hbm>>
      %dma_wait3A_123 = arith.constant 0 : i32
      %dma_wait3A_124 = tpu.memref_slice %dma_wait3A_122[%add3A_107, %dma_wait3A_123] : memref<10240x128xf32, #tpu.memory_space<hbm>> -> memref<128x128xf32, #tpu.memory_space<hbm>>
      %dma_wait3A_125 = arith.constant 0 : i32
      %dma_wait3A_126 = tpu.memref_slice %arg19[%add3A_107, %dma_wait3A_125] : memref<10240x128xf32, #tpu.memory_space<vmem_shared>> -> memref<128x128xf32, #tpu.memory_space<vmem_shared>>
      tpu.wait_dma2 semaphore(%run_scoped3A : memref<!tpu.dma_semaphore, #tpu.memory_space<semaphore_mem>>) src(%dma_wait3A_126 : memref<128x128xf32, #tpu.memory_space<vmem_shared>>) dst(%dma_wait3A_124 : memref<128x128xf32, #tpu.memory_space<hbm>>)
      tpu.yield
    }) : () -> ()
    %add3A_108 = arith.constant 384 : i32
    %add3A_109 = arith.addi %mul3A_85, %add3A_108 : i32
    "tpu.region"() ({
      %run_scoped3A = tpu.sem_alloc : memref<!tpu.dma_semaphore, #tpu.memory_space<semaphore_mem>>
      %dma_start3A_112 = arith.constant 0 : i32
      %dma_start3A_113 = arith.constant 0 : i32
      %dma_start3A_114 = tpu.memref_slice %arg6[%arg0, %dma_start3A_112, %dma_start3A_113] : memref<2x10240x128xf32, #tpu.memory_space<hbm>> -> memref<1x10240x128xf32, #tpu.memory_space<hbm>>
      %dma_start3A_115 = tpu.memref_squeeze %dma_start3A_114 : memref<1x10240x128xf32, #tpu.memory_space<hbm>> -> memref<10240x128xf32, #tpu.memory_space<hbm>>
      %dma_start3A_116 = arith.constant 0 : i32
      %dma_start3A_117 = tpu.memref_slice %dma_start3A_115[%add3A_109, %dma_start3A_116] : memref<10240x128xf32, #tpu.memory_space<hbm>> -> memref<128x128xf32, #tpu.memory_space<hbm>>
      %dma_start3A_118 = arith.constant 0 : i32
      %dma_start3A_119 = tpu.memref_slice %arg19[%add3A_109, %dma_start3A_118] : memref<10240x128xf32, #tpu.memory_space<vmem_shared>> -> memref<128x128xf32, #tpu.memory_space<vmem_shared>>
      tpu.enqueue_dma source(%dma_start3A_119 : memref<128x128xf32, #tpu.memory_space<vmem_shared>>) target(%dma_start3A_117 : memref<128x128xf32, #tpu.memory_space<hbm>>) target_semaphore(%run_scoped3A : memref<!tpu.dma_semaphore, #tpu.memory_space<semaphore_mem>>)
      %dma_wait3A = arith.constant 0 : i32
      %dma_wait3A_120 = arith.constant 0 : i32
      %dma_wait3A_121 = tpu.memref_slice %arg6[%arg0, %dma_wait3A, %dma_wait3A_120] : memref<2x10240x128xf32, #tpu.memory_space<hbm>> -> memref<1x10240x128xf32, #tpu.memory_space<hbm>>
      %dma_wait3A_122 = tpu.memref_squeeze %dma_wait3A_121 : memref<1x10240x128xf32, #tpu.memory_space<hbm>> -> memref<10240x128xf32, #tpu.memory_space<hbm>>
      %dma_wait3A_123 = arith.constant 0 : i32
      %dma_wait3A_124 = tpu.memref_slice %dma_wait3A_122[%add3A_109, %dma_wait3A_123] : memref<10240x128xf32, #tpu.memory_space<hbm>> -> memref<128x128xf32, #tpu.memory_space<hbm>>
      %dma_wait3A_125 = arith.constant 0 : i32
      %dma_wait3A_126 = tpu.memref_slice %arg19[%add3A_109, %dma_wait3A_125] : memref<10240x128xf32, #tpu.memory_space<vmem_shared>> -> memref<128x128xf32, #tpu.memory_space<vmem_shared>>
      tpu.wait_dma2 semaphore(%run_scoped3A : memref<!tpu.dma_semaphore, #tpu.memory_space<semaphore_mem>>) src(%dma_wait3A_126 : memref<128x128xf32, #tpu.memory_space<vmem_shared>>) dst(%dma_wait3A_124 : memref<128x128xf32, #tpu.memory_space<hbm>>)
      tpu.yield
    }) : () -> ()
    %add3A_110 = arith.constant 512 : i32
    %add3A_111 = arith.addi %mul3A_85, %add3A_110 : i32
    "tpu.region"() ({
      %run_scoped3A = tpu.sem_alloc : memref<!tpu.dma_semaphore, #tpu.memory_space<semaphore_mem>>
      %dma_start3A_112 = arith.constant 0 : i32
      %dma_start3A_113 = arith.constant 0 : i32
      %dma_start3A_114 = tpu.memref_slice %arg6[%arg0, %dma_start3A_112, %dma_start3A_113] : memref<2x10240x128xf32, #tpu.memory_space<hbm>> -> memref<1x10240x128xf32, #tpu.memory_space<hbm>>
      %dma_start3A_115 = tpu.memref_squeeze %dma_start3A_114 : memref<1x10240x128xf32, #tpu.memory_space<hbm>> -> memref<10240x128xf32, #tpu.memory_space<hbm>>
      %dma_start3A_116 = arith.constant 0 : i32
      %dma_start3A_117 = tpu.memref_slice %dma_start3A_115[%add3A_111, %dma_start3A_116] : memref<10240x128xf32, #tpu.memory_space<hbm>> -> memref<128x128xf32, #tpu.memory_space<hbm>>
      %dma_start3A_118 = arith.constant 0 : i32
      %dma_start3A_119 = tpu.memref_slice %arg19[%add3A_111, %dma_start3A_118] : memref<10240x128xf32, #tpu.memory_space<vmem_shared>> -> memref<128x128xf32, #tpu.memory_space<vmem_shared>>
      tpu.enqueue_dma source(%dma_start3A_119 : memref<128x128xf32, #tpu.memory_space<vmem_shared>>) target(%dma_start3A_117 : memref<128x128xf32, #tpu.memory_space<hbm>>) target_semaphore(%run_scoped3A : memref<!tpu.dma_semaphore, #tpu.memory_space<semaphore_mem>>)
      %dma_wait3A = arith.constant 0 : i32
      %dma_wait3A_120 = arith.constant 0 : i32
      %dma_wait3A_121 = tpu.memref_slice %arg6[%arg0, %dma_wait3A, %dma_wait3A_120] : memref<2x10240x128xf32, #tpu.memory_space<hbm>> -> memref<1x10240x128xf32, #tpu.memory_space<hbm>>
      %dma_wait3A_122 = tpu.memref_squeeze %dma_wait3A_121 : memref<1x10240x128xf32, #tpu.memory_space<hbm>> -> memref<10240x128xf32, #tpu.memory_space<hbm>>
      %dma_wait3A_123 = arith.constant 0 : i32
      %dma_wait3A_124 = tpu.memref_slice %dma_wait3A_122[%add3A_111, %dma_wait3A_123] : memref<10240x128xf32, #tpu.memory_space<hbm>> -> memref<128x128xf32, #tpu.memory_space<hbm>>
      %dma_wait3A_125 = arith.constant 0 : i32
      %dma_wait3A_126 = tpu.memref_slice %arg19[%add3A_111, %dma_wait3A_125] : memref<10240x128xf32, #tpu.memory_space<vmem_shared>> -> memref<128x128xf32, #tpu.memory_space<vmem_shared>>
      tpu.wait_dma2 semaphore(%run_scoped3A : memref<!tpu.dma_semaphore, #tpu.memory_space<semaphore_mem>>) src(%dma_wait3A_126 : memref<128x128xf32, #tpu.memory_space<vmem_shared>>) dst(%dma_wait3A_124 : memref<128x128xf32, #tpu.memory_space<hbm>>)
      tpu.yield
    }) : () -> ()
    return
  }
}

module attributes {stable_mosaic.version = 14 : i64} {
  func.func @_tc_norms_body(%arg0: memref<2x10240x128xf32, #tpu.memory_space<vmem>>, %arg1: memref<2x10240x128xf32, #tpu.memory_space<vmem>>, %arg2: memref<10240x128xf32, #tpu.memory_space<vmem>>, %arg3: memref<10240x128xf32, #tpu.memory_space<vmem>>) attributes {dimension_semantics = [], scalar_prefetch = 0 : i64, scratch_operands = 0 : i64, tpu.core_type = #tpu.core_type<tc>} {
    %get3A = arith.constant 0 : index
    %get3A_0 = arith.constant 0 : index
    %get3A_1 = arith.constant 0 : index
    %get3A_2 = vector.load %arg0[%get3A, %get3A_0, %get3A_1] : memref<2x10240x128xf32, #tpu.memory_space<vmem>>, vector<1x10240x128xf32>
    %get3A_3 = vector.shape_cast %get3A_2 : vector<1x10240x128xf32> to vector<10240x128xf32>
    %get3A_4 = arith.constant 1 : index
    %get3A_5 = arith.constant 0 : index
    %get3A_6 = arith.constant 0 : index
    %get3A_7 = vector.load %arg0[%get3A_4, %get3A_5, %get3A_6] : memref<2x10240x128xf32, #tpu.memory_space<vmem>>, vector<1x10240x128xf32>
    %get3A_8 = vector.shape_cast %get3A_7 : vector<1x10240x128xf32> to vector<10240x128xf32>
    %add3A = arith.addf %get3A_3, %get3A_8 : vector<10240x128xf32>
    %get3A_9 = arith.constant 0 : index
    %get3A_10 = arith.constant 0 : index
    %get3A_11 = arith.constant 0 : index
    %get3A_12 = vector.load %arg1[%get3A_9, %get3A_10, %get3A_11] : memref<2x10240x128xf32, #tpu.memory_space<vmem>>, vector<1x10240x128xf32>
    %get3A_13 = vector.shape_cast %get3A_12 : vector<1x10240x128xf32> to vector<10240x128xf32>
    %get3A_14 = arith.constant 1 : index
    %get3A_15 = arith.constant 0 : index
    %get3A_16 = arith.constant 0 : index
    %get3A_17 = vector.load %arg1[%get3A_14, %get3A_15, %get3A_16] : memref<2x10240x128xf32, #tpu.memory_space<vmem>>, vector<1x10240x128xf32>
    %get3A_18 = vector.shape_cast %get3A_17 : vector<1x10240x128xf32> to vector<10240x128xf32>
    %add3A_19 = arith.addf %get3A_13, %get3A_18 : vector<10240x128xf32>
    %max3A = arith.constant 1.000000e+00 : f32
    %max3A_20 = vector.broadcast %max3A : f32 to vector<10240x128xf32>
    %max3A_21 = arith.maximumf %add3A, %max3A_20 : vector<10240x128xf32>
    %sqrt3A = math.sqrt %max3A_21 : vector<10240x128xf32>
    %div3A = arith.constant 1.000000e+00 : f32
    %div3A_22 = vector.broadcast %div3A : f32 to vector<10240x128xf32>
    %div3A_23 = arith.divf %div3A_22, %sqrt3A : vector<10240x128xf32>
    %swap3A = arith.constant 0 : index
    %swap3A_24 = arith.constant 0 : index
    %swap3A_25 = vector.load %arg2[%swap3A, %swap3A_24] : memref<10240x128xf32, #tpu.memory_space<vmem>>, vector<10240x128xf32>
    tpu.vector_store %arg2[%swap3A, %swap3A_24], %div3A_23 {strides = array<i32>} : memref<10240x128xf32, #tpu.memory_space<vmem>>, vector<10240x128xf32>,
    %max3A_26 = arith.constant 1.000000e+00 : f32
    %max3A_27 = vector.broadcast %max3A_26 : f32 to vector<10240x128xf32>
    %max3A_28 = arith.maximumf %add3A_19, %max3A_27 : vector<10240x128xf32>
    %sqrt3A_29 = math.sqrt %max3A_28 : vector<10240x128xf32>
    %div3A_30 = arith.constant 1.000000e+00 : f32
    %div3A_31 = vector.broadcast %div3A_30 : f32 to vector<10240x128xf32>
    %div3A_32 = arith.divf %div3A_31, %sqrt3A_29 : vector<10240x128xf32>
    %swap3A_33 = arith.constant 0 : index
    %swap3A_34 = arith.constant 0 : index
    %swap3A_35 = vector.load %arg3[%swap3A_33, %swap3A_34] : memref<10240x128xf32, #tpu.memory_space<vmem>>, vector<10240x128xf32>
    tpu.vector_store %arg3[%swap3A_33, %swap3A_34], %div3A_32 {strides = array<i32>} : memref<10240x128xf32, #tpu.memory_space<vmem>>, vector<10240x128xf32>,
    return
  }
}

module attributes {stable_mosaic.version = 14 : i64} {
  func.func @_tc_pre0_body(%arg0: memref<10000x1xi32, #tpu.memory_space<vmem>>, %arg1: memref<128x128xf32, #tpu.memory_space<vmem>>, %arg2: memref<10000x1xf32, #tpu.memory_space<vmem>>, %arg3: memref<10000x128xf32, #tpu.memory_space<vmem>>, %arg4: memref<10000x128xf32, #tpu.memory_space<vmem>>) attributes {dimension_semantics = [], scalar_prefetch = 0 : i64, scratch_operands = 0 : i64, tpu.core_type = #tpu.core_type<tc>} {
    %get3A = arith.constant 0 : index
    %get3A_0 = arith.constant 0 : index
    %get3A_1 = vector.load %arg0[%get3A, %get3A_0] : memref<10000x1xi32, #tpu.memory_space<vmem>>, vector<10000x1xi32>
    %iota3A = tpu.iota {dimensions = array<i32: 1>} : vector<10000x128xi32>
    %eq3A = vector.broadcast %get3A_1 : vector<10000x1xi32> to vector<10000x128xi32>
    %eq3A_2 = arith.cmpi eq, %eq3A, %iota3A : vector<10000x128xi32>
    %convert_element_type3A = arith.extui %eq3A_2 : vector<10000x128xi1> to vector<10000x128xi32>
    %convert_element_type3A_3 = arith.sitofp %convert_element_type3A : vector<10000x128xi32> to vector<10000x128xf32>
    %get3A_4 = arith.constant 0 : index
    %get3A_5 = arith.constant 0 : index
    %get3A_6 = vector.load %arg1[%get3A_4, %get3A_5] : memref<128x128xf32, #tpu.memory_space<vmem>>, vector<128x128xf32>
    %dot_general3A = arith.constant dense<0.000000e+00> : vector<10000x128xf32>
    %dot_general3A_7 = tpu.matmul %convert_element_type3A_3, %get3A_6, %dot_general3A {dimension_numbers = #tpu.dot_dimension_numbers<[1], [0], [0], [1], [0, 0, 1, 1], [], []>, precision = #tpu.contract_precision<fp32>, transpose_lhs_hint = false} : vector<10000x128xf32>, vector<128x128xf32>, vector<10000x128xf32> -> vector<10000x128xf32>
    %swap3A = arith.constant 0 : index
    %swap3A_8 = arith.constant 0 : index
    %swap3A_9 = vector.load %arg3[%swap3A, %swap3A_8] : memref<10000x128xf32, #tpu.memory_space<vmem>>, vector<10000x128xf32>
    tpu.vector_store %arg3[%swap3A, %swap3A_8], %dot_general3A_7 {strides = array<i32>} : memref<10000x128xf32, #tpu.memory_space<vmem>>, vector<10000x128xf32>,
    %get3A_10 = arith.constant 0 : index
    %get3A_11 = arith.constant 0 : index
    %get3A_12 = vector.load %arg2[%get3A_10, %get3A_11] : memref<10000x1xf32, #tpu.memory_space<vmem>>, vector<10000x1xf32>
    %mul3A = vector.broadcast %get3A_12 : vector<10000x1xf32> to vector<10000x128xf32>
    %mul3A_13 = arith.mulf %dot_general3A_7, %mul3A : vector<10000x128xf32>
    %swap3A_14 = arith.constant 0 : index
    %swap3A_15 = arith.constant 0 : index
    %swap3A_16 = vector.load %arg4[%swap3A_14, %swap3A_15] : memref<10000x128xf32, #tpu.memory_space<vmem>>, vector<10000x128xf32>
    tpu.vector_store %arg4[%swap3A_14, %swap3A_15], %mul3A_13 {strides = array<i32>} : memref<10000x128xf32, #tpu.memory_space<vmem>>, vector<10000x128xf32>,
    return
  }
}

module attributes {stable_mosaic.version = 14 : i64} {
  func.func @_tc_mm_body(%arg0: memref<2x10240x128xf32, #tpu.memory_space<vmem>>, %arg1: memref<10000x1xf32, #tpu.memory_space<vmem>>, %arg2: memref<128x128xf32, #tpu.memory_space<vmem>>, %arg3: memref<1x128xf32, #tpu.memory_space<vmem>>, %arg4: memref<10000x128xf32, #tpu.memory_space<vmem>>, %arg5: memref<1x128xf32, #tpu.memory_space<vmem>>, %arg6: memref<1x128xf32, #tpu.memory_space<vmem>>) attributes {dimension_semantics = [], scalar_prefetch = 0 : i64, scratch_operands = 0 : i64, tpu.core_type = #tpu.core_type<tc>} {
    %get3A = arith.constant 0 : index
    %get3A_0 = arith.constant 0 : index
    %get3A_1 = arith.constant 0 : index
    %get3A_2 = vector.load %arg0[%get3A, %get3A_0, %get3A_1] : memref<2x10240x128xf32, #tpu.memory_space<vmem>>, vector<1x10000x128xf32>
    %get3A_3 = vector.shape_cast %get3A_2 : vector<1x10000x128xf32> to vector<10000x128xf32>
    %get3A_4 = arith.constant 1 : index
    %get3A_5 = arith.constant 0 : index
    %get3A_6 = arith.constant 0 : index
    %get3A_7 = vector.load %arg0[%get3A_4, %get3A_5, %get3A_6] : memref<2x10240x128xf32, #tpu.memory_space<vmem>>, vector<1x10000x128xf32>
    %get3A_8 = vector.shape_cast %get3A_7 : vector<1x10000x128xf32> to vector<10000x128xf32>
    %add3A = arith.addf %get3A_3, %get3A_8 : vector<10000x128xf32>
    %get3A_9 = arith.constant 0 : index
    %get3A_10 = arith.constant 0 : index
    %get3A_11 = vector.load %arg1[%get3A_9, %get3A_10] : memref<10000x1xf32, #tpu.memory_space<vmem>>, vector<10000x1xf32>
    %mul3A = vector.broadcast %get3A_11 : vector<10000x1xf32> to vector<10000x128xf32>
    %mul3A_12 = arith.mulf %add3A, %mul3A : vector<10000x128xf32>
    %get3A_13 = arith.constant 0 : index
    %get3A_14 = arith.constant 0 : index
    %get3A_15 = vector.load %arg2[%get3A_13, %get3A_14] : memref<128x128xf32, #tpu.memory_space<vmem>>, vector<128x128xf32>
    %convert_element_type3A = arith.truncf %mul3A_12 : vector<10000x128xf32> to vector<10000x128xbf16>
    %convert_element_type3A_16 = arith.truncf %get3A_15 : vector<128x128xf32> to vector<128x128xbf16>
    %dot_general3A = arith.constant dense<0.000000e+00> : vector<10000x128xf32>
    %dot_general3A_17 = tpu.matmul %convert_element_type3A, %convert_element_type3A_16, %dot_general3A {dimension_numbers = #tpu.dot_dimension_numbers<[1], [0], [0], [1], [0, 0, 1, 1], [], []>, transpose_lhs_hint = false} : vector<10000x128xbf16>, vector<128x128xbf16>, vector<10000x128xf32> -> vector<10000x128xf32>
    %get3A_18 = arith.constant 0 : index
    %get3A_19 = arith.constant 0 : index
    %get3A_20 = vector.load %arg3[%get3A_18, %get3A_19] : memref<1x128xf32, #tpu.memory_space<vmem>>, vector<1x128xf32>
    %add3A_21 = vector.broadcast %get3A_20 : vector<1x128xf32> to vector<10000x128xf32>
    %add3A_22 = arith.addf %dot_general3A_17, %add3A_21 : vector<10000x128xf32>
    %swap3A = arith.constant 0 : index
    %swap3A_23 = arith.constant 0 : index
    %swap3A_24 = vector.load %arg4[%swap3A, %swap3A_23] : memref<10000x128xf32, #tpu.memory_space<vmem>>, vector<10000x128xf32>
    tpu.vector_store %arg4[%swap3A, %swap3A_23], %add3A_22 {strides = array<i32>} : memref<10000x128xf32, #tpu.memory_space<vmem>>, vector<10000x128xf32>,
    %reduce_sum3A = arith.constant dense<0.000000e+00> : vector<128xf32>
    %reduce_sum3A_25 = vector.multi_reduction <add>, %add3A_22, %reduce_sum3A [0] : vector<10000x128xf32> to vector<128xf32>
    %broadcast_in_dim3A = vector.shape_cast %reduce_sum3A_25 : vector<128xf32> to vector<1x128xf32>
    %div3A = arith.constant 1.000000e+04 : f32
    %div3A_26 = vector.broadcast %div3A : f32 to vector<1x128xf32>
    %div3A_27 = arith.divf %broadcast_in_dim3A, %div3A_26 : vector<1x128xf32>
    %swap3A_28 = arith.constant 0 : index
    %swap3A_29 = arith.constant 0 : index
    %swap3A_30 = vector.load %arg5[%swap3A_28, %swap3A_29] : memref<1x128xf32, #tpu.memory_space<vmem>>, vector<1x128xf32>
    tpu.vector_store %arg5[%swap3A_28, %swap3A_29], %div3A_27 {strides = array<i32>} : memref<1x128xf32, #tpu.memory_space<vmem>>, vector<1x128xf32>,
    %sub3A = vector.broadcast %div3A_27 : vector<1x128xf32> to vector<10000x128xf32>
    %sub3A_31 = arith.subf %add3A_22, %sub3A : vector<10000x128xf32>
    %integer_pow3A = arith.mulf %sub3A_31, %sub3A_31 : vector<10000x128xf32>
    %reduce_sum3A_32 = arith.constant dense<0.000000e+00> : vector<128xf32>
    %reduce_sum3A_33 = vector.multi_reduction <add>, %integer_pow3A, %reduce_sum3A_32 [0] : vector<10000x128xf32> to vector<128xf32>
    %broadcast_in_dim3A_34 = vector.shape_cast %reduce_sum3A_33 : vector<128xf32> to vector<1x128xf32>
    %div3A_35 = arith.constant 1.000000e+04 : f32
    %div3A_36 = vector.broadcast %div3A_35 : f32 to vector<1x128xf32>
    %div3A_37 = arith.divf %broadcast_in_dim3A_34, %div3A_36 : vector<1x128xf32>
    %swap3A_38 = arith.constant 0 : index
    %swap3A_39 = arith.constant 0 : index
    %swap3A_40 = vector.load %arg6[%swap3A_38, %swap3A_39] : memref<1x128xf32, #tpu.memory_space<vmem>>, vector<1x128xf32>
    tpu.vector_store %arg6[%swap3A_38, %swap3A_39], %div3A_37 {strides = array<i32>} : memref<1x128xf32, #tpu.memory_space<vmem>>, vector<1x128xf32>,
    return
  }
}

module attributes {stable_mosaic.version = 14 : i64} {
  func.func @_tc_post_body(%arg0: memref<10000x128xf32, #tpu.memory_space<vmem>>, %arg1: memref<1x128xf32, #tpu.memory_space<vmem>>, %arg2: memref<1x128xf32, #tpu.memory_space<vmem>>, %arg3: memref<1x128xf32, #tpu.memory_space<vmem>>, %arg4: memref<1x128xf32, #tpu.memory_space<vmem>>, %arg5: memref<10000x128xf32, #tpu.memory_space<vmem>>, %arg6: memref<10000x1xf32, #tpu.memory_space<vmem>>, %arg7: memref<10000x128xf32, #tpu.memory_space<vmem>>, %arg8: memref<10000x128xf32, #tpu.memory_space<vmem>>) attributes {dimension_semantics = [], scalar_prefetch = 0 : i64, scratch_operands = 0 : i64, tpu.core_type = #tpu.core_type<tc>} {
    %get3A = arith.constant 0 : index
    %get3A_0 = arith.constant 0 : index
    %get3A_1 = vector.load %arg0[%get3A, %get3A_0] : memref<10000x128xf32, #tpu.memory_space<vmem>>, vector<10000x128xf32>
    %get3A_2 = arith.constant 0 : index
    %get3A_3 = arith.constant 0 : index
    %get3A_4 = vector.load %arg1[%get3A_2, %get3A_3] : memref<1x128xf32, #tpu.memory_space<vmem>>, vector<1x128xf32>
    %sub3A = vector.broadcast %get3A_4 : vector<1x128xf32> to vector<10000x128xf32>
    %sub3A_5 = arith.subf %get3A_1, %sub3A : vector<10000x128xf32>
    %get3A_6 = arith.constant 0 : index
    %get3A_7 = arith.constant 0 : index
    %get3A_8 = vector.load %arg2[%get3A_6, %get3A_7] : memref<1x128xf32, #tpu.memory_space<vmem>>, vector<1x128xf32>
    %add3A = arith.constant 9.99999974E-6 : f32
    %add3A_9 = vector.broadcast %add3A : f32 to vector<1x128xf32>
    %add3A_10 = arith.addf %get3A_8, %add3A_9 : vector<1x128xf32>
    %sqrt3A = math.sqrt %add3A_10 : vector<1x128xf32>
    %div3A = vector.broadcast %sqrt3A : vector<1x128xf32> to vector<10000x128xf32>
    %div3A_11 = arith.divf %sub3A_5, %div3A : vector<10000x128xf32>
    %get3A_12 = arith.constant 0 : index
    %get3A_13 = arith.constant 0 : index
    %get3A_14 = vector.load %arg3[%get3A_12, %get3A_13] : memref<1x128xf32, #tpu.memory_space<vmem>>, vector<1x128xf32>
    %mul3A = vector.broadcast %get3A_14 : vector<1x128xf32> to vector<10000x128xf32>
    %mul3A_15 = arith.mulf %div3A_11, %mul3A : vector<10000x128xf32>
    %get3A_16 = arith.constant 0 : index
    %get3A_17 = arith.constant 0 : index
    %get3A_18 = vector.load %arg4[%get3A_16, %get3A_17] : memref<1x128xf32, #tpu.memory_space<vmem>>, vector<1x128xf32>
    %add3A_19 = vector.broadcast %get3A_18 : vector<1x128xf32> to vector<10000x128xf32>
    %add3A_20 = arith.addf %mul3A_15, %add3A_19 : vector<10000x128xf32>
    %get3A_21 = arith.constant 0 : index
    %get3A_22 = arith.constant 0 : index
    %get3A_23 = vector.load %arg5[%get3A_21, %get3A_22] : memref<10000x128xf32, #tpu.memory_space<vmem>>, vector<10000x128xf32>
    %max3A = arith.constant 0.000000e+00 : f32
    %max3A_24 = vector.broadcast %max3A : f32 to vector<10000x128xf32>
    %max3A_25 = arith.maximumf %add3A_20, %max3A_24 : vector<10000x128xf32>
    %add3A_26 = arith.addf %get3A_23, %max3A_25 : vector<10000x128xf32>
    %swap3A = arith.constant 0 : index
    %swap3A_27 = arith.constant 0 : index
    %swap3A_28 = vector.load %arg7[%swap3A, %swap3A_27] : memref<10000x128xf32, #tpu.memory_space<vmem>>, vector<10000x128xf32>
    tpu.vector_store %arg7[%swap3A, %swap3A_27], %add3A_26 {strides = array<i32>} : memref<10000x128xf32, #tpu.memory_space<vmem>>, vector<10000x128xf32>,
    %get3A_29 = arith.constant 0 : index
    %get3A_30 = arith.constant 0 : index
    %get3A_31 = vector.load %arg6[%get3A_29, %get3A_30] : memref<10000x1xf32, #tpu.memory_space<vmem>>, vector<10000x1xf32>
    %mul3A_32 = vector.broadcast %get3A_31 : vector<10000x1xf32> to vector<10000x128xf32>
    %mul3A_33 = arith.mulf %add3A_26, %mul3A_32 : vector<10000x128xf32>
    %swap3A_34 = arith.constant 0 : index
    %swap3A_35 = arith.constant 0 : index
    %swap3A_36 = vector.load %arg8[%swap3A_34, %swap3A_35] : memref<10000x128xf32, #tpu.memory_space<vmem>>, vector<10000x128xf32>
    tpu.vector_store %arg8[%swap3A_34, %swap3A_35], %mul3A_33 {strides = array<i32>} : memref<10000x128xf32, #tpu.memory_space<vmem>>, vector<10000x128xf32>,
    return
  }
}

module attributes {stable_mosaic.version = 14 : i64} {
  func.func @_tc_final_body(%arg0: memref<10000x128xf32, #tpu.memory_space<vmem>>, %arg1: memref<1x128xf32, #tpu.memory_space<vmem>>, %arg2: memref<1x128xf32, #tpu.memory_space<vmem>>, %arg3: memref<1x128xf32, #tpu.memory_space<vmem>>, %arg4: memref<1x128xf32, #tpu.memory_space<vmem>>, %arg5: memref<10000x128xf32, #tpu.memory_space<vmem>>, %arg6: memref<128x64xf32, #tpu.memory_space<vmem>>, %arg7: memref<1x64xf32, #tpu.memory_space<vmem>>, %arg8: memref<64x32xf32, #tpu.memory_space<vmem>>, %arg9: memref<1x32xf32, #tpu.memory_space<vmem>>, %arg10: memref<32x128xf32, #tpu.memory_space<vmem>>, %arg11: memref<1x128xf32, #tpu.memory_space<vmem>>, %arg12: memref<10000x128xf32, #tpu.memory_space<vmem>>) attributes {dimension_semantics = [], scalar_prefetch = 0 : i64, scratch_operands = 0 : i64, tpu.core_type = #tpu.core_type<tc>} {
    %get3A = arith.constant 0 : index
    %get3A_0 = arith.constant 0 : index
    %get3A_1 = vector.load %arg0[%get3A, %get3A_0] : memref<10000x128xf32, #tpu.memory_space<vmem>>, vector<10000x128xf32>
    %get3A_2 = arith.constant 0 : index
    %get3A_3 = arith.constant 0 : index
    %get3A_4 = vector.load %arg1[%get3A_2, %get3A_3] : memref<1x128xf32, #tpu.memory_space<vmem>>, vector<1x128xf32>
    %sub3A = vector.broadcast %get3A_4 : vector<1x128xf32> to vector<10000x128xf32>
    %sub3A_5 = arith.subf %get3A_1, %sub3A : vector<10000x128xf32>
    %get3A_6 = arith.constant 0 : index
    %get3A_7 = arith.constant 0 : index
    %get3A_8 = vector.load %arg2[%get3A_6, %get3A_7] : memref<1x128xf32, #tpu.memory_space<vmem>>, vector<1x128xf32>
    %add3A = arith.constant 9.99999974E-6 : f32
    %add3A_9 = vector.broadcast %add3A : f32 to vector<1x128xf32>
    %add3A_10 = arith.addf %get3A_8, %add3A_9 : vector<1x128xf32>
    %sqrt3A = math.sqrt %add3A_10 : vector<1x128xf32>
    %div3A = vector.broadcast %sqrt3A : vector<1x128xf32> to vector<10000x128xf32>
    %div3A_11 = arith.divf %sub3A_5, %div3A : vector<10000x128xf32>
    %get3A_12 = arith.constant 0 : index
    %get3A_13 = arith.constant 0 : index
    %get3A_14 = vector.load %arg3[%get3A_12, %get3A_13] : memref<1x128xf32, #tpu.memory_space<vmem>>, vector<1x128xf32>
    %mul3A = vector.broadcast %get3A_14 : vector<1x128xf32> to vector<10000x128xf32>
    %mul3A_15 = arith.mulf %div3A_11, %mul3A : vector<10000x128xf32>
    %get3A_16 = arith.constant 0 : index
    %get3A_17 = arith.constant 0 : index
    %get3A_18 = vector.load %arg4[%get3A_16, %get3A_17] : memref<1x128xf32, #tpu.memory_space<vmem>>, vector<1x128xf32>
    %add3A_19 = vector.broadcast %get3A_18 : vector<1x128xf32> to vector<10000x128xf32>
    %add3A_20 = arith.addf %mul3A_15, %add3A_19 : vector<10000x128xf32>
    %get3A_21 = arith.constant 0 : index
    %get3A_22 = arith.constant 0 : index
    %get3A_23 = vector.load %arg5[%get3A_21, %get3A_22] : memref<10000x128xf32, #tpu.memory_space<vmem>>, vector<10000x128xf32>
    %max3A = arith.constant 0.000000e+00 : f32
    %max3A_24 = vector.broadcast %max3A : f32 to vector<10000x128xf32>
    %max3A_25 = arith.maximumf %add3A_20, %max3A_24 : vector<10000x128xf32>
    %add3A_26 = arith.addf %get3A_23, %max3A_25 : vector<10000x128xf32>
    %get3A_27 = arith.constant 0 : index
    %get3A_28 = arith.constant 0 : index
    %get3A_29 = vector.load %arg6[%get3A_27, %get3A_28] : memref<128x64xf32, #tpu.memory_space<vmem>>, vector<128x64xf32>
    %convert_element_type3A = arith.truncf %add3A_26 : vector<10000x128xf32> to vector<10000x128xbf16>
    %convert_element_type3A_30 = arith.truncf %get3A_29 : vector<128x64xf32> to vector<128x64xbf16>
    %dot_general3A = arith.constant dense<0.000000e+00> : vector<10000x64xf32>
    %dot_general3A_31 = tpu.matmul %convert_element_type3A, %convert_element_type3A_30, %dot_general3A {dimension_numbers = #tpu.dot_dimension_numbers<[1], [0], [0], [1], [0, 0, 1, 1], [], []>, transpose_lhs_hint = false} : vector<10000x128xbf16>, vector<128x64xbf16>, vector<10000x64xf32> -> vector<10000x64xf32>
    %get3A_32 = arith.constant 0 : index
    %get3A_33 = arith.constant 0 : index
    %get3A_34 = vector.load %arg7[%get3A_32, %get3A_33] : memref<1x64xf32, #tpu.memory_space<vmem>>, vector<1x64xf32>
    %add3A_35 = vector.broadcast %get3A_34 : vector<1x64xf32> to vector<10000x64xf32>
    %add3A_36 = arith.addf %dot_general3A_31, %add3A_35 : vector<10000x64xf32>
    %max3A_37 = arith.constant 0.000000e+00 : f32
    %max3A_38 = vector.broadcast %max3A_37 : f32 to vector<10000x64xf32>
    %max3A_39 = arith.maximumf %add3A_36, %max3A_38 : vector<10000x64xf32>
    %get3A_40 = arith.constant 0 : index
    %get3A_41 = arith.constant 0 : index
    %get3A_42 = vector.load %arg8[%get3A_40, %get3A_41] : memref<64x32xf32, #tpu.memory_space<vmem>>, vector<64x32xf32>
    %convert_element_type3A_43 = arith.truncf %max3A_39 : vector<10000x64xf32> to vector<10000x64xbf16>
    %convert_element_type3A_44 = arith.truncf %get3A_42 : vector<64x32xf32> to vector<64x32xbf16>
    %dot_general3A_45 = arith.constant dense<0.000000e+00> : vector<10000x32xf32>
    %dot_general3A_46 = tpu.matmul %convert_element_type3A_43, %convert_element_type3A_44, %dot_general3A_45 {dimension_numbers = #tpu.dot_dimension_numbers<[1], [0], [0], [1], [0, 0, 1, 1], [], []>, transpose_lhs_hint = false} : vector<10000x64xbf16>, vector<64x32xbf16>, vector<10000x32xf32> -> vector<10000x32xf32>
    %get3A_47 = arith.constant 0 : index
    %get3A_48 = arith.constant 0 : index
    %get3A_49 = vector.load %arg9[%get3A_47, %get3A_48] : memref<1x32xf32, #tpu.memory_space<vmem>>, vector<1x32xf32>
    %add3A_50 = vector.broadcast %get3A_49 : vector<1x32xf32> to vector<10000x32xf32>
    %add3A_51 = arith.addf %dot_general3A_46, %add3A_50 : vector<10000x32xf32>
    %max3A_52 = arith.constant 0.000000e+00 : f32
    %max3A_53 = vector.broadcast %max3A_52 : f32 to vector<10000x32xf32>
    %max3A_54 = arith.maximumf %add3A_51, %max3A_53 : vector<10000x32xf32>
    %get3A_55 = arith.constant 0 : index
    %get3A_56 = arith.constant 0 : index
    %get3A_57 = vector.load %arg10[%get3A_55, %get3A_56] : memref<32x128xf32, #tpu.memory_space<vmem>>, vector<32x128xf32>
    %convert_element_type3A_58 = arith.truncf %max3A_54 : vector<10000x32xf32> to vector<10000x32xbf16>
    %convert_element_type3A_59 = arith.truncf %get3A_57 : vector<32x128xf32> to vector<32x128xbf16>
    %dot_general3A_60 = arith.constant dense<0.000000e+00> : vector<10000x128xf32>
    %dot_general3A_61 = tpu.matmul %convert_element_type3A_58, %convert_element_type3A_59, %dot_general3A_60 {dimension_numbers = #tpu.dot_dimension_numbers<[1], [0], [0], [1], [0, 0, 1, 1], [], []>, transpose_lhs_hint = false} : vector<10000x32xbf16>, vector<32x128xbf16>, vector<10000x128xf32> -> vector<10000x128xf32>
    %get3A_62 = arith.constant 0 : index
    %get3A_63 = arith.constant 0 : index
    %get3A_64 = vector.load %arg11[%get3A_62, %get3A_63] : memref<1x128xf32, #tpu.memory_space<vmem>>, vector<1x128xf32>
    %add3A_65 = vector.broadcast %get3A_64 : vector<1x128xf32> to vector<10000x128xf32>
    %add3A_66 = arith.addf %dot_general3A_61, %add3A_65 : vector<10000x128xf32>
    %swap3A = arith.constant 0 : index
    %swap3A_67 = arith.constant 0 : index
    %swap3A_68 = vector.load %arg12[%swap3A, %swap3A_67] : memref<10000x128xf32, #tpu.memory_space<vmem>>, vector<10000x128xf32>
    tpu.vector_store %arg12[%swap3A, %swap3A_67], %add3A_66 {strides = array<i32>} : memref<10000x128xf32, #tpu.memory_space<vmem>>, vector<10000x128xf32>,
    return
  }
}

</mosaic_0001>

<sc_bundles>
// kernel: kernel.17.cloned.1.call-start
scs
__scs_entry_jumppad:
0x0: {  	(pc) =	sbr.rel $0x88, $3  }
0x1: {  	(tag) =	ssettag $0x0;
	lr =	simm.s32 $0x1  }
0x2: {  	[smem:$0x3F94] =	sst lr;
	_ =	strace $0xD0000000  }
0x3: {  	_ = 	snop  }
0x4: {  	_ = 	snop  }
0x5: {  	_ = 	snop  }
0x6: {  	_ = 	snop  }
0x7: {  	_ = 	snop  }
__scs_overlays_trampoline_lowered:
0x8: {  	[smem:$0x3FA3] =	sst s0  }
0x9: {  	[smem:$0x3FA4] =	sst s1  }
0xa: {  	[smem:$0x3FA5] =	sst s2  }
0xb: {  	[smem:$0x3FA6] =	sst s3  }
0xc: {  	[smem:$0x3FA7] =	sst s4  }
0xd: {  	[smem:$0x3FA8] =	sst s5  }
0xe: {  	[smem:$0x3FA9] =	sst s6  }
0xf: {  	[smem:$0x3FAA] =	sst s7  }
0x10: {  	[smem:$0x3FAB] =	sst s8  }
0x11: {  	[smem:$0x3FAC] =	sst s9;
	s0 =	simm.s32 @!p0 $0x0  }
0x12: {  	s1 =	sld [smem:$0x3F92];
	s0 =	simm.s32 @p0 $0x1  }
0x13: {  	[smem:$0x3FAD] =	sst s0;
	s0 =	simm.s32 @!p1 $0x0  }
0x14: {  	s2 =	sld [smem:$0x3F91];
	s0 =	simm.s32 @p1 $0x1  }
0x15: {  	[smem:$0x3FAE] =	sst s0;
	s0 =	simm.s32 @!p2 $0x0  }
0x16: {  	s3 =	sld [smem:$0x3FDB];
	s0 =	simm.s32 @p2 $0x1  }
0x17: {  	s4 =	simm.s32 $0x1BF5;
	[smem:$0x3FB0] =	sst s0  }
0x18: {  	s0 =	sld [smem:$0x3F93];
	_ =	swait.ge [sflag:s4], $0x0  }
0x19: {  	s7 =	sld [smem:$0x3F94]  }
0x1a: {  	s8 =	sadd.s32 $0xFFFFE003, lr  }
0x1b: {  	s9 =	sadd.s32 $0xFFFFFEF7, lr;
	s5 =	simm.s32 $0xFFFFFFFF;
	p2 =	slt.u32 s8, $0xFFFFF086  }
0x1c: {  	p1 =	slt.u32 s9, $0xF7A;
	s5 =	simm.s32 @!p2 $0x0  }
0x1d: {  	s5 =	simm.s32 @p1 $0x1;
	p0 =	seq.s32 s7, s2  }
0x1e: {  	s7 =	smul.u32 @!p0 $0xF7A, s2;
	p2 =	seq.s32 @!p0 s5, $0x0  }
0x1f: {  	s9 =	smul.u32 $0xF7A, s1;
	s8 =	simm.s32 @!p0 $0x1BF5;
	p2 =	por !p2, p0  }
0x20: {  	[sflag:s8] =	ssyncset.s32 @!p0 $0xFFFFF086;
	s6 =	sadd.s32 @!p0 s3, s7;
	s7 =	simm.s32 @!p0 $0x108  }
0x21: {  	s3 =	sadd.s32 s3, s9;
	s6 =	sadd.s32 @!p0 $0x88, s6;
	s7 =	simm.s32 @p2 $0x1082  }
0x22: {  	[simem:s7], [sflag:s8] =	dma.local @!p0 [hbm:s6], $0xF7A  }
0x23: {  	s9 =	sor.u32 $0xD0000000, s2;
	s6 =	simm.s32 $0x108;
	_ =	swait.ge @!p0 [sflag:s8], $0x0  }
0x24: {  	s3 =	sadd.s32 $0x88, s3;
	s6 =	simm.s32 @!p1 $0x1082;
	[sflag:s4] =	ssyncset.s32 $0xFFFFF086  }
0x25: {  	[simem:s6], [sflag:s4] =	dma.local [hbm:s3], $0xF7A  }
0x26: {  	[smem:$0x3F94] =	sst s1;
	(tag) =	ssettag s2;
	_ =	strace s9  }
0x27: {  	s1 =	sld [smem:$0x3FA4]  }
0x28: {  	s2 =	sld [smem:$0x3FA5]  }
0x29: {  	s4 =	sld [smem:$0x3FA7]  }
0x2a: {  	p0 =	seq.s32 s5, $0x0;
	s5 =	sld [smem:$0x3FA8]  }
0x2b: {  	s6 =	sld [smem:$0x3FA9]  }
0x2c: {  	s7 =	sld [smem:$0x3FAA]  }
0x2d: {  	s3 =	simm.s32 $0x108;
	s8 =	sld [smem:$0x3FAB]  }
0x2e: {  	s3 =	simm.s32 @!p0 $0x1082;
	s9 =	sld [smem:$0x3FAC]  }
0x2f: {  	lr =	sadd.s32 s0, s3;
	s0 =	sld [smem:$0x3FA3]  }
0x30: {  	s3 =	sld [smem:$0x3FA6]  }
0x31: {  	[smem:$0x3FAF] =	sst s10  }
0x32: {  	s10 =	sld [smem:$0x3FAD];
	_ =	sdelay $0x3  }
0x33: {  	p0 =	seq.s32 s10, $0x1;
	s10 =	sld [smem:$0x3FAF];
	_ =	sdelay $0x3  }
0x34: {  	[smem:$0x3FAF] =	sst s10  }
0x35: {  	s10 =	sld [smem:$0x3FAE];
	_ =	sdelay $0x3  }
0x36: {  	p1 =	seq.s32 s10, $0x1;
	s10 =	sld [smem:$0x3FAF];
	_ =	sdelay $0x3  }
0x37: {  	[smem:$0x3FAF] =	sst s10  }
0x38: {  	s10 =	sld [smem:$0x3FB0]  }
0x39: {  	_ = 	snop;
	(pc) =	sbr.ind lr, $3  }
0x3a: {  	_ = 	snop  }
0x3b: {  	_ = 	snop  }
0x3c: {  	p2 =	seq.s32 s10, $0x1;
	s10 =	sld [smem:$0x3FAF]  }
0x3d: {  	_ =	shalt  }
0x3e: {  	_ =	shalt  }
0x3f: {  	_ =	shalt  }
0x40: {  	_ =	shalt  }
0x41: {  	_ =	shalt  }
0x42: {  	_ =	shalt  }
0x43: {  	_ =	shalt  }
0x44: {  	_ =	shalt  }
0x45: {  	_ =	shalt  }
0x46: {  	_ =	shalt  }
0x47: {  	_ =	shalt  }
0x48: {  	_ =	shalt  }
0x49: {  	_ =	shalt  }
0x4a: {  	_ =	shalt  }
0x4b: {  	_ =	shalt  }
0x4c: {  	_ =	shalt  }
0x4d: {  	_ =	shalt  }
0x4e: {  	_ =	shalt  }
0x4f: {  	_ =	shalt  }
0x50: {  	_ =	shalt  }
0x51: {  	_ =	shalt  }
0x52: {  	_ =	shalt  }
0x53: {  	_ =	shalt  }
0x54: {  	_ =	shalt  }
0x55: {  	_ =	shalt  }
0x56: {  	_ =	shalt  }
0x57: {  	_ =	shalt  }
0x58: {  	_ =	shalt  }
0x59: {  	_ =	shalt  }
0x5a: {  	_ =	shalt  }
0x5b: {  	_ =	shalt  }
0x5c: {  	_ =	shalt  }
0x5d: {  	_ =	shalt  }
0x5e: {  	_ =	shalt  }
0x5f: {  	_ =	shalt  }
0x60: {  	_ =	shalt  }
0x61: {  	_ =	shalt  }
0x62: {  	_ =	shalt  }
0x63: {  	_ =	shalt  }
0x64: {  	_ =	shalt  }
0x65: {  	_ =	shalt  }
0x66: {  	_ =	shalt  }
0x67: {  	_ =	shalt  }
0x68: {  	_ =	shalt  }
0x69: {  	_ =	shalt  }
0x6a: {  	_ =	shalt  }
0x6b: {  	_ =	shalt  }
0x6c: {  	_ =	shalt  }
0x6d: {  	_ =	shalt  }
0x6e: {  	_ =	shalt  }
0x6f: {  	_ =	shalt  }
0x70: {  	_ =	shalt  }
0x71: {  	_ =	shalt  }
0x72: {  	_ =	shalt  }
0x73: {  	_ =	shalt  }
0x74: {  	_ =	shalt  }
0x75: {  	_ =	shalt  }
0x76: {  	_ =	shalt  }
0x77: {  	_ =	shalt  }
0x78: {  	_ =	shalt  }
0x79: {  	_ =	shalt  }
0x7a: {  	_ =	shalt  }
0x7b: {  	_ =	shalt  }
0x7c: {  	_ =	shalt  }
0x7d: {  	_ =	shalt  }
0x7e: {  	_ =	shalt  }
0x7f: {  	_ =	shalt  }
0x80: {  	_ =	shalt  }
0x81: {  	_ =	shalt  }
0x82: {  	_ =	shalt  }
0x83: {  	_ =	shalt  }
0x84: {  	_ =	shalt  }
0x85: {  	_ =	shalt  }
0x86: {  	_ =	shalt  }
0x87: {  	_ =	shalt  }
.Lfunc_end0:
.L_simem_size_0:
called_computation_lowered:
.L_overlay_start_0:
0x88: {  	s2 =	sld [smem:$0x3FD9]  }
0x89: {  	s3 =	sld [smem:$0x3FFE];
	_ =	sdelay $0x1  }
0x8a: {  	s1 =	srdreg.scid  }
0x8b: {  	s0 =	sand.u32 $0x1, s1  }
0x8c: {  	s17 =	sshll.u32 s0, $0xA;
	s2 =	sadd.s32 s3, s2  }
0x8d: {  	s2 =	sadd.s32 s2, s17  }
0x8e: {  	[smem:$0x3FBB] =	sst s2  }
0x8f: {  	_ = 	snop  }
0x90: {  	s2 =	sld [smem:$0x3FD0];
	(tm) =	ssettm $0x1  }
0x91: {  	s18 =	sld [smem:$0x3FFB];
	_ =	sdelay $0x3  }
0x92: {  	_ =	strace s18  }
0x93: {  	s3 =	sld [smem:$0x3FFC];
	_ =	sdelay $0x3  }
0x94: {  	_ =	strace s3  }
0x95: {  	s3 =	sld [smem:$0x3FFD];
	_ =	sdelay $0x3  }
0x96: {  	_ =	strace s3  }
0x97: {  	_ =	strace $0x8FFFFFFF  }
0x98: {  	s19 =	sld [smem:$0x3FDB];
	_ =	sdelay $0x1  }
0x99: {  	s4 =	simm.s32 $_scs_section_size  }
0x9a: {  	s5 =	simm.s32 $_size__tile_overlayer_lowered;
	s6 =	simm.s32 $_tile_overlayer_lowered  }
0x9b: {  	s22 =	simm.s32 $0x1BFF;
	s21 =	sshll.u32 s6, $0x1;
	s3 =	sadd.s32 s4, s19  }
0x9c: {  	s7 =	simm.s32 $0x0;
	s20 =	sshll.u32 s5, $0x1;
	s5 =	sadd.s32 s21, s3  }
0x9d: {  	[timem:s7], [sflag:s22] =	dma.local [hbm:s5], s20  }
0x9e: {  	_ =	swait.ge [sflag:s22], s20  }
0x9f: {  	s4 =	ssub.s32 $0x0, s20;
	[sflag:s22] =	ssyncset.done $0x0  }
0xa0: {  	[sflag:s22] =	ssyncadd.s32 s4;
	_ =	sdelay $0x1  }
0xa1: {  	s23 =	simm.s32 $0x1B8B  }
0xa2: {  	_ =	swait.ge [sflag:s23], $0x1  }
0xa3: {  	[sflag:s23] =	ssyncset.done $0x0  }
0xa4: {  	s25 =	simm.s32 $0x1B8E;
	s24 =	sld [smem:$0x3FFE];
	[sflag:s23] =	ssyncadd.s32 $0xFFFFFFFF  }
0xa5: {  	s26 =	simm.s32 $execute0_lowered;
	[smem:$0x3FD2] =	sst s25  }
0xa6: {  	s5 =	sshll.u32 s26, $0x1;
	_ =	strace $0x80000046;
	[dreg:$0x1] =	wrdreg $0xFFFFFFFF  }
0xa7: {  	s28 =	simm.s32 $_size_execute0_lowered;
	s3 =	sadd.s32 s3, s5;
	[dreg:$0x0] =	wrdreg $0x0  }
0xa8: {  	s5 =	sshll.u32 s28, $0x1;
	[dreg:$0x2] =	wrdreg s3  }
0xa9: {  	[dreg:$0x3] =	wrdreg s5  }
0xaa: {  	[dreg:$0x4] =	wrdreg $0xC0  }
0xab: {  	_ =	task [dreg:s7], $0x5FFFF  }
0xac: {  	[dreg:$0x1] =	wrdreg $0xFFFFFFFF  }
0xad: {  	[dreg:$0x0] =	wrdreg $0x60  }
0xae: {  	[dreg:$0x2] =	wrdreg s2  }
0xaf: {  	[dreg:$0x3] =	wrdreg s24  }
0xb0: {  	[dreg:$0x4] =	wrdreg $0x80800  }
0xb1: {  	[dreg:$0x5] =	wrdreg $0x9  }
0xb2: {  	_ =	task.clear_ibuf [dreg:s7], $0x6FFFF;
	_ =	strace $0x90000046  }
0xb3: {  	s29 =	simm.s32 $0x9;
	_ =	strace $0x80000048  }
0xb4: {  	_ =	swait.ge [sflag:s29], $0x1  }
0xb5: {  	[sflag:s29] =	ssyncadd.s32 $0xFFFFFFFF  }
0xb6: {  	_ =	strace $0x90000048  }
0xb7: {  	_ =	sfence  }
0xb8: {  	s30 =	sld [smem:$0x0];
	_ =	sdelay $0x2  }
0xb9: {  	s31 =	sshll.u32 s1, $0xD;
	s1 =	sshrl.u32 s1, $0x2  }
0xba: {  	s3 =	sand.u32 $0x4000, s31;
	s1 =	sadd.s32 s1, s30  }
0xbb: {  	s0 =	sor.u32 s3, s0;
	s1 =	sshll.u32 s1, $0x11  }
0xbc: {  	s0 =	sor.u32 s1, s0  }
0xbd: {  	s0 =	sadd.s32 $0x8F2B, s0  }
0xbe: {  	[sflag:s0] =	ssyncadd.remote.s32 $0x1  }
0xbf: {  	_ =	sfence.sel $0xFFFF  }
0xc0: {  	[dreg:$0x0] =	wrdreg $0xFFFFFFFF;
	(pc) =	sbr.abs _section_cstart, $3  }
0xc1: {  	[dreg:$0x1] =	wrdreg $0xFFFFFFFF  }
0xc2: {  	_ =	task.clear_ibuf [dreg:s7], $0x2FFFF;
	_ =	strace $0x9FFFFFFF  }
0xc3: {  	(tm) =	ssettm $0x7FFFFFFF  }
tec
execute0_lowered:
.L_overlay_start_1:
0x0: {  	(tag) =	ssettag $0x1  }
0x1: {  	s0 =	rddreg [dreg:$0x0]  }
0x2: {  	s1 =	srdreg.scid;
	s6 =	rddreg [dreg:$0x1]  }
0x3: {  	s12 =	stileid.u32;
	s2 =	rddreg [dreg:$0x2]  }
0x4: {  	s3 =	simm.s32 $0x0;
	s21 =	simm.s32 $0x80;
	s4 =	smul.u32 $0x5000, s12  }
0x5: {  	s22 =	simm.s32 $0x1;
	s23 =	simm.s32 $0x4080;
	s8 =	smul.u32 $0x280, s12  }
0x6: {  	s1 =	sand.u32 $0x1, s1;
	[smem:$0x7FF] =	sst s3;
	s9 =	smul.u32 $0x50000, s12  }
0x7: {  	s24 =	sadd.s32 $0x1BE00, s6;
	s25 =	sadd.s32 $0x1B600, s6;
	s12 =	smul.u32 $0x2800, s12  }
0x8: {  	s5 =	smul.u32 $0x2800, s1;
	_ =	strace $0x80000047;
	[dreg:$0x4] =	wrdreg s24  }
0x9: {  	s7 =	smul.u32 $0x28000, s1;
	[dreg:$0x5] =	wrdreg s25;
	s1 =	ssub.s32 $0x2, s1  }
0xa: {  	s24 =	simm.s32 $0x0;
	s26 =	sshrl.u32 s1, $0x1;
	s28 =	sshrl.u32 s9, $0x2  }
0xb: {  	s13 =	sadd.s32 $0x80, s8;
	s14 =	sadd.s32 $0x100, s8;
	s15 =	sadd.s32 $0x180, s8  }
0xc: {  	s16 =	sadd.s32 $0x200, s8;
	s4 =	sadd.s32 s5, s4;
	s17 =	sadd.s32 s7, s6  }
0xd: {  	s1 =	ssub.s32 s1, s26;
	s29 =	sshll.u32 s13, $0x7;
	s30 =	sshll.u32 s14, $0x7  }
0xe: {  	s10 =	sshll.u32 s15, $0x7;
	s31 =	sshll.u32 s16, $0x7;
	s13 =	sshll.u32 s13, $0x4  }
0xf: {  	s14 =	sshll.u32 s14, $0x4;
	s15 =	sshll.u32 s15, $0x4;
	s16 =	sshll.u32 s16, $0x4  }
0x10: {  	s20 =	sshrl.u32 s4, $0x3;
	s7 =	sadd.s32 s29, s2;
	s8 =	sadd.s32 s30, s2  }
0x11: {  	s9 =	sadd.s32 s10, s2;
	s10 =	sadd.s32 s31, s2;
	s11 =	sadd.s32 $0x6C600, s17  }
0x12: {  	s17 =	sadd.s32 $0x1C600, s17;
	s18 =	smax.u32 s1, $0x1;
	s19 =	sadd.s32 s20, s6  }
0x13: {  	s6 =	sadd.s32 s28, s2;
	s20 =	sadd.s32 s20, s0;
	s19 =	sadd.s32 $0x11600, s19  }
.LBB2_1:
0x14: {  	s0 =	rddreg [dreg:$0x4]  }
0x15: {  	[tilespmem:s21], [sflag:$0x1] =	stream.linear.gather [hbm4b:s0+s3], $0x4000, $0x38;
	[tilespmem:$0x1C080] =	vst v63  }
0x16: {  	_ =	swait.ge [sflag:s22], $0x4000  }
0x17: {  	[sflag:s22] =	ssyncset.done $0x0  }
0x18: {  	s30 =	rddreg [dreg:$0x5];
	[sflag:s22] =	ssyncadd.s32 $0xFFFFC000  }
0x19: {  	[tilespmem:s23], [sflag:$0x1] =	stream.linear.gather [hbm4b:s30+s3], $0x4000, $0x38;
	[tilespmem:$0x1C080] =	vst v63  }
0x1a: {  	_ =	swait.ge [sflag:s22], $0x4000  }
0x1b: {  	[sflag:s22] =	ssyncset.done $0x0  }
0x1c: {  	[sflag:s22] =	ssyncadd.s32 $0xFFFFC000  }
0x1d: {  	[spmem:s6] =	stream.linear.scatter [tilespmem:s23], [sflag:$0x1], $0x4000, $0x38;
	[tilespmem:$0x1C080] =	vst v63  }
0x1e: {  	_ =	swait.ge [sflag:s22], $0x4000  }
0x1f: {  	[sflag:s22] =	ssyncset.done $0x0  }
0x20: {  	[sflag:s22] =	ssyncadd.s32 $0xFFFFC000  }
0x21: {  	[spmem:s7] =	stream.linear.scatter [tilespmem:s23], [sflag:$0x1], $0x4000, $0x38;
	[tilespmem:$0x1C080] =	vst v63  }
0x22: {  	_ =	swait.ge [sflag:s22], $0x4000  }
0x23: {  	[sflag:s22] =	ssyncset.done $0x0  }
0x24: {  	[sflag:s22] =	ssyncadd.s32 $0xFFFFC000  }
0x25: {  	[spmem:s8] =	stream.linear.scatter [tilespmem:s23], [sflag:$0x1], $0x4000, $0x38;
	[tilespmem:$0x1C080] =	vst v63  }
0x26: {  	_ =	swait.ge [sflag:s22], $0x4000  }
0x27: {  	[sflag:s22] =	ssyncset.done $0x0  }
0x28: {  	[sflag:s22] =	ssyncadd.s32 $0xFFFFC000  }
0x29: {  	[spmem:s9] =	stream.linear.scatter [tilespmem:s23], [sflag:$0x1], $0x4000, $0x38;
	[tilespmem:$0x1C080] =	vst v63  }
0x2a: {  	_ =	swait.ge [sflag:s22], $0x4000  }
0x2b: {  	[sflag:s22] =	ssyncset.done $0x0  }
0x2c: {  	[sflag:s22] =	ssyncadd.s32 $0xFFFFC000  }
0x2d: {  	[spmem:s10] =	stream.linear.scatter [tilespmem:s23], [sflag:$0x1], $0x4000, $0x38;
	[tilespmem:$0x1C080] =	vst v63  }
0x2e: {  	_ =	swait.ge [sflag:s22], $0x4000  }
0x2f: {  	[sflag:s22] =	ssyncset.done $0x0  }
0x30: {  	[sflag:s22] =	ssyncadd.s32 $0xFFFFC000  }
0x31: {  	s31 =	sadd.s32 $0x0, s19;
	[bflag:$0x0] =	sbarrier.arrive $0xFFFF  }
0x32: {  	[tilespmem:s3], [sflag:$0x1] =	stream.linear.gather [hbm4b:s31+s3], $0x80, $0x38;
	[tilespmem:$0x1C080] =	vst v63  }
0x33: {  	_ =	swait.ge [sflag:s22], $0x80  }
0x34: {  	[sflag:s22] =	ssyncset.done $0x0  }
0x35: {  	[sflag:s22] =	ssyncadd.s32 $0xFFFFFF80  }
0x36: {  	[spmem:s2] =	stream.indirect.scatter.add.f32 [tilespmem:s21], [sflag:$0x1], $0x80, s3, s21, $0xb8;
	[tilespmem:$0x1C080] =	vst v63  }
0x37: {  	_ =	swait.ge [sflag:s22], $0x4000  }
0x38: {  	s25 =	simm.s32 $0x10;
	s1 =	simm.s32 $0x20;
	[sflag:s22] =	ssyncset.done $0x0  }
.LBB2_2:
0x39: {  	s0 =	sadd.s32 s25, s19  }
0x3a: {  	[sflag:s22] =	ssyncadd.s32 $0xFFFFC000;
	s25 =	smov.u32 s1;
	s26 =	sadd.s32 $0x10, s1  }
0x3b: {  	[tilespmem:s3], [sflag:$0x1] =	stream.linear.gather [hbm4b:s0+s3], $0x80, $0x38;
	[tilespmem:$0x1C080] =	vst v63  }
0x3c: {  	p0 =	sne.s32 s1, $0x4F0;
	_ =	swait.ge [sflag:s22], $0x80  }
.Ltmp0:
0x3d: {  	[sflag:s22] =	ssyncset.done $0x0;
	(pc) =	sbr.rel @p0 .LBB2_2-.Ltmp0, $4  }
0x3e: {  	[sflag:s22] =	ssyncadd.s32 $0xFFFFFF80  }
0x3f: {  	[spmem:s2] =	stream.indirect.scatter.add.f32 [tilespmem:s21], [sflag:$0x1], $0x80, s3, s21, $0xb8;
	[tilespmem:$0x1C080] =	vst v63  }
0x40: {  	_ =	swait.ge [sflag:s22], $0x4000  }
0x41: {  	s1 =	smov.u32 s26;
	[sflag:s22] =	ssyncset.done $0x0  }
0x42: {  	s0 =	sadd.s32 s25, s19;
	[sflag:s22] =	ssyncadd.s32 $0xFFFFC000  }
0x43: {  	[tilespmem:s3], [sflag:$0x1] =	stream.linear.gather [hbm4b:s0+s3], $0x80, $0x38;
	[tilespmem:$0x1C080] =	vst v63  }
0x44: {  	_ =	swait.ge [sflag:s22], $0x80  }
0x45: {  	[sflag:s22] =	ssyncset.done $0x0  }
0x46: {  	[sflag:s22] =	ssyncadd.s32 $0xFFFFFF80  }
0x47: {  	[spmem:s2] =	stream.indirect.scatter.add.f32 [tilespmem:s21], [sflag:$0x1], $0x80, s3, s21, $0xb8;
	[tilespmem:$0x1C080] =	vst v63  }
0x48: {  	_ =	swait.ge [sflag:s22], $0x4000  }
0x49: {  	s1 =	stileid.u32;
	[sflag:s22] =	ssyncset.done $0x0  }
0x4a: {  	s26 =	sshrl.u32 s6, $0x3;
	s0 =	sshll.u32 s1, $0x6;
	[sflag:s22] =	ssyncadd.s32 $0xFFFFC000  }
0x4b: {  	s1 =	sadd.s32 s12, s11;
	s25 =	sor.u32 $0x1C01, s0;
	[bflag:$0x0] =	sbarrier.arrive $0xFFFF  }
0x4c: {  	[hbm:s1], [sflag:s25] =	dma.local [spmem:s26], $0x800  }
0x4d: {  	_ =	swait.ge [sflag:s22], $0x800  }
0x4e: {  	[sflag:s22] =	ssyncset.done $0x0  }
0x4f: {  	[sflag:s22] =	ssyncadd.s32 $0xFFFFF800  }
0x50: {  	[spmem:s6] =	stream.linear.scatter [tilespmem:s23], [sflag:$0x1], $0x4000, $0x38;
	[tilespmem:$0x1C080] =	vst v63  }
0x51: {  	_ =	swait.ge [sflag:s22], $0x4000  }
0x52: {  	[sflag:s22] =	ssyncset.done $0x0  }
0x53: {  	s4 =	sadd.s32 s13, s11;
	s28 =	sshrl.u32 s7, $0x3;
	[sflag:s22] =	ssyncadd.s32 $0xFFFFC000  }
0x54: {  	[hbm:s4], [sflag:s25] =	dma.local [spmem:s28], $0x800  }
0x55: {  	_ =	swait.ge [sflag:s22], $0x800  }
0x56: {  	[sflag:s22] =	ssyncset.done $0x0  }
0x57: {  	[sflag:s22] =	ssyncadd.s32 $0xFFFFF800  }
0x58: {  	[spmem:s7] =	stream.linear.scatter [tilespmem:s23], [sflag:$0x1], $0x4000, $0x38;
	[tilespmem:$0x1C080] =	vst v63  }
0x59: {  	_ =	swait.ge [sflag:s22], $0x4000  }
0x5a: {  	[sflag:s22] =	ssyncset.done $0x0  }
0x5b: {  	s5 =	sadd.s32 s14, s11;
	s29 =	sshrl.u32 s8, $0x3;
	[sflag:s22] =	ssyncadd.s32 $0xFFFFC000  }
0x5c: {  	[hbm:s5], [sflag:s25] =	dma.local [spmem:s29], $0x800  }
0x5d: {  	_ =	swait.ge [sflag:s22], $0x800  }
0x5e: {  	[sflag:s22] =	ssyncset.done $0x0  }
0x5f: {  	[sflag:s22] =	ssyncadd.s32 $0xFFFFF800  }
0x60: {  	[spmem:s8] =	stream.linear.scatter [tilespmem:s23], [sflag:$0x1], $0x4000, $0x38;
	[tilespmem:$0x1C080] =	vst v63  }
0x61: {  	_ =	swait.ge [sflag:s22], $0x4000  }
0x62: {  	[sflag:s22] =	ssyncset.done $0x0  }
0x63: {  	s30 =	sshrl.u32 s9, $0x3;
	s1 =	sadd.s32 s15, s11;
	[sflag:s22] =	ssyncadd.s32 $0xFFFFC000  }
0x64: {  	[hbm:s1], [sflag:s25] =	dma.local [spmem:s30], $0x800  }
0x65: {  	_ =	swait.ge [sflag:s22], $0x800  }
0x66: {  	[sflag:s22] =	ssyncset.done $0x0  }
0x67: {  	[sflag:s22] =	ssyncadd.s32 $0xFFFFF800  }
0x68: {  	[spmem:s9] =	stream.linear.scatter [tilespmem:s23], [sflag:$0x1], $0x4000, $0x38;
	[tilespmem:$0x1C080] =	vst v63  }
0x69: {  	_ =	swait.ge [sflag:s22], $0x4000  }
0x6a: {  	[sflag:s22] =	ssyncset.done $0x0  }
0x6b: {  	s31 =	sshrl.u32 s10, $0x3;
	s4 =	sadd.s32 s16, s11;
	[sflag:s22] =	ssyncadd.s32 $0xFFFFC000  }
0x6c: {  	[hbm:s4], [sflag:s25] =	dma.local [spmem:s31], $0x800  }
0x6d: {  	_ =	swait.ge [sflag:s22], $0x800  }
0x6e: {  	[sflag:s22] =	ssyncset.done $0x0  }
0x6f: {  	[sflag:s22] =	ssyncadd.s32 $0xFFFFF800  }
0x70: {  	[spmem:s10] =	stream.linear.scatter [tilespmem:s23], [sflag:$0x1], $0x4000, $0x38;
	[tilespmem:$0x1C080] =	vst v63  }
0x71: {  	_ =	swait.ge [sflag:s22], $0x4000  }
0x72: {  	[sflag:s22] =	ssyncset.done $0x0  }
0x73: {  	[sflag:s22] =	ssyncadd.s32 $0xFFFFC000  }
0x74: {  	s5 =	sadd.s32 $0x0, s20;
	[bflag:$0x0] =	sbarrier.arrive $0xFFFF  }
0x75: {  	[tilespmem:s3], [sflag:$0x1] =	stream.linear.gather [hbm4b:s5+s3], $0x80, $0x38;
	[tilespmem:$0x1C080] =	vst v63  }
0x76: {  	_ =	swait.ge [sflag:s22], $0x80  }
0x77: {  	[sflag:s22] =	ssyncset.done $0x0  }
0x78: {  	[sflag:s22] =	ssyncadd.s32 $0xFFFFFF80  }
0x79: {  	[spmem:s2] =	stream.indirect.scatter.add.f32 [tilespmem:s21], [sflag:$0x1], $0x80, s3, s21, $0xb8;
	[tilespmem:$0x1C080] =	vst v63  }
0x7a: {  	_ =	swait.ge [sflag:s22], $0x4000  }
0x7b: {  	s0 =	simm.s32 $0x20;
	s1 =	simm.s32 $0x10;
	[sflag:s22] =	ssyncset.done $0x0  }
.LBB2_4:
0x7c: {  	s4 =	sadd.s32 s1, s20  }
0x7d: {  	[sflag:s22] =	ssyncadd.s32 $0xFFFFC000;
	s1 =	smov.u32 s0;
	s5 =	sadd.s32 $0x10, s0  }
0x7e: {  	[tilespmem:s3], [sflag:$0x1] =	stream.linear.gather [hbm4b:s4+s3], $0x80, $0x38;
	[tilespmem:$0x1C080] =	vst v63  }
0x7f: {  	p0 =	sne.s32 s0, $0x4F0;
	_ =	swait.ge [sflag:s22], $0x80  }
.Ltmp1:
0x80: {  	[sflag:s22] =	ssyncset.done $0x0;
	(pc) =	sbr.rel @p0 .LBB2_4-.Ltmp1, $4  }
0x81: {  	[sflag:s22] =	ssyncadd.s32 $0xFFFFFF80  }
0x82: {  	[spmem:s2] =	stream.indirect.scatter.add.f32 [tilespmem:s21], [sflag:$0x1], $0x80, s3, s21, $0xb8;
	[tilespmem:$0x1C080] =	vst v63  }
0x83: {  	_ =	swait.ge [sflag:s22], $0x4000  }
0x84: {  	s0 =	smov.u32 s5;
	[sflag:s22] =	ssyncset.done $0x0  }
0x85: {  	s0 =	sadd.s32 s1, s20;
	[sflag:s22] =	ssyncadd.s32 $0xFFFFC000  }
0x86: {  	[tilespmem:s3], [sflag:$0x1] =	stream.linear.gather [hbm4b:s0+s3], $0x80, $0x38;
	[tilespmem:$0x1C080] =	vst v63  }
0x87: {  	_ =	swait.ge [sflag:s22], $0x80  }
0x88: {  	[sflag:s22] =	ssyncset.done $0x0  }
0x89: {  	[sflag:s22] =	ssyncadd.s32 $0xFFFFFF80  }
0x8a: {  	[spmem:s2] =	stream.indirect.scatter.add.f32 [tilespmem:s21], [sflag:$0x1], $0x80, s3, s21, $0xb8;
	[tilespmem:$0x1C080] =	vst v63  }
0x8b: {  	_ =	swait.ge [sflag:s22], $0x4000  }
0x8c: {  	[sflag:s22] =	ssyncset.done $0x0  }
0x8d: {  	[sflag:s22] =	ssyncadd.s32 $0xFFFFC000  }
0x8e: {  	s5 =	sadd.s32 s12, s17;
	[bflag:$0x0] =	sbarrier.arrive $0xFFFF  }
0x8f: {  	[hbm:s5], [sflag:s25] =	dma.local [spmem:s26], $0x800  }
0x90: {  	_ =	swait.ge [sflag:s22], $0x800  }
0x91: {  	[sflag:s22] =	ssyncset.done $0x0  }
0x92: {  	s26 =	sadd.s32 s13, s17;
	[sflag:s22] =	ssyncadd.s32 $0xFFFFF800  }
0x93: {  	[hbm:s26], [sflag:s25] =	dma.local [spmem:s28], $0x800  }
0x94: {  	_ =	swait.ge [sflag:s22], $0x800  }
0x95: {  	[sflag:s22] =	ssyncset.done $0x0  }
0x96: {  	s28 =	sadd.s32 s14, s17;
	[sflag:s22] =	ssyncadd.s32 $0xFFFFF800  }
0x97: {  	[hbm:s28], [sflag:s25] =	dma.local [spmem:s29], $0x800  }
0x98: {  	_ =	swait.ge [sflag:s22], $0x800  }
0x99: {  	[sflag:s22] =	ssyncset.done $0x0  }
0x9a: {  	s29 =	sadd.s32 s15, s17;
	[sflag:s22] =	ssyncadd.s32 $0xFFFFF800  }
0x9b: {  	[hbm:s29], [sflag:s25] =	dma.local [spmem:s30], $0x800  }
0x9c: {  	s24 =	sadd.s32 $0x1, s24;
	_ =	swait.ge [sflag:s22], $0x800  }
0x9d: {  	p0 =	sne.s32 s24, s18;
	[sflag:s22] =	ssyncset.done $0x0  }
.Ltmp2:
0x9e: {  	s30 =	sadd.s32 s16, s17;
	[sflag:s22] =	ssyncadd.s32 $0xFFFFF800;
	(pc) =	sbr.rel @p0 .LBB2_1-.Ltmp2, $4  }
0x9f: {  	[hbm:s30], [sflag:s25] =	dma.local [spmem:s31], $0x800  }
0xa0: {  	_ =	swait.ge [sflag:s22], $0x800  }
0xa1: {  	[sflag:s22] =	ssyncset.done $0x0  }
0xa2: {  	[sflag:s22] =	ssyncadd.s32 $0xFFFFF800  }
0xa3: {  	_ =	sfence.sel $0x180000  }
0xa4: {  	[bflag:$0x0] =	sbarrier.arrive $0xFFFF  }
0xa5: {  	_ =	strace $0x90000047  }
0xa6: {  	s0 =	stileid.u32;
	[bflag:$0x2] =	sbarrier.arrive $0xFFFF  }
0xa7: {  	p0 =	sne.s32 s0, $0x0;
	s0 =	rddreg [dreg:$0x3]  }
0xa8: {  	s0 =	sadd.s32 @!p0 $0x100000, s0  }
0xa9: {  	[sflag:s0] =	ssyncadd.tile.s32 @!p0 $0x1;
	_ =	shalt  }
.Lfunc_end2:
_tile_overlayer_lowered:
.L_overlay_start_2:
0xaa: {  	(tag) =	ssettag $0x2  }
0xab: {  	s0 =	rddreg [dreg:$0x0];
	s2 =	stileid.u32  }
0xac: {  	s1 =	rddreg [dreg:$0x1];
	p0 =	sne.s32 s2, $0x0  }
0xad: {  	s3 =	rddreg [dreg:$0x2];
	[bflag:$0x3] =	sbarrier.arrive $0xFFFF;
	s2 =	simm.s32 @!p0 $0x1C01  }
0xae: {  	[timem:s3], [sflag:s2] =	dma.local @!p0 [hbm:s0], s1  }
0xaf: {  	s0 =	simm.s32 @!p0 $0x1  }
0xb0: {  	_ =	swait.ge @!p0 [sflag:s0], s1  }
0xb1: {  	s1 =	ssub.s32 @!p0 $0x0, s1;
	[sflag:s0] =	ssyncset.done @!p0 $0x0  }
0xb2: {  	[sflag:s0] =	ssyncadd.s32 @!p0 s1  }
0xb3: {  	[bflag:$0x3] =	sbarrier.arrive $0xFFFF  }
0xb4: {  	_ =	shalt  }

// kernel: kernel.20.cloned.1.call-start
scs
__scs_entry_jumppad:
0x0: {  	(pc) =	sbr.rel $0x88, $3  }
0x1: {  	(tag) =	ssettag $0x0;
	lr =	simm.s32 $0x1  }
0x2: {  	[smem:$0x3F94] =	sst lr;
	_ =	strace $0xD0000000  }
0x3: {  	_ = 	snop  }
0x4: {  	_ = 	snop  }
0x5: {  	_ = 	snop  }
0x6: {  	_ = 	snop  }
0x7: {  	_ = 	snop  }
__scs_overlays_trampoline_lowered:
0x8: {  	[smem:$0x3FA3] =	sst s0  }
0x9: {  	[smem:$0x3FA4] =	sst s1  }
0xa: {  	[smem:$0x3FA5] =	sst s2  }
0xb: {  	[smem:$0x3FA6] =	sst s3  }
0xc: {  	[smem:$0x3FA7] =	sst s4  }
0xd: {  	[smem:$0x3FA8] =	sst s5  }
0xe: {  	[smem:$0x3FA9] =	sst s6  }
0xf: {  	[smem:$0x3FAA] =	sst s7  }
0x10: {  	[smem:$0x3FAB] =	sst s8  }
0x11: {  	[smem:$0x3FAC] =	sst s9;
	s0 =	simm.s32 @!p0 $0x0  }
0x12: {  	s1 =	sld [smem:$0x3F92];
	s0 =	simm.s32 @p0 $0x1  }
0x13: {  	[smem:$0x3FAD] =	sst s0;
	s0 =	simm.s32 @!p1 $0x0  }
0x14: {  	s2 =	sld [smem:$0x3F91];
	s0 =	simm.s32 @p1 $0x1  }
0x15: {  	[smem:$0x3FAE] =	sst s0;
	s0 =	simm.s32 @!p2 $0x0  }
0x16: {  	s3 =	sld [smem:$0x3FDB];
	s0 =	simm.s32 @p2 $0x1  }
0x17: {  	s4 =	simm.s32 $0x1BF5;
	[smem:$0x3FB0] =	sst s0  }
0x18: {  	s0 =	sld [smem:$0x3F93];
	_ =	swait.ge [sflag:s4], $0x0  }
0x19: {  	s7 =	sld [smem:$0x3F94]  }
0x1a: {  	s8 =	sadd.s32 $0xFFFFE003, lr  }
0x1b: {  	s9 =	sadd.s32 $0xFFFFFEF7, lr;
	s5 =	simm.s32 $0xFFFFFFFF;
	p2 =	slt.u32 s8, $0xFFFFF086  }
0x1c: {  	p1 =	slt.u32 s9, $0xF7A;
	s5 =	simm.s32 @!p2 $0x0  }
0x1d: {  	s5 =	simm.s32 @p1 $0x1;
	p0 =	seq.s32 s7, s2  }
0x1e: {  	s7 =	smul.u32 @!p0 $0xF7A, s2;
	p2 =	seq.s32 @!p0 s5, $0x0  }
0x1f: {  	s9 =	smul.u32 $0xF7A, s1;
	s8 =	simm.s32 @!p0 $0x1BF5;
	p2 =	por !p2, p0  }
0x20: {  	[sflag:s8] =	ssyncset.s32 @!p0 $0xFFFFF086;
	s6 =	sadd.s32 @!p0 s3, s7;
	s7 =	simm.s32 @!p0 $0x108  }
0x21: {  	s3 =	sadd.s32 s3, s9;
	s6 =	sadd.s32 @!p0 $0x88, s6;
	s7 =	simm.s32 @p2 $0x1082  }
0x22: {  	[simem:s7], [sflag:s8] =	dma.local @!p0 [hbm:s6], $0xF7A  }
0x23: {  	s9 =	sor.u32 $0xD0000000, s2;
	s6 =	simm.s32 $0x108;
	_ =	swait.ge @!p0 [sflag:s8], $0x0  }
0x24: {  	s3 =	sadd.s32 $0x88, s3;
	s6 =	simm.s32 @!p1 $0x1082;
	[sflag:s4] =	ssyncset.s32 $0xFFFFF086  }
0x25: {  	[simem:s6], [sflag:s4] =	dma.local [hbm:s3], $0xF7A  }
0x26: {  	[smem:$0x3F94] =	sst s1;
	(tag) =	ssettag s2;
	_ =	strace s9  }
0x27: {  	s1 =	sld [smem:$0x3FA4]  }
0x28: {  	s2 =	sld [smem:$0x3FA5]  }
0x29: {  	s4 =	sld [smem:$0x3FA7]  }
0x2a: {  	p0 =	seq.s32 s5, $0x0;
	s5 =	sld [smem:$0x3FA8]  }
0x2b: {  	s6 =	sld [smem:$0x3FA9]  }
0x2c: {  	s7 =	sld [smem:$0x3FAA]  }
0x2d: {  	s3 =	simm.s32 $0x108;
	s8 =	sld [smem:$0x3FAB]  }
0x2e: {  	s3 =	simm.s32 @!p0 $0x1082;
	s9 =	sld [smem:$0x3FAC]  }
0x2f: {  	lr =	sadd.s32 s0, s3;
	s0 =	sld [smem:$0x3FA3]  }
0x30: {  	s3 =	sld [smem:$0x3FA6]  }
0x31: {  	[smem:$0x3FAF] =	sst s10  }
0x32: {  	s10 =	sld [smem:$0x3FAD];
	_ =	sdelay $0x3  }
0x33: {  	p0 =	seq.s32 s10, $0x1;
	s10 =	sld [smem:$0x3FAF];
	_ =	sdelay $0x3  }
0x34: {  	[smem:$0x3FAF] =	sst s10  }
0x35: {  	s10 =	sld [smem:$0x3FAE];
	_ =	sdelay $0x3  }
0x36: {  	p1 =	seq.s32 s10, $0x1;
	s10 =	sld [smem:$0x3FAF];
	_ =	sdelay $0x3  }
0x37: {  	[smem:$0x3FAF] =	sst s10  }
0x38: {  	s10 =	sld [smem:$0x3FB0]  }
0x39: {  	_ = 	snop;
	(pc) =	sbr.ind lr, $3  }
0x3a: {  	_ = 	snop  }
0x3b: {  	_ = 	snop  }
0x3c: {  	p2 =	seq.s32 s10, $0x1;
	s10 =	sld [smem:$0x3FAF]  }
0x3d: {  	_ =	shalt  }
0x3e: {  	_ =	shalt  }
0x3f: {  	_ =	shalt  }
0x40: {  	_ =	shalt  }
0x41: {  	_ =	shalt  }
0x42: {  	_ =	shalt  }
0x43: {  	_ =	shalt  }
0x44: {  	_ =	shalt  }
0x45: {  	_ =	shalt  }
0x46: {  	_ =	shalt  }
0x47: {  	_ =	shalt  }
0x48: {  	_ =	shalt  }
0x49: {  	_ =	shalt  }
0x4a: {  	_ =	shalt  }
0x4b: {  	_ =	shalt  }
0x4c: {  	_ =	shalt  }
0x4d: {  	_ =	shalt  }
0x4e: {  	_ =	shalt  }
0x4f: {  	_ =	shalt  }
0x50: {  	_ =	shalt  }
0x51: {  	_ =	shalt  }
0x52: {  	_ =	shalt  }
0x53: {  	_ =	shalt  }
0x54: {  	_ =	shalt  }
0x55: {  	_ =	shalt  }
0x56: {  	_ =	shalt  }
0x57: {  	_ =	shalt  }
0x58: {  	_ =	shalt  }
0x59: {  	_ =	shalt  }
0x5a: {  	_ =	shalt  }
0x5b: {  	_ =	shalt  }
0x5c: {  	_ =	shalt  }
0x5d: {  	_ =	shalt  }
0x5e: {  	_ =	shalt  }
0x5f: {  	_ =	shalt  }
0x60: {  	_ =	shalt  }
0x61: {  	_ =	shalt  }
0x62: {  	_ =	shalt  }
0x63: {  	_ =	shalt  }
0x64: {  	_ =	shalt  }
0x65: {  	_ =	shalt  }
0x66: {  	_ =	shalt  }
0x67: {  	_ =	shalt  }
0x68: {  	_ =	shalt  }
0x69: {  	_ =	shalt  }
0x6a: {  	_ =	shalt  }
0x6b: {  	_ =	shalt  }
0x6c: {  	_ =	shalt  }
0x6d: {  	_ =	shalt  }
0x6e: {  	_ =	shalt  }
0x6f: {  	_ =	shalt  }
0x70: {  	_ =	shalt  }
0x71: {  	_ =	shalt  }
0x72: {  	_ =	shalt  }
0x73: {  	_ =	shalt  }
0x74: {  	_ =	shalt  }
0x75: {  	_ =	shalt  }
0x76: {  	_ =	shalt  }
0x77: {  	_ =	shalt  }
0x78: {  	_ =	shalt  }
0x79: {  	_ =	shalt  }
0x7a: {  	_ =	shalt  }
0x7b: {  	_ =	shalt  }
0x7c: {  	_ =	shalt  }
0x7d: {  	_ =	shalt  }
0x7e: {  	_ =	shalt  }
0x7f: {  	_ =	shalt  }
0x80: {  	_ =	shalt  }
0x81: {  	_ =	shalt  }
0x82: {  	_ =	shalt  }
0x83: {  	_ =	shalt  }
0x84: {  	_ =	shalt  }
0x85: {  	_ =	shalt  }
0x86: {  	_ =	shalt  }
0x87: {  	_ =	shalt  }
.Lfunc_end0:
.L_simem_size_0:
called_computation.1_lowered:
.L_overlay_start_0:
0x88: {  	s2 =	sld [smem:$0x3FD9]  }
0x89: {  	s3 =	sld [smem:$0x3FFE];
	_ =	sdelay $0x1  }
0x8a: {  	s1 =	srdreg.scid  }
0x8b: {  	s0 =	sand.u32 $0x1, s1  }
0x8c: {  	s17 =	sshll.u32 s0, $0xA;
	s2 =	sadd.s32 s3, s2  }
0x8d: {  	s2 =	sadd.s32 s2, s17  }
0x8e: {  	[smem:$0x3FBB] =	sst s2  }
0x8f: {  	_ = 	snop  }
0x90: {  	s2 =	sld [smem:$0x3FD0];
	(tm) =	ssettm $0x1  }
0x91: {  	s18 =	sld [smem:$0x3FFB];
	_ =	sdelay $0x3  }
0x92: {  	_ =	strace s18  }
0x93: {  	s3 =	sld [smem:$0x3FFC];
	_ =	sdelay $0x3  }
0x94: {  	_ =	strace s3  }
0x95: {  	s3 =	sld [smem:$0x3FFD];
	_ =	sdelay $0x3  }
0x96: {  	_ =	strace s3  }
0x97: {  	_ =	strace $0x8FFFFFFF  }
0x98: {  	s19 =	sld [smem:$0x3FDB];
	_ =	sdelay $0x1  }
0x99: {  	s4 =	simm.s32 $_scs_section_size  }
0x9a: {  	s5 =	simm.s32 $_size__tile_overlayer_lowered;
	s6 =	simm.s32 $_tile_overlayer_lowered  }
0x9b: {  	s22 =	simm.s32 $0x1BFF;
	s21 =	sshll.u32 s6, $0x1;
	s3 =	sadd.s32 s4, s19  }
0x9c: {  	s7 =	simm.s32 $0x0;
	s20 =	sshll.u32 s5, $0x1;
	s5 =	sadd.s32 s21, s3  }
0x9d: {  	[timem:s7], [sflag:s22] =	dma.local [hbm:s5], s20  }
0x9e: {  	_ =	swait.ge [sflag:s22], s20  }
0x9f: {  	s4 =	ssub.s32 $0x0, s20;
	[sflag:s22] =	ssyncset.done $0x0  }
0xa0: {  	[sflag:s22] =	ssyncadd.s32 s4;
	_ =	sdelay $0x1  }
0xa1: {  	s23 =	simm.s32 $0x1B8B  }
0xa2: {  	_ =	swait.ge [sflag:s23], $0x1  }
0xa3: {  	[sflag:s23] =	ssyncset.done $0x0  }
0xa4: {  	s25 =	simm.s32 $0x1B8E;
	s24 =	sld [smem:$0x3FFE];
	[sflag:s23] =	ssyncadd.s32 $0xFFFFFFFF  }
0xa5: {  	s26 =	simm.s32 $execute0_lowered;
	[smem:$0x3FD2] =	sst s25  }
0xa6: {  	s5 =	sshll.u32 s26, $0x1;
	_ =	strace $0x80000049;
	[dreg:$0x1] =	wrdreg $0xFFFFFFFF  }
0xa7: {  	s28 =	simm.s32 $_size_execute0_lowered;
	s3 =	sadd.s32 s3, s5;
	[dreg:$0x0] =	wrdreg $0x0  }
0xa8: {  	s5 =	sshll.u32 s28, $0x1;
	[dreg:$0x2] =	wrdreg s3  }
0xa9: {  	[dreg:$0x3] =	wrdreg s5  }
0xaa: {  	[dreg:$0x4] =	wrdreg $0xC0  }
0xab: {  	_ =	task [dreg:s7], $0x5FFFF  }
0xac: {  	[dreg:$0x1] =	wrdreg $0xFFFFFFFF  }
0xad: {  	[dreg:$0x0] =	wrdreg $0x60  }
0xae: {  	[dreg:$0x2] =	wrdreg s24  }
0xaf: {  	[dreg:$0x3] =	wrdreg s2  }
0xb0: {  	[dreg:$0x4] =	wrdreg $0x84000  }
0xb1: {  	[dreg:$0x5] =	wrdreg $0x9  }
0xb2: {  	_ =	task.clear_ibuf [dreg:s7], $0x6FFFF;
	_ =	strace $0x90000049  }
0xb3: {  	s29 =	simm.s32 $0x9;
	_ =	strace $0x8000004B  }
0xb4: {  	_ =	swait.ge [sflag:s29], $0x1  }
0xb5: {  	[sflag:s29] =	ssyncadd.s32 $0xFFFFFFFF  }
0xb6: {  	_ =	strace $0x9000004B  }
0xb7: {  	_ =	sfence  }
0xb8: {  	s30 =	sld [smem:$0x0];
	_ =	sdelay $0x2  }
0xb9: {  	s31 =	sshll.u32 s1, $0xD;
	s1 =	sshrl.u32 s1, $0x2  }
0xba: {  	s3 =	sand.u32 $0x4000, s31;
	s1 =	sadd.s32 s1, s30  }
0xbb: {  	s0 =	sor.u32 s3, s0;
	s1 =	sshll.u32 s1, $0x11  }
0xbc: {  	s0 =	sor.u32 s1, s0  }
0xbd: {  	s0 =	sadd.s32 $0x8F2B, s0  }
0xbe: {  	[sflag:s0] =	ssyncadd.remote.s32 $0x1  }
0xbf: {  	_ =	sfence.sel $0xFFFF  }
0xc0: {  	[dreg:$0x0] =	wrdreg $0xFFFFFFFF;
	(pc) =	sbr.abs _section_cstart, $3  }
0xc1: {  	[dreg:$0x1] =	wrdreg $0xFFFFFFFF  }
0xc2: {  	_ =	task.clear_ibuf [dreg:s7], $0x2FFFF;
	_ =	strace $0x9FFFFFFF  }
0xc3: {  	(tm) =	ssettm $0x7FFFFFFF  }
tec
execute0_lowered:
.L_overlay_start_1:
0x0: {  	(tag) =	ssettag $0x1  }
0x1: {  	s1 =	srdreg.scid  }
0x2: {  	s19 =	stileid.u32;
	s0 =	rddreg [dreg:$0x0]  }
0x3: {  	s28 =	simm.s32 $0x4;
	s29 =	simm.s32 $0x8;
	s10 =	smul.u32 $0x5000, s19  }
0x4: {  	s3 =	sand.u32 $0x1, s1;
	s2 =	sshll.u32 s19, $0x1;
	s25 =	smul.u32 $0x280, s19  }
0x5: {  	s1 =	simm.s32 $0x0;
	s7 =	sadd.s32 $0x7600, s0;
	s4 =	smul.u32 $0x28000, s3  }
0x6: {  	s2 =	sor.u32 s3, s2;
	s5 =	ssub.s32 $0x2, s3;
	s3 =	smul.u32 $0x2800, s3  }
0x7: {  	s8 =	sadd.s32 $0x11600, s0;
	s6 =	smul.u32 $0x2800, s2;
	s17 =	sshrl.u32 s5, $0x1  }
0x8: {  	[smem:$0x7FF] =	sst s1;
	s4 =	sadd.s32 s4, s0;
	s2 =	ssub.s32 s5, s17  }
0x9: {  	s3 =	sadd.s32 s3, s10;
	s0 =	sadd.s32 $0x1B600, s0;
	s18 =	sshrl.u32 s6, $0x3  }
0xa: {  	s10 =	sor.u32 $0x380, s3;
	s12 =	sor.u32 $0x300, s3;
	s14 =	sor.u32 $0x280, s3  }
0xb: {  	s3 =	sor.u32 $0x200, s3;
	s4 =	sadd.s32 $0x92200, s4;
	s6 =	sadd.s32 s7, s18  }
0xc: {  	s20 =	sadd.s32 s8, s18;
	s21 =	sor.u32 $0x10, s18;
	s22 =	sor.u32 $0x20, s18  }
0xd: {  	s5 =	sor.u32 $0x30, s18;
	s18 =	smul.u32 $0x2800, s19;
	s11 =	sshrl.u32 s10, $0x3  }
0xe: {  	s13 =	sshrl.u32 s12, $0x3;
	s15 =	sshrl.u32 s14, $0x3;
	[dreg:$0x4] =	wrdreg s6  }
0xf: {  	s3 =	sshrl.u32 s3, $0x3;
	[dreg:$0x5] =	wrdreg s20;
	s9 =	sadd.s32 s7, s21  }
0x10: {  	s6 =	sadd.s32 s8, s21;
	s23 =	sadd.s32 s7, s22;
	s20 =	rddreg [dreg:$0x1]  }
0x11: {  	s24 =	sadd.s32 s8, s22;
	s26 =	sadd.s32 s7, s5;
	s21 =	rddreg [dreg:$0x2]  }
0x12: {  	s5 =	sadd.s32 s8, s5;
	s10 =	sadd.s32 s11, s8;
	[dreg:$0x6] =	wrdreg s9  }
0x13: {  	s11 =	sadd.s32 s11, s7;
	s12 =	sadd.s32 s13, s8;
	[dreg:$0x7] =	wrdreg s6  }
0x14: {  	s13 =	sadd.s32 s13, s7;
	s14 =	sadd.s32 s15, s8;
	[dreg:$0x8] =	wrdreg s23  }
0x15: {  	s15 =	sadd.s32 s15, s7;
	s16 =	sadd.s32 s3, s8;
	[dreg:$0x9] =	wrdreg s24  }
0x16: {  	s17 =	sadd.s32 s3, s7;
	s3 =	sadd.s32 $0x180, s25;
	[dreg:$0xa] =	wrdreg s26  }
0x17: {  	[dreg:$0xb] =	wrdreg s5;
	s5 =	sadd.s32 $0x80, s25;
	s9 =	sadd.s32 $0x100, s25  }
0x18: {  	s6 =	sadd.s32 $0x200, s25;
	s8 =	sadd.s32 s18, s4;
	s24 =	smul.u32 $0x50000, s19  }
0x19: {  	s25 =	sshll.u32 s3, $0x4;
	[dreg:$0xc] =	wrdreg s8;
	s18 =	sshll.u32 s5, $0x4  }
0x1a: {  	s22 =	sshll.u32 s9, $0x4;
	s26 =	sshll.u32 s6, $0x4;
	s8 =	sadd.s32 s25, s4  }
0x1b: {  	s19 =	sshll.u32 s5, $0x7;
	s7 =	sadd.s32 s18, s4;
	s23 =	sadd.s32 s22, s4  }
0x1c: {  	[dreg:$0xf] =	wrdreg s8;
	s4 =	sadd.s32 s26, s4;
	s18 =	sshrl.u32 s24, $0x2  }
0x1d: {  	s31 =	sadd.s32 s19, s21;
	s22 =	sshll.u32 s9, $0x7;
	[dreg:$0xd] =	wrdreg s7  }
0x1e: {  	s24 =	sshll.u32 s6, $0x7;
	s26 =	smax.u32 s2, $0x1;
	[dreg:$0xe] =	wrdreg s23  }
0x1f: {  	s6 =	simm.s32 $0x300;
	s8 =	simm.s32 $0x380;
	[dreg:$0x10] =	wrdreg s4  }
0x20: {  	s25 =	sadd.s32 s24, s21;
	_ =	strace $0x8000004A;
	[dreg:$0x11] =	wrdreg s0  }
0x21: {  	s9 =	simm.s32 $0x400;
	s19 =	simm.s32 $0x0;
	[dreg:$0x17] =	wrdreg s25  }
0x22: {  	s30 =	sadd.s32 s18, s21;
	s5 =	sadd.s32 s22, s21;
	[dreg:$0x19] =	wrdreg s26  }
0x23: {  	s23 =	sshll.u32 s3, $0x7;
	s3 =	simm.s32 $0x80;
	[dreg:$0x12] =	wrdreg s30  }
.Ltmp0:
0x24: {  	s7 =	simm.s32 $0x180;
	[dreg:$0x13] =	wrdreg s31;
	(pc) =	sbr.rel .LBB2_1-.Ltmp0, $4  }
0x25: {  	s18 =	simm.s32 $0x9;
	s22 =	simm.s32 $0x1;
	[dreg:$0x14] =	wrdreg s5  }
0x26: {  	s24 =	simm.s32 $0x4400;
	s4 =	sadd.s32 s23, s21;
	[dreg:$0x16] =	wrdreg s10  }
0x27: {  	s23 =	simm.s32 $0x2;
	s25 =	simm.s32 $0x5;
	[dreg:$0x18] =	wrdreg s15  }
0x28: {  	s26 =	simm.s32 $0x6;
	s0 =	simm.s32 $0x7;
	[dreg:$0x15] =	wrdreg s4  }
.LBB2_3:
0x29: {  	_ =	swait.ge [sflag:s29], $0x4000  }
0x2a: {  	[sflag:s29] =	ssyncset.done $0x0  }
0x2b: {  	[sflag:s29] =	ssyncadd.s32 $0xFFFFC000  }
.LBB2_5:
0x2c: {  	s2 =	stileid.u32;
	[bflag:$0x0] =	sbarrier.arrive $0xFFFF  }
0x2d: {  	s2 =	sshll.u32 s2, $0x6;
	s30 =	rddreg [dreg:$0x12]  }
0x2e: {  	s19 =	rddreg [dreg:$0xc];
	s2 =	sor.u32 $0x1C09, s2;
	s5 =	sshrl.u32 s30, $0x3  }
0x2f: {  	[hbm:s19], [sflag:s2] =	dma.local [spmem:s5], $0x800  }
0x30: {  	_ =	swait.ge [sflag:s18], $0x800  }
0x31: {  	[sflag:s18] =	ssyncset.done $0x0;
	s31 =	rddreg [dreg:$0x13]  }
0x32: {  	s15 =	rddreg [dreg:$0xd];
	[sflag:s18] =	ssyncadd.s32 $0xFFFFF800;
	s10 =	sshrl.u32 s31, $0x3  }
0x33: {  	[hbm:s15], [sflag:s2] =	dma.local [spmem:s10], $0x800  }
0x34: {  	_ =	swait.ge [sflag:s18], $0x800  }
0x35: {  	[sflag:s18] =	ssyncset.done $0x0;
	s10 =	rddreg [dreg:$0x14]  }
0x36: {  	s15 =	rddreg [dreg:$0xe];
	[sflag:s18] =	ssyncadd.s32 $0xFFFFF800;
	s4 =	sshrl.u32 s10, $0x3  }
0x37: {  	[hbm:s15], [sflag:s2] =	dma.local [spmem:s4], $0x800  }
0x38: {  	_ =	swait.ge [sflag:s18], $0x800  }
0x39: {  	[sflag:s18] =	ssyncset.done $0x0;
	s4 =	rddreg [dreg:$0x15]  }
0x3a: {  	s15 =	rddreg [dreg:$0xf];
	[sflag:s18] =	ssyncadd.s32 $0xFFFFF800;
	s19 =	sshrl.u32 s4, $0x3  }
0x3b: {  	[hbm:s15], [sflag:s2] =	dma.local [spmem:s19], $0x800  }
0x3c: {  	s15 =	smov.u32 s14;
	_ =	swait.ge [sflag:s18], $0x800  }
0x3d: {  	s14 =	smov.u32 s13;
	[sflag:s18] =	ssyncset.done $0x0;
	s19 =	rddreg [dreg:$0x17]  }
0x3e: {  	s13 =	rddreg [dreg:$0x10];
	[sflag:s18] =	ssyncadd.s32 $0xFFFFF800;
	s5 =	sshrl.u32 s19, $0x3  }
0x3f: {  	[hbm:s13], [sflag:s2] =	dma.local [spmem:s5], $0x800  }
0x40: {  	s13 =	smov.u32 s14;
	s14 =	smov.u32 s15;
	s15 =	rddreg [dreg:$0x18]  }
0x41: {  	s5 =	smov.u32 s10;
	s10 =	rddreg [dreg:$0x16];
	_ =	swait.ge [sflag:s18], $0x800  }
0x42: {  	s2 =	rddreg [dreg:$0x1a]  }
0x43: {  	s19 =	sadd.s32 $0x1, s2;
	s2 =	rddreg [dreg:$0x19]  }
0x44: {  	p0 =	sne.s32 s19, s2  }
.Ltmp1:
0x45: {  	_ = 	snop;
	(pc) =	sbr.rel @!p0 .LBB2_6-.Ltmp1, $3  }
0x46: {  	_ =	sdelay $0x1  }
0x47: {  	[sflag:s18] =	ssyncset.done $0x0  }
0x48: {  	[sflag:s18] =	ssyncadd.s32 $0xFFFFF800  }
.LBB2_1:
0x49: {  	[dreg:$0x1a] =	wrdreg s19  }
0x4a: {  	s2 =	rddreg [dreg:$0x4]  }
0x4b: {  	[tilespmem:s1], [sflag:$0x1] =	stream.linear.gather [hbm4b:s2+s1], $0x80, $0x38;
	[tilespmem:$0x1C400] =	vst v63  }
0x4c: {  	s19 =	simm.s32 $0x200;
	s2 =	rddreg [dreg:$0x5]  }
0x4d: {  	[tilespmem:s19], [sflag:$0x1] =	stream.linear.gather [hbm4b:s2+s1], $0x80, $0x38;
	[tilespmem:$0x1C400] =	vst v63  }
0x4e: {  	s19 =	rddreg [dreg:$0x6]  }
0x4f: {  	[tilespmem:s3], [sflag:$0x2] =	stream.linear.gather [hbm4b:s19+s1], $0x80, $0x38;
	[tilespmem:$0x1C400] =	vst v63  }
0x50: {  	s2 =	rddreg [dreg:$0x7];
	s19 =	simm.s32 $0x280  }
0x51: {  	[tilespmem:s19], [sflag:$0x2] =	stream.linear.gather [hbm4b:s2+s1], $0x80, $0x38;
	[tilespmem:$0x1C400] =	vst v63  }
0x52: {  	s2 =	rddreg [dreg:$0x8];
	s19 =	simm.s32 $0x100  }
0x53: {  	[tilespmem:s19], [sflag:$0x3] =	stream.linear.gather [hbm4b:s2+s1], $0x80, $0x38;
	[tilespmem:$0x1C400] =	vst v63  }
0x54: {  	s19 =	rddreg [dreg:$0x9]  }
0x55: {  	[tilespmem:s6], [sflag:$0x3] =	stream.linear.gather [hbm4b:s19+s1], $0x80, $0x38;
	[tilespmem:$0x1C400] =	vst v63  }
0x56: {  	s19 =	rddreg [dreg:$0xa]  }
0x57: {  	[tilespmem:s7], [sflag:$0x4] =	stream.linear.gather [hbm4b:s19+s1], $0x80, $0x38;
	[tilespmem:$0x1C400] =	vst v63  }
0x58: {  	s19 =	rddreg [dreg:$0xb]  }
0x59: {  	[tilespmem:s8], [sflag:$0x4] =	stream.linear.gather [hbm4b:s19+s1], $0x80, $0x38;
	[tilespmem:$0x1C400] =	vst v63  }
0x5a: {  	s19 =	rddreg [dreg:$0x11]  }
0x5b: {  	[tilespmem:s9], [sflag:$0x9] =	stream.linear.gather [hbm4b:s19+s1], $0x4000, $0x38;
	[tilespmem:$0x1C400] =	vst v63  }
0x5c: {  	_ =	swait.ge [sflag:s18], $0x4000  }
0x5d: {  	[sflag:s18] =	ssyncset.done $0x0  }
0x5e: {  	[sflag:s18] =	ssyncadd.s32 $0xFFFFC000  }
0x5f: {  	[spmem:s30] =	stream.linear.scatter [tilespmem:s9], [sflag:$0x9], $0x4000, $0x38;
	[tilespmem:$0x1C400] =	vst v63  }
0x60: {  	_ =	swait.ge [sflag:s18], $0x4000  }
0x61: {  	[sflag:s18] =	ssyncset.done $0x0  }
0x62: {  	[sflag:s18] =	ssyncadd.s32 $0xFFFFC000  }
0x63: {  	[spmem:s31] =	stream.linear.scatter [tilespmem:s9], [sflag:$0x9], $0x4000, $0x38;
	[tilespmem:$0x1C400] =	vst v63  }
0x64: {  	_ =	swait.ge [sflag:s18], $0x4000  }
0x65: {  	[sflag:s18] =	ssyncset.done $0x0  }
0x66: {  	[sflag:s18] =	ssyncadd.s32 $0xFFFFC000  }
0x67: {  	[spmem:s5] =	stream.linear.scatter [tilespmem:s9], [sflag:$0x9], $0x4000, $0x38;
	[tilespmem:$0x1C400] =	vst v63  }
0x68: {  	_ =	swait.ge [sflag:s18], $0x4000  }
0x69: {  	[sflag:s18] =	ssyncset.done $0x0  }
0x6a: {  	[sflag:s18] =	ssyncadd.s32 $0xFFFFC000  }
0x6b: {  	[spmem:s4] =	stream.linear.scatter [tilespmem:s9], [sflag:$0x9], $0x4000, $0x38;
	[tilespmem:$0x1C400] =	vst v63  }
0x6c: {  	_ =	swait.ge [sflag:s18], $0x4000  }
0x6d: {  	[sflag:s18] =	ssyncset.done $0x0  }
0x6e: {  	s30 =	rddreg [dreg:$0x17];
	[sflag:s18] =	ssyncadd.s32 $0xFFFFC000  }
0x6f: {  	[spmem:s30] =	stream.linear.scatter [tilespmem:s9], [sflag:$0x9], $0x4000, $0x38;
	[tilespmem:$0x1C400] =	vst v63  }
0x70: {  	_ =	swait.ge [sflag:s18], $0x4000  }
0x71: {  	[sflag:s18] =	ssyncset.done $0x0  }
0x72: {  	[sflag:s18] =	ssyncadd.s32 $0xFFFFC000  }
0x73: {  	s31 =	simm.s32 $0x0;
	s4 =	simm.s32 $0x200;
	[bflag:$0x0] =	sbarrier.arrive $0xFFFF  }
.LBB2_2:
0x74: {  	_ =	swait.ge [sflag:s22], $0x80  }
0x75: {  	[sflag:s22] =	ssyncset.done $0x0  }
0x76: {  	[sflag:s22] =	ssyncadd.s32 $0xFFFFFF80  }
0x77: {  	_ =	swait.ge [sflag:s22], $0x80  }
0x78: {  	[sflag:s22] =	ssyncset.done $0x0  }
0x79: {  	[sflag:s22] =	ssyncadd.s32 $0xFFFFFF80  }
0x7a: {  	[tilespmem:s9], [sflag:$0x5] =	stream.indirect.gather [hbm4b:s20+s3], $0x80, s1, s3, $0xb8;
	[tilespmem:$0x1C400] =	vst v63  }
0x7b: {  	_ =	swait.ge [sflag:s23], $0x80  }
0x7c: {  	[sflag:s23] =	ssyncset.done $0x0  }
0x7d: {  	[sflag:s23] =	ssyncadd.s32 $0xFFFFFF80  }
0x7e: {  	_ =	swait.ge [sflag:s23], $0x80  }
0x7f: {  	[sflag:s23] =	ssyncset.done $0x0  }
0x80: {  	[sflag:s23] =	ssyncadd.s32 $0xFFFFFF80  }
0x81: {  	[tilespmem:s24], [sflag:$0x6] =	stream.indirect.gather [hbm4b:s20+s3], $0x80, s3, s3, $0xb8;
	[tilespmem:$0x1C400] =	vst v63  }
0x82: {  	_ =	swait.ge [sflag:s25], $0x4000  }
0x83: {  	[sflag:s25] =	ssyncset.done $0x0  }
0x84: {  	[sflag:s25] =	ssyncadd.s32 $0xFFFFC000  }
0x85: {  	[spmem:s21] =	stream.indirect.scatter.add.f32 [tilespmem:s9], [sflag:$0x7], $0x80, s4, s3, $0xb8;
	[tilespmem:$0x1C400] =	vst v63  }
0x86: {  	_ =	swait.ge [sflag:s26], $0x4000  }
0x87: {  	[sflag:s26] =	ssyncset.done $0x0  }
0x88: {  	s2 =	simm.s32 $0x280;
	[sflag:s26] =	ssyncadd.s32 $0xFFFFC000  }
0x89: {  	[spmem:s21] =	stream.indirect.scatter.add.f32 [tilespmem:s24], [sflag:$0x8], $0x80, s2, s3, $0xb8;
	[tilespmem:$0x1C400] =	vst v63  }
0x8a: {  	_ =	swait.ge [sflag:s0], $0x4000  }
0x8b: {  	p0 =	seq.s32 s31, $0x4C0;
	[sflag:s0] =	ssyncset.done $0x0  }
0x8c: {  	s19 =	simm.s32 @p0 $0x3;
	[sflag:s0] =	ssyncadd.s32 $0xFFFFC000  }
0x8d: {  	_ =	swait.ge @p0 [sflag:s19], $0x80  }
0x8e: {  	[sflag:s19] =	ssyncset.done @p0 $0x0  }
0x8f: {  	[sflag:s19] =	ssyncadd.s32 @p0 $0xFFFFFF80  }
0x90: {  	_ =	swait.ge @p0 [sflag:s19], $0x80  }
0x91: {  	s30 =	simm.s32 @p0 $0x100;
	[sflag:s19] =	ssyncset.done @p0 $0x0  }
0x92: {  	s5 =	simm.s32 @p0 $0x400;
	[sflag:s19] =	ssyncadd.s32 @p0 $0xFFFFFF80;
	s19 =	simm.s32 @p0 $0x80  }
0x93: {  	[tilespmem:s5], [sflag:$0x5] =	stream.indirect.gather @p0 [hbm4b:s20+s19], $0x80, s30, s19, $0xb8;
	[tilespmem:$0x1C400] =	vst v63  }
0x94: {  	s5 =	simm.s32 @p0 $0x8  }
0x95: {  	_ =	swait.ge @p0 [sflag:s5], $0x4000  }
0x96: {  	[sflag:s5] =	ssyncset.done @p0 $0x0  }
0x97: {  	s19 =	simm.s32 @!p0 $0x0;
	[sflag:s5] =	ssyncadd.s32 @p0 $0xFFFFC000;
	s5 =	sadd.s32 @!p0 s31, s17  }
0x98: {  	[tilespmem:s19], [sflag:$0x1] =	stream.linear.gather @!p0 [hbm4b:s5+s19], $0x80, $0x38;
	[tilespmem:$0x1C400] =	vst v63  }
0x99: {  	s30 =	simm.s32 @!p0 $0x200;
	s5 =	sadd.s32 @!p0 s31, s16  }
0x9a: {  	[tilespmem:s30], [sflag:$0x1] =	stream.linear.gather @!p0 [hbm4b:s5+s19], $0x80, $0x38;
	[tilespmem:$0x1C400] =	vst v63  }
0x9b: {  	s5 =	simm.s32 @!p0 $0x3  }
0x9c: {  	_ =	swait.ge @!p0 [sflag:s5], $0x80  }
0x9d: {  	[sflag:s5] =	ssyncset.done @!p0 $0x0  }
0x9e: {  	[sflag:s5] =	ssyncadd.s32 @!p0 $0xFFFFFF80  }
0x9f: {  	_ =	swait.ge @!p0 [sflag:s5], $0x80  }
0xa0: {  	s2 =	simm.s32 @!p0 $0x400;
	[sflag:s5] =	ssyncset.done @!p0 $0x0  }
0xa1: {  	s30 =	simm.s32 @!p0 $0x100;
	[sflag:s5] =	ssyncadd.s32 @!p0 $0xFFFFFF80;
	s5 =	simm.s32 @!p0 $0x80  }
0xa2: {  	[tilespmem:s2], [sflag:$0x5] =	stream.indirect.gather @!p0 [hbm4b:s20+s5], $0x80, s30, s5, $0xb8;
	[tilespmem:$0x1C400] =	vst v63  }
0xa3: {  	s2 =	simm.s32 @!p0 $0x8  }
0xa4: {  	_ =	swait.ge @!p0 [sflag:s2], $0x4000  }
0xa5: {  	[sflag:s2] =	ssyncset.done @!p0 $0x0  }
0xa6: {  	[sflag:s2] =	ssyncadd.s32 @!p0 $0xFFFFC000;
	s2 =	sadd.s32 @!p0 s31, s15  }
0xa7: {  	[tilespmem:s5], [sflag:$0x2] =	stream.linear.gather @!p0 [hbm4b:s2+s19], $0x80, $0x38;
	[tilespmem:$0x1C400] =	vst v63  }
0xa8: {  	s2 =	sadd.s32 @!p0 s31, s14;
	s5 =	simm.s32 @!p0 $0x280  }
0xa9: {  	[tilespmem:s5], [sflag:$0x2] =	stream.linear.gather @!p0 [hbm4b:s2+s19], $0x80, $0x38;
	[tilespmem:$0x1C400] =	vst v63  }
0xaa: {  	_ =	swait.ge [sflag:s28], $0x80  }
0xab: {  	[sflag:s28] =	ssyncset.done $0x0  }
0xac: {  	[sflag:s28] =	ssyncadd.s32 $0xFFFFFF80  }
0xad: {  	_ =	swait.ge [sflag:s28], $0x80  }
0xae: {  	[sflag:s28] =	ssyncset.done $0x0  }
0xaf: {  	[sflag:s28] =	ssyncadd.s32 $0xFFFFFF80  }
0xb0: {  	[tilespmem:s24], [sflag:$0x6] =	stream.indirect.gather [hbm4b:s20+s3], $0x80, s7, s3, $0xb8;
	[tilespmem:$0x1C400] =	vst v63  }
0xb1: {  	_ =	swait.ge [sflag:s25], $0x4000  }
0xb2: {  	[sflag:s25] =	ssyncset.done $0x0  }
0xb3: {  	[sflag:s25] =	ssyncadd.s32 $0xFFFFC000  }
0xb4: {  	[spmem:s21] =	stream.indirect.scatter.add.f32 [tilespmem:s9], [sflag:$0x7], $0x80, s6, s3, $0xb8;
	[tilespmem:$0x1C400] =	vst v63  }
0xb5: {  	_ =	swait.ge [sflag:s26], $0x4000  }
0xb6: {  	p0 =	sne.s32 s31, $0x4C0;
	[sflag:s26] =	ssyncset.done $0x0  }
.Ltmp2:
0xb7: {  	[sflag:s26] =	ssyncadd.s32 $0xFFFFC000;
	(pc) =	sbr.rel @!p0 .LBB2_3-.Ltmp2, $4  }
0xb8: {  	[spmem:s21] =	stream.indirect.scatter.add.f32 [tilespmem:s24], [sflag:$0x8], $0x80, s8, s3, $0xb8;
	[tilespmem:$0x1C400] =	vst v63  }
0xb9: {  	_ =	swait.ge [sflag:s0], $0x4000  }
0xba: {  	[sflag:s0] =	ssyncset.done $0x0  }
0xbb: {  	[sflag:s0] =	ssyncadd.s32 $0xFFFFC000  }
0xbc: {  	s2 =	sadd.s32 s31, s13;
	s5 =	simm.s32 $0x100;
	s19 =	sadd.s32 s31, s11  }
0xbd: {  	[tilespmem:s5], [sflag:$0x3] =	stream.linear.gather [hbm4b:s2+s1], $0x80, $0x38;
	[tilespmem:$0x1C400] =	vst v63  }
0xbe: {  	s30 =	sadd.s32 s31, s10;
	s5 =	sadd.s32 s31, s12;
	s31 =	sadd.s32 $0x40, s31  }
0xbf: {  	[tilespmem:s6], [sflag:$0x3] =	stream.linear.gather [hbm4b:s5+s1], $0x80, $0x38;
	[tilespmem:$0x1C400] =	vst v63  }
0xc0: {  	p0 =	sne.s32 s31, $0x500;
	_ =	swait.ge [sflag:s29], $0x4000  }
.Ltmp3:
0xc1: {  	[sflag:s29] =	ssyncset.done $0x0;
	(pc) =	sbr.rel @p0 .LBB2_2-.Ltmp3, $4  }
.Ltmp4:
0xc2: {  	[sflag:s29] =	ssyncadd.s32 $0xFFFFC000;
	(pc) =	sbr.rel @!p0 .LBB2_5-.Ltmp4, $4  }
0xc3: {  	[tilespmem:s7], [sflag:$0x4] =	stream.linear.gather [hbm4b:s19+s1], $0x80, $0x38;
	[tilespmem:$0x1C400] =	vst v63  }
0xc4: {  	_ = 	snop  }
0xc5: {  	[tilespmem:s8], [sflag:$0x4] =	stream.linear.gather [hbm4b:s30+s1], $0x80, $0x38;
	[tilespmem:$0x1C400] =	vst v63  }
0xc6: {  	_ = 	snop  }
.LBB2_6:
0xc7: {  	_ =	sfence.sel $0x180000  }
0xc8: {  	[bflag:$0x0] =	sbarrier.arrive $0xFFFF  }
0xc9: {  	_ =	strace $0x9000004A  }
0xca: {  	s0 =	stileid.u32;
	[bflag:$0x2] =	sbarrier.arrive $0xFFFF  }
0xcb: {  	p0 =	sne.s32 s0, $0x0;
	s0 =	rddreg [dreg:$0x3]  }
0xcc: {  	s0 =	sadd.s32 @!p0 $0x100000, s0  }
0xcd: {  	[sflag:s0] =	ssyncadd.tile.s32 @!p0 $0x1;
	_ =	shalt  }
.Lfunc_end2:
_tile_overlayer_lowered:
.L_overlay_start_2:
0xce: {  	(tag) =	ssettag $0x2  }
0xcf: {  	s0 =	rddreg [dreg:$0x0];
	s2 =	stileid.u32  }
0xd0: {  	s1 =	rddreg [dreg:$0x1];
	p0 =	sne.s32 s2, $0x0  }
0xd1: {  	s3 =	rddreg [dreg:$0x2];
	[bflag:$0x3] =	sbarrier.arrive $0xFFFF;
	s2 =	simm.s32 @!p0 $0x1C09  }
0xd2: {  	[timem:s3], [sflag:s2] =	dma.local @!p0 [hbm:s0], s1  }
0xd3: {  	s0 =	simm.s32 @!p0 $0x9  }
0xd4: {  	_ =	swait.ge @!p0 [sflag:s0], s1  }
0xd5: {  	s1 =	ssub.s32 @!p0 $0x0, s1;
	[sflag:s0] =	ssyncset.done @!p0 $0x0  }
0xd6: {  	[sflag:s0] =	ssyncadd.s32 @!p0 s1  }
0xd7: {  	[bflag:$0x3] =	sbarrier.arrive $0xFFFF  }
0xd8: {  	_ =	shalt  }

// kernel: kernel.23.cloned.1.call-start
scs
__scs_entry_jumppad:
0x0: {  	(pc) =	sbr.rel $0x88, $3  }
0x1: {  	(tag) =	ssettag $0x0;
	lr =	simm.s32 $0x1  }
0x2: {  	[smem:$0x3F94] =	sst lr;
	_ =	strace $0xD0000000  }
0x3: {  	_ = 	snop  }
0x4: {  	_ = 	snop  }
0x5: {  	_ = 	snop  }
0x6: {  	_ = 	snop  }
0x7: {  	_ = 	snop  }
__scs_overlays_trampoline_lowered:
0x8: {  	[smem:$0x3FA3] =	sst s0  }
0x9: {  	[smem:$0x3FA4] =	sst s1  }
0xa: {  	[smem:$0x3FA5] =	sst s2  }
0xb: {  	[smem:$0x3FA6] =	sst s3  }
0xc: {  	[smem:$0x3FA7] =	sst s4  }
0xd: {  	[smem:$0x3FA8] =	sst s5  }
0xe: {  	[smem:$0x3FA9] =	sst s6  }
0xf: {  	[smem:$0x3FAA] =	sst s7  }
0x10: {  	[smem:$0x3FAB] =	sst s8  }
0x11: {  	[smem:$0x3FAC] =	sst s9;
	s0 =	simm.s32 @!p0 $0x0  }
0x12: {  	s1 =	sld [smem:$0x3F92];
	s0 =	simm.s32 @p0 $0x1  }
0x13: {  	[smem:$0x3FAD] =	sst s0;
	s0 =	simm.s32 @!p1 $0x0  }
0x14: {  	s2 =	sld [smem:$0x3F91];
	s0 =	simm.s32 @p1 $0x1  }
0x15: {  	[smem:$0x3FAE] =	sst s0;
	s0 =	simm.s32 @!p2 $0x0  }
0x16: {  	s3 =	sld [smem:$0x3FDB];
	s0 =	simm.s32 @p2 $0x1  }
0x17: {  	s4 =	simm.s32 $0x1BF5;
	[smem:$0x3FB0] =	sst s0  }
0x18: {  	s0 =	sld [smem:$0x3F93];
	_ =	swait.ge [sflag:s4], $0x0  }
0x19: {  	s7 =	sld [smem:$0x3F94]  }
0x1a: {  	s8 =	sadd.s32 $0xFFFFE003, lr  }
0x1b: {  	s9 =	sadd.s32 $0xFFFFFEF7, lr;
	s5 =	simm.s32 $0xFFFFFFFF;
	p2 =	slt.u32 s8, $0xFFFFF086  }
0x1c: {  	p1 =	slt.u32 s9, $0xF7A;
	s5 =	simm.s32 @!p2 $0x0  }
0x1d: {  	s5 =	simm.s32 @p1 $0x1;
	p0 =	seq.s32 s7, s2  }
0x1e: {  	s7 =	smul.u32 @!p0 $0xF7A, s2;
	p2 =	seq.s32 @!p0 s5, $0x0  }
0x1f: {  	s9 =	smul.u32 $0xF7A, s1;
	s8 =	simm.s32 @!p0 $0x1BF5;
	p2 =	por !p2, p0  }
0x20: {  	[sflag:s8] =	ssyncset.s32 @!p0 $0xFFFFF086;
	s6 =	sadd.s32 @!p0 s3, s7;
	s7 =	simm.s32 @!p0 $0x108  }
0x21: {  	s3 =	sadd.s32 s3, s9;
	s6 =	sadd.s32 @!p0 $0x88, s6;
	s7 =	simm.s32 @p2 $0x1082  }
0x22: {  	[simem:s7], [sflag:s8] =	dma.local @!p0 [hbm:s6], $0xF7A  }
0x23: {  	s9 =	sor.u32 $0xD0000000, s2;
	s6 =	simm.s32 $0x108;
	_ =	swait.ge @!p0 [sflag:s8], $0x0  }
0x24: {  	s3 =	sadd.s32 $0x88, s3;
	s6 =	simm.s32 @!p1 $0x1082;
	[sflag:s4] =	ssyncset.s32 $0xFFFFF086  }
0x25: {  	[simem:s6], [sflag:s4] =	dma.local [hbm:s3], $0xF7A  }
0x26: {  	[smem:$0x3F94] =	sst s1;
	(tag) =	ssettag s2;
	_ =	strace s9  }
0x27: {  	s1 =	sld [smem:$0x3FA4]  }
0x28: {  	s2 =	sld [smem:$0x3FA5]  }
0x29: {  	s4 =	sld [smem:$0x3FA7]  }
0x2a: {  	p0 =	seq.s32 s5, $0x0;
	s5 =	sld [smem:$0x3FA8]  }
0x2b: {  	s6 =	sld [smem:$0x3FA9]  }
0x2c: {  	s7 =	sld [smem:$0x3FAA]  }
0x2d: {  	s3 =	simm.s32 $0x108;
	s8 =	sld [smem:$0x3FAB]  }
0x2e: {  	s3 =	simm.s32 @!p0 $0x1082;
	s9 =	sld [smem:$0x3FAC]  }
0x2f: {  	lr =	sadd.s32 s0, s3;
	s0 =	sld [smem:$0x3FA3]  }
0x30: {  	s3 =	sld [smem:$0x3FA6]  }
0x31: {  	[smem:$0x3FAF] =	sst s10  }
0x32: {  	s10 =	sld [smem:$0x3FAD];
	_ =	sdelay $0x3  }
0x33: {  	p0 =	seq.s32 s10, $0x1;
	s10 =	sld [smem:$0x3FAF];
	_ =	sdelay $0x3  }
0x34: {  	[smem:$0x3FAF] =	sst s10  }
0x35: {  	s10 =	sld [smem:$0x3FAE];
	_ =	sdelay $0x3  }
0x36: {  	p1 =	seq.s32 s10, $0x1;
	s10 =	sld [smem:$0x3FAF];
	_ =	sdelay $0x3  }
0x37: {  	[smem:$0x3FAF] =	sst s10  }
0x38: {  	s10 =	sld [smem:$0x3FB0]  }
0x39: {  	_ = 	snop;
	(pc) =	sbr.ind lr, $3  }
0x3a: {  	_ = 	snop  }
0x3b: {  	_ = 	snop  }
0x3c: {  	p2 =	seq.s32 s10, $0x1;
	s10 =	sld [smem:$0x3FAF]  }
0x3d: {  	_ =	shalt  }
0x3e: {  	_ =	shalt  }
0x3f: {  	_ =	shalt  }
0x40: {  	_ =	shalt  }
0x41: {  	_ =	shalt  }
0x42: {  	_ =	shalt  }
0x43: {  	_ =	shalt  }
0x44: {  	_ =	shalt  }
0x45: {  	_ =	shalt  }
0x46: {  	_ =	shalt  }
0x47: {  	_ =	shalt  }
0x48: {  	_ =	shalt  }
0x49: {  	_ =	shalt  }
0x4a: {  	_ =	shalt  }
0x4b: {  	_ =	shalt  }
0x4c: {  	_ =	shalt  }
0x4d: {  	_ =	shalt  }
0x4e: {  	_ =	shalt  }
0x4f: {  	_ =	shalt  }
0x50: {  	_ =	shalt  }
0x51: {  	_ =	shalt  }
0x52: {  	_ =	shalt  }
0x53: {  	_ =	shalt  }
0x54: {  	_ =	shalt  }
0x55: {  	_ =	shalt  }
0x56: {  	_ =	shalt  }
0x57: {  	_ =	shalt  }
0x58: {  	_ =	shalt  }
0x59: {  	_ =	shalt  }
0x5a: {  	_ =	shalt  }
0x5b: {  	_ =	shalt  }
0x5c: {  	_ =	shalt  }
0x5d: {  	_ =	shalt  }
0x5e: {  	_ =	shalt  }
0x5f: {  	_ =	shalt  }
0x60: {  	_ =	shalt  }
0x61: {  	_ =	shalt  }
0x62: {  	_ =	shalt  }
0x63: {  	_ =	shalt  }
0x64: {  	_ =	shalt  }
0x65: {  	_ =	shalt  }
0x66: {  	_ =	shalt  }
0x67: {  	_ =	shalt  }
0x68: {  	_ =	shalt  }
0x69: {  	_ =	shalt  }
0x6a: {  	_ =	shalt  }
0x6b: {  	_ =	shalt  }
0x6c: {  	_ =	shalt  }
0x6d: {  	_ =	shalt  }
0x6e: {  	_ =	shalt  }
0x6f: {  	_ =	shalt  }
0x70: {  	_ =	shalt  }
0x71: {  	_ =	shalt  }
0x72: {  	_ =	shalt  }
0x73: {  	_ =	shalt  }
0x74: {  	_ =	shalt  }
0x75: {  	_ =	shalt  }
0x76: {  	_ =	shalt  }
0x77: {  	_ =	shalt  }
0x78: {  	_ =	shalt  }
0x79: {  	_ =	shalt  }
0x7a: {  	_ =	shalt  }
0x7b: {  	_ =	shalt  }
0x7c: {  	_ =	shalt  }
0x7d: {  	_ =	shalt  }
0x7e: {  	_ =	shalt  }
0x7f: {  	_ =	shalt  }
0x80: {  	_ =	shalt  }
0x81: {  	_ =	shalt  }
0x82: {  	_ =	shalt  }
0x83: {  	_ =	shalt  }
0x84: {  	_ =	shalt  }
0x85: {  	_ =	shalt  }
0x86: {  	_ =	shalt  }
0x87: {  	_ =	shalt  }
.Lfunc_end0:
.L_simem_size_0:
called_computation.2_lowered:
.L_overlay_start_0:
0x88: {  	s2 =	sld [smem:$0x3FD9]  }
0x89: {  	s3 =	sld [smem:$0x3FFE];
	_ =	sdelay $0x1  }
0x8a: {  	s1 =	srdreg.scid  }
0x8b: {  	s0 =	sand.u32 $0x1, s1  }
0x8c: {  	s17 =	sshll.u32 s0, $0xA;
	s2 =	sadd.s32 s3, s2  }
0x8d: {  	s2 =	sadd.s32 s2, s17  }
0x8e: {  	[smem:$0x3FBB] =	sst s2  }
0x8f: {  	_ = 	snop  }
0x90: {  	s2 =	sld [smem:$0x3FD0];
	(tm) =	ssettm $0x1  }
0x91: {  	s18 =	sld [smem:$0x3FFB];
	_ =	sdelay $0x3  }
0x92: {  	_ =	strace s18  }
0x93: {  	s3 =	sld [smem:$0x3FFC];
	_ =	sdelay $0x3  }
0x94: {  	_ =	strace s3  }
0x95: {  	s3 =	sld [smem:$0x3FFD];
	_ =	sdelay $0x3  }
0x96: {  	_ =	strace s3  }
0x97: {  	_ =	strace $0x8FFFFFFF  }
0x98: {  	s19 =	sld [smem:$0x3FDB];
	_ =	sdelay $0x1  }
0x99: {  	s4 =	simm.s32 $_scs_section_size  }
0x9a: {  	s5 =	simm.s32 $_size__tile_overlayer_lowered;
	s6 =	simm.s32 $_tile_overlayer_lowered  }
0x9b: {  	s22 =	simm.s32 $0x1BFF;
	s21 =	sshll.u32 s6, $0x1;
	s3 =	sadd.s32 s4, s19  }
0x9c: {  	s7 =	simm.s32 $0x0;
	s20 =	sshll.u32 s5, $0x1;
	s5 =	sadd.s32 s21, s3  }
0x9d: {  	[timem:s7], [sflag:s22] =	dma.local [hbm:s5], s20  }
0x9e: {  	_ =	swait.ge [sflag:s22], s20  }
0x9f: {  	s4 =	ssub.s32 $0x0, s20;
	[sflag:s22] =	ssyncset.done $0x0  }
0xa0: {  	[sflag:s22] =	ssyncadd.s32 s4;
	_ =	sdelay $0x1  }
0xa1: {  	s23 =	simm.s32 $0x1B8B  }
0xa2: {  	_ =	swait.ge [sflag:s23], $0x1  }
0xa3: {  	[sflag:s23] =	ssyncset.done $0x0  }
0xa4: {  	s25 =	simm.s32 $0x1B8E;
	s24 =	sld [smem:$0x3FFE];
	[sflag:s23] =	ssyncadd.s32 $0xFFFFFFFF  }
0xa5: {  	s26 =	simm.s32 $execute0_lowered;
	[smem:$0x3FD2] =	sst s25  }
0xa6: {  	s5 =	sshll.u32 s26, $0x1;
	_ =	strace $0x8000004C;
	[dreg:$0x1] =	wrdreg $0xFFFFFFFF  }
0xa7: {  	s28 =	simm.s32 $_size_execute0_lowered;
	s3 =	sadd.s32 s3, s5;
	[dreg:$0x0] =	wrdreg $0x0  }
0xa8: {  	s5 =	sshll.u32 s28, $0x1;
	[dreg:$0x2] =	wrdreg s3  }
0xa9: {  	[dreg:$0x3] =	wrdreg s5  }
0xaa: {  	[dreg:$0x4] =	wrdreg $0xC0  }
0xab: {  	_ =	task [dreg:s7], $0x5FFFF  }
0xac: {  	[dreg:$0x1] =	wrdreg $0xFFFFFFFF  }
0xad: {  	[dreg:$0x0] =	wrdreg $0x60  }
0xae: {  	[dreg:$0x2] =	wrdreg s24  }
0xaf: {  	[dreg:$0x3] =	wrdreg s2  }
0xb0: {  	[dreg:$0x4] =	wrdreg $0x84000  }
0xb1: {  	[dreg:$0x5] =	wrdreg $0x9  }
0xb2: {  	_ =	task.clear_ibuf [dreg:s7], $0x6FFFF;
	_ =	strace $0x9000004C  }
0xb3: {  	s29 =	simm.s32 $0x9;
	_ =	strace $0x8000004E  }
0xb4: {  	_ =	swait.ge [sflag:s29], $0x1  }
0xb5: {  	[sflag:s29] =	ssyncadd.s32 $0xFFFFFFFF  }
0xb6: {  	_ =	strace $0x9000004E  }
0xb7: {  	_ =	sfence  }
0xb8: {  	s30 =	sld [smem:$0x0];
	_ =	sdelay $0x2  }
0xb9: {  	s31 =	sshll.u32 s1, $0xD;
	s1 =	sshrl.u32 s1, $0x2  }
0xba: {  	s3 =	sand.u32 $0x4000, s31;
	s1 =	sadd.s32 s1, s30  }
0xbb: {  	s0 =	sor.u32 s3, s0;
	s1 =	sshll.u32 s1, $0x11  }
0xbc: {  	s0 =	sor.u32 s1, s0  }
0xbd: {  	s0 =	sadd.s32 $0x8F2B, s0  }
0xbe: {  	[sflag:s0] =	ssyncadd.remote.s32 $0x1  }
0xbf: {  	_ =	sfence.sel $0xFFFF  }
0xc0: {  	[dreg:$0x0] =	wrdreg $0xFFFFFFFF;
	(pc) =	sbr.abs _section_cstart, $3  }
0xc1: {  	[dreg:$0x1] =	wrdreg $0xFFFFFFFF  }
0xc2: {  	_ =	task.clear_ibuf [dreg:s7], $0x2FFFF;
	_ =	strace $0x9FFFFFFF  }
0xc3: {  	(tm) =	ssettm $0x7FFFFFFF  }
tec
execute0_lowered:
.L_overlay_start_1:
0x0: {  	(tag) =	ssettag $0x1  }
0x1: {  	s1 =	srdreg.scid  }
0x2: {  	s19 =	stileid.u32;
	s0 =	rddreg [dreg:$0x0]  }
0x3: {  	s28 =	simm.s32 $0x4;
	s29 =	simm.s32 $0x8;
	s10 =	smul.u32 $0x5000, s19  }
0x4: {  	s3 =	sand.u32 $0x1, s1;
	s2 =	sshll.u32 s19, $0x1;
	s25 =	smul.u32 $0x280, s19  }
0x5: {  	s1 =	simm.s32 $0x0;
	s7 =	sadd.s32 $0x7600, s0;
	s4 =	smul.u32 $0x28000, s3  }
0x6: {  	s2 =	sor.u32 s3, s2;
	s5 =	ssub.s32 $0x2, s3;
	s3 =	smul.u32 $0x2800, s3  }
0x7: {  	s8 =	sadd.s32 $0x11600, s0;
	s6 =	smul.u32 $0x2800, s2;
	s17 =	sshrl.u32 s5, $0x1  }
0x8: {  	[smem:$0x7FF] =	sst s1;
	s4 =	sadd.s32 s4, s0;
	s2 =	ssub.s32 s5, s17  }
0x9: {  	s3 =	sadd.s32 s3, s10;
	s0 =	sadd.s32 $0x1B600, s0;
	s18 =	sshrl.u32 s6, $0x3  }
0xa: {  	s10 =	sor.u32 $0x380, s3;
	s12 =	sor.u32 $0x300, s3;
	s14 =	sor.u32 $0x280, s3  }
0xb: {  	s3 =	sor.u32 $0x200, s3;
	s4 =	sadd.s32 $0x6B000, s4;
	s6 =	sadd.s32 s7, s18  }
0xc: {  	s20 =	sadd.s32 s8, s18;
	s21 =	sor.u32 $0x10, s18;
	s22 =	sor.u32 $0x20, s18  }
0xd: {  	s5 =	sor.u32 $0x30, s18;
	s18 =	smul.u32 $0x2800, s19;
	s11 =	sshrl.u32 s10, $0x3  }
0xe: {  	s13 =	sshrl.u32 s12, $0x3;
	s15 =	sshrl.u32 s14, $0x3;
	[dreg:$0x4] =	wrdreg s6  }
0xf: {  	s3 =	sshrl.u32 s3, $0x3;
	[dreg:$0x5] =	wrdreg s20;
	s9 =	sadd.s32 s7, s21  }
0x10: {  	s6 =	sadd.s32 s8, s21;
	s23 =	sadd.s32 s7, s22;
	s20 =	rddreg [dreg:$0x1]  }
0x11: {  	s24 =	sadd.s32 s8, s22;
	s26 =	sadd.s32 s7, s5;
	s21 =	rddreg [dreg:$0x2]  }
0x12: {  	s5 =	sadd.s32 s8, s5;
	s10 =	sadd.s32 s11, s8;
	[dreg:$0x6] =	wrdreg s9  }
0x13: {  	s11 =	sadd.s32 s11, s7;
	s12 =	sadd.s32 s13, s8;
	[dreg:$0x7] =	wrdreg s6  }
0x14: {  	s13 =	sadd.s32 s13, s7;
	s14 =	sadd.s32 s15, s8;
	[dreg:$0x8] =	wrdreg s23  }
0x15: {  	s15 =	sadd.s32 s15, s7;
	s16 =	sadd.s32 s3, s8;
	[dreg:$0x9] =	wrdreg s24  }
0x16: {  	s17 =	sadd.s32 s3, s7;
	s3 =	sadd.s32 $0x180, s25;
	[dreg:$0xa] =	wrdreg s26  }
0x17: {  	[dreg:$0xb] =	wrdreg s5;
	s5 =	sadd.s32 $0x80, s25;
	s9 =	sadd.s32 $0x100, s25  }
0x18: {  	s6 =	sadd.s32 $0x200, s25;
	s8 =	sadd.s32 s18, s4;
	s24 =	smul.u32 $0x50000, s19  }
0x19: {  	s25 =	sshll.u32 s3, $0x4;
	[dreg:$0xc] =	wrdreg s8;
	s18 =	sshll.u32 s5, $0x4  }
0x1a: {  	s22 =	sshll.u32 s9, $0x4;
	s26 =	sshll.u32 s6, $0x4;
	s8 =	sadd.s32 s25, s4  }
0x1b: {  	s19 =	sshll.u32 s5, $0x7;
	s7 =	sadd.s32 s18, s4;
	s23 =	sadd.s32 s22, s4  }
0x1c: {  	[dreg:$0xf] =	wrdreg s8;
	s4 =	sadd.s32 s26, s4;
	s18 =	sshrl.u32 s24, $0x2  }
0x1d: {  	s31 =	sadd.s32 s19, s21;
	s22 =	sshll.u32 s9, $0x7;
	[dreg:$0xd] =	wrdreg s7  }
0x1e: {  	s24 =	sshll.u32 s6, $0x7;
	s26 =	smax.u32 s2, $0x1;
	[dreg:$0xe] =	wrdreg s23  }
0x1f: {  	s6 =	simm.s32 $0x300;
	s8 =	simm.s32 $0x380;
	[dreg:$0x10] =	wrdreg s4  }
0x20: {  	s25 =	sadd.s32 s24, s21;
	_ =	strace $0x8000004D;
	[dreg:$0x11] =	wrdreg s0  }
0x21: {  	s9 =	simm.s32 $0x400;
	s19 =	simm.s32 $0x0;
	[dreg:$0x17] =	wrdreg s25  }
0x22: {  	s30 =	sadd.s32 s18, s21;
	s5 =	sadd.s32 s22, s21;
	[dreg:$0x19] =	wrdreg s26  }
0x23: {  	s23 =	sshll.u32 s3, $0x7;
	s3 =	simm.s32 $0x80;
	[dreg:$0x12] =	wrdreg s30  }
.Ltmp0:
0x24: {  	s7 =	simm.s32 $0x180;
	[dreg:$0x13] =	wrdreg s31;
	(pc) =	sbr.rel .LBB2_1-.Ltmp0, $4  }
0x25: {  	s18 =	simm.s32 $0x9;
	s22 =	simm.s32 $0x1;
	[dreg:$0x14] =	wrdreg s5  }
0x26: {  	s24 =	simm.s32 $0x4400;
	s4 =	sadd.s32 s23, s21;
	[dreg:$0x16] =	wrdreg s10  }
0x27: {  	s23 =	simm.s32 $0x2;
	s25 =	simm.s32 $0x5;
	[dreg:$0x18] =	wrdreg s15  }
0x28: {  	s26 =	simm.s32 $0x6;
	s0 =	simm.s32 $0x7;
	[dreg:$0x15] =	wrdreg s4  }
.LBB2_3:
0x29: {  	_ =	swait.ge [sflag:s29], $0x4000  }
0x2a: {  	[sflag:s29] =	ssyncset.done $0x0  }
0x2b: {  	[sflag:s29] =	ssyncadd.s32 $0xFFFFC000  }
.LBB2_5:
0x2c: {  	s2 =	stileid.u32;
	[bflag:$0x0] =	sbarrier.arrive $0xFFFF  }
0x2d: {  	s2 =	sshll.u32 s2, $0x6;
	s30 =	rddreg [dreg:$0x12]  }
0x2e: {  	s19 =	rddreg [dreg:$0xc];
	s2 =	sor.u32 $0x1C09, s2;
	s5 =	sshrl.u32 s30, $0x3  }
0x2f: {  	[hbm:s19], [sflag:s2] =	dma.local [spmem:s5], $0x800  }
0x30: {  	_ =	swait.ge [sflag:s18], $0x800  }
0x31: {  	[sflag:s18] =	ssyncset.done $0x0;
	s31 =	rddreg [dreg:$0x13]  }
0x32: {  	s15 =	rddreg [dreg:$0xd];
	[sflag:s18] =	ssyncadd.s32 $0xFFFFF800;
	s10 =	sshrl.u32 s31, $0x3  }
0x33: {  	[hbm:s15], [sflag:s2] =	dma.local [spmem:s10], $0x800  }
0x34: {  	_ =	swait.ge [sflag:s18], $0x800  }
0x35: {  	[sflag:s18] =	ssyncset.done $0x0;
	s10 =	rddreg [dreg:$0x14]  }
0x36: {  	s15 =	rddreg [dreg:$0xe];
	[sflag:s18] =	ssyncadd.s32 $0xFFFFF800;
	s4 =	sshrl.u32 s10, $0x3  }
0x37: {  	[hbm:s15], [sflag:s2] =	dma.local [spmem:s4], $0x800  }
0x38: {  	_ =	swait.ge [sflag:s18], $0x800  }
0x39: {  	[sflag:s18] =	ssyncset.done $0x0;
	s4 =	rddreg [dreg:$0x15]  }
0x3a: {  	s15 =	rddreg [dreg:$0xf];
	[sflag:s18] =	ssyncadd.s32 $0xFFFFF800;
	s19 =	sshrl.u32 s4, $0x3  }
0x3b: {  	[hbm:s15], [sflag:s2] =	dma.local [spmem:s19], $0x800  }
0x3c: {  	s15 =	smov.u32 s14;
	_ =	swait.ge [sflag:s18], $0x800  }
0x3d: {  	s14 =	smov.u32 s13;
	[sflag:s18] =	ssyncset.done $0x0;
	s19 =	rddreg [dreg:$0x17]  }
0x3e: {  	s13 =	rddreg [dreg:$0x10];
	[sflag:s18] =	ssyncadd.s32 $0xFFFFF800;
	s5 =	sshrl.u32 s19, $0x3  }
0x3f: {  	[hbm:s13], [sflag:s2] =	dma.local [spmem:s5], $0x800  }
0x40: {  	s13 =	smov.u32 s14;
	s14 =	smov.u32 s15;
	s15 =	rddreg [dreg:$0x18]  }
0x41: {  	s5 =	smov.u32 s10;
	s10 =	rddreg [dreg:$0x16];
	_ =	swait.ge [sflag:s18], $0x800  }
0x42: {  	s2 =	rddreg [dreg:$0x1a]  }
0x43: {  	s19 =	sadd.s32 $0x1, s2;
	s2 =	rddreg [dreg:$0x19]  }
0x44: {  	p0 =	sne.s32 s19, s2  }
.Ltmp1:
0x45: {  	_ = 	snop;
	(pc) =	sbr.rel @!p0 .LBB2_6-.Ltmp1, $3  }
0x46: {  	_ =	sdelay $0x1  }
0x47: {  	[sflag:s18] =	ssyncset.done $0x0  }
0x48: {  	[sflag:s18] =	ssyncadd.s32 $0xFFFFF800  }
.LBB2_1:
0x49: {  	[dreg:$0x1a] =	wrdreg s19  }
0x4a: {  	s2 =	rddreg [dreg:$0x4]  }
0x4b: {  	[tilespmem:s1], [sflag:$0x1] =	stream.linear.gather [hbm4b:s2+s1], $0x80, $0x38;
	[tilespmem:$0x1C400] =	vst v63  }
0x4c: {  	s19 =	simm.s32 $0x200;
	s2 =	rddreg [dreg:$0x5]  }
0x4d: {  	[tilespmem:s19], [sflag:$0x1] =	stream.linear.gather [hbm4b:s2+s1], $0x80, $0x38;
	[tilespmem:$0x1C400] =	vst v63  }
0x4e: {  	s19 =	rddreg [dreg:$0x6]  }
0x4f: {  	[tilespmem:s3], [sflag:$0x2] =	stream.linear.gather [hbm4b:s19+s1], $0x80, $0x38;
	[tilespmem:$0x1C400] =	vst v63  }
0x50: {  	s2 =	rddreg [dreg:$0x7];
	s19 =	simm.s32 $0x280  }
0x51: {  	[tilespmem:s19], [sflag:$0x2] =	stream.linear.gather [hbm4b:s2+s1], $0x80, $0x38;
	[tilespmem:$0x1C400] =	vst v63  }
0x52: {  	s2 =	rddreg [dreg:$0x8];
	s19 =	simm.s32 $0x100  }
0x53: {  	[tilespmem:s19], [sflag:$0x3] =	stream.linear.gather [hbm4b:s2+s1], $0x80, $0x38;
	[tilespmem:$0x1C400] =	vst v63  }
0x54: {  	s19 =	rddreg [dreg:$0x9]  }
0x55: {  	[tilespmem:s6], [sflag:$0x3] =	stream.linear.gather [hbm4b:s19+s1], $0x80, $0x38;
	[tilespmem:$0x1C400] =	vst v63  }
0x56: {  	s19 =	rddreg [dreg:$0xa]  }
0x57: {  	[tilespmem:s7], [sflag:$0x4] =	stream.linear.gather [hbm4b:s19+s1], $0x80, $0x38;
	[tilespmem:$0x1C400] =	vst v63  }
0x58: {  	s19 =	rddreg [dreg:$0xb]  }
0x59: {  	[tilespmem:s8], [sflag:$0x4] =	stream.linear.gather [hbm4b:s19+s1], $0x80, $0x38;
	[tilespmem:$0x1C400] =	vst v63  }
0x5a: {  	s19 =	rddreg [dreg:$0x11]  }
0x5b: {  	[tilespmem:s9], [sflag:$0x9] =	stream.linear.gather [hbm4b:s19+s1], $0x4000, $0x38;
	[tilespmem:$0x1C400] =	vst v63  }
0x5c: {  	_ =	swait.ge [sflag:s18], $0x4000  }
0x5d: {  	[sflag:s18] =	ssyncset.done $0x0  }
0x5e: {  	[sflag:s18] =	ssyncadd.s32 $0xFFFFC000  }
0x5f: {  	[spmem:s30] =	stream.linear.scatter [tilespmem:s9], [sflag:$0x9], $0x4000, $0x38;
	[tilespmem:$0x1C400] =	vst v63  }
0x60: {  	_ =	swait.ge [sflag:s18], $0x4000  }
0x61: {  	[sflag:s18] =	ssyncset.done $0x0  }
0x62: {  	[sflag:s18] =	ssyncadd.s32 $0xFFFFC000  }
0x63: {  	[spmem:s31] =	stream.linear.scatter [tilespmem:s9], [sflag:$0x9], $0x4000, $0x38;
	[tilespmem:$0x1C400] =	vst v63  }
0x64: {  	_ =	swait.ge [sflag:s18], $0x4000  }
0x65: {  	[sflag:s18] =	ssyncset.done $0x0  }
0x66: {  	[sflag:s18] =	ssyncadd.s32 $0xFFFFC000  }
0x67: {  	[spmem:s5] =	stream.linear.scatter [tilespmem:s9], [sflag:$0x9], $0x4000, $0x38;
	[tilespmem:$0x1C400] =	vst v63  }
0x68: {  	_ =	swait.ge [sflag:s18], $0x4000  }
0x69: {  	[sflag:s18] =	ssyncset.done $0x0  }
0x6a: {  	[sflag:s18] =	ssyncadd.s32 $0xFFFFC000  }
0x6b: {  	[spmem:s4] =	stream.linear.scatter [tilespmem:s9], [sflag:$0x9], $0x4000, $0x38;
	[tilespmem:$0x1C400] =	vst v63  }
0x6c: {  	_ =	swait.ge [sflag:s18], $0x4000  }
0x6d: {  	[sflag:s18] =	ssyncset.done $0x0  }
0x6e: {  	s30 =	rddreg [dreg:$0x17];
	[sflag:s18] =	ssyncadd.s32 $0xFFFFC000  }
0x6f: {  	[spmem:s30] =	stream.linear.scatter [tilespmem:s9], [sflag:$0x9], $0x4000, $0x38;
	[tilespmem:$0x1C400] =	vst v63  }
0x70: {  	_ =	swait.ge [sflag:s18], $0x4000  }
0x71: {  	[sflag:s18] =	ssyncset.done $0x0  }
0x72: {  	[sflag:s18] =	ssyncadd.s32 $0xFFFFC000  }
0x73: {  	s31 =	simm.s32 $0x0;
	s4 =	simm.s32 $0x200;
	[bflag:$0x0] =	sbarrier.arrive $0xFFFF  }
.LBB2_2:
0x74: {  	_ =	swait.ge [sflag:s22], $0x80  }
0x75: {  	[sflag:s22] =	ssyncset.done $0x0  }
0x76: {  	[sflag:s22] =	ssyncadd.s32 $0xFFFFFF80  }
0x77: {  	_ =	swait.ge [sflag:s22], $0x80  }
0x78: {  	[sflag:s22] =	ssyncset.done $0x0  }
0x79: {  	[sflag:s22] =	ssyncadd.s32 $0xFFFFFF80  }
0x7a: {  	[tilespmem:s9], [sflag:$0x5] =	stream.indirect.gather [hbm4b:s20+s3], $0x80, s1, s3, $0xb8;
	[tilespmem:$0x1C400] =	vst v63  }
0x7b: {  	_ =	swait.ge [sflag:s23], $0x80  }
0x7c: {  	[sflag:s23] =	ssyncset.done $0x0  }
0x7d: {  	[sflag:s23] =	ssyncadd.s32 $0xFFFFFF80  }
0x7e: {  	_ =	swait.ge [sflag:s23], $0x80  }
0x7f: {  	[sflag:s23] =	ssyncset.done $0x0  }
0x80: {  	[sflag:s23] =	ssyncadd.s32 $0xFFFFFF80  }
0x81: {  	[tilespmem:s24], [sflag:$0x6] =	stream.indirect.gather [hbm4b:s20+s3], $0x80, s3, s3, $0xb8;
	[tilespmem:$0x1C400] =	vst v63  }
0x82: {  	_ =	swait.ge [sflag:s25], $0x4000  }
0x83: {  	[sflag:s25] =	ssyncset.done $0x0  }
0x84: {  	[sflag:s25] =	ssyncadd.s32 $0xFFFFC000  }
0x85: {  	[spmem:s21] =	stream.indirect.scatter.add.f32 [tilespmem:s9], [sflag:$0x7], $0x80, s4, s3, $0xb8;
	[tilespmem:$0x1C400] =	vst v63  }
0x86: {  	_ =	swait.ge [sflag:s26], $0x4000  }
0x87: {  	[sflag:s26] =	ssyncset.done $0x0  }
0x88: {  	s2 =	simm.s32 $0x280;
	[sflag:s26] =	ssyncadd.s32 $0xFFFFC000  }
0x89: {  	[spmem:s21] =	stream.indirect.scatter.add.f32 [tilespmem:s24], [sflag:$0x8], $0x80, s2, s3, $0xb8;
	[tilespmem:$0x1C400] =	vst v63  }
0x8a: {  	_ =	swait.ge [sflag:s0], $0x4000  }
0x8b: {  	p0 =	seq.s32 s31, $0x4C0;
	[sflag:s0] =	ssyncset.done $0x0  }
0x8c: {  	s19 =	simm.s32 @p0 $0x3;
	[sflag:s0] =	ssyncadd.s32 $0xFFFFC000  }
0x8d: {  	_ =	swait.ge @p0 [sflag:s19], $0x80  }
0x8e: {  	[sflag:s19] =	ssyncset.done @p0 $0x0  }
0x8f: {  	[sflag:s19] =	ssyncadd.s32 @p0 $0xFFFFFF80  }
0x90: {  	_ =	swait.ge @p0 [sflag:s19], $0x80  }
0x91: {  	s30 =	simm.s32 @p0 $0x100;
	[sflag:s19] =	ssyncset.done @p0 $0x0  }
0x92: {  	s5 =	simm.s32 @p0 $0x400;
	[sflag:s19] =	ssyncadd.s32 @p0 $0xFFFFFF80;
	s19 =	simm.s32 @p0 $0x80  }
0x93: {  	[tilespmem:s5], [sflag:$0x5] =	stream.indirect.gather @p0 [hbm4b:s20+s19], $0x80, s30, s19, $0xb8;
	[tilespmem:$0x1C400] =	vst v63  }
0x94: {  	s5 =	simm.s32 @p0 $0x8  }
0x95: {  	_ =	swait.ge @p0 [sflag:s5], $0x4000  }
0x96: {  	[sflag:s5] =	ssyncset.done @p0 $0x0  }
0x97: {  	s19 =	simm.s32 @!p0 $0x0;
	[sflag:s5] =	ssyncadd.s32 @p0 $0xFFFFC000;
	s5 =	sadd.s32 @!p0 s31, s17  }
0x98: {  	[tilespmem:s19], [sflag:$0x1] =	stream.linear.gather @!p0 [hbm4b:s5+s19], $0x80, $0x38;
	[tilespmem:$0x1C400] =	vst v63  }
0x99: {  	s30 =	simm.s32 @!p0 $0x200;
	s5 =	sadd.s32 @!p0 s31, s16  }
0x9a: {  	[tilespmem:s30], [sflag:$0x1] =	stream.linear.gather @!p0 [hbm4b:s5+s19], $0x80, $0x38;
	[tilespmem:$0x1C400] =	vst v63  }
0x9b: {  	s5 =	simm.s32 @!p0 $0x3  }
0x9c: {  	_ =	swait.ge @!p0 [sflag:s5], $0x80  }
0x9d: {  	[sflag:s5] =	ssyncset.done @!p0 $0x0  }
0x9e: {  	[sflag:s5] =	ssyncadd.s32 @!p0 $0xFFFFFF80  }
0x9f: {  	_ =	swait.ge @!p0 [sflag:s5], $0x80  }
0xa0: {  	s2 =	simm.s32 @!p0 $0x400;
	[sflag:s5] =	ssyncset.done @!p0 $0x0  }
0xa1: {  	s30 =	simm.s32 @!p0 $0x100;
	[sflag:s5] =	ssyncadd.s32 @!p0 $0xFFFFFF80;
	s5 =	simm.s32 @!p0 $0x80  }
0xa2: {  	[tilespmem:s2], [sflag:$0x5] =	stream.indirect.gather @!p0 [hbm4b:s20+s5], $0x80, s30, s5, $0xb8;
	[tilespmem:$0x1C400] =	vst v63  }
0xa3: {  	s2 =	simm.s32 @!p0 $0x8  }
0xa4: {  	_ =	swait.ge @!p0 [sflag:s2], $0x4000  }
0xa5: {  	[sflag:s2] =	ssyncset.done @!p0 $0x0  }
0xa6: {  	[sflag:s2] =	ssyncadd.s32 @!p0 $0xFFFFC000;
	s2 =	sadd.s32 @!p0 s31, s15  }
0xa7: {  	[tilespmem:s5], [sflag:$0x2] =	stream.linear.gather @!p0 [hbm4b:s2+s19], $0x80, $0x38;
	[tilespmem:$0x1C400] =	vst v63  }
0xa8: {  	s2 =	sadd.s32 @!p0 s31, s14;
	s5 =	simm.s32 @!p0 $0x280  }
0xa9: {  	[tilespmem:s5], [sflag:$0x2] =	stream.linear.gather @!p0 [hbm4b:s2+s19], $0x80, $0x38;
	[tilespmem:$0x1C400] =	vst v63  }
0xaa: {  	_ =	swait.ge [sflag:s28], $0x80  }
0xab: {  	[sflag:s28] =	ssyncset.done $0x0  }
0xac: {  	[sflag:s28] =	ssyncadd.s32 $0xFFFFFF80  }
0xad: {  	_ =	swait.ge [sflag:s28], $0x80  }
0xae: {  	[sflag:s28] =	ssyncset.done $0x0  }
0xaf: {  	[sflag:s28] =	ssyncadd.s32 $0xFFFFFF80  }
0xb0: {  	[tilespmem:s24], [sflag:$0x6] =	stream.indirect.gather [hbm4b:s20+s3], $0x80, s7, s3, $0xb8;
	[tilespmem:$0x1C400] =	vst v63  }
0xb1: {  	_ =	swait.ge [sflag:s25], $0x4000  }
0xb2: {  	[sflag:s25] =	ssyncset.done $0x0  }
0xb3: {  	[sflag:s25] =	ssyncadd.s32 $0xFFFFC000  }
0xb4: {  	[spmem:s21] =	stream.indirect.scatter.add.f32 [tilespmem:s9], [sflag:$0x7], $0x80, s6, s3, $0xb8;
	[tilespmem:$0x1C400] =	vst v63  }
0xb5: {  	_ =	swait.ge [sflag:s26], $0x4000  }
0xb6: {  	p0 =	sne.s32 s31, $0x4C0;
	[sflag:s26] =	ssyncset.done $0x0  }
.Ltmp2:
0xb7: {  	[sflag:s26] =	ssyncadd.s32 $0xFFFFC000;
	(pc) =	sbr.rel @!p0 .LBB2_3-.Ltmp2, $4  }
0xb8: {  	[spmem:s21] =	stream.indirect.scatter.add.f32 [tilespmem:s24], [sflag:$0x8], $0x80, s8, s3, $0xb8;
	[tilespmem:$0x1C400] =	vst v63  }
0xb9: {  	_ =	swait.ge [sflag:s0], $0x4000  }
0xba: {  	[sflag:s0] =	ssyncset.done $0x0  }
0xbb: {  	[sflag:s0] =	ssyncadd.s32 $0xFFFFC000  }
0xbc: {  	s2 =	sadd.s32 s31, s13;
	s5 =	simm.s32 $0x100;
	s19 =	sadd.s32 s31, s11  }
0xbd: {  	[tilespmem:s5], [sflag:$0x3] =	stream.linear.gather [hbm4b:s2+s1], $0x80, $0x38;
	[tilespmem:$0x1C400] =	vst v63  }
0xbe: {  	s30 =	sadd.s32 s31, s10;
	s5 =	sadd.s32 s31, s12;
	s31 =	sadd.s32 $0x40, s31  }
0xbf: {  	[tilespmem:s6], [sflag:$0x3] =	stream.linear.gather [hbm4b:s5+s1], $0x80, $0x38;
	[tilespmem:$0x1C400] =	vst v63  }
0xc0: {  	p0 =	sne.s32 s31, $0x500;
	_ =	swait.ge [sflag:s29], $0x4000  }
.Ltmp3:
0xc1: {  	[sflag:s29] =	ssyncset.done $0x0;
	(pc) =	sbr.rel @p0 .LBB2_2-.Ltmp3, $4  }
.Ltmp4:
0xc2: {  	[sflag:s29] =	ssyncadd.s32 $0xFFFFC000;
	(pc) =	sbr.rel @!p0 .LBB2_5-.Ltmp4, $4  }
0xc3: {  	[tilespmem:s7], [sflag:$0x4] =	stream.linear.gather [hbm4b:s19+s1], $0x80, $0x38;
	[tilespmem:$0x1C400] =	vst v63  }
0xc4: {  	_ = 	snop  }
0xc5: {  	[tilespmem:s8], [sflag:$0x4] =	stream.linear.gather [hbm4b:s30+s1], $0x80, $0x38;
	[tilespmem:$0x1C400] =	vst v63  }
0xc6: {  	_ = 	snop  }
.LBB2_6:
0xc7: {  	_ =	sfence.sel $0x180000  }
0xc8: {  	[bflag:$0x0] =	sbarrier.arrive $0xFFFF  }
0xc9: {  	_ =	strace $0x9000004D  }
0xca: {  	s0 =	stileid.u32;
	[bflag:$0x2] =	sbarrier.arrive $0xFFFF  }
0xcb: {  	p0 =	sne.s32 s0, $0x0;
	s0 =	rddreg [dreg:$0x3]  }
0xcc: {  	s0 =	sadd.s32 @!p0 $0x100000, s0  }
0xcd: {  	[sflag:s0] =	ssyncadd.tile.s32 @!p0 $0x1;
	_ =	shalt  }
.Lfunc_end2:
_tile_overlayer_lowered:
.L_overlay_start_2:
0xce: {  	(tag) =	ssettag $0x2  }
0xcf: {  	s0 =	rddreg [dreg:$0x0];
	s2 =	stileid.u32  }
0xd0: {  	s1 =	rddreg [dreg:$0x1];
	p0 =	sne.s32 s2, $0x0  }
0xd1: {  	s3 =	rddreg [dreg:$0x2];
	[bflag:$0x3] =	sbarrier.arrive $0xFFFF;
	s2 =	simm.s32 @!p0 $0x1C09  }
0xd2: {  	[timem:s3], [sflag:s2] =	dma.local @!p0 [hbm:s0], s1  }
0xd3: {  	s0 =	simm.s32 @!p0 $0x9  }
0xd4: {  	_ =	swait.ge @!p0 [sflag:s0], s1  }
0xd5: {  	s1 =	ssub.s32 @!p0 $0x0, s1;
	[sflag:s0] =	ssyncset.done @!p0 $0x0  }
0xd6: {  	[sflag:s0] =	ssyncadd.s32 @!p0 s1  }
0xd7: {  	[bflag:$0x3] =	sbarrier.arrive $0xFFFF  }
0xd8: {  	_ =	shalt  }

// kernel: kernel.26.cloned.1.call-start
scs
__scs_entry_jumppad:
0x0: {  	(pc) =	sbr.rel $0x88, $3  }
0x1: {  	(tag) =	ssettag $0x0;
	lr =	simm.s32 $0x1  }
0x2: {  	[smem:$0x3F94] =	sst lr;
	_ =	strace $0xD0000000  }
0x3: {  	_ = 	snop  }
0x4: {  	_ = 	snop  }
0x5: {  	_ = 	snop  }
0x6: {  	_ = 	snop  }
0x7: {  	_ = 	snop  }
__scs_overlays_trampoline_lowered:
0x8: {  	[smem:$0x3FA3] =	sst s0  }
0x9: {  	[smem:$0x3FA4] =	sst s1  }
0xa: {  	[smem:$0x3FA5] =	sst s2  }
0xb: {  	[smem:$0x3FA6] =	sst s3  }
0xc: {  	[smem:$0x3FA7] =	sst s4  }
0xd: {  	[smem:$0x3FA8] =	sst s5  }
0xe: {  	[smem:$0x3FA9] =	sst s6  }
0xf: {  	[smem:$0x3FAA] =	sst s7  }
0x10: {  	[smem:$0x3FAB] =	sst s8  }
0x11: {  	[smem:$0x3FAC] =	sst s9;
	s0 =	simm.s32 @!p0 $0x0  }
0x12: {  	s1 =	sld [smem:$0x3F92];
	s0 =	simm.s32 @p0 $0x1  }
0x13: {  	[smem:$0x3FAD] =	sst s0;
	s0 =	simm.s32 @!p1 $0x0  }
0x14: {  	s2 =	sld [smem:$0x3F91];
	s0 =	simm.s32 @p1 $0x1  }
0x15: {  	[smem:$0x3FAE] =	sst s0;
	s0 =	simm.s32 @!p2 $0x0  }
0x16: {  	s3 =	sld [smem:$0x3FDB];
	s0 =	simm.s32 @p2 $0x1  }
0x17: {  	s4 =	simm.s32 $0x1BF5;
	[smem:$0x3FB0] =	sst s0  }
0x18: {  	s0 =	sld [smem:$0x3F93];
	_ =	swait.ge [sflag:s4], $0x0  }
0x19: {  	s7 =	sld [smem:$0x3F94]  }
0x1a: {  	s8 =	sadd.s32 $0xFFFFE003, lr  }
0x1b: {  	s9 =	sadd.s32 $0xFFFFFEF7, lr;
	s5 =	simm.s32 $0xFFFFFFFF;
	p2 =	slt.u32 s8, $0xFFFFF086  }
0x1c: {  	p1 =	slt.u32 s9, $0xF7A;
	s5 =	simm.s32 @!p2 $0x0  }
0x1d: {  	s5 =	simm.s32 @p1 $0x1;
	p0 =	seq.s32 s7, s2  }
0x1e: {  	s7 =	smul.u32 @!p0 $0xF7A, s2;
	p2 =	seq.s32 @!p0 s5, $0x0  }
0x1f: {  	s9 =	smul.u32 $0xF7A, s1;
	s8 =	simm.s32 @!p0 $0x1BF5;
	p2 =	por !p2, p0  }
0x20: {  	[sflag:s8] =	ssyncset.s32 @!p0 $0xFFFFF086;
	s6 =	sadd.s32 @!p0 s3, s7;
	s7 =	simm.s32 @!p0 $0x108  }
0x21: {  	s3 =	sadd.s32 s3, s9;
	s6 =	sadd.s32 @!p0 $0x88, s6;
	s7 =	simm.s32 @p2 $0x1082  }
0x22: {  	[simem:s7], [sflag:s8] =	dma.local @!p0 [hbm:s6], $0xF7A  }
0x23: {  	s9 =	sor.u32 $0xD0000000, s2;
	s6 =	simm.s32 $0x108;
	_ =	swait.ge @!p0 [sflag:s8], $0x0  }
0x24: {  	s3 =	sadd.s32 $0x88, s3;
	s6 =	simm.s32 @!p1 $0x1082;
	[sflag:s4] =	ssyncset.s32 $0xFFFFF086  }
0x25: {  	[simem:s6], [sflag:s4] =	dma.local [hbm:s3], $0xF7A  }
0x26: {  	[smem:$0x3F94] =	sst s1;
	(tag) =	ssettag s2;
	_ =	strace s9  }
0x27: {  	s1 =	sld [smem:$0x3FA4]  }
0x28: {  	s2 =	sld [smem:$0x3FA5]  }
0x29: {  	s4 =	sld [smem:$0x3FA7]  }
0x2a: {  	p0 =	seq.s32 s5, $0x0;
	s5 =	sld [smem:$0x3FA8]  }
0x2b: {  	s6 =	sld [smem:$0x3FA9]  }
0x2c: {  	s7 =	sld [smem:$0x3FAA]  }
0x2d: {  	s3 =	simm.s32 $0x108;
	s8 =	sld [smem:$0x3FAB]  }
0x2e: {  	s3 =	simm.s32 @!p0 $0x1082;
	s9 =	sld [smem:$0x3FAC]  }
0x2f: {  	lr =	sadd.s32 s0, s3;
	s0 =	sld [smem:$0x3FA3]  }
0x30: {  	s3 =	sld [smem:$0x3FA6]  }
0x31: {  	[smem:$0x3FAF] =	sst s10  }
0x32: {  	s10 =	sld [smem:$0x3FAD];
	_ =	sdelay $0x3  }
0x33: {  	p0 =	seq.s32 s10, $0x1;
	s10 =	sld [smem:$0x3FAF];
	_ =	sdelay $0x3  }
0x34: {  	[smem:$0x3FAF] =	sst s10  }
0x35: {  	s10 =	sld [smem:$0x3FAE];
	_ =	sdelay $0x3  }
0x36: {  	p1 =	seq.s32 s10, $0x1;
	s10 =	sld [smem:$0x3FAF];
	_ =	sdelay $0x3  }
0x37: {  	[smem:$0x3FAF] =	sst s10  }
0x38: {  	s10 =	sld [smem:$0x3FB0]  }
0x39: {  	_ = 	snop;
	(pc) =	sbr.ind lr, $3  }
0x3a: {  	_ = 	snop  }
0x3b: {  	_ = 	snop  }
0x3c: {  	p2 =	seq.s32 s10, $0x1;
	s10 =	sld [smem:$0x3FAF]  }
0x3d: {  	_ =	shalt  }
0x3e: {  	_ =	shalt  }
0x3f: {  	_ =	shalt  }
0x40: {  	_ =	shalt  }
0x41: {  	_ =	shalt  }
0x42: {  	_ =	shalt  }
0x43: {  	_ =	shalt  }
0x44: {  	_ =	shalt  }
0x45: {  	_ =	shalt  }
0x46: {  	_ =	shalt  }
0x47: {  	_ =	shalt  }
0x48: {  	_ =	shalt  }
0x49: {  	_ =	shalt  }
0x4a: {  	_ =	shalt  }
0x4b: {  	_ =	shalt  }
0x4c: {  	_ =	shalt  }
0x4d: {  	_ =	shalt  }
0x4e: {  	_ =	shalt  }
0x4f: {  	_ =	shalt  }
0x50: {  	_ =	shalt  }
0x51: {  	_ =	shalt  }
0x52: {  	_ =	shalt  }
0x53: {  	_ =	shalt  }
0x54: {  	_ =	shalt  }
0x55: {  	_ =	shalt  }
0x56: {  	_ =	shalt  }
0x57: {  	_ =	shalt  }
0x58: {  	_ =	shalt  }
0x59: {  	_ =	shalt  }
0x5a: {  	_ =	shalt  }
0x5b: {  	_ =	shalt  }
0x5c: {  	_ =	shalt  }
0x5d: {  	_ =	shalt  }
0x5e: {  	_ =	shalt  }
0x5f: {  	_ =	shalt  }
0x60: {  	_ =	shalt  }
0x61: {  	_ =	shalt  }
0x62: {  	_ =	shalt  }
0x63: {  	_ =	shalt  }
0x64: {  	_ =	shalt  }
0x65: {  	_ =	shalt  }
0x66: {  	_ =	shalt  }
0x67: {  	_ =	shalt  }
0x68: {  	_ =	shalt  }
0x69: {  	_ =	shalt  }
0x6a: {  	_ =	shalt  }
0x6b: {  	_ =	shalt  }
0x6c: {  	_ =	shalt  }
0x6d: {  	_ =	shalt  }
0x6e: {  	_ =	shalt  }
0x6f: {  	_ =	shalt  }
0x70: {  	_ =	shalt  }
0x71: {  	_ =	shalt  }
0x72: {  	_ =	shalt  }
0x73: {  	_ =	shalt  }
0x74: {  	_ =	shalt  }
0x75: {  	_ =	shalt  }
0x76: {  	_ =	shalt  }
0x77: {  	_ =	shalt  }
0x78: {  	_ =	shalt  }
0x79: {  	_ =	shalt  }
0x7a: {  	_ =	shalt  }
0x7b: {  	_ =	shalt  }
0x7c: {  	_ =	shalt  }
0x7d: {  	_ =	shalt  }
0x7e: {  	_ =	shalt  }
0x7f: {  	_ =	shalt  }
0x80: {  	_ =	shalt  }
0x81: {  	_ =	shalt  }
0x82: {  	_ =	shalt  }
0x83: {  	_ =	shalt  }
0x84: {  	_ =	shalt  }
0x85: {  	_ =	shalt  }
0x86: {  	_ =	shalt  }
0x87: {  	_ =	shalt  }
.Lfunc_end0:
.L_simem_size_0:
called_computation.3_lowered:
.L_overlay_start_0:
0x88: {  	s2 =	sld [smem:$0x3FD9]  }
0x89: {  	s3 =	sld [smem:$0x3FFE];
	_ =	sdelay $0x1  }
0x8a: {  	s1 =	srdreg.scid  }
0x8b: {  	s0 =	sand.u32 $0x1, s1  }
0x8c: {  	s17 =	sshll.u32 s0, $0xA;
	s2 =	sadd.s32 s3, s2  }
0x8d: {  	s2 =	sadd.s32 s2, s17  }
0x8e: {  	[smem:$0x3FBB] =	sst s2  }
0x8f: {  	_ = 	snop  }
0x90: {  	s2 =	sld [smem:$0x3FD0];
	(tm) =	ssettm $0x1  }
0x91: {  	s18 =	sld [smem:$0x3FFB];
	_ =	sdelay $0x3  }
0x92: {  	_ =	strace s18  }
0x93: {  	s3 =	sld [smem:$0x3FFC];
	_ =	sdelay $0x3  }
0x94: {  	_ =	strace s3  }
0x95: {  	s3 =	sld [smem:$0x3FFD];
	_ =	sdelay $0x3  }
0x96: {  	_ =	strace s3  }
0x97: {  	_ =	strace $0x8FFFFFFF  }
0x98: {  	s19 =	sld [smem:$0x3FDB];
	_ =	sdelay $0x1  }
0x99: {  	s4 =	simm.s32 $_scs_section_size  }
0x9a: {  	s5 =	simm.s32 $_size__tile_overlayer_lowered;
	s6 =	simm.s32 $_tile_overlayer_lowered  }
0x9b: {  	s22 =	simm.s32 $0x1BFF;
	s21 =	sshll.u32 s6, $0x1;
	s3 =	sadd.s32 s4, s19  }
0x9c: {  	s7 =	simm.s32 $0x0;
	s20 =	sshll.u32 s5, $0x1;
	s5 =	sadd.s32 s21, s3  }
0x9d: {  	[timem:s7], [sflag:s22] =	dma.local [hbm:s5], s20  }
0x9e: {  	_ =	swait.ge [sflag:s22], s20  }
0x9f: {  	s4 =	ssub.s32 $0x0, s20;
	[sflag:s22] =	ssyncset.done $0x0  }
0xa0: {  	[sflag:s22] =	ssyncadd.s32 s4;
	_ =	sdelay $0x1  }
0xa1: {  	s23 =	simm.s32 $0x1B8B  }
0xa2: {  	_ =	swait.ge [sflag:s23], $0x1  }
0xa3: {  	[sflag:s23] =	ssyncset.done $0x0  }
0xa4: {  	s25 =	simm.s32 $0x1B8E;
	s24 =	sld [smem:$0x3FFE];
	[sflag:s23] =	ssyncadd.s32 $0xFFFFFFFF  }
0xa5: {  	s26 =	simm.s32 $execute0_lowered;
	[smem:$0x3FD2] =	sst s25  }
0xa6: {  	s5 =	sshll.u32 s26, $0x1;
	_ =	strace $0x8000004F;
	[dreg:$0x1] =	wrdreg $0xFFFFFFFF  }
0xa7: {  	s28 =	simm.s32 $_size_execute0_lowered;
	s3 =	sadd.s32 s3, s5;
	[dreg:$0x0] =	wrdreg $0x0  }
0xa8: {  	s5 =	sshll.u32 s28, $0x1;
	[dreg:$0x2] =	wrdreg s3  }
0xa9: {  	[dreg:$0x3] =	wrdreg s5  }
0xaa: {  	[dreg:$0x4] =	wrdreg $0xC0  }
0xab: {  	_ =	task [dreg:s7], $0x5FFFF  }
0xac: {  	[dreg:$0x1] =	wrdreg $0xFFFFFFFF  }
0xad: {  	[dreg:$0x0] =	wrdreg $0x60  }
0xae: {  	[dreg:$0x2] =	wrdreg s24  }
0xaf: {  	[dreg:$0x3] =	wrdreg s2  }
0xb0: {  	[dreg:$0x4] =	wrdreg $0x84000  }
0xb1: {  	[dreg:$0x5] =	wrdreg $0x9  }
0xb2: {  	_ =	task.clear_ibuf [dreg:s7], $0x6FFFF;
	_ =	strace $0x9000004F  }
0xb3: {  	s29 =	simm.s32 $0x9;
	_ =	strace $0x80000051  }
0xb4: {  	_ =	swait.ge [sflag:s29], $0x1  }
0xb5: {  	[sflag:s29] =	ssyncadd.s32 $0xFFFFFFFF  }
0xb6: {  	_ =	strace $0x90000051  }
0xb7: {  	_ =	sfence  }
0xb8: {  	s30 =	sld [smem:$0x0];
	_ =	sdelay $0x2  }
0xb9: {  	s31 =	sshll.u32 s1, $0xD;
	s1 =	sshrl.u32 s1, $0x2  }
0xba: {  	s3 =	sand.u32 $0x4000, s31;
	s1 =	sadd.s32 s1, s30  }
0xbb: {  	s0 =	sor.u32 s3, s0;
	s1 =	sshll.u32 s1, $0x11  }
0xbc: {  	s0 =	sor.u32 s1, s0  }
0xbd: {  	s0 =	sadd.s32 $0x8F2B, s0  }
0xbe: {  	[sflag:s0] =	ssyncadd.remote.s32 $0x1  }
0xbf: {  	_ =	sfence.sel $0xFFFF  }
0xc0: {  	[dreg:$0x0] =	wrdreg $0xFFFFFFFF;
	(pc) =	sbr.abs _section_cstart, $3  }
0xc1: {  	[dreg:$0x1] =	wrdreg $0xFFFFFFFF  }
0xc2: {  	_ =	task.clear_ibuf [dreg:s7], $0x2FFFF;
	_ =	strace $0x9FFFFFFF  }
0xc3: {  	(tm) =	ssettm $0x7FFFFFFF  }
tec
execute0_lowered:
.L_overlay_start_1:
0x0: {  	(tag) =	ssettag $0x1  }
0x1: {  	s1 =	srdreg.scid  }
0x2: {  	s19 =	stileid.u32;
	s0 =	rddreg [dreg:$0x0]  }
0x3: {  	s28 =	simm.s32 $0x4;
	s29 =	simm.s32 $0x8;
	s10 =	smul.u32 $0x5000, s19  }
0x4: {  	s3 =	sand.u32 $0x1, s1;
	s2 =	sshll.u32 s19, $0x1;
	s25 =	smul.u32 $0x280, s19  }
0x5: {  	s1 =	simm.s32 $0x0;
	s7 =	sadd.s32 $0x7600, s0;
	s4 =	smul.u32 $0x28000, s3  }
0x6: {  	s2 =	sor.u32 s3, s2;
	s5 =	ssub.s32 $0x2, s3;
	s3 =	smul.u32 $0x2800, s3  }
0x7: {  	s8 =	sadd.s32 $0x11600, s0;
	s6 =	smul.u32 $0x2800, s2;
	s17 =	sshrl.u32 s5, $0x1  }
0x8: {  	[smem:$0x7FF] =	sst s1;
	s4 =	sadd.s32 s4, s0;
	s2 =	ssub.s32 s5, s17  }
0x9: {  	s3 =	sadd.s32 s3, s10;
	s0 =	sadd.s32 $0x1B600, s0;
	s18 =	sshrl.u32 s6, $0x3  }
0xa: {  	s10 =	sor.u32 $0x380, s3;
	s12 =	sor.u32 $0x300, s3;
	s14 =	sor.u32 $0x280, s3  }
0xb: {  	s3 =	sor.u32 $0x200, s3;
	s4 =	sadd.s32 $0x6B000, s4;
	s6 =	sadd.s32 s7, s18  }
0xc: {  	s20 =	sadd.s32 s8, s18;
	s21 =	sor.u32 $0x10, s18;
	s22 =	sor.u32 $0x20, s18  }
0xd: {  	s5 =	sor.u32 $0x30, s18;
	s18 =	smul.u32 $0x2800, s19;
	s11 =	sshrl.u32 s10, $0x3  }
0xe: {  	s13 =	sshrl.u32 s12, $0x3;
	s15 =	sshrl.u32 s14, $0x3;
	[dreg:$0x4] =	wrdreg s6  }
0xf: {  	s3 =	sshrl.u32 s3, $0x3;
	[dreg:$0x5] =	wrdreg s20;
	s9 =	sadd.s32 s7, s21  }
0x10: {  	s6 =	sadd.s32 s8, s21;
	s23 =	sadd.s32 s7, s22;
	s20 =	rddreg [dreg:$0x1]  }
0x11: {  	s24 =	sadd.s32 s8, s22;
	s26 =	sadd.s32 s7, s5;
	s21 =	rddreg [dreg:$0x2]  }
0x12: {  	s5 =	sadd.s32 s8, s5;
	s10 =	sadd.s32 s11, s8;
	[dreg:$0x6] =	wrdreg s9  }
0x13: {  	s11 =	sadd.s32 s11, s7;
	s12 =	sadd.s32 s13, s8;
	[dreg:$0x7] =	wrdreg s6  }
0x14: {  	s13 =	sadd.s32 s13, s7;
	s14 =	sadd.s32 s15, s8;
	[dreg:$0x8] =	wrdreg s23  }
0x15: {  	s15 =	sadd.s32 s15, s7;
	s16 =	sadd.s32 s3, s8;
	[dreg:$0x9] =	wrdreg s24  }
0x16: {  	s17 =	sadd.s32 s3, s7;
	s3 =	sadd.s32 $0x180, s25;
	[dreg:$0xa] =	wrdreg s26  }
0x17: {  	[dreg:$0xb] =	wrdreg s5;
	s5 =	sadd.s32 $0x80, s25;
	s9 =	sadd.s32 $0x100, s25  }
0x18: {  	s6 =	sadd.s32 $0x200, s25;
	s8 =	sadd.s32 s18, s4;
	s24 =	smul.u32 $0x50000, s19  }
0x19: {  	s25 =	sshll.u32 s3, $0x4;
	[dreg:$0xc] =	wrdreg s8;
	s18 =	sshll.u32 s5, $0x4  }
0x1a: {  	s22 =	sshll.u32 s9, $0x4;
	s26 =	sshll.u32 s6, $0x4;
	s8 =	sadd.s32 s25, s4  }
0x1b: {  	s19 =	sshll.u32 s5, $0x7;
	s7 =	sadd.s32 s18, s4;
	s23 =	sadd.s32 s22, s4  }
0x1c: {  	[dreg:$0xf] =	wrdreg s8;
	s4 =	sadd.s32 s26, s4;
	s18 =	sshrl.u32 s24, $0x2  }
0x1d: {  	s31 =	sadd.s32 s19, s21;
	s22 =	sshll.u32 s9, $0x7;
	[dreg:$0xd] =	wrdreg s7  }
0x1e: {  	s24 =	sshll.u32 s6, $0x7;
	s26 =	smax.u32 s2, $0x1;
	[dreg:$0xe] =	wrdreg s23  }
0x1f: {  	s6 =	simm.s32 $0x300;
	s8 =	simm.s32 $0x380;
	[dreg:$0x10] =	wrdreg s4  }
0x20: {  	s25 =	sadd.s32 s24, s21;
	_ =	strace $0x80000050;
	[dreg:$0x11] =	wrdreg s0  }
0x21: {  	s9 =	simm.s32 $0x400;
	s19 =	simm.s32 $0x0;
	[dreg:$0x17] =	wrdreg s25  }
0x22: {  	s30 =	sadd.s32 s18, s21;
	s5 =	sadd.s32 s22, s21;
	[dreg:$0x19] =	wrdreg s26  }
0x23: {  	s23 =	sshll.u32 s3, $0x7;
	s3 =	simm.s32 $0x80;
	[dreg:$0x12] =	wrdreg s30  }
.Ltmp0:
0x24: {  	s7 =	simm.s32 $0x180;
	[dreg:$0x13] =	wrdreg s31;
	(pc) =	sbr.rel .LBB2_1-.Ltmp0, $4  }
0x25: {  	s18 =	simm.s32 $0x9;
	s22 =	simm.s32 $0x1;
	[dreg:$0x14] =	wrdreg s5  }
0x26: {  	s24 =	simm.s32 $0x4400;
	s4 =	sadd.s32 s23, s21;
	[dreg:$0x16] =	wrdreg s10  }
0x27: {  	s23 =	simm.s32 $0x2;
	s25 =	simm.s32 $0x5;
	[dreg:$0x18] =	wrdreg s15  }
0x28: {  	s26 =	simm.s32 $0x6;
	s0 =	simm.s32 $0x7;
	[dreg:$0x15] =	wrdreg s4  }
.LBB2_3:
0x29: {  	_ =	swait.ge [sflag:s29], $0x4000  }
0x2a: {  	[sflag:s29] =	ssyncset.done $0x0  }
0x2b: {  	[sflag:s29] =	ssyncadd.s32 $0xFFFFC000  }
.LBB2_5:
0x2c: {  	s2 =	stileid.u32;
	[bflag:$0x0] =	sbarrier.arrive $0xFFFF  }
0x2d: {  	s2 =	sshll.u32 s2, $0x6;
	s30 =	rddreg [dreg:$0x12]  }
0x2e: {  	s19 =	rddreg [dreg:$0xc];
	s2 =	sor.u32 $0x1C09, s2;
	s5 =	sshrl.u32 s30, $0x3  }
0x2f: {  	[hbm:s19], [sflag:s2] =	dma.local [spmem:s5], $0x800  }
0x30: {  	_ =	swait.ge [sflag:s18], $0x800  }
0x31: {  	[sflag:s18] =	ssyncset.done $0x0;
	s31 =	rddreg [dreg:$0x13]  }
0x32: {  	s15 =	rddreg [dreg:$0xd];
	[sflag:s18] =	ssyncadd.s32 $0xFFFFF800;
	s10 =	sshrl.u32 s31, $0x3  }
0x33: {  	[hbm:s15], [sflag:s2] =	dma.local [spmem:s10], $0x800  }
0x34: {  	_ =	swait.ge [sflag:s18], $0x800  }
0x35: {  	[sflag:s18] =	ssyncset.done $0x0;
	s10 =	rddreg [dreg:$0x14]  }
0x36: {  	s15 =	rddreg [dreg:$0xe];
	[sflag:s18] =	ssyncadd.s32 $0xFFFFF800;
	s4 =	sshrl.u32 s10, $0x3  }
0x37: {  	[hbm:s15], [sflag:s2] =	dma.local [spmem:s4], $0x800  }
0x38: {  	_ =	swait.ge [sflag:s18], $0x800  }
0x39: {  	[sflag:s18] =	ssyncset.done $0x0;
	s4 =	rddreg [dreg:$0x15]  }
0x3a: {  	s15 =	rddreg [dreg:$0xf];
	[sflag:s18] =	ssyncadd.s32 $0xFFFFF800;
	s19 =	sshrl.u32 s4, $0x3  }
0x3b: {  	[hbm:s15], [sflag:s2] =	dma.local [spmem:s19], $0x800  }
0x3c: {  	s15 =	smov.u32 s14;
	_ =	swait.ge [sflag:s18], $0x800  }
0x3d: {  	s14 =	smov.u32 s13;
	[sflag:s18] =	ssyncset.done $0x0;
	s19 =	rddreg [dreg:$0x17]  }
0x3e: {  	s13 =	rddreg [dreg:$0x10];
	[sflag:s18] =	ssyncadd.s32 $0xFFFFF800;
	s5 =	sshrl.u32 s19, $0x3  }
0x3f: {  	[hbm:s13], [sflag:s2] =	dma.local [spmem:s5], $0x800  }
0x40: {  	s13 =	smov.u32 s14;
	s14 =	smov.u32 s15;
	s15 =	rddreg [dreg:$0x18]  }
0x41: {  	s5 =	smov.u32 s10;
	s10 =	rddreg [dreg:$0x16];
	_ =	swait.ge [sflag:s18], $0x800  }
0x42: {  	s2 =	rddreg [dreg:$0x1a]  }
0x43: {  	s19 =	sadd.s32 $0x1, s2;
	s2 =	rddreg [dreg:$0x19]  }
0x44: {  	p0 =	sne.s32 s19, s2  }
.Ltmp1:
0x45: {  	_ = 	snop;
	(pc) =	sbr.rel @!p0 .LBB2_6-.Ltmp1, $3  }
0x46: {  	_ =	sdelay $0x1  }
0x47: {  	[sflag:s18] =	ssyncset.done $0x0  }
0x48: {  	[sflag:s18] =	ssyncadd.s32 $0xFFFFF800  }
.LBB2_1:
0x49: {  	[dreg:$0x1a] =	wrdreg s19  }
0x4a: {  	s2 =	rddreg [dreg:$0x4]  }
0x4b: {  	[tilespmem:s1], [sflag:$0x1] =	stream.linear.gather [hbm4b:s2+s1], $0x80, $0x38;
	[tilespmem:$0x1C400] =	vst v63  }
0x4c: {  	s19 =	simm.s32 $0x200;
	s2 =	rddreg [dreg:$0x5]  }
0x4d: {  	[tilespmem:s19], [sflag:$0x1] =	stream.linear.gather [hbm4b:s2+s1], $0x80, $0x38;
	[tilespmem:$0x1C400] =	vst v63  }
0x4e: {  	s19 =	rddreg [dreg:$0x6]  }
0x4f: {  	[tilespmem:s3], [sflag:$0x2] =	stream.linear.gather [hbm4b:s19+s1], $0x80, $0x38;
	[tilespmem:$0x1C400] =	vst v63  }
0x50: {  	s2 =	rddreg [dreg:$0x7];
	s19 =	simm.s32 $0x280  }
0x51: {  	[tilespmem:s19], [sflag:$0x2] =	stream.linear.gather [hbm4b:s2+s1], $0x80, $0x38;
	[tilespmem:$0x1C400] =	vst v63  }
0x52: {  	s2 =	rddreg [dreg:$0x8];
	s19 =	simm.s32 $0x100  }
0x53: {  	[tilespmem:s19], [sflag:$0x3] =	stream.linear.gather [hbm4b:s2+s1], $0x80, $0x38;
	[tilespmem:$0x1C400] =	vst v63  }
0x54: {  	s19 =	rddreg [dreg:$0x9]  }
0x55: {  	[tilespmem:s6], [sflag:$0x3] =	stream.linear.gather [hbm4b:s19+s1], $0x80, $0x38;
	[tilespmem:$0x1C400] =	vst v63  }
0x56: {  	s19 =	rddreg [dreg:$0xa]  }
0x57: {  	[tilespmem:s7], [sflag:$0x4] =	stream.linear.gather [hbm4b:s19+s1], $0x80, $0x38;
	[tilespmem:$0x1C400] =	vst v63  }
0x58: {  	s19 =	rddreg [dreg:$0xb]  }
0x59: {  	[tilespmem:s8], [sflag:$0x4] =	stream.linear.gather [hbm4b:s19+s1], $0x80, $0x38;
	[tilespmem:$0x1C400] =	vst v63  }
0x5a: {  	s19 =	rddreg [dreg:$0x11]  }
0x5b: {  	[tilespmem:s9], [sflag:$0x9] =	stream.linear.gather [hbm4b:s19+s1], $0x4000, $0x38;
	[tilespmem:$0x1C400] =	vst v63  }
0x5c: {  	_ =	swait.ge [sflag:s18], $0x4000  }
0x5d: {  	[sflag:s18] =	ssyncset.done $0x0  }
0x5e: {  	[sflag:s18] =	ssyncadd.s32 $0xFFFFC000  }
0x5f: {  	[spmem:s30] =	stream.linear.scatter [tilespmem:s9], [sflag:$0x9], $0x4000, $0x38;
	[tilespmem:$0x1C400] =	vst v63  }
0x60: {  	_ =	swait.ge [sflag:s18], $0x4000  }
0x61: {  	[sflag:s18] =	ssyncset.done $0x0  }
0x62: {  	[sflag:s18] =	ssyncadd.s32 $0xFFFFC000  }
0x63: {  	[spmem:s31] =	stream.linear.scatter [tilespmem:s9], [sflag:$0x9], $0x4000, $0x38;
	[tilespmem:$0x1C400] =	vst v63  }
0x64: {  	_ =	swait.ge [sflag:s18], $0x4000  }
0x65: {  	[sflag:s18] =	ssyncset.done $0x0  }
0x66: {  	[sflag:s18] =	ssyncadd.s32 $0xFFFFC000  }
0x67: {  	[spmem:s5] =	stream.linear.scatter [tilespmem:s9], [sflag:$0x9], $0x4000, $0x38;
	[tilespmem:$0x1C400] =	vst v63  }
0x68: {  	_ =	swait.ge [sflag:s18], $0x4000  }
0x69: {  	[sflag:s18] =	ssyncset.done $0x0  }
0x6a: {  	[sflag:s18] =	ssyncadd.s32 $0xFFFFC000  }
0x6b: {  	[spmem:s4] =	stream.linear.scatter [tilespmem:s9], [sflag:$0x9], $0x4000, $0x38;
	[tilespmem:$0x1C400] =	vst v63  }
0x6c: {  	_ =	swait.ge [sflag:s18], $0x4000  }
0x6d: {  	[sflag:s18] =	ssyncset.done $0x0  }
0x6e: {  	s30 =	rddreg [dreg:$0x17];
	[sflag:s18] =	ssyncadd.s32 $0xFFFFC000  }
0x6f: {  	[spmem:s30] =	stream.linear.scatter [tilespmem:s9], [sflag:$0x9], $0x4000, $0x38;
	[tilespmem:$0x1C400] =	vst v63  }
0x70: {  	_ =	swait.ge [sflag:s18], $0x4000  }
0x71: {  	[sflag:s18] =	ssyncset.done $0x0  }
0x72: {  	[sflag:s18] =	ssyncadd.s32 $0xFFFFC000  }
0x73: {  	s31 =	simm.s32 $0x0;
	s4 =	simm.s32 $0x200;
	[bflag:$0x0] =	sbarrier.arrive $0xFFFF  }
.LBB2_2:
0x74: {  	_ =	swait.ge [sflag:s22], $0x80  }
0x75: {  	[sflag:s22] =	ssyncset.done $0x0  }
0x76: {  	[sflag:s22] =	ssyncadd.s32 $0xFFFFFF80  }
0x77: {  	_ =	swait.ge [sflag:s22], $0x80  }
0x78: {  	[sflag:s22] =	ssyncset.done $0x0  }
0x79: {  	[sflag:s22] =	ssyncadd.s32 $0xFFFFFF80  }
0x7a: {  	[tilespmem:s9], [sflag:$0x5] =	stream.indirect.gather [hbm4b:s20+s3], $0x80, s1, s3, $0xb8;
	[tilespmem:$0x1C400] =	vst v63  }
0x7b: {  	_ =	swait.ge [sflag:s23], $0x80  }
0x7c: {  	[sflag:s23] =	ssyncset.done $0x0  }
0x7d: {  	[sflag:s23] =	ssyncadd.s32 $0xFFFFFF80  }
0x7e: {  	_ =	swait.ge [sflag:s23], $0x80  }
0x7f: {  	[sflag:s23] =	ssyncset.done $0x0  }
0x80: {  	[sflag:s23] =	ssyncadd.s32 $0xFFFFFF80  }
0x81: {  	[tilespmem:s24], [sflag:$0x6] =	stream.indirect.gather [hbm4b:s20+s3], $0x80, s3, s3, $0xb8;
	[tilespmem:$0x1C400] =	vst v63  }
0x82: {  	_ =	swait.ge [sflag:s25], $0x4000  }
0x83: {  	[sflag:s25] =	ssyncset.done $0x0  }
0x84: {  	[sflag:s25] =	ssyncadd.s32 $0xFFFFC000  }
0x85: {  	[spmem:s21] =	stream.indirect.scatter.add.f32 [tilespmem:s9], [sflag:$0x7], $0x80, s4, s3, $0xb8;
	[tilespmem:$0x1C400] =	vst v63  }
0x86: {  	_ =	swait.ge [sflag:s26], $0x4000  }
0x87: {  	[sflag:s26] =	ssyncset.done $0x0  }
0x88: {  	s2 =	simm.s32 $0x280;
	[sflag:s26] =	ssyncadd.s32 $0xFFFFC000  }
0x89: {  	[spmem:s21] =	stream.indirect.scatter.add.f32 [tilespmem:s24], [sflag:$0x8], $0x80, s2, s3, $0xb8;
	[tilespmem:$0x1C400] =	vst v63  }
0x8a: {  	_ =	swait.ge [sflag:s0], $0x4000  }
0x8b: {  	p0 =	seq.s32 s31, $0x4C0;
	[sflag:s0] =	ssyncset.done $0x0  }
0x8c: {  	s19 =	simm.s32 @p0 $0x3;
	[sflag:s0] =	ssyncadd.s32 $0xFFFFC000  }
0x8d: {  	_ =	swait.ge @p0 [sflag:s19], $0x80  }
0x8e: {  	[sflag:s19] =	ssyncset.done @p0 $0x0  }
0x8f: {  	[sflag:s19] =	ssyncadd.s32 @p0 $0xFFFFFF80  }
0x90: {  	_ =	swait.ge @p0 [sflag:s19], $0x80  }
0x91: {  	s30 =	simm.s32 @p0 $0x100;
	[sflag:s19] =	ssyncset.done @p0 $0x0  }
0x92: {  	s5 =	simm.s32 @p0 $0x400;
	[sflag:s19] =	ssyncadd.s32 @p0 $0xFFFFFF80;
	s19 =	simm.s32 @p0 $0x80  }
0x93: {  	[tilespmem:s5], [sflag:$0x5] =	stream.indirect.gather @p0 [hbm4b:s20+s19], $0x80, s30, s19, $0xb8;
	[tilespmem:$0x1C400] =	vst v63  }
0x94: {  	s5 =	simm.s32 @p0 $0x8  }
0x95: {  	_ =	swait.ge @p0 [sflag:s5], $0x4000  }
0x96: {  	[sflag:s5] =	ssyncset.done @p0 $0x0  }
0x97: {  	s19 =	simm.s32 @!p0 $0x0;
	[sflag:s5] =	ssyncadd.s32 @p0 $0xFFFFC000;
	s5 =	sadd.s32 @!p0 s31, s17  }
0x98: {  	[tilespmem:s19], [sflag:$0x1] =	stream.linear.gather @!p0 [hbm4b:s5+s19], $0x80, $0x38;
	[tilespmem:$0x1C400] =	vst v63  }
0x99: {  	s30 =	simm.s32 @!p0 $0x200;
	s5 =	sadd.s32 @!p0 s31, s16  }
0x9a: {  	[tilespmem:s30], [sflag:$0x1] =	stream.linear.gather @!p0 [hbm4b:s5+s19], $0x80, $0x38;
	[tilespmem:$0x1C400] =	vst v63  }
0x9b: {  	s5 =	simm.s32 @!p0 $0x3  }
0x9c: {  	_ =	swait.ge @!p0 [sflag:s5], $0x80  }
0x9d: {  	[sflag:s5] =	ssyncset.done @!p0 $0x0  }
0x9e: {  	[sflag:s5] =	ssyncadd.s32 @!p0 $0xFFFFFF80  }
0x9f: {  	_ =	swait.ge @!p0 [sflag:s5], $0x80  }
0xa0: {  	s2 =	simm.s32 @!p0 $0x400;
	[sflag:s5] =	ssyncset.done @!p0 $0x0  }
0xa1: {  	s30 =	simm.s32 @!p0 $0x100;
	[sflag:s5] =	ssyncadd.s32 @!p0 $0xFFFFFF80;
	s5 =	simm.s32 @!p0 $0x80  }
0xa2: {  	[tilespmem:s2], [sflag:$0x5] =	stream.indirect.gather @!p0 [hbm4b:s20+s5], $0x80, s30, s5, $0xb8;
	[tilespmem:$0x1C400] =	vst v63  }
0xa3: {  	s2 =	simm.s32 @!p0 $0x8  }
0xa4: {  	_ =	swait.ge @!p0 [sflag:s2], $0x4000  }
0xa5: {  	[sflag:s2] =	ssyncset.done @!p0 $0x0  }
0xa6: {  	[sflag:s2] =	ssyncadd.s32 @!p0 $0xFFFFC000;
	s2 =	sadd.s32 @!p0 s31, s15  }
0xa7: {  	[tilespmem:s5], [sflag:$0x2] =	stream.linear.gather @!p0 [hbm4b:s2+s19], $0x80, $0x38;
	[tilespmem:$0x1C400] =	vst v63  }
0xa8: {  	s2 =	sadd.s32 @!p0 s31, s14;
	s5 =	simm.s32 @!p0 $0x280  }
0xa9: {  	[tilespmem:s5], [sflag:$0x2] =	stream.linear.gather @!p0 [hbm4b:s2+s19], $0x80, $0x38;
	[tilespmem:$0x1C400] =	vst v63  }
0xaa: {  	_ =	swait.ge [sflag:s28], $0x80  }
0xab: {  	[sflag:s28] =	ssyncset.done $0x0  }
0xac: {  	[sflag:s28] =	ssyncadd.s32 $0xFFFFFF80  }
0xad: {  	_ =	swait.ge [sflag:s28], $0x80  }
0xae: {  	[sflag:s28] =	ssyncset.done $0x0  }
0xaf: {  	[sflag:s28] =	ssyncadd.s32 $0xFFFFFF80  }
0xb0: {  	[tilespmem:s24], [sflag:$0x6] =	stream.indirect.gather [hbm4b:s20+s3], $0x80, s7, s3, $0xb8;
	[tilespmem:$0x1C400] =	vst v63  }
0xb1: {  	_ =	swait.ge [sflag:s25], $0x4000  }
0xb2: {  	[sflag:s25] =	ssyncset.done $0x0  }
0xb3: {  	[sflag:s25] =	ssyncadd.s32 $0xFFFFC000  }
0xb4: {  	[spmem:s21] =	stream.indirect.scatter.add.f32 [tilespmem:s9], [sflag:$0x7], $0x80, s6, s3, $0xb8;
	[tilespmem:$0x1C400] =	vst v63  }
0xb5: {  	_ =	swait.ge [sflag:s26], $0x4000  }
0xb6: {  	p0 =	sne.s32 s31, $0x4C0;
	[sflag:s26] =	ssyncset.done $0x0  }
.Ltmp2:
0xb7: {  	[sflag:s26] =	ssyncadd.s32 $0xFFFFC000;
	(pc) =	sbr.rel @!p0 .LBB2_3-.Ltmp2, $4  }
0xb8: {  	[spmem:s21] =	stream.indirect.scatter.add.f32 [tilespmem:s24], [sflag:$0x8], $0x80, s8, s3, $0xb8;
	[tilespmem:$0x1C400] =	vst v63  }
0xb9: {  	_ =	swait.ge [sflag:s0], $0x4000  }
0xba: {  	[sflag:s0] =	ssyncset.done $0x0  }
0xbb: {  	[sflag:s0] =	ssyncadd.s32 $0xFFFFC000  }
0xbc: {  	s2 =	sadd.s32 s31, s13;
	s5 =	simm.s32 $0x100;
	s19 =	sadd.s32 s31, s11  }
0xbd: {  	[tilespmem:s5], [sflag:$0x3] =	stream.linear.gather [hbm4b:s2+s1], $0x80, $0x38;
	[tilespmem:$0x1C400] =	vst v63  }
0xbe: {  	s30 =	sadd.s32 s31, s10;
	s5 =	sadd.s32 s31, s12;
	s31 =	sadd.s32 $0x40, s31  }
0xbf: {  	[tilespmem:s6], [sflag:$0x3] =	stream.linear.gather [hbm4b:s5+s1], $0x80, $0x38;
	[tilespmem:$0x1C400] =	vst v63  }
0xc0: {  	p0 =	sne.s32 s31, $0x500;
	_ =	swait.ge [sflag:s29], $0x4000  }
.Ltmp3:
0xc1: {  	[sflag:s29] =	ssyncset.done $0x0;
	(pc) =	sbr.rel @p0 .LBB2_2-.Ltmp3, $4  }
.Ltmp4:
0xc2: {  	[sflag:s29] =	ssyncadd.s32 $0xFFFFC000;
	(pc) =	sbr.rel @!p0 .LBB2_5-.Ltmp4, $4  }
0xc3: {  	[tilespmem:s7], [sflag:$0x4] =	stream.linear.gather [hbm4b:s19+s1], $0x80, $0x38;
	[tilespmem:$0x1C400] =	vst v63  }
0xc4: {  	_ = 	snop  }
0xc5: {  	[tilespmem:s8], [sflag:$0x4] =	stream.linear.gather [hbm4b:s30+s1], $0x80, $0x38;
	[tilespmem:$0x1C400] =	vst v63  }
0xc6: {  	_ = 	snop  }
.LBB2_6:
0xc7: {  	_ =	sfence.sel $0x180000  }
0xc8: {  	[bflag:$0x0] =	sbarrier.arrive $0xFFFF  }
0xc9: {  	_ =	strace $0x90000050  }
0xca: {  	s0 =	stileid.u32;
	[bflag:$0x2] =	sbarrier.arrive $0xFFFF  }
0xcb: {  	p0 =	sne.s32 s0, $0x0;
	s0 =	rddreg [dreg:$0x3]  }
0xcc: {  	s0 =	sadd.s32 @!p0 $0x100000, s0  }
0xcd: {  	[sflag:s0] =	ssyncadd.tile.s32 @!p0 $0x1;
	_ =	shalt  }
.Lfunc_end2:
_tile_overlayer_lowered:
.L_overlay_start_2:
0xce: {  	(tag) =	ssettag $0x2  }
0xcf: {  	s0 =	rddreg [dreg:$0x0];
	s2 =	stileid.u32  }
0xd0: {  	s1 =	rddreg [dreg:$0x1];
	p0 =	sne.s32 s2, $0x0  }
0xd1: {  	s3 =	rddreg [dreg:$0x2];
	[bflag:$0x3] =	sbarrier.arrive $0xFFFF;
	s2 =	simm.s32 @!p0 $0x1C09  }
0xd2: {  	[timem:s3], [sflag:s2] =	dma.local @!p0 [hbm:s0], s1  }
0xd3: {  	s0 =	simm.s32 @!p0 $0x9  }
0xd4: {  	_ =	swait.ge @!p0 [sflag:s0], s1  }
0xd5: {  	s1 =	ssub.s32 @!p0 $0x0, s1;
	[sflag:s0] =	ssyncset.done @!p0 $0x0  }
0xd6: {  	[sflag:s0] =	ssyncadd.s32 @!p0 s1  }
0xd7: {  	[bflag:$0x3] =	sbarrier.arrive $0xFFFF  }
0xd8: {  	_ =	shalt  }

// kernel: kernel.29.cloned.1.call-start
scs
__scs_entry_jumppad:
0x0: {  	(pc) =	sbr.rel $0x88, $3  }
0x1: {  	(tag) =	ssettag $0x0;
	lr =	simm.s32 $0x1  }
0x2: {  	[smem:$0x3F94] =	sst lr;
	_ =	strace $0xD0000000  }
0x3: {  	_ = 	snop  }
0x4: {  	_ = 	snop  }
0x5: {  	_ = 	snop  }
0x6: {  	_ = 	snop  }
0x7: {  	_ = 	snop  }
__scs_overlays_trampoline_lowered:
0x8: {  	[smem:$0x3FA3] =	sst s0  }
0x9: {  	[smem:$0x3FA4] =	sst s1  }
0xa: {  	[smem:$0x3FA5] =	sst s2  }
0xb: {  	[smem:$0x3FA6] =	sst s3  }
0xc: {  	[smem:$0x3FA7] =	sst s4  }
0xd: {  	[smem:$0x3FA8] =	sst s5  }
0xe: {  	[smem:$0x3FA9] =	sst s6  }
0xf: {  	[smem:$0x3FAA] =	sst s7  }
0x10: {  	[smem:$0x3FAB] =	sst s8  }
0x11: {  	[smem:$0x3FAC] =	sst s9;
	s0 =	simm.s32 @!p0 $0x0  }
0x12: {  	s1 =	sld [smem:$0x3F92];
	s0 =	simm.s32 @p0 $0x1  }
0x13: {  	[smem:$0x3FAD] =	sst s0;
	s0 =	simm.s32 @!p1 $0x0  }
0x14: {  	s2 =	sld [smem:$0x3F91];
	s0 =	simm.s32 @p1 $0x1  }
0x15: {  	[smem:$0x3FAE] =	sst s0;
	s0 =	simm.s32 @!p2 $0x0  }
0x16: {  	s3 =	sld [smem:$0x3FDB];
	s0 =	simm.s32 @p2 $0x1  }
0x17: {  	s4 =	simm.s32 $0x1BF5;
	[smem:$0x3FB0] =	sst s0  }
0x18: {  	s0 =	sld [smem:$0x3F93];
	_ =	swait.ge [sflag:s4], $0x0  }
0x19: {  	s7 =	sld [smem:$0x3F94]  }
0x1a: {  	s8 =	sadd.s32 $0xFFFFE003, lr  }
0x1b: {  	s9 =	sadd.s32 $0xFFFFFEF7, lr;
	s5 =	simm.s32 $0xFFFFFFFF;
	p2 =	slt.u32 s8, $0xFFFFF086  }
0x1c: {  	p1 =	slt.u32 s9, $0xF7A;
	s5 =	simm.s32 @!p2 $0x0  }
0x1d: {  	s5 =	simm.s32 @p1 $0x1;
	p0 =	seq.s32 s7, s2  }
0x1e: {  	s7 =	smul.u32 @!p0 $0xF7A, s2;
	p2 =	seq.s32 @!p0 s5, $0x0  }
0x1f: {  	s9 =	smul.u32 $0xF7A, s1;
	s8 =	simm.s32 @!p0 $0x1BF5;
	p2 =	por !p2, p0  }
0x20: {  	[sflag:s8] =	ssyncset.s32 @!p0 $0xFFFFF086;
	s6 =	sadd.s32 @!p0 s3, s7;
	s7 =	simm.s32 @!p0 $0x108  }
0x21: {  	s3 =	sadd.s32 s3, s9;
	s6 =	sadd.s32 @!p0 $0x88, s6;
	s7 =	simm.s32 @p2 $0x1082  }
0x22: {  	[simem:s7], [sflag:s8] =	dma.local @!p0 [hbm:s6], $0xF7A  }
0x23: {  	s9 =	sor.u32 $0xD0000000, s2;
	s6 =	simm.s32 $0x108;
	_ =	swait.ge @!p0 [sflag:s8], $0x0  }
0x24: {  	s3 =	sadd.s32 $0x88, s3;
	s6 =	simm.s32 @!p1 $0x1082;
	[sflag:s4] =	ssyncset.s32 $0xFFFFF086  }
0x25: {  	[simem:s6], [sflag:s4] =	dma.local [hbm:s3], $0xF7A  }
0x26: {  	[smem:$0x3F94] =	sst s1;
	(tag) =	ssettag s2;
	_ =	strace s9  }
0x27: {  	s1 =	sld [smem:$0x3FA4]  }
0x28: {  	s2 =	sld [smem:$0x3FA5]  }
0x29: {  	s4 =	sld [smem:$0x3FA7]  }
0x2a: {  	p0 =	seq.s32 s5, $0x0;
	s5 =	sld [smem:$0x3FA8]  }
0x2b: {  	s6 =	sld [smem:$0x3FA9]  }
0x2c: {  	s7 =	sld [smem:$0x3FAA]  }
0x2d: {  	s3 =	simm.s32 $0x108;
	s8 =	sld [smem:$0x3FAB]  }
0x2e: {  	s3 =	simm.s32 @!p0 $0x1082;
	s9 =	sld [smem:$0x3FAC]  }
0x2f: {  	lr =	sadd.s32 s0, s3;
	s0 =	sld [smem:$0x3FA3]  }
0x30: {  	s3 =	sld [smem:$0x3FA6]  }
0x31: {  	[smem:$0x3FAF] =	sst s10  }
0x32: {  	s10 =	sld [smem:$0x3FAD];
	_ =	sdelay $0x3  }
0x33: {  	p0 =	seq.s32 s10, $0x1;
	s10 =	sld [smem:$0x3FAF];
	_ =	sdelay $0x3  }
0x34: {  	[smem:$0x3FAF] =	sst s10  }
0x35: {  	s10 =	sld [smem:$0x3FAE];
	_ =	sdelay $0x3  }
0x36: {  	p1 =	seq.s32 s10, $0x1;
	s10 =	sld [smem:$0x3FAF];
	_ =	sdelay $0x3  }
0x37: {  	[smem:$0x3FAF] =	sst s10  }
0x38: {  	s10 =	sld [smem:$0x3FB0]  }
0x39: {  	_ = 	snop;
	(pc) =	sbr.ind lr, $3  }
0x3a: {  	_ = 	snop  }
0x3b: {  	_ = 	snop  }
0x3c: {  	p2 =	seq.s32 s10, $0x1;
	s10 =	sld [smem:$0x3FAF]  }
0x3d: {  	_ =	shalt  }
0x3e: {  	_ =	shalt  }
0x3f: {  	_ =	shalt  }
0x40: {  	_ =	shalt  }
0x41: {  	_ =	shalt  }
0x42: {  	_ =	shalt  }
0x43: {  	_ =	shalt  }
0x44: {  	_ =	shalt  }
0x45: {  	_ =	shalt  }
0x46: {  	_ =	shalt  }
0x47: {  	_ =	shalt  }
0x48: {  	_ =	shalt  }
0x49: {  	_ =	shalt  }
0x4a: {  	_ =	shalt  }
0x4b: {  	_ =	shalt  }
0x4c: {  	_ =	shalt  }
0x4d: {  	_ =	shalt  }
0x4e: {  	_ =	shalt  }
0x4f: {  	_ =	shalt  }
0x50: {  	_ =	shalt  }
0x51: {  	_ =	shalt  }
0x52: {  	_ =	shalt  }
0x53: {  	_ =	shalt  }
0x54: {  	_ =	shalt  }
0x55: {  	_ =	shalt  }
0x56: {  	_ =	shalt  }
0x57: {  	_ =	shalt  }
0x58: {  	_ =	shalt  }
0x59: {  	_ =	shalt  }
0x5a: {  	_ =	shalt  }
0x5b: {  	_ =	shalt  }
0x5c: {  	_ =	shalt  }
0x5d: {  	_ =	shalt  }
0x5e: {  	_ =	shalt  }
0x5f: {  	_ =	shalt  }
0x60: {  	_ =	shalt  }
0x61: {  	_ =	shalt  }
0x62: {  	_ =	shalt  }
0x63: {  	_ =	shalt  }
0x64: {  	_ =	shalt  }
0x65: {  	_ =	shalt  }
0x66: {  	_ =	shalt  }
0x67: {  	_ =	shalt  }
0x68: {  	_ =	shalt  }
0x69: {  	_ =	shalt  }
0x6a: {  	_ =	shalt  }
0x6b: {  	_ =	shalt  }
0x6c: {  	_ =	shalt  }
0x6d: {  	_ =	shalt  }
0x6e: {  	_ =	shalt  }
0x6f: {  	_ =	shalt  }
0x70: {  	_ =	shalt  }
0x71: {  	_ =	shalt  }
0x72: {  	_ =	shalt  }
0x73: {  	_ =	shalt  }
0x74: {  	_ =	shalt  }
0x75: {  	_ =	shalt  }
0x76: {  	_ =	shalt  }
0x77: {  	_ =	shalt  }
0x78: {  	_ =	shalt  }
0x79: {  	_ =	shalt  }
0x7a: {  	_ =	shalt  }
0x7b: {  	_ =	shalt  }
0x7c: {  	_ =	shalt  }
0x7d: {  	_ =	shalt  }
0x7e: {  	_ =	shalt  }
0x7f: {  	_ =	shalt  }
0x80: {  	_ =	shalt  }
0x81: {  	_ =	shalt  }
0x82: {  	_ =	shalt  }
0x83: {  	_ =	shalt  }
0x84: {  	_ =	shalt  }
0x85: {  	_ =	shalt  }
0x86: {  	_ =	shalt  }
0x87: {  	_ =	shalt  }
.Lfunc_end0:
.L_simem_size_0:
called_computation.4_lowered:
.L_overlay_start_0:
0x88: {  	s2 =	sld [smem:$0x3FD9]  }
0x89: {  	s3 =	sld [smem:$0x3FFE];
	_ =	sdelay $0x1  }
0x8a: {  	s1 =	srdreg.scid  }
0x8b: {  	s0 =	sand.u32 $0x1, s1  }
0x8c: {  	s17 =	sshll.u32 s0, $0xA;
	s2 =	sadd.s32 s3, s2  }
0x8d: {  	s2 =	sadd.s32 s2, s17  }
0x8e: {  	[smem:$0x3FBB] =	sst s2  }
0x8f: {  	_ = 	snop  }
0x90: {  	s2 =	sld [smem:$0x3FD0];
	(tm) =	ssettm $0x1  }
0x91: {  	s18 =	sld [smem:$0x3FFB];
	_ =	sdelay $0x3  }
0x92: {  	_ =	strace s18  }
0x93: {  	s3 =	sld [smem:$0x3FFC];
	_ =	sdelay $0x3  }
0x94: {  	_ =	strace s3  }
0x95: {  	s3 =	sld [smem:$0x3FFD];
	_ =	sdelay $0x3  }
0x96: {  	_ =	strace s3  }
0x97: {  	_ =	strace $0x8FFFFFFF  }
0x98: {  	s19 =	sld [smem:$0x3FDB];
	_ =	sdelay $0x1  }
0x99: {  	s4 =	simm.s32 $_scs_section_size  }
0x9a: {  	s5 =	simm.s32 $_size__tile_overlayer_lowered;
	s6 =	simm.s32 $_tile_overlayer_lowered  }
0x9b: {  	s22 =	simm.s32 $0x1BFF;
	s21 =	sshll.u32 s6, $0x1;
	s3 =	sadd.s32 s4, s19  }
0x9c: {  	s7 =	simm.s32 $0x0;
	s20 =	sshll.u32 s5, $0x1;
	s5 =	sadd.s32 s21, s3  }
0x9d: {  	[timem:s7], [sflag:s22] =	dma.local [hbm:s5], s20  }
0x9e: {  	_ =	swait.ge [sflag:s22], s20  }
0x9f: {  	s4 =	ssub.s32 $0x0, s20;
	[sflag:s22] =	ssyncset.done $0x0  }
0xa0: {  	[sflag:s22] =	ssyncadd.s32 s4;
	_ =	sdelay $0x1  }
0xa1: {  	s23 =	simm.s32 $0x1B8B  }
0xa2: {  	_ =	swait.ge [sflag:s23], $0x1  }
0xa3: {  	[sflag:s23] =	ssyncset.done $0x0  }
0xa4: {  	s25 =	simm.s32 $0x1B8E;
	s24 =	sld [smem:$0x3FFE];
	[sflag:s23] =	ssyncadd.s32 $0xFFFFFFFF  }
0xa5: {  	s26 =	simm.s32 $execute0_lowered;
	[smem:$0x3FD2] =	sst s25  }
0xa6: {  	s5 =	sshll.u32 s26, $0x1;
	_ =	strace $0x80000052;
	[dreg:$0x1] =	wrdreg $0xFFFFFFFF  }
0xa7: {  	s28 =	simm.s32 $_size_execute0_lowered;
	s3 =	sadd.s32 s3, s5;
	[dreg:$0x0] =	wrdreg $0x0  }
0xa8: {  	s5 =	sshll.u32 s28, $0x1;
	[dreg:$0x2] =	wrdreg s3  }
0xa9: {  	[dreg:$0x3] =	wrdreg s5  }
0xaa: {  	[dreg:$0x4] =	wrdreg $0xC0  }
0xab: {  	_ =	task [dreg:s7], $0x5FFFF  }
0xac: {  	[dreg:$0x1] =	wrdreg $0xFFFFFFFF  }
0xad: {  	[dreg:$0x0] =	wrdreg $0x60  }
0xae: {  	[dreg:$0x2] =	wrdreg s24  }
0xaf: {  	[dreg:$0x3] =	wrdreg s2  }
0xb0: {  	[dreg:$0x4] =	wrdreg $0x84000  }
0xb1: {  	[dreg:$0x5] =	wrdreg $0x9  }
0xb2: {  	_ =	task.clear_ibuf [dreg:s7], $0x6FFFF;
	_ =	strace $0x90000052  }
0xb3: {  	s29 =	simm.s32 $0x9;
	_ =	strace $0x80000054  }
0xb4: {  	_ =	swait.ge [sflag:s29], $0x1  }
0xb5: {  	[sflag:s29] =	ssyncadd.s32 $0xFFFFFFFF  }
0xb6: {  	_ =	strace $0x90000054  }
0xb7: {  	_ =	sfence  }
0xb8: {  	s30 =	sld [smem:$0x0];
	_ =	sdelay $0x2  }
0xb9: {  	s31 =	sshll.u32 s1, $0xD;
	s1 =	sshrl.u32 s1, $0x2  }
0xba: {  	s3 =	sand.u32 $0x4000, s31;
	s1 =	sadd.s32 s1, s30  }
0xbb: {  	s0 =	sor.u32 s3, s0;
	s1 =	sshll.u32 s1, $0x11  }
0xbc: {  	s0 =	sor.u32 s1, s0  }
0xbd: {  	s0 =	sadd.s32 $0x8F2B, s0  }
0xbe: {  	[sflag:s0] =	ssyncadd.remote.s32 $0x1  }
0xbf: {  	_ =	sfence.sel $0xFFFF  }
0xc0: {  	[dreg:$0x0] =	wrdreg $0xFFFFFFFF;
	(pc) =	sbr.abs _section_cstart, $3  }
0xc1: {  	[dreg:$0x1] =	wrdreg $0xFFFFFFFF  }
0xc2: {  	_ =	task.clear_ibuf [dreg:s7], $0x2FFFF;
	_ =	strace $0x9FFFFFFF  }
0xc3: {  	(tm) =	ssettm $0x7FFFFFFF  }
tec
execute0_lowered:
.L_overlay_start_1:
0x0: {  	(tag) =	ssettag $0x1  }
0x1: {  	s1 =	srdreg.scid  }
0x2: {  	s19 =	stileid.u32;
	s0 =	rddreg [dreg:$0x0]  }
0x3: {  	s28 =	simm.s32 $0x4;
	s29 =	simm.s32 $0x8;
	s10 =	smul.u32 $0x5000, s19  }
0x4: {  	s3 =	sand.u32 $0x1, s1;
	s2 =	sshll.u32 s19, $0x1;
	s25 =	smul.u32 $0x280, s19  }
0x5: {  	s1 =	simm.s32 $0x0;
	s7 =	sadd.s32 $0x7600, s0;
	s4 =	smul.u32 $0x28000, s3  }
0x6: {  	s2 =	sor.u32 s3, s2;
	s5 =	ssub.s32 $0x2, s3;
	s3 =	smul.u32 $0x2800, s3  }
0x7: {  	s8 =	sadd.s32 $0x11600, s0;
	s6 =	smul.u32 $0x2800, s2;
	s17 =	sshrl.u32 s5, $0x1  }
0x8: {  	[smem:$0x7FF] =	sst s1;
	s4 =	sadd.s32 s4, s0;
	s2 =	ssub.s32 s5, s17  }
0x9: {  	s3 =	sadd.s32 s3, s10;
	s0 =	sadd.s32 $0x1B600, s0;
	s18 =	sshrl.u32 s6, $0x3  }
0xa: {  	s10 =	sor.u32 $0x380, s3;
	s12 =	sor.u32 $0x300, s3;
	s14 =	sor.u32 $0x280, s3  }
0xb: {  	s3 =	sor.u32 $0x200, s3;
	s4 =	sadd.s32 $0x1BE00, s4;
	s6 =	sadd.s32 s7, s18  }
0xc: {  	s20 =	sadd.s32 s8, s18;
	s21 =	sor.u32 $0x10, s18;
	s22 =	sor.u32 $0x20, s18  }
0xd: {  	s5 =	sor.u32 $0x30, s18;
	s18 =	smul.u32 $0x2800, s19;
	s11 =	sshrl.u32 s10, $0x3  }
0xe: {  	s13 =	sshrl.u32 s12, $0x3;
	s15 =	sshrl.u32 s14, $0x3;
	[dreg:$0x4] =	wrdreg s6  }
0xf: {  	s3 =	sshrl.u32 s3, $0x3;
	[dreg:$0x5] =	wrdreg s20;
	s9 =	sadd.s32 s7, s21  }
0x10: {  	s6 =	sadd.s32 s8, s21;
	s23 =	sadd.s32 s7, s22;
	s20 =	rddreg [dreg:$0x1]  }
0x11: {  	s24 =	sadd.s32 s8, s22;
	s26 =	sadd.s32 s7, s5;
	s21 =	rddreg [dreg:$0x2]  }
0x12: {  	s5 =	sadd.s32 s8, s5;
	s10 =	sadd.s32 s11, s8;
	[dreg:$0x6] =	wrdreg s9  }
0x13: {  	s11 =	sadd.s32 s11, s7;
	s12 =	sadd.s32 s13, s8;
	[dreg:$0x7] =	wrdreg s6  }
0x14: {  	s13 =	sadd.s32 s13, s7;
	s14 =	sadd.s32 s15, s8;
	[dreg:$0x8] =	wrdreg s23  }
0x15: {  	s15 =	sadd.s32 s15, s7;
	s16 =	sadd.s32 s3, s8;
	[dreg:$0x9] =	wrdreg s24  }
0x16: {  	s17 =	sadd.s32 s3, s7;
	s3 =	sadd.s32 $0x180, s25;
	[dreg:$0xa] =	wrdreg s26  }
0x17: {  	[dreg:$0xb] =	wrdreg s5;
	s5 =	sadd.s32 $0x80, s25;
	s9 =	sadd.s32 $0x100, s25  }
0x18: {  	s6 =	sadd.s32 $0x200, s25;
	s8 =	sadd.s32 s18, s4;
	s24 =	smul.u32 $0x50000, s19  }
0x19: {  	s25 =	sshll.u32 s3, $0x4;
	[dreg:$0xc] =	wrdreg s8;
	s18 =	sshll.u32 s5, $0x4  }
0x1a: {  	s22 =	sshll.u32 s9, $0x4;
	s26 =	sshll.u32 s6, $0x4;
	s8 =	sadd.s32 s25, s4  }
0x1b: {  	s19 =	sshll.u32 s5, $0x7;
	s7 =	sadd.s32 s18, s4;
	s23 =	sadd.s32 s22, s4  }
0x1c: {  	[dreg:$0xf] =	wrdreg s8;
	s4 =	sadd.s32 s26, s4;
	s18 =	sshrl.u32 s24, $0x2  }
0x1d: {  	s31 =	sadd.s32 s19, s21;
	s22 =	sshll.u32 s9, $0x7;
	[dreg:$0xd] =	wrdreg s7  }
0x1e: {  	s24 =	sshll.u32 s6, $0x7;
	s26 =	smax.u32 s2, $0x1;
	[dreg:$0xe] =	wrdreg s23  }
0x1f: {  	s6 =	simm.s32 $0x300;
	s8 =	simm.s32 $0x380;
	[dreg:$0x10] =	wrdreg s4  }
0x20: {  	s25 =	sadd.s32 s24, s21;
	_ =	strace $0x80000053;
	[dreg:$0x11] =	wrdreg s0  }
0x21: {  	s9 =	simm.s32 $0x400;
	s19 =	simm.s32 $0x0;
	[dreg:$0x17] =	wrdreg s25  }
0x22: {  	s30 =	sadd.s32 s18, s21;
	s5 =	sadd.s32 s22, s21;
	[dreg:$0x19] =	wrdreg s26  }
0x23: {  	s23 =	sshll.u32 s3, $0x7;
	s3 =	simm.s32 $0x80;
	[dreg:$0x12] =	wrdreg s30  }
.Ltmp0:
0x24: {  	s7 =	simm.s32 $0x180;
	[dreg:$0x13] =	wrdreg s31;
	(pc) =	sbr.rel .LBB2_1-.Ltmp0, $4  }
0x25: {  	s18 =	simm.s32 $0x9;
	s22 =	simm.s32 $0x1;
	[dreg:$0x14] =	wrdreg s5  }
0x26: {  	s24 =	simm.s32 $0x4400;
	s4 =	sadd.s32 s23, s21;
	[dreg:$0x16] =	wrdreg s10  }
0x27: {  	s23 =	simm.s32 $0x2;
	s25 =	simm.s32 $0x5;
	[dreg:$0x18] =	wrdreg s15  }
0x28: {  	s26 =	simm.s32 $0x6;
	s0 =	simm.s32 $0x7;
	[dreg:$0x15] =	wrdreg s4  }
.LBB2_3:
0x29: {  	_ =	swait.ge [sflag:s29], $0x4000  }
0x2a: {  	[sflag:s29] =	ssyncset.done $0x0  }
0x2b: {  	[sflag:s29] =	ssyncadd.s32 $0xFFFFC000  }
.LBB2_5:
0x2c: {  	s2 =	stileid.u32;
	[bflag:$0x0] =	sbarrier.arrive $0xFFFF  }
0x2d: {  	s2 =	sshll.u32 s2, $0x6;
	s30 =	rddreg [dreg:$0x12]  }
0x2e: {  	s19 =	rddreg [dreg:$0xc];
	s2 =	sor.u32 $0x1C09, s2;
	s5 =	sshrl.u32 s30, $0x3  }
0x2f: {  	[hbm:s19], [sflag:s2] =	dma.local [spmem:s5], $0x800  }
0x30: {  	_ =	swait.ge [sflag:s18], $0x800  }
0x31: {  	[sflag:s18] =	ssyncset.done $0x0;
	s31 =	rddreg [dreg:$0x13]  }
0x32: {  	s15 =	rddreg [dreg:$0xd];
	[sflag:s18] =	ssyncadd.s32 $0xFFFFF800;
	s10 =	sshrl.u32 s31, $0x3  }
0x33: {  	[hbm:s15], [sflag:s2] =	dma.local [spmem:s10], $0x800  }
0x34: {  	_ =	swait.ge [sflag:s18], $0x800  }
0x35: {  	[sflag:s18] =	ssyncset.done $0x0;
	s10 =	rddreg [dreg:$0x14]  }
0x36: {  	s15 =	rddreg [dreg:$0xe];
	[sflag:s18] =	ssyncadd.s32 $0xFFFFF800;
	s4 =	sshrl.u32 s10, $0x3  }
0x37: {  	[hbm:s15], [sflag:s2] =	dma.local [spmem:s4], $0x800  }
0x38: {  	_ =	swait.ge [sflag:s18], $0x800  }
0x39: {  	[sflag:s18] =	ssyncset.done $0x0;
	s4 =	rddreg [dreg:$0x15]  }
0x3a: {  	s15 =	rddreg [dreg:$0xf];
	[sflag:s18] =	ssyncadd.s32 $0xFFFFF800;
	s19 =	sshrl.u32 s4, $0x3  }
0x3b: {  	[hbm:s15], [sflag:s2] =	dma.local [spmem:s19], $0x800  }
0x3c: {  	s15 =	smov.u32 s14;
	_ =	swait.ge [sflag:s18], $0x800  }
0x3d: {  	s14 =	smov.u32 s13;
	[sflag:s18] =	ssyncset.done $0x0;
	s19 =	rddreg [dreg:$0x17]  }
0x3e: {  	s13 =	rddreg [dreg:$0x10];
	[sflag:s18] =	ssyncadd.s32 $0xFFFFF800;
	s5 =	sshrl.u32 s19, $0x3  }
0x3f: {  	[hbm:s13], [sflag:s2] =	dma.local [spmem:s5], $0x800  }
0x40: {  	s13 =	smov.u32 s14;
	s14 =	smov.u32 s15;
	s15 =	rddreg [dreg:$0x18]  }
0x41: {  	s5 =	smov.u32 s10;
	s10 =	rddreg [dreg:$0x16];
	_ =	swait.ge [sflag:s18], $0x800  }
0x42: {  	s2 =	rddreg [dreg:$0x1a]  }
0x43: {  	s19 =	sadd.s32 $0x1, s2;
	s2 =	rddreg [dreg:$0x19]  }
0x44: {  	p0 =	sne.s32 s19, s2  }
.Ltmp1:
0x45: {  	_ = 	snop;
	(pc) =	sbr.rel @!p0 .LBB2_6-.Ltmp1, $3  }
0x46: {  	_ =	sdelay $0x1  }
0x47: {  	[sflag:s18] =	ssyncset.done $0x0  }
0x48: {  	[sflag:s18] =	ssyncadd.s32 $0xFFFFF800  }
.LBB2_1:
0x49: {  	[dreg:$0x1a] =	wrdreg s19  }
0x4a: {  	s2 =	rddreg [dreg:$0x4]  }
0x4b: {  	[tilespmem:s1], [sflag:$0x1] =	stream.linear.gather [hbm4b:s2+s1], $0x80, $0x38;
	[tilespmem:$0x1C400] =	vst v63  }
0x4c: {  	s19 =	simm.s32 $0x200;
	s2 =	rddreg [dreg:$0x5]  }
0x4d: {  	[tilespmem:s19], [sflag:$0x1] =	stream.linear.gather [hbm4b:s2+s1], $0x80, $0x38;
	[tilespmem:$0x1C400] =	vst v63  }
0x4e: {  	s19 =	rddreg [dreg:$0x6]  }
0x4f: {  	[tilespmem:s3], [sflag:$0x2] =	stream.linear.gather [hbm4b:s19+s1], $0x80, $0x38;
	[tilespmem:$0x1C400] =	vst v63  }
0x50: {  	s2 =	rddreg [dreg:$0x7];
	s19 =	simm.s32 $0x280  }
0x51: {  	[tilespmem:s19], [sflag:$0x2] =	stream.linear.gather [hbm4b:s2+s1], $0x80, $0x38;
	[tilespmem:$0x1C400] =	vst v63  }
0x52: {  	s2 =	rddreg [dreg:$0x8];
	s19 =	simm.s32 $0x100  }
0x53: {  	[tilespmem:s19], [sflag:$0x3] =	stream.linear.gather [hbm4b:s2+s1], $0x80, $0x38;
	[tilespmem:$0x1C400] =	vst v63  }
0x54: {  	s19 =	rddreg [dreg:$0x9]  }
0x55: {  	[tilespmem:s6], [sflag:$0x3] =	stream.linear.gather [hbm4b:s19+s1], $0x80, $0x38;
	[tilespmem:$0x1C400] =	vst v63  }
0x56: {  	s19 =	rddreg [dreg:$0xa]  }
0x57: {  	[tilespmem:s7], [sflag:$0x4] =	stream.linear.gather [hbm4b:s19+s1], $0x80, $0x38;
	[tilespmem:$0x1C400] =	vst v63  }
0x58: {  	s19 =	rddreg [dreg:$0xb]  }
0x59: {  	[tilespmem:s8], [sflag:$0x4] =	stream.linear.gather [hbm4b:s19+s1], $0x80, $0x38;
	[tilespmem:$0x1C400] =	vst v63  }
0x5a: {  	s19 =	rddreg [dreg:$0x11]  }
0x5b: {  	[tilespmem:s9], [sflag:$0x9] =	stream.linear.gather [hbm4b:s19+s1], $0x4000, $0x38;
	[tilespmem:$0x1C400] =	vst v63  }
0x5c: {  	_ =	swait.ge [sflag:s18], $0x4000  }
0x5d: {  	[sflag:s18] =	ssyncset.done $0x0  }
0x5e: {  	[sflag:s18] =	ssyncadd.s32 $0xFFFFC000  }
0x5f: {  	[spmem:s30] =	stream.linear.scatter [tilespmem:s9], [sflag:$0x9], $0x4000, $0x38;
	[tilespmem:$0x1C400] =	vst v63  }
0x60: {  	_ =	swait.ge [sflag:s18], $0x4000  }
0x61: {  	[sflag:s18] =	ssyncset.done $0x0  }
0x62: {  	[sflag:s18] =	ssyncadd.s32 $0xFFFFC000  }
0x63: {  	[spmem:s31] =	stream.linear.scatter [tilespmem:s9], [sflag:$0x9], $0x4000, $0x38;
	[tilespmem:$0x1C400] =	vst v63  }
0x64: {  	_ =	swait.ge [sflag:s18], $0x4000  }
0x65: {  	[sflag:s18] =	ssyncset.done $0x0  }
0x66: {  	[sflag:s18] =	ssyncadd.s32 $0xFFFFC000  }
0x67: {  	[spmem:s5] =	stream.linear.scatter [tilespmem:s9], [sflag:$0x9], $0x4000, $0x38;
	[tilespmem:$0x1C400] =	vst v63  }
0x68: {  	_ =	swait.ge [sflag:s18], $0x4000  }
0x69: {  	[sflag:s18] =	ssyncset.done $0x0  }
0x6a: {  	[sflag:s18] =	ssyncadd.s32 $0xFFFFC000  }
0x6b: {  	[spmem:s4] =	stream.linear.scatter [tilespmem:s9], [sflag:$0x9], $0x4000, $0x38;
	[tilespmem:$0x1C400] =	vst v63  }
0x6c: {  	_ =	swait.ge [sflag:s18], $0x4000  }
0x6d: {  	[sflag:s18] =	ssyncset.done $0x0  }
0x6e: {  	s30 =	rddreg [dreg:$0x17];
	[sflag:s18] =	ssyncadd.s32 $0xFFFFC000  }
0x6f: {  	[spmem:s30] =	stream.linear.scatter [tilespmem:s9], [sflag:$0x9], $0x4000, $0x38;
	[tilespmem:$0x1C400] =	vst v63  }
0x70: {  	_ =	swait.ge [sflag:s18], $0x4000  }
0x71: {  	[sflag:s18] =	ssyncset.done $0x0  }
0x72: {  	[sflag:s18] =	ssyncadd.s32 $0xFFFFC000  }
0x73: {  	s31 =	simm.s32 $0x0;
	s4 =	simm.s32 $0x200;
	[bflag:$0x0] =	sbarrier.arrive $0xFFFF  }
.LBB2_2:
0x74: {  	_ =	swait.ge [sflag:s22], $0x80  }
0x75: {  	[sflag:s22] =	ssyncset.done $0x0  }
0x76: {  	[sflag:s22] =	ssyncadd.s32 $0xFFFFFF80  }
0x77: {  	_ =	swait.ge [sflag:s22], $0x80  }
0x78: {  	[sflag:s22] =	ssyncset.done $0x0  }
0x79: {  	[sflag:s22] =	ssyncadd.s32 $0xFFFFFF80  }
0x7a: {  	[tilespmem:s9], [sflag:$0x5] =	stream.indirect.gather [hbm4b:s20+s3], $0x80, s1, s3, $0xb8;
	[tilespmem:$0x1C400] =	vst v63  }
0x7b: {  	_ =	swait.ge [sflag:s23], $0x80  }
0x7c: {  	[sflag:s23] =	ssyncset.done $0x0  }
0x7d: {  	[sflag:s23] =	ssyncadd.s32 $0xFFFFFF80  }
0x7e: {  	_ =	swait.ge [sflag:s23], $0x80  }
0x7f: {  	[sflag:s23] =	ssyncset.done $0x0  }
0x80: {  	[sflag:s23] =	ssyncadd.s32 $0xFFFFFF80  }
0x81: {  	[tilespmem:s24], [sflag:$0x6] =	stream.indirect.gather [hbm4b:s20+s3], $0x80, s3, s3, $0xb8;
	[tilespmem:$0x1C400] =	vst v63  }
0x82: {  	_ =	swait.ge [sflag:s25], $0x4000  }
0x83: {  	[sflag:s25] =	ssyncset.done $0x0  }
0x84: {  	[sflag:s25] =	ssyncadd.s32 $0xFFFFC000  }
0x85: {  	[spmem:s21] =	stream.indirect.scatter.add.f32 [tilespmem:s9], [sflag:$0x7], $0x80, s4, s3, $0xb8;
	[tilespmem:$0x1C400] =	vst v63  }
0x86: {  	_ =	swait.ge [sflag:s26], $0x4000  }
0x87: {  	[sflag:s26] =	ssyncset.done $0x0  }
0x88: {  	s2 =	simm.s32 $0x280;
	[sflag:s26] =	ssyncadd.s32 $0xFFFFC000  }
0x89: {  	[spmem:s21] =	stream.indirect.scatter.add.f32 [tilespmem:s24], [sflag:$0x8], $0x80, s2, s3, $0xb8;
	[tilespmem:$0x1C400] =	vst v63  }
0x8a: {  	_ =	swait.ge [sflag:s0], $0x4000  }
0x8b: {  	p0 =	seq.s32 s31, $0x4C0;
	[sflag:s0] =	ssyncset.done $0x0  }
0x8c: {  	s19 =	simm.s32 @p0 $0x3;
	[sflag:s0] =	ssyncadd.s32 $0xFFFFC000  }
0x8d: {  	_ =	swait.ge @p0 [sflag:s19], $0x80  }
0x8e: {  	[sflag:s19] =	ssyncset.done @p0 $0x0  }
0x8f: {  	[sflag:s19] =	ssyncadd.s32 @p0 $0xFFFFFF80  }
0x90: {  	_ =	swait.ge @p0 [sflag:s19], $0x80  }
0x91: {  	s30 =	simm.s32 @p0 $0x100;
	[sflag:s19] =	ssyncset.done @p0 $0x0  }
0x92: {  	s5 =	simm.s32 @p0 $0x400;
	[sflag:s19] =	ssyncadd.s32 @p0 $0xFFFFFF80;
	s19 =	simm.s32 @p0 $0x80  }
0x93: {  	[tilespmem:s5], [sflag:$0x5] =	stream.indirect.gather @p0 [hbm4b:s20+s19], $0x80, s30, s19, $0xb8;
	[tilespmem:$0x1C400] =	vst v63  }
0x94: {  	s5 =	simm.s32 @p0 $0x8  }
0x95: {  	_ =	swait.ge @p0 [sflag:s5], $0x4000  }
0x96: {  	[sflag:s5] =	ssyncset.done @p0 $0x0  }
0x97: {  	s19 =	simm.s32 @!p0 $0x0;
	[sflag:s5] =	ssyncadd.s32 @p0 $0xFFFFC000;
	s5 =	sadd.s32 @!p0 s31, s17  }
0x98: {  	[tilespmem:s19], [sflag:$0x1] =	stream.linear.gather @!p0 [hbm4b:s5+s19], $0x80, $0x38;
	[tilespmem:$0x1C400] =	vst v63  }
0x99: {  	s30 =	simm.s32 @!p0 $0x200;
	s5 =	sadd.s32 @!p0 s31, s16  }
0x9a: {  	[tilespmem:s30], [sflag:$0x1] =	stream.linear.gather @!p0 [hbm4b:s5+s19], $0x80, $0x38;
	[tilespmem:$0x1C400] =	vst v63  }
0x9b: {  	s5 =	simm.s32 @!p0 $0x3  }
0x9c: {  	_ =	swait.ge @!p0 [sflag:s5], $0x80  }
0x9d: {  	[sflag:s5] =	ssyncset.done @!p0 $0x0  }
0x9e: {  	[sflag:s5] =	ssyncadd.s32 @!p0 $0xFFFFFF80  }
0x9f: {  	_ =	swait.ge @!p0 [sflag:s5], $0x80  }
0xa0: {  	s2 =	simm.s32 @!p0 $0x400;
	[sflag:s5] =	ssyncset.done @!p0 $0x0  }
0xa1: {  	s30 =	simm.s32 @!p0 $0x100;
	[sflag:s5] =	ssyncadd.s32 @!p0 $0xFFFFFF80;
	s5 =	simm.s32 @!p0 $0x80  }
0xa2: {  	[tilespmem:s2], [sflag:$0x5] =	stream.indirect.gather @!p0 [hbm4b:s20+s5], $0x80, s30, s5, $0xb8;
	[tilespmem:$0x1C400] =	vst v63  }
0xa3: {  	s2 =	simm.s32 @!p0 $0x8  }
0xa4: {  	_ =	swait.ge @!p0 [sflag:s2], $0x4000  }
0xa5: {  	[sflag:s2] =	ssyncset.done @!p0 $0x0  }
0xa6: {  	[sflag:s2] =	ssyncadd.s32 @!p0 $0xFFFFC000;
	s2 =	sadd.s32 @!p0 s31, s15  }
0xa7: {  	[tilespmem:s5], [sflag:$0x2] =	stream.linear.gather @!p0 [hbm4b:s2+s19], $0x80, $0x38;
	[tilespmem:$0x1C400] =	vst v63  }
0xa8: {  	s2 =	sadd.s32 @!p0 s31, s14;
	s5 =	simm.s32 @!p0 $0x280  }
0xa9: {  	[tilespmem:s5], [sflag:$0x2] =	stream.linear.gather @!p0 [hbm4b:s2+s19], $0x80, $0x38;
	[tilespmem:$0x1C400] =	vst v63  }
0xaa: {  	_ =	swait.ge [sflag:s28], $0x80  }
0xab: {  	[sflag:s28] =	ssyncset.done $0x0  }
0xac: {  	[sflag:s28] =	ssyncadd.s32 $0xFFFFFF80  }
0xad: {  	_ =	swait.ge [sflag:s28], $0x80  }
0xae: {  	[sflag:s28] =	ssyncset.done $0x0  }
0xaf: {  	[sflag:s28] =	ssyncadd.s32 $0xFFFFFF80  }
0xb0: {  	[tilespmem:s24], [sflag:$0x6] =	stream.indirect.gather [hbm4b:s20+s3], $0x80, s7, s3, $0xb8;
	[tilespmem:$0x1C400] =	vst v63  }
0xb1: {  	_ =	swait.ge [sflag:s25], $0x4000  }
0xb2: {  	[sflag:s25] =	ssyncset.done $0x0  }
0xb3: {  	[sflag:s25] =	ssyncadd.s32 $0xFFFFC000  }
0xb4: {  	[spmem:s21] =	stream.indirect.scatter.add.f32 [tilespmem:s9], [sflag:$0x7], $0x80, s6, s3, $0xb8;
	[tilespmem:$0x1C400] =	vst v63  }
0xb5: {  	_ =	swait.ge [sflag:s26], $0x4000  }
0xb6: {  	p0 =	sne.s32 s31, $0x4C0;
	[sflag:s26] =	ssyncset.done $0x0  }
.Ltmp2:
0xb7: {  	[sflag:s26] =	ssyncadd.s32 $0xFFFFC000;
	(pc) =	sbr.rel @!p0 .LBB2_3-.Ltmp2, $4  }
0xb8: {  	[spmem:s21] =	stream.indirect.scatter.add.f32 [tilespmem:s24], [sflag:$0x8], $0x80, s8, s3, $0xb8;
	[tilespmem:$0x1C400] =	vst v63  }
0xb9: {  	_ =	swait.ge [sflag:s0], $0x4000  }
0xba: {  	[sflag:s0] =	ssyncset.done $0x0  }
0xbb: {  	[sflag:s0] =	ssyncadd.s32 $0xFFFFC000  }
0xbc: {  	s2 =	sadd.s32 s31, s13;
	s5 =	simm.s32 $0x100;
	s19 =	sadd.s32 s31, s11  }
0xbd: {  	[tilespmem:s5], [sflag:$0x3] =	stream.linear.gather [hbm4b:s2+s1], $0x80, $0x38;
	[tilespmem:$0x1C400] =	vst v63  }
0xbe: {  	s30 =	sadd.s32 s31, s10;
	s5 =	sadd.s32 s31, s12;
	s31 =	sadd.s32 $0x40, s31  }
0xbf: {  	[tilespmem:s6], [sflag:$0x3] =	stream.linear.gather [hbm4b:s5+s1], $0x80, $0x38;
	[tilespmem:$0x1C400] =	vst v63  }
0xc0: {  	p0 =	sne.s32 s31, $0x500;
	_ =	swait.ge [sflag:s29], $0x4000  }
.Ltmp3:
0xc1: {  	[sflag:s29] =	ssyncset.done $0x0;
	(pc) =	sbr.rel @p0 .LBB2_2-.Ltmp3, $4  }
.Ltmp4:
0xc2: {  	[sflag:s29] =	ssyncadd.s32 $0xFFFFC000;
	(pc) =	sbr.rel @!p0 .LBB2_5-.Ltmp4, $4  }
0xc3: {  	[tilespmem:s7], [sflag:$0x4] =	stream.linear.gather [hbm4b:s19+s1], $0x80, $0x38;
	[tilespmem:$0x1C400] =	vst v63  }
0xc4: {  	_ = 	snop  }
0xc5: {  	[tilespmem:s8], [sflag:$0x4] =	stream.linear.gather [hbm4b:s30+s1], $0x80, $0x38;
	[tilespmem:$0x1C400] =	vst v63  }
0xc6: {  	_ = 	snop  }
.LBB2_6:
0xc7: {  	_ =	sfence.sel $0x180000  }
0xc8: {  	[bflag:$0x0] =	sbarrier.arrive $0xFFFF  }
0xc9: {  	_ =	strace $0x90000053  }
0xca: {  	s0 =	stileid.u32;
	[bflag:$0x2] =	sbarrier.arrive $0xFFFF  }
0xcb: {  	p0 =	sne.s32 s0, $0x0;
	s0 =	rddreg [dreg:$0x3]  }
0xcc: {  	s0 =	sadd.s32 @!p0 $0x100000, s0  }
0xcd: {  	[sflag:s0] =	ssyncadd.tile.s32 @!p0 $0x1;
	_ =	shalt  }
.Lfunc_end2:
_tile_overlayer_lowered:
.L_overlay_start_2:
0xce: {  	(tag) =	ssettag $0x2  }
0xcf: {  	s0 =	rddreg [dreg:$0x0];
	s2 =	stileid.u32  }
0xd0: {  	s1 =	rddreg [dreg:$0x1];
	p0 =	sne.s32 s2, $0x0  }
0xd1: {  	s3 =	rddreg [dreg:$0x2];
	[bflag:$0x3] =	sbarrier.arrive $0xFFFF;
	s2 =	simm.s32 @!p0 $0x1C09  }
0xd2: {  	[timem:s3], [sflag:s2] =	dma.local @!p0 [hbm:s0], s1  }
0xd3: {  	s0 =	simm.s32 @!p0 $0x9  }
0xd4: {  	_ =	swait.ge @!p0 [sflag:s0], s1  }
0xd5: {  	s1 =	ssub.s32 @!p0 $0x0, s1;
	[sflag:s0] =	ssyncset.done @!p0 $0x0  }
0xd6: {  	[sflag:s0] =	ssyncadd.s32 @!p0 s1  }
0xd7: {  	[bflag:$0x3] =	sbarrier.arrive $0xFFFF  }
0xd8: {  	_ =	shalt  }

</sc_bundles>
